<compile_context>
chip_gen: v7x
topology: tpu7x:2x2x1
jax: 0.10.2.dev20260603
libtpu: 0.0.44.dev20260713+nightly
codegen_flags: <defaults>
</compile_context>

<pallas_src>
import functools

import jax
import jax.numpy as jnp
from jax import lax
from jax.experimental import pallas as pl
from jax.experimental.pallas import tpu as pltpu
from jax.experimental.pallas import tpu_sc as plsc

_B = 16384
_L = 200
_LS = 20
_LSP = 24
_LS2 = 2 * _LSP
_DD, _DP, _DS = 32, 16, 16
_H1, _H2 = 128, 64
_F = 2 * (_DD + _DP + _DS)

_ND, _NP, _NSUB = 13752, 17393, 30
_NC, _NS = 2, 16
_NW = _NC * _NS
_BPW = _B // _NW
_CE = 16
_NCHUNK = _BPW // _CE
_S0, _S1 = 128, 72
_DEPTH = 2
_NSS = (_CE * _LS2) // 128


def _features_sc(cd, cp, sidx, pd, pp, dis_t, phe_t, sub_t):
    mesh = plsc.VectorSubcoreMesh(core_axis_name="c", subcore_axis_name="s")

    @functools.partial(
        pl.kernel,
        mesh=mesh,
        compiler_params=pltpu.CompilerParams(use_tc_tiling_on_sc=False),
        out_type=jax.ShapeDtypeStruct((_B, _F), jnp.float32),
        scratch_types=[
            pltpu.VMEM((2, _CE, _L), jnp.int32),
            pltpu.VMEM((2, _CE, _L), jnp.int32),
            pltpu.VMEM((2, _CE * _LS2), jnp.int32),
            pltpu.VMEM((2, _CE, _L), jnp.int32),
            pltpu.VMEM((2, _CE, _L), jnp.int32),
            pltpu.VMEM((_DEPTH, _L, _DD), jnp.float32),
            pltpu.VMEM((_DEPTH, _L, _DP), jnp.float32),
            pltpu.VMEM((_DEPTH, _L, _DD), jnp.float32),
            pltpu.VMEM((_DEPTH, _L, _DP), jnp.float32),
            pltpu.VMEM((_CE * _LS2, _DS), jnp.float32),
            pltpu.VMEM((_CE, _F), jnp.float32),
            pltpu.VMEM_SHARED((_ND, _DD), jnp.float32),
            pltpu.VMEM_SHARED((_NP, _DP), jnp.float32),
            pltpu.VMEM_SHARED((_NSUB, _DS), jnp.float32),
        ] + [pltpu.SemaphoreType.DMA] * _DEPTH
          + [pltpu.SemaphoreType.DMA] * 2
          + [pltpu.SemaphoreType.DMA],
    )
    def feat_kernel(cd_h, cp_h, sidx_h, pd_h, pp_h, dis_h, phe_h, sub_h,
                    out_h, cd_i, cp_i, sidx_i, pd_i, pp_i,
                    cdb, cpb, pdb, ppb, subr, feat,
                    dis_s, phe_s, sub_s, *sems):
        gsems = sems[:_DEPTH]
        slab_sems = sems[_DEPTH:_DEPTH + 2]
        sub_sem = sems[_DEPTH + 2]
        wid = lax.axis_index("s") * _NC + lax.axis_index("c")
        base = wid * _BPW

        @pl.when(lax.axis_index("s") == 0)
        def _():
            pltpu.sync_copy(dis_h, dis_s)
            pltpu.sync_copy(phe_h, phe_s)
            pltpu.sync_copy(sub_h, sub_s)

        plsc.subcore_barrier()

        def issue(e, si, sem, par):
            for idx_i, buf, tbl in ((cd_i, cdb, dis_s), (cp_i, cpb, phe_s),
                                    (pd_i, pdb, dis_s), (pp_i, ppb, phe_s)):
                pltpu.async_copy(tbl.at[idx_i.at[par, e, pl.ds(0, _S0)]],
                                 buf.at[si, pl.ds(0, _S0)], sem)
                pltpu.async_copy(tbl.at[idx_i.at[par, e, pl.ds(_S0, _S1)]],
                                 buf.at[si, pl.ds(_S0, _S1)], sem)

        def load_slabs(c, par):
            cb = base + c * _CE
            for s_h, dst in ((cd_h, cd_i), (cp_h, cp_i), (pd_h, pd_i),
                             (pp_h, pp_i)):
                pltpu.async_copy(s_h.at[pl.ds(cb, _CE)], dst.at[par],
                                 slab_sems[par])
            pltpu.async_copy(sidx_h.at[pl.ds(cb * _LS2, _CE * _LS2)],
                             sidx_i.at[par], slab_sems[par])

        def wait_slabs(par):
            sem = slab_sems[par]
            pltpu.make_async_copy(cd_h.at[pl.ds(0, _CE)], cd_i.at[par], sem).wait()
            pltpu.make_async_copy(cp_h.at[pl.ds(0, _CE)], cp_i.at[par], sem).wait()
            pltpu.make_async_copy(pd_h.at[pl.ds(0, _CE)], pd_i.at[par], sem).wait()
            pltpu.make_async_copy(pp_h.at[pl.ds(0, _CE)], pp_i.at[par], sem).wait()
            pltpu.make_async_copy(sidx_h.at[pl.ds(0, _CE * _LS2)],
                                  sidx_i.at[par], sem).wait()

        def drain(si, sem):
            pltpu.make_async_copy(dis_h.at[pl.ds(0, _L)], cdb.at[si], sem).wait()
            pltpu.make_async_copy(phe_h.at[pl.ds(0, _L)], cpb.at[si], sem).wait()
            pltpu.make_async_copy(dis_h.at[pl.ds(0, _L)], pdb.at[si], sem).wait()
            pltpu.make_async_copy(phe_h.at[pl.ds(0, _L)], ppb.at[si], sem).wait()

        def reduce_sub(e, off, col):
            accs = [jnp.zeros((16,), jnp.float32) for _ in range(4)]
            rbase = e * _LS2 + off
            for j in range(_LS):
                accs[j % 4] = accs[j % 4] + subr[rbase + j, pl.ds(0, 16)]
            tot = (accs[0] + accs[1]) + (accs[2] + accs[3])
            feat[e, pl.ds(col, 16)] = tot * (1.0 / _LS)

        def reduce_all(si, e):
            nrows = 4
            z = jnp.zeros((16,), jnp.float32)

            @plsc.parallel_loop(0, _L, nrows, unroll=2,
                                carry=tuple(z for _ in range(12)))
            def accs(r0, accs):
                accs = list(accs)
                for i in range(nrows):
                    row = r0 + i
                    ch = i % 2
                    accs[0 + ch] = accs[0 + ch] + cdb[si, row, pl.ds(0, 16)]
                    accs[2 + ch] = accs[2 + ch] + cdb[si, row, pl.ds(16, 16)]
                    accs[4 + ch] = accs[4 + ch] + cpb[si, row, pl.ds(0, 16)]
                    accs[6 + ch] = accs[6 + ch] + pdb[si, row, pl.ds(0, 16)]
                    accs[8 + ch] = accs[8 + ch] + pdb[si, row, pl.ds(16, 16)]
                    accs[10 + ch] = accs[10 + ch] + ppb[si, row, pl.ds(0, 16)]
                return tuple(accs)

            s = 1.0 / _L
            feat[e, pl.ds(0, 16)] = (accs[0] + accs[1]) * s
            feat[e, pl.ds(16, 16)] = (accs[2] + accs[3]) * s
            feat[e, pl.ds(_DD, 16)] = (accs[4] + accs[5]) * s
            feat[e, pl.ds(64, 16)] = (accs[6] + accs[7]) * s
            feat[e, pl.ds(80, 16)] = (accs[8] + accs[9]) * s
            feat[e, pl.ds(64 + _DD, 16)] = (accs[10] + accs[11]) * s
            reduce_sub(e, 0, _DD + _DP)
            reduce_sub(e, _LSP, 64 + _DD + _DP)

        def do_chunk(c, par):
            cbase = base + c * _CE
            wait_slabs(par)

            for k in range(_NSS):
                pltpu.async_copy(
                    sub_s.at[sidx_i.at[par, pl.ds(k * 128, 128)]],
                    subr.at[pl.ds(k * 128, 128)], sub_sem)

            @pl.when(c + 1 < _NCHUNK)
            def _(c=c, par=par):
                load_slabs(c + 1, 1 - par)

            for d in range(_DEPTH - 1):
                issue(d, d, gsems[d], par)

            pltpu.make_async_copy(phe_h.at[pl.ds(0, _CE * _LS2)], subr,
                                  sub_sem).wait()

            def group_body(k, __):
                e = k * _DEPTH
                for d in range(_DEPTH):
                    ed = e + d
                    nxt = ed + _DEPTH - 1
                    tgt = (d + _DEPTH - 1) % _DEPTH
                    if d == 0:
                        issue(nxt, tgt, gsems[tgt], par)
                    else:
                        @pl.when(nxt < _CE)
                        def _(nxt=nxt, tgt=tgt):
                            issue(nxt, tgt, gsems[tgt], par)
                    drain(d, gsems[d])
                    reduce_all(d, ed)
                return 0

            lax.fori_loop(0, _CE // _DEPTH, group_body, 0)
            for t in range((_CE // _DEPTH) * _DEPTH, _CE):
                st = t % _DEPTH
                drain(st, gsems[st])
                reduce_all(st, t)
            pltpu.sync_copy(feat, out_h.at[pl.ds(cbase, _CE)])

        load_slabs(0, 0)

        def chunk_pair(k, _):
            do_chunk(2 * k, 0)
            do_chunk(2 * k + 1, 1)
            return 0

        lax.fori_loop(0, _NCHUNK // 2, chunk_pair, 0)

    return feat_kernel(cd, cp, sidx, pd, pp, dis_t, phe_t, sub_t)


def _mlp_tc(feat, w1, b1, w2, b2, w3t, b3):
    blk = 1024

    def body(x_ref, w1_ref, b1_ref, w2_ref, b2_ref, w3t_ref, b3_ref, o_ref):
        x = x_ref[...]
        h = jnp.dot(x, w1_ref[...], preferred_element_type=jnp.float32)
        h = h + b1_ref[...]
        h = jnp.where(h > 0, h, h * 0.01)
        h = jnp.dot(h, w2_ref[...], preferred_element_type=jnp.float32)
        h = h + b2_ref[...]
        h = jnp.where(h > 0, h, h * 0.01)
        o = jnp.sum(h * w3t_ref[...], axis=1, keepdims=True) + b3_ref[...]
        o_ref[...] = o

    return pl.pallas_call(
        body,
        grid=(_B // blk,),
        in_specs=[
            pl.BlockSpec((blk, _F), lambda i: (i, 0)),
            pl.BlockSpec((_F, _H1), lambda i: (0, 0)),
            pl.BlockSpec((1, _H1), lambda i: (0, 0)),
            pl.BlockSpec((_H1, _H2), lambda i: (0, 0)),
            pl.BlockSpec((1, _H2), lambda i: (0, 0)),
            pl.BlockSpec((1, _H2), lambda i: (0, 0)),
            pl.BlockSpec((1, 1), lambda i: (0, 0)),
        ],
        out_specs=pl.BlockSpec((blk, 1), lambda i: (i, 0)),
        out_shape=jax.ShapeDtypeStruct((_B, 1), jnp.float32),
    )(feat, w1, b1, w2, b2, w3t, b3)


def kernel(compound_diseases, compound_phenotypes,
           compound_subcellular_locations, protein_diseases,
           protein_phenotypes, protein_subcellular_locations,
           disease_table, phenotype_table, sub_table,
           W1, b1, W2, b2, W3, b3):
    cd = compound_diseases.astype(jnp.int32)
    cp = compound_phenotypes.astype(jnp.int32)
    pd = protein_diseases.astype(jnp.int32)
    pp = protein_phenotypes.astype(jnp.int32)
    cs = jnp.pad(compound_subcellular_locations.astype(jnp.int32),
                 ((0, 0), (0, _LSP - _LS)))
    ps = jnp.pad(protein_subcellular_locations.astype(jnp.int32),
                 ((0, 0), (0, _LSP - _LS)))
    sidx = jnp.concatenate([cs, ps], axis=1).reshape(-1)

    feat = _features_sc(cd, cp, sidx, pd, pp,
                        disease_table, phenotype_table, sub_table)
    return _mlp_tc(feat, W1, b1.reshape(1, _H1), W2, b2.reshape(1, _H2),
                   W3.reshape(1, _H2), b3.reshape(1, 1))

# --- scband reference (transcript-rebuilt; emitter-appended) ---
"""Pipeline reference for scband-interaction-prediction-model-no-attention-8899172238066 (READ-ONLY COPY).

The authoritative reference and input builder live on the scoring server;
editing this copy changes nothing except your own understanding.
"""

import jax, jax.numpy as jnp
import numpy as np

B = 16384
L = 200
LS = 20
ND, NP, NS = 13752, 17393, 30
DD, DP, DS = 32, 16, 16
H1, H2 = 128, 64
IN = (DD + DP + DS) * 2


def setup_inputs(seed: int = 0) -> dict:
    key = jax.random.key(seed)
    ks = jax.random.split(key, 16)
    inp = {}
    inp['compound_diseases'] = jax.random.randint(ks[0], (B, L), 0, ND)
    inp['compound_phenotypes'] = jax.random.randint(ks[1], (B, L), 0, NP)
    inp['compound_subcellular_locations'] = jax.random.randint(ks[2], (B, LS), 0, NS)
    inp['protein_diseases'] = jax.random.randint(ks[3], (B, L), 0, ND)
    inp['protein_phenotypes'] = jax.random.randint(ks[4], (B, L), 0, NP)
    inp['protein_subcellular_locations'] = jax.random.randint(ks[5], (B, LS), 0, NS)
    inp['disease_table'] = jax.random.normal(ks[6], (ND, DD), dtype=jnp.float32)
    inp['phenotype_table'] = jax.random.normal(ks[7], (NP, DP), dtype=jnp.float32)
    inp['sub_table'] = jax.random.normal(ks[8], (NS, DS), dtype=jnp.float32)
    inp['W1'] = jax.random.normal(ks[9], (IN, H1), dtype=jnp.float32) * (1.0 / np.sqrt(IN))
    inp['b1'] = jnp.zeros((H1,), dtype=jnp.float32)
    inp['W2'] = jax.random.normal(ks[10], (H1, H2), dtype=jnp.float32) * (1.0 / np.sqrt(H1))
    inp['b2'] = jnp.zeros((H2,), dtype=jnp.float32)
    inp['W3'] = jax.random.normal(ks[11], (H2, 1), dtype=jnp.float32) * (1.0 / np.sqrt(H2))
    inp['b3'] = jnp.zeros((1,), dtype=jnp.float32)
    return inp


def reference(compound_diseases, compound_phenotypes, compound_subcellular_locations,
              protein_diseases, protein_phenotypes, protein_subcellular_locations,
              disease_table, phenotype_table, sub_table, W1, b1, W2, b2, W3, b3):
    c_dis = jnp.take(disease_table, compound_diseases, axis=0).mean(axis=1)
    c_phe = jnp.take(phenotype_table, compound_phenotypes, axis=0).mean(axis=1)
    c_sub = jnp.take(sub_table, compound_subcellular_locations, axis=0).mean(axis=1)
    p_dis = jnp.take(disease_table, protein_diseases, axis=0).mean(axis=1)
    p_phe = jnp.take(phenotype_table, protein_phenotypes, axis=0).mean(axis=1)
    p_sub = jnp.take(sub_table, protein_subcellular_locations, axis=0).mean(axis=1)
    compound_feat = jnp.concatenate([c_dis, c_phe, c_sub], axis=1)
    protein_feat = jnp.concatenate([p_dis, p_phe, p_sub], axis=1)
    x = jnp.concatenate([compound_feat, protein_feat], axis=1)
    x = jax.nn.leaky_relu(x @ W1 + b1, negative_slope=0.01)
    x = jax.nn.leaky_relu(x @ W2 + b2, negative_slope=0.01)
    x = x @ W3 + b3
    return x

if __name__ == "__main__":
    import jax
    _d = setup_inputs()
    print(jax.jit(kernel)(*tuple(_d.values())))

</pallas_src>

<mosaic_0001>
#map = affine_map<(d0, d1) -> (0, 0)>
#map1 = affine_map<(d0, d1) -> (0)>
module attributes {stable_mosaic.version = 14 : i64} {
  func.func @feat_kernel(%arg0: i32, %arg1: i32, %arg2: memref<16384x200xi32, #tpu.memory_space<hbm>>, %arg3: memref<16384x200xi32, #tpu.memory_space<hbm>>, %arg4: memref<786432xi32, #tpu.memory_space<hbm>>, %arg5: memref<16384x200xi32, #tpu.memory_space<hbm>>, %arg6: memref<16384x200xi32, #tpu.memory_space<hbm>>, %arg7: memref<13752x32xf32, #tpu.memory_space<hbm>>, %arg8: memref<17393x16xf32, #tpu.memory_space<hbm>>, %arg9: memref<30x16xf32, #tpu.memory_space<hbm>>, %arg10: memref<16384x128xf32, #tpu.memory_space<hbm>>, %arg11: memref<2x16x200xi32, #tpu.memory_space<vmem>>, %arg12: memref<2x16x200xi32, #tpu.memory_space<vmem>>, %arg13: memref<2x768xi32, #tpu.memory_space<vmem>>, %arg14: memref<2x16x200xi32, #tpu.memory_space<vmem>>, %arg15: memref<2x16x200xi32, #tpu.memory_space<vmem>>, %arg16: memref<2x200x32xf32, #tpu.memory_space<vmem>>, %arg17: memref<2x200x16xf32, #tpu.memory_space<vmem>>, %arg18: memref<2x200x32xf32, #tpu.memory_space<vmem>>, %arg19: memref<2x200x16xf32, #tpu.memory_space<vmem>>, %arg20: memref<768x16xf32, #tpu.memory_space<vmem>>, %arg21: memref<16x128xf32, #tpu.memory_space<vmem>>, %arg22: memref<13752x32xf32, #tpu.memory_space<vmem_shared>>, %arg23: memref<17393x16xf32, #tpu.memory_space<vmem_shared>>, %arg24: memref<30x16xf32, #tpu.memory_space<vmem_shared>>, %arg25: memref<!tpu.dma_semaphore, #tpu.memory_space<semaphore_mem>>, %arg26: memref<!tpu.dma_semaphore, #tpu.memory_space<semaphore_mem>>, %arg27: memref<!tpu.dma_semaphore, #tpu.memory_space<semaphore_mem>>, %arg28: memref<!tpu.dma_semaphore, #tpu.memory_space<semaphore_mem>>, %arg29: memref<!tpu.dma_semaphore, #tpu.memory_space<semaphore_mem>>) attributes {dimension_semantics = [#tpu.dimension_semantics<core_parallel>, #tpu.dimension_semantics<subcore_parallel>], iteration_bounds = array<i64: 2, 16>, scalar_prefetch = 0 : i64, scratch_operands = 19 : i64, tpu.core_type = #tpu.core_type<sc_vector_subcore>, window_params = [{transform_indices = #map}, {transform_indices = #map}, {transform_indices = #map1}, {transform_indices = #map}, {transform_indices = #map}, {transform_indices = #map}, {transform_indices = #map}, {transform_indices = #map}, {transform_indices = #map}]} {
    %mul3A = arith.constant 2 : i32
    %mul3A_0 = arith.muli %arg1, %mul3A : i32
    %add3A = arith.addi %mul3A_0, %arg0 : i32
    %mul3A_1 = arith.constant 512 : i32
    %mul3A_2 = arith.muli %add3A, %mul3A_1 : i32
    %eq3A = arith.constant 0 : i32
    %eq3A_3 = arith.cmpi eq, %arg1, %eq3A : i32
    %convert_element_type3A = arith.extui %eq3A_3 : i1 to i32
    %cond3A = arith.constant 0 : i32
    %cond3A_4 = arith.cmpi ne, %convert_element_type3A, %cond3A : i32
    scf.if %cond3A_4 {
      "tpu.region"() ({
        %run_scoped3A = tpu.sem_alloc : memref<!tpu.dma_semaphore, #tpu.memory_space<semaphore_mem>>
        tpu.enqueue_dma source(%arg7 : memref<13752x32xf32, #tpu.memory_space<hbm>>) target(%arg22 : memref<13752x32xf32, #tpu.memory_space<vmem_shared>>) target_semaphore(%run_scoped3A : memref<!tpu.dma_semaphore, #tpu.memory_space<semaphore_mem>>)
        tpu.wait_dma2 semaphore(%run_scoped3A : memref<!tpu.dma_semaphore, #tpu.memory_space<semaphore_mem>>) src(%arg7 : memref<13752x32xf32, #tpu.memory_space<hbm>>) dst(%arg22 : memref<13752x32xf32, #tpu.memory_space<vmem_shared>>)
        tpu.yield
      }) : () -> ()
      "tpu.region"() ({
        %run_scoped3A = tpu.sem_alloc : memref<!tpu.dma_semaphore, #tpu.memory_space<semaphore_mem>>
        tpu.enqueue_dma source(%arg8 : memref<17393x16xf32, #tpu.memory_space<hbm>>) target(%arg23 : memref<17393x16xf32, #tpu.memory_space<vmem_shared>>) target_semaphore(%run_scoped3A : memref<!tpu.dma_semaphore, #tpu.memory_space<semaphore_mem>>)
        tpu.wait_dma2 semaphore(%run_scoped3A : memref<!tpu.dma_semaphore, #tpu.memory_space<semaphore_mem>>) src(%arg8 : memref<17393x16xf32, #tpu.memory_space<hbm>>) dst(%arg23 : memref<17393x16xf32, #tpu.memory_space<vmem_shared>>)
        tpu.yield
      }) : () -> ()
      "tpu.region"() ({
        %run_scoped3A = tpu.sem_alloc : memref<!tpu.dma_semaphore, #tpu.memory_space<semaphore_mem>>
        tpu.enqueue_dma source(%arg9 : memref<30x16xf32, #tpu.memory_space<hbm>>) target(%arg24 : memref<30x16xf32, #tpu.memory_space<vmem_shared>>) target_semaphore(%run_scoped3A : memref<!tpu.dma_semaphore, #tpu.memory_space<semaphore_mem>>)
        tpu.wait_dma2 semaphore(%run_scoped3A : memref<!tpu.dma_semaphore, #tpu.memory_space<semaphore_mem>>) src(%arg9 : memref<30x16xf32, #tpu.memory_space<hbm>>) dst(%arg24 : memref<30x16xf32, #tpu.memory_space<vmem_shared>>)
        tpu.yield
      }) : () -> ()
    } else {
    }
    %barrier3A = arith.constant 0 : index
    tpu.barrier barrier_id(%barrier3A)
    %add3A_5 = arith.constant 0 : i32
    %add3A_6 = arith.addi %mul3A_2, %add3A_5 : i32
    %dma_start3A = arith.constant 0 : i32
    %dma_start3A_7 = arith.constant 0 : i32
    %dma_start3A_8 = arith.constant 0 : i32
    %dma_start3A_9 = tpu.memref_slice %arg11[%dma_start3A, %dma_start3A_7, %dma_start3A_8] : memref<2x16x200xi32, #tpu.memory_space<vmem>> -> memref<1x16x200xi32, #tpu.memory_space<vmem>>
    %dma_start3A_10 = tpu.memref_squeeze %dma_start3A_9 : memref<1x16x200xi32, #tpu.memory_space<vmem>> -> memref<16x200xi32, #tpu.memory_space<vmem>>
    %dma_start3A_11 = arith.constant 0 : i32
    %dma_start3A_12 = tpu.memref_slice %arg2[%add3A_6, %dma_start3A_11] : memref<16384x200xi32, #tpu.memory_space<hbm>> -> memref<16x200xi32, #tpu.memory_space<hbm>>
    %dma_start3A_13 = arith.constant 0 : i32
    %dma_start3A_14 = arith.constant 0 : i32
    %dma_start3A_15 = tpu.memref_slice %arg11[%dma_start3A, %dma_start3A_13, %dma_start3A_14] : memref<2x16x200xi32, #tpu.memory_space<vmem>> -> memref<1x16x200xi32, #tpu.memory_space<vmem>>
    %dma_start3A_16 = tpu.memref_squeeze %dma_start3A_15 : memref<1x16x200xi32, #tpu.memory_space<vmem>> -> memref<16x200xi32, #tpu.memory_space<vmem>>
    %dma_start3A_17 = arith.constant 0 : i32
    %dma_start3A_18 = tpu.memref_slice %arg2[%add3A_6, %dma_start3A_17] : memref<16384x200xi32, #tpu.memory_space<hbm>> -> memref<16x200xi32, #tpu.memory_space<hbm>>
    tpu.enqueue_dma source(%dma_start3A_18 : memref<16x200xi32, #tpu.memory_space<hbm>>) target(%dma_start3A_16 : memref<16x200xi32, #tpu.memory_space<vmem>>) target_semaphore(%arg27 : memref<!tpu.dma_semaphore, #tpu.memory_space<semaphore_mem>>)
    %dma_start3A_19 = arith.constant 0 : i32
    %dma_start3A_20 = arith.constant 0 : i32
    %dma_start3A_21 = arith.constant 0 : i32
    %dma_start3A_22 = tpu.memref_slice %arg12[%dma_start3A_19, %dma_start3A_20, %dma_start3A_21] : memref<2x16x200xi32, #tpu.memory_space<vmem>> -> memref<1x16x200xi32, #tpu.memory_space<vmem>>
    %dma_start3A_23 = tpu.memref_squeeze %dma_start3A_22 : memref<1x16x200xi32, #tpu.memory_space<vmem>> -> memref<16x200xi32, #tpu.memory_space<vmem>>
    %dma_start3A_24 = arith.constant 0 : i32
    %dma_start3A_25 = tpu.memref_slice %arg3[%add3A_6, %dma_start3A_24] : memref<16384x200xi32, #tpu.memory_space<hbm>> -> memref<16x200xi32, #tpu.memory_space<hbm>>
    %dma_start3A_26 = arith.constant 0 : i32
    %dma_start3A_27 = arith.constant 0 : i32
    %dma_start3A_28 = tpu.memref_slice %arg12[%dma_start3A_19, %dma_start3A_26, %dma_start3A_27] : memref<2x16x200xi32, #tpu.memory_space<vmem>> -> memref<1x16x200xi32, #tpu.memory_space<vmem>>
    %dma_start3A_29 = tpu.memref_squeeze %dma_start3A_28 : memref<1x16x200xi32, #tpu.memory_space<vmem>> -> memref<16x200xi32, #tpu.memory_space<vmem>>
    %dma_start3A_30 = arith.constant 0 : i32
    %dma_start3A_31 = tpu.memref_slice %arg3[%add3A_6, %dma_start3A_30] : memref<16384x200xi32, #tpu.memory_space<hbm>> -> memref<16x200xi32, #tpu.memory_space<hbm>>
    tpu.enqueue_dma source(%dma_start3A_31 : memref<16x200xi32, #tpu.memory_space<hbm>>) target(%dma_start3A_29 : memref<16x200xi32, #tpu.memory_space<vmem>>) target_semaphore(%arg27 : memref<!tpu.dma_semaphore, #tpu.memory_space<semaphore_mem>>)
    %dma_start3A_32 = arith.constant 0 : i32
    %dma_start3A_33 = arith.constant 0 : i32
    %dma_start3A_34 = arith.constant 0 : i32
    %dma_start3A_35 = tpu.memref_slice %arg14[%dma_start3A_32, %dma_start3A_33, %dma_start3A_34] : memref<2x16x200xi32, #tpu.memory_space<vmem>> -> memref<1x16x200xi32, #tpu.memory_space<vmem>>
    %dma_start3A_36 = tpu.memref_squeeze %dma_start3A_35 : memref<1x16x200xi32, #tpu.memory_space<vmem>> -> memref<16x200xi32, #tpu.memory_space<vmem>>
    %dma_start3A_37 = arith.constant 0 : i32
    %dma_start3A_38 = tpu.memref_slice %arg5[%add3A_6, %dma_start3A_37] : memref<16384x200xi32, #tpu.memory_space<hbm>> -> memref<16x200xi32, #tpu.memory_space<hbm>>
    %dma_start3A_39 = arith.constant 0 : i32
    %dma_start3A_40 = arith.constant 0 : i32
    %dma_start3A_41 = tpu.memref_slice %arg14[%dma_start3A_32, %dma_start3A_39, %dma_start3A_40] : memref<2x16x200xi32, #tpu.memory_space<vmem>> -> memref<1x16x200xi32, #tpu.memory_space<vmem>>
    %dma_start3A_42 = tpu.memref_squeeze %dma_start3A_41 : memref<1x16x200xi32, #tpu.memory_space<vmem>> -> memref<16x200xi32, #tpu.memory_space<vmem>>
    %dma_start3A_43 = arith.constant 0 : i32
    %dma_start3A_44 = tpu.memref_slice %arg5[%add3A_6, %dma_start3A_43] : memref<16384x200xi32, #tpu.memory_space<hbm>> -> memref<16x200xi32, #tpu.memory_space<hbm>>
    tpu.enqueue_dma source(%dma_start3A_44 : memref<16x200xi32, #tpu.memory_space<hbm>>) target(%dma_start3A_42 : memref<16x200xi32, #tpu.memory_space<vmem>>) target_semaphore(%arg27 : memref<!tpu.dma_semaphore, #tpu.memory_space<semaphore_mem>>)
    %dma_start3A_45 = arith.constant 0 : i32
    %dma_start3A_46 = arith.constant 0 : i32
    %dma_start3A_47 = arith.constant 0 : i32
    %dma_start3A_48 = tpu.memref_slice %arg15[%dma_start3A_45, %dma_start3A_46, %dma_start3A_47] : memref<2x16x200xi32, #tpu.memory_space<vmem>> -> memref<1x16x200xi32, #tpu.memory_space<vmem>>
    %dma_start3A_49 = tpu.memref_squeeze %dma_start3A_48 : memref<1x16x200xi32, #tpu.memory_space<vmem>> -> memref<16x200xi32, #tpu.memory_space<vmem>>
    %dma_start3A_50 = arith.constant 0 : i32
    %dma_start3A_51 = tpu.memref_slice %arg6[%add3A_6, %dma_start3A_50] : memref<16384x200xi32, #tpu.memory_space<hbm>> -> memref<16x200xi32, #tpu.memory_space<hbm>>
    %dma_start3A_52 = arith.constant 0 : i32
    %dma_start3A_53 = arith.constant 0 : i32
    %dma_start3A_54 = tpu.memref_slice %arg15[%dma_start3A_45, %dma_start3A_52, %dma_start3A_53] : memref<2x16x200xi32, #tpu.memory_space<vmem>> -> memref<1x16x200xi32, #tpu.memory_space<vmem>>
    %dma_start3A_55 = tpu.memref_squeeze %dma_start3A_54 : memref<1x16x200xi32, #tpu.memory_space<vmem>> -> memref<16x200xi32, #tpu.memory_space<vmem>>
    %dma_start3A_56 = arith.constant 0 : i32
    %dma_start3A_57 = tpu.memref_slice %arg6[%add3A_6, %dma_start3A_56] : memref<16384x200xi32, #tpu.memory_space<hbm>> -> memref<16x200xi32, #tpu.memory_space<hbm>>
    tpu.enqueue_dma source(%dma_start3A_57 : memref<16x200xi32, #tpu.memory_space<hbm>>) target(%dma_start3A_55 : memref<16x200xi32, #tpu.memory_space<vmem>>) target_semaphore(%arg27 : memref<!tpu.dma_semaphore, #tpu.memory_space<semaphore_mem>>)
    %mul3A_58 = arith.constant 48 : i32
    %mul3A_59 = arith.muli %add3A_6, %mul3A_58 : i32
    %dma_start3A_60 = arith.constant 0 : i32
    %dma_start3A_61 = arith.constant 0 : i32
    %dma_start3A_62 = tpu.memref_slice %arg13[%dma_start3A_60, %dma_start3A_61] : memref<2x768xi32, #tpu.memory_space<vmem>> -> memref<1x768xi32, #tpu.memory_space<vmem>>
    %dma_start3A_63 = tpu.memref_squeeze %dma_start3A_62 : memref<1x768xi32, #tpu.memory_space<vmem>> -> memref<768xi32, #tpu.memory_space<vmem>>
    %dma_start3A_64 = tpu.memref_slice %arg4[%mul3A_59] : memref<786432xi32, #tpu.memory_space<hbm>> -> memref<768xi32, #tpu.memory_space<hbm>>
    %dma_start3A_65 = arith.constant 0 : i32
    %dma_start3A_66 = tpu.memref_slice %arg13[%dma_start3A_60, %dma_start3A_65] : memref<2x768xi32, #tpu.memory_space<vmem>> -> memref<1x768xi32, #tpu.memory_space<vmem>>
    %dma_start3A_67 = tpu.memref_squeeze %dma_start3A_66 : memref<1x768xi32, #tpu.memory_space<vmem>> -> memref<768xi32, #tpu.memory_space<vmem>>
    %dma_start3A_68 = tpu.memref_slice %arg4[%mul3A_59] : memref<786432xi32, #tpu.memory_space<hbm>> -> memref<768xi32, #tpu.memory_space<hbm>>
    tpu.enqueue_dma source(%dma_start3A_68 : memref<768xi32, #tpu.memory_space<hbm>>) target(%dma_start3A_67 : memref<768xi32, #tpu.memory_space<vmem>>) target_semaphore(%arg27 : memref<!tpu.dma_semaphore, #tpu.memory_space<semaphore_mem>>)
    %scan3A = arith.constant 0 : i32
    %scan3A_69 = arith.constant 0 : i32
    %scan3A_70 = arith.constant 16 : i32
    %scan3A_71 = arith.addi %scan3A_69, %scan3A_70 : i32
    %scan3A_72 = arith.constant 1 : i32
    %scan3A_73 = scf.for %scan3A_75 = %scan3A_69 to %scan3A_71 step %scan3A_72 iter_args(%scan3A_76 = %scan3A) -> (i32)  : i32 {
      %mul3A_77 = arith.constant 2 : i32
      %mul3A_78 = arith.muli %mul3A_77, %scan3A_75 : i32
      %mul3A_79 = arith.constant 16 : i32
      %mul3A_80 = arith.muli %mul3A_78, %mul3A_79 : i32
      %add3A_81 = arith.addi %mul3A_2, %mul3A_80 : i32
      %dma_wait3A = arith.constant 0 : i32
      %dma_wait3A_82 = arith.constant 0 : i32
      %dma_wait3A_83 = arith.constant 0 : i32
      %dma_wait3A_84 = tpu.memref_slice %arg11[%dma_wait3A, %dma_wait3A_82, %dma_wait3A_83] : memref<2x16x200xi32, #tpu.memory_space<vmem>> -> memref<1x16x200xi32, #tpu.memory_space<vmem>>
      %dma_wait3A_85 = tpu.memref_squeeze %dma_wait3A_84 : memref<1x16x200xi32, #tpu.memory_space<vmem>> -> memref<16x200xi32, #tpu.memory_space<vmem>>
      %dma_wait3A_86 = arith.constant 0 : i32
      %dma_wait3A_87 = arith.constant 0 : i32
      %dma_wait3A_88 = tpu.memref_slice %arg2[%dma_wait3A_86, %dma_wait3A_87] : memref<16384x200xi32, #tpu.memory_space<hbm>> -> memref<16x200xi32, #tpu.memory_space<hbm>>
      %dma_wait3A_89 = arith.constant 0 : i32
      %dma_wait3A_90 = arith.constant 0 : i32
      %dma_wait3A_91 = tpu.memref_slice %arg11[%dma_wait3A, %dma_wait3A_89, %dma_wait3A_90] : memref<2x16x200xi32, #tpu.memory_space<vmem>> -> memref<1x16x200xi32, #tpu.memory_space<vmem>>
      %dma_wait3A_92 = tpu.memref_squeeze %dma_wait3A_91 : memref<1x16x200xi32, #tpu.memory_space<vmem>> -> memref<16x200xi32, #tpu.memory_space<vmem>>
      %dma_wait3A_93 = arith.constant 0 : i32
      %dma_wait3A_94 = arith.constant 0 : i32
      %dma_wait3A_95 = tpu.memref_slice %arg2[%dma_wait3A_93, %dma_wait3A_94] : memref<16384x200xi32, #tpu.memory_space<hbm>> -> memref<16x200xi32, #tpu.memory_space<hbm>>
      tpu.wait_dma2 semaphore(%arg27 : memref<!tpu.dma_semaphore, #tpu.memory_space<semaphore_mem>>) src(%dma_wait3A_95 : memref<16x200xi32, #tpu.memory_space<hbm>>) dst(%dma_wait3A_92 : memref<16x200xi32, #tpu.memory_space<vmem>>)
      %dma_wait3A_96 = arith.constant 0 : i32
      %dma_wait3A_97 = arith.constant 0 : i32
      %dma_wait3A_98 = arith.constant 0 : i32
      %dma_wait3A_99 = tpu.memref_slice %arg12[%dma_wait3A_96, %dma_wait3A_97, %dma_wait3A_98] : memref<2x16x200xi32, #tpu.memory_space<vmem>> -> memref<1x16x200xi32, #tpu.memory_space<vmem>>
      %dma_wait3A_100 = tpu.memref_squeeze %dma_wait3A_99 : memref<1x16x200xi32, #tpu.memory_space<vmem>> -> memref<16x200xi32, #tpu.memory_space<vmem>>
      %dma_wait3A_101 = arith.constant 0 : i32
      %dma_wait3A_102 = arith.constant 0 : i32
      %dma_wait3A_103 = tpu.memref_slice %arg3[%dma_wait3A_101, %dma_wait3A_102] : memref<16384x200xi32, #tpu.memory_space<hbm>> -> memref<16x200xi32, #tpu.memory_space<hbm>>
      %dma_wait3A_104 = arith.constant 0 : i32
      %dma_wait3A_105 = arith.constant 0 : i32
      %dma_wait3A_106 = tpu.memref_slice %arg12[%dma_wait3A_96, %dma_wait3A_104, %dma_wait3A_105] : memref<2x16x200xi32, #tpu.memory_space<vmem>> -> memref<1x16x200xi32, #tpu.memory_space<vmem>>
      %dma_wait3A_107 = tpu.memref_squeeze %dma_wait3A_106 : memref<1x16x200xi32, #tpu.memory_space<vmem>> -> memref<16x200xi32, #tpu.memory_space<vmem>>
      %dma_wait3A_108 = arith.constant 0 : i32
      %dma_wait3A_109 = arith.constant 0 : i32
      %dma_wait3A_110 = tpu.memref_slice %arg3[%dma_wait3A_108, %dma_wait3A_109] : memref<16384x200xi32, #tpu.memory_space<hbm>> -> memref<16x200xi32, #tpu.memory_space<hbm>>
      tpu.wait_dma2 semaphore(%arg27 : memref<!tpu.dma_semaphore, #tpu.memory_space<semaphore_mem>>) src(%dma_wait3A_110 : memref<16x200xi32, #tpu.memory_space<hbm>>) dst(%dma_wait3A_107 : memref<16x200xi32, #tpu.memory_space<vmem>>)
      %dma_wait3A_111 = arith.constant 0 : i32
      %dma_wait3A_112 = arith.constant 0 : i32
      %dma_wait3A_113 = arith.constant 0 : i32
      %dma_wait3A_114 = tpu.memref_slice %arg14[%dma_wait3A_111, %dma_wait3A_112, %dma_wait3A_113] : memref<2x16x200xi32, #tpu.memory_space<vmem>> -> memref<1x16x200xi32, #tpu.memory_space<vmem>>
      %dma_wait3A_115 = tpu.memref_squeeze %dma_wait3A_114 : memref<1x16x200xi32, #tpu.memory_space<vmem>> -> memref<16x200xi32, #tpu.memory_space<vmem>>
      %dma_wait3A_116 = arith.constant 0 : i32
      %dma_wait3A_117 = arith.constant 0 : i32
      %dma_wait3A_118 = tpu.memref_slice %arg5[%dma_wait3A_116, %dma_wait3A_117] : memref<16384x200xi32, #tpu.memory_space<hbm>> -> memref<16x200xi32, #tpu.memory_space<hbm>>
      %dma_wait3A_119 = arith.constant 0 : i32
      %dma_wait3A_120 = arith.constant 0 : i32
      %dma_wait3A_121 = tpu.memref_slice %arg14[%dma_wait3A_111, %dma_wait3A_119, %dma_wait3A_120] : memref<2x16x200xi32, #tpu.memory_space<vmem>> -> memref<1x16x200xi32, #tpu.memory_space<vmem>>
      %dma_wait3A_122 = tpu.memref_squeeze %dma_wait3A_121 : memref<1x16x200xi32, #tpu.memory_space<vmem>> -> memref<16x200xi32, #tpu.memory_space<vmem>>
      %dma_wait3A_123 = arith.constant 0 : i32
      %dma_wait3A_124 = arith.constant 0 : i32
      %dma_wait3A_125 = tpu.memref_slice %arg5[%dma_wait3A_123, %dma_wait3A_124] : memref<16384x200xi32, #tpu.memory_space<hbm>> -> memref<16x200xi32, #tpu.memory_space<hbm>>
      tpu.wait_dma2 semaphore(%arg27 : memref<!tpu.dma_semaphore, #tpu.memory_space<semaphore_mem>>) src(%dma_wait3A_125 : memref<16x200xi32, #tpu.memory_space<hbm>>) dst(%dma_wait3A_122 : memref<16x200xi32, #tpu.memory_space<vmem>>)
      %dma_wait3A_126 = arith.constant 0 : i32
      %dma_wait3A_127 = arith.constant 0 : i32
      %dma_wait3A_128 = arith.constant 0 : i32
      %dma_wait3A_129 = tpu.memref_slice %arg15[%dma_wait3A_126, %dma_wait3A_127, %dma_wait3A_128] : memref<2x16x200xi32, #tpu.memory_space<vmem>> -> memref<1x16x200xi32, #tpu.memory_space<vmem>>
      %dma_wait3A_130 = tpu.memref_squeeze %dma_wait3A_129 : memref<1x16x200xi32, #tpu.memory_space<vmem>> -> memref<16x200xi32, #tpu.memory_space<vmem>>
      %dma_wait3A_131 = arith.constant 0 : i32
      %dma_wait3A_132 = arith.constant 0 : i32
      %dma_wait3A_133 = tpu.memref_slice %arg6[%dma_wait3A_131, %dma_wait3A_132] : memref<16384x200xi32, #tpu.memory_space<hbm>> -> memref<16x200xi32, #tpu.memory_space<hbm>>
      %dma_wait3A_134 = arith.constant 0 : i32
      %dma_wait3A_135 = arith.constant 0 : i32
      %dma_wait3A_136 = tpu.memref_slice %arg15[%dma_wait3A_126, %dma_wait3A_134, %dma_wait3A_135] : memref<2x16x200xi32, #tpu.memory_space<vmem>> -> memref<1x16x200xi32, #tpu.memory_space<vmem>>
      %dma_wait3A_137 = tpu.memref_squeeze %dma_wait3A_136 : memref<1x16x200xi32, #tpu.memory_space<vmem>> -> memref<16x200xi32, #tpu.memory_space<vmem>>
      %dma_wait3A_138 = arith.constant 0 : i32
      %dma_wait3A_139 = arith.constant 0 : i32
      %dma_wait3A_140 = tpu.memref_slice %arg6[%dma_wait3A_138, %dma_wait3A_139] : memref<16384x200xi32, #tpu.memory_space<hbm>> -> memref<16x200xi32, #tpu.memory_space<hbm>>
      tpu.wait_dma2 semaphore(%arg27 : memref<!tpu.dma_semaphore, #tpu.memory_space<semaphore_mem>>) src(%dma_wait3A_140 : memref<16x200xi32, #tpu.memory_space<hbm>>) dst(%dma_wait3A_137 : memref<16x200xi32, #tpu.memory_space<vmem>>)
      %dma_wait3A_141 = arith.constant 0 : i32
      %dma_wait3A_142 = arith.constant 0 : i32
      %dma_wait3A_143 = tpu.memref_slice %arg13[%dma_wait3A_141, %dma_wait3A_142] : memref<2x768xi32, #tpu.memory_space<vmem>> -> memref<1x768xi32, #tpu.memory_space<vmem>>
      %dma_wait3A_144 = tpu.memref_squeeze %dma_wait3A_143 : memref<1x768xi32, #tpu.memory_space<vmem>> -> memref<768xi32, #tpu.memory_space<vmem>>
      %dma_wait3A_145 = arith.constant 0 : i32
      %dma_wait3A_146 = tpu.memref_slice %arg4[%dma_wait3A_145] : memref<786432xi32, #tpu.memory_space<hbm>> -> memref<768xi32, #tpu.memory_space<hbm>>
      %dma_wait3A_147 = arith.constant 0 : i32
      %dma_wait3A_148 = tpu.memref_slice %arg13[%dma_wait3A_141, %dma_wait3A_147] : memref<2x768xi32, #tpu.memory_space<vmem>> -> memref<1x768xi32, #tpu.memory_space<vmem>>
      %dma_wait3A_149 = tpu.memref_squeeze %dma_wait3A_148 : memref<1x768xi32, #tpu.memory_space<vmem>> -> memref<768xi32, #tpu.memory_space<vmem>>
      %dma_wait3A_150 = arith.constant 0 : i32
      %dma_wait3A_151 = tpu.memref_slice %arg4[%dma_wait3A_150] : memref<786432xi32, #tpu.memory_space<hbm>> -> memref<768xi32, #tpu.memory_space<hbm>>
      tpu.wait_dma2 semaphore(%arg27 : memref<!tpu.dma_semaphore, #tpu.memory_space<semaphore_mem>>) src(%dma_wait3A_151 : memref<768xi32, #tpu.memory_space<hbm>>) dst(%dma_wait3A_149 : memref<768xi32, #tpu.memory_space<vmem>>)
      %dma_start3A_152 = arith.constant 0 : i32
      %dma_start3A_153 = arith.constant 0 : i32
      %dma_start3A_154 = arith.constant 0 : i32
      %dma_start3A_155 = tpu.memref_slice %arg20[%dma_start3A_153, %dma_start3A_154] : memref<768x16xf32, #tpu.memory_space<vmem>> -> memref<128x16xf32, #tpu.memory_space<vmem>>
      %dma_start3A_156 = arith.constant 0 : i32
      %dma_start3A_157 = tpu.memref_slice %arg13[%dma_start3A_152, %dma_start3A_156] : memref<2x768xi32, #tpu.memory_space<vmem>> -> memref<1x128xi32, #tpu.memory_space<vmem>>
      %dma_start3A_158 = tpu.memref_squeeze %dma_start3A_157 : memref<1x128xi32, #tpu.memory_space<vmem>> -> memref<128xi32, #tpu.memory_space<vmem>>
      %dma_start3A_159 = arith.constant 0 : i32
      %dma_start3A_160 = arith.constant 0 : i32
      %dma_start3A_161 = tpu.memref_slice %arg24[%dma_start3A_159, %dma_start3A_160] : memref<30x16xf32, #tpu.memory_space<vmem_shared>> -> memref<30x16xf32, #tpu.memory_space<vmem_shared>>
      tpu.enqueue_indirect_dma source(%dma_start3A_161 : memref<30x16xf32, #tpu.memory_space<vmem_shared>>) target(%dma_start3A_155 : memref<128x16xf32, #tpu.memory_space<vmem>>) offsets(%dma_start3A_158 : memref<128xi32, #tpu.memory_space<vmem>>) semaphore(%arg29 : memref<!tpu.dma_semaphore, #tpu.memory_space<semaphore_mem>>)
      %dma_start3A_162 = arith.constant 0 : i32
      %dma_start3A_163 = arith.constant 128 : i32
      %dma_start3A_164 = arith.constant 0 : i32
      %dma_start3A_165 = tpu.memref_slice %arg20[%dma_start3A_163, %dma_start3A_164] : memref<768x16xf32, #tpu.memory_space<vmem>> -> memref<128x16xf32, #tpu.memory_space<vmem>>
      %dma_start3A_166 = arith.constant 128 : i32
      %dma_start3A_167 = tpu.memref_slice %arg13[%dma_start3A_162, %dma_start3A_166] : memref<2x768xi32, #tpu.memory_space<vmem>> -> memref<1x128xi32, #tpu.memory_space<vmem>>
      %dma_start3A_168 = tpu.memref_squeeze %dma_start3A_167 : memref<1x128xi32, #tpu.memory_space<vmem>> -> memref<128xi32, #tpu.memory_space<vmem>>
      %dma_start3A_169 = arith.constant 0 : i32
      %dma_start3A_170 = arith.constant 0 : i32
      %dma_start3A_171 = tpu.memref_slice %arg24[%dma_start3A_169, %dma_start3A_170] : memref<30x16xf32, #tpu.memory_space<vmem_shared>> -> memref<30x16xf32, #tpu.memory_space<vmem_shared>>
      tpu.enqueue_indirect_dma source(%dma_start3A_171 : memref<30x16xf32, #tpu.memory_space<vmem_shared>>) target(%dma_start3A_165 : memref<128x16xf32, #tpu.memory_space<vmem>>) offsets(%dma_start3A_168 : memref<128xi32, #tpu.memory_space<vmem>>) semaphore(%arg29 : memref<!tpu.dma_semaphore, #tpu.memory_space<semaphore_mem>>)
      %dma_start3A_172 = arith.constant 0 : i32
      %dma_start3A_173 = arith.constant 256 : i32
      %dma_start3A_174 = arith.constant 0 : i32
      %dma_start3A_175 = tpu.memref_slice %arg20[%dma_start3A_173, %dma_start3A_174] : memref<768x16xf32, #tpu.memory_space<vmem>> -> memref<128x16xf32, #tpu.memory_space<vmem>>
      %dma_start3A_176 = arith.constant 256 : i32
      %dma_start3A_177 = tpu.memref_slice %arg13[%dma_start3A_172, %dma_start3A_176] : memref<2x768xi32, #tpu.memory_space<vmem>> -> memref<1x128xi32, #tpu.memory_space<vmem>>
      %dma_start3A_178 = tpu.memref_squeeze %dma_start3A_177 : memref<1x128xi32, #tpu.memory_space<vmem>> -> memref<128xi32, #tpu.memory_space<vmem>>
      %dma_start3A_179 = arith.constant 0 : i32
      %dma_start3A_180 = arith.constant 0 : i32
      %dma_start3A_181 = tpu.memref_slice %arg24[%dma_start3A_179, %dma_start3A_180] : memref<30x16xf32, #tpu.memory_space<vmem_shared>> -> memref<30x16xf32, #tpu.memory_space<vmem_shared>>
      tpu.enqueue_indirect_dma source(%dma_start3A_181 : memref<30x16xf32, #tpu.memory_space<vmem_shared>>) target(%dma_start3A_175 : memref<128x16xf32, #tpu.memory_space<vmem>>) offsets(%dma_start3A_178 : memref<128xi32, #tpu.memory_space<vmem>>) semaphore(%arg29 : memref<!tpu.dma_semaphore, #tpu.memory_space<semaphore_mem>>)
      %dma_start3A_182 = arith.constant 0 : i32
      %dma_start3A_183 = arith.constant 384 : i32
      %dma_start3A_184 = arith.constant 0 : i32
      %dma_start3A_185 = tpu.memref_slice %arg20[%dma_start3A_183, %dma_start3A_184] : memref<768x16xf32, #tpu.memory_space<vmem>> -> memref<128x16xf32, #tpu.memory_space<vmem>>
      %dma_start3A_186 = arith.constant 384 : i32
      %dma_start3A_187 = tpu.memref_slice %arg13[%dma_start3A_182, %dma_start3A_186] : memref<2x768xi32, #tpu.memory_space<vmem>> -> memref<1x128xi32, #tpu.memory_space<vmem>>
      %dma_start3A_188 = tpu.memref_squeeze %dma_start3A_187 : memref<1x128xi32, #tpu.memory_space<vmem>> -> memref<128xi32, #tpu.memory_space<vmem>>
      %dma_start3A_189 = arith.constant 0 : i32
      %dma_start3A_190 = arith.constant 0 : i32
      %dma_start3A_191 = tpu.memref_slice %arg24[%dma_start3A_189, %dma_start3A_190] : memref<30x16xf32, #tpu.memory_space<vmem_shared>> -> memref<30x16xf32, #tpu.memory_space<vmem_shared>>
      tpu.enqueue_indirect_dma source(%dma_start3A_191 : memref<30x16xf32, #tpu.memory_space<vmem_shared>>) target(%dma_start3A_185 : memref<128x16xf32, #tpu.memory_space<vmem>>) offsets(%dma_start3A_188 : memref<128xi32, #tpu.memory_space<vmem>>) semaphore(%arg29 : memref<!tpu.dma_semaphore, #tpu.memory_space<semaphore_mem>>)
      %dma_start3A_192 = arith.constant 0 : i32
      %dma_start3A_193 = arith.constant 512 : i32
      %dma_start3A_194 = arith.constant 0 : i32
      %dma_start3A_195 = tpu.memref_slice %arg20[%dma_start3A_193, %dma_start3A_194] : memref<768x16xf32, #tpu.memory_space<vmem>> -> memref<128x16xf32, #tpu.memory_space<vmem>>
      %dma_start3A_196 = arith.constant 512 : i32
      %dma_start3A_197 = tpu.memref_slice %arg13[%dma_start3A_192, %dma_start3A_196] : memref<2x768xi32, #tpu.memory_space<vmem>> -> memref<1x128xi32, #tpu.memory_space<vmem>>
      %dma_start3A_198 = tpu.memref_squeeze %dma_start3A_197 : memref<1x128xi32, #tpu.memory_space<vmem>> -> memref<128xi32, #tpu.memory_space<vmem>>
      %dma_start3A_199 = arith.constant 0 : i32
      %dma_start3A_200 = arith.constant 0 : i32
      %dma_start3A_201 = tpu.memref_slice %arg24[%dma_start3A_199, %dma_start3A_200] : memref<30x16xf32, #tpu.memory_space<vmem_shared>> -> memref<30x16xf32, #tpu.memory_space<vmem_shared>>
      tpu.enqueue_indirect_dma source(%dma_start3A_201 : memref<30x16xf32, #tpu.memory_space<vmem_shared>>) target(%dma_start3A_195 : memref<128x16xf32, #tpu.memory_space<vmem>>) offsets(%dma_start3A_198 : memref<128xi32, #tpu.memory_space<vmem>>) semaphore(%arg29 : memref<!tpu.dma_semaphore, #tpu.memory_space<semaphore_mem>>)
      %dma_start3A_202 = arith.constant 0 : i32
      %dma_start3A_203 = arith.constant 640 : i32
      %dma_start3A_204 = arith.constant 0 : i32
      %dma_start3A_205 = tpu.memref_slice %arg20[%dma_start3A_203, %dma_start3A_204] : memref<768x16xf32, #tpu.memory_space<vmem>> -> memref<128x16xf32, #tpu.memory_space<vmem>>
      %dma_start3A_206 = arith.constant 640 : i32
      %dma_start3A_207 = tpu.memref_slice %arg13[%dma_start3A_202, %dma_start3A_206] : memref<2x768xi32, #tpu.memory_space<vmem>> -> memref<1x128xi32, #tpu.memory_space<vmem>>
      %dma_start3A_208 = tpu.memref_squeeze %dma_start3A_207 : memref<1x128xi32, #tpu.memory_space<vmem>> -> memref<128xi32, #tpu.memory_space<vmem>>
      %dma_start3A_209 = arith.constant 0 : i32
      %dma_start3A_210 = arith.constant 0 : i32
      %dma_start3A_211 = tpu.memref_slice %arg24[%dma_start3A_209, %dma_start3A_210] : memref<30x16xf32, #tpu.memory_space<vmem_shared>> -> memref<30x16xf32, #tpu.memory_space<vmem_shared>>
      tpu.enqueue_indirect_dma source(%dma_start3A_211 : memref<30x16xf32, #tpu.memory_space<vmem_shared>>) target(%dma_start3A_205 : memref<128x16xf32, #tpu.memory_space<vmem>>) offsets(%dma_start3A_208 : memref<128xi32, #tpu.memory_space<vmem>>) semaphore(%arg29 : memref<!tpu.dma_semaphore, #tpu.memory_space<semaphore_mem>>)
      %add3A_212 = arith.constant 1 : i32
      %add3A_213 = arith.addi %mul3A_78, %add3A_212 : i32
      %lt3A = arith.constant 32 : i32
      %lt3A_214 = arith.cmpi slt, %add3A_213, %lt3A : i32
      %convert_element_type3A_215 = arith.extui %lt3A_214 : i1 to i32
      %cond3A_216 = arith.constant 0 : i32
      %cond3A_217 = arith.cmpi ne, %convert_element_type3A_215, %cond3A_216 : i32
      scf.if %cond3A_217 {
        %add3A_598 = arith.constant 1 : i32
        %add3A_599 = arith.addi %mul3A_78, %add3A_598 : i32
        %mul3A_600 = arith.constant 16 : i32
        %mul3A_601 = arith.muli %add3A_599, %mul3A_600 : i32
        %add3A_602 = arith.addi %mul3A_2, %mul3A_601 : i32
        %dma_start3A_603 = arith.constant 1 : i32
        %dma_start3A_604 = arith.constant 0 : i32
        %dma_start3A_605 = arith.constant 0 : i32
        %dma_start3A_606 = tpu.memref_slice %arg11[%dma_start3A_603, %dma_start3A_604, %dma_start3A_605] : memref<2x16x200xi32, #tpu.memory_space<vmem>> -> memref<1x16x200xi32, #tpu.memory_space<vmem>>
        %dma_start3A_607 = tpu.memref_squeeze %dma_start3A_606 : memref<1x16x200xi32, #tpu.memory_space<vmem>> -> memref<16x200xi32, #tpu.memory_space<vmem>>
        %dma_start3A_608 = arith.constant 0 : i32
        %dma_start3A_609 = tpu.memref_slice %arg2[%add3A_602, %dma_start3A_608] : memref<16384x200xi32, #tpu.memory_space<hbm>> -> memref<16x200xi32, #tpu.memory_space<hbm>>
        %dma_start3A_610 = arith.constant 0 : i32
        %dma_start3A_611 = arith.constant 0 : i32
        %dma_start3A_612 = tpu.memref_slice %arg11[%dma_start3A_603, %dma_start3A_610, %dma_start3A_611] : memref<2x16x200xi32, #tpu.memory_space<vmem>> -> memref<1x16x200xi32, #tpu.memory_space<vmem>>
        %dma_start3A_613 = tpu.memref_squeeze %dma_start3A_612 : memref<1x16x200xi32, #tpu.memory_space<vmem>> -> memref<16x200xi32, #tpu.memory_space<vmem>>
        %dma_start3A_614 = arith.constant 0 : i32
        %dma_start3A_615 = tpu.memref_slice %arg2[%add3A_602, %dma_start3A_614] : memref<16384x200xi32, #tpu.memory_space<hbm>> -> memref<16x200xi32, #tpu.memory_space<hbm>>
        tpu.enqueue_dma source(%dma_start3A_615 : memref<16x200xi32, #tpu.memory_space<hbm>>) target(%dma_start3A_613 : memref<16x200xi32, #tpu.memory_space<vmem>>) target_semaphore(%arg28 : memref<!tpu.dma_semaphore, #tpu.memory_space<semaphore_mem>>)
        %dma_start3A_616 = arith.constant 1 : i32
        %dma_start3A_617 = arith.constant 0 : i32
        %dma_start3A_618 = arith.constant 0 : i32
        %dma_start3A_619 = tpu.memref_slice %arg12[%dma_start3A_616, %dma_start3A_617, %dma_start3A_618] : memref<2x16x200xi32, #tpu.memory_space<vmem>> -> memref<1x16x200xi32, #tpu.memory_space<vmem>>
        %dma_start3A_620 = tpu.memref_squeeze %dma_start3A_619 : memref<1x16x200xi32, #tpu.memory_space<vmem>> -> memref<16x200xi32, #tpu.memory_space<vmem>>
        %dma_start3A_621 = arith.constant 0 : i32
        %dma_start3A_622 = tpu.memref_slice %arg3[%add3A_602, %dma_start3A_621] : memref<16384x200xi32, #tpu.memory_space<hbm>> -> memref<16x200xi32, #tpu.memory_space<hbm>>
        %dma_start3A_623 = arith.constant 0 : i32
        %dma_start3A_624 = arith.constant 0 : i32
        %dma_start3A_625 = tpu.memref_slice %arg12[%dma_start3A_616, %dma_start3A_623, %dma_start3A_624] : memref<2x16x200xi32, #tpu.memory_space<vmem>> -> memref<1x16x200xi32, #tpu.memory_space<vmem>>
        %dma_start3A_626 = tpu.memref_squeeze %dma_start3A_625 : memref<1x16x200xi32, #tpu.memory_space<vmem>> -> memref<16x200xi32, #tpu.memory_space<vmem>>
        %dma_start3A_627 = arith.constant 0 : i32
        %dma_start3A_628 = tpu.memref_slice %arg3[%add3A_602, %dma_start3A_627] : memref<16384x200xi32, #tpu.memory_space<hbm>> -> memref<16x200xi32, #tpu.memory_space<hbm>>
        tpu.enqueue_dma source(%dma_start3A_628 : memref<16x200xi32, #tpu.memory_space<hbm>>) target(%dma_start3A_626 : memref<16x200xi32, #tpu.memory_space<vmem>>) target_semaphore(%arg28 : memref<!tpu.dma_semaphore, #tpu.memory_space<semaphore_mem>>)
        %dma_start3A_629 = arith.constant 1 : i32
        %dma_start3A_630 = arith.constant 0 : i32
        %dma_start3A_631 = arith.constant 0 : i32
        %dma_start3A_632 = tpu.memref_slice %arg14[%dma_start3A_629, %dma_start3A_630, %dma_start3A_631] : memref<2x16x200xi32, #tpu.memory_space<vmem>> -> memref<1x16x200xi32, #tpu.memory_space<vmem>>
        %dma_start3A_633 = tpu.memref_squeeze %dma_start3A_632 : memref<1x16x200xi32, #tpu.memory_space<vmem>> -> memref<16x200xi32, #tpu.memory_space<vmem>>
        %dma_start3A_634 = arith.constant 0 : i32
        %dma_start3A_635 = tpu.memref_slice %arg5[%add3A_602, %dma_start3A_634] : memref<16384x200xi32, #tpu.memory_space<hbm>> -> memref<16x200xi32, #tpu.memory_space<hbm>>
        %dma_start3A_636 = arith.constant 0 : i32
        %dma_start3A_637 = arith.constant 0 : i32
        %dma_start3A_638 = tpu.memref_slice %arg14[%dma_start3A_629, %dma_start3A_636, %dma_start3A_637] : memref<2x16x200xi32, #tpu.memory_space<vmem>> -> memref<1x16x200xi32, #tpu.memory_space<vmem>>
        %dma_start3A_639 = tpu.memref_squeeze %dma_start3A_638 : memref<1x16x200xi32, #tpu.memory_space<vmem>> -> memref<16x200xi32, #tpu.memory_space<vmem>>
        %dma_start3A_640 = arith.constant 0 : i32
        %dma_start3A_641 = tpu.memref_slice %arg5[%add3A_602, %dma_start3A_640] : memref<16384x200xi32, #tpu.memory_space<hbm>> -> memref<16x200xi32, #tpu.memory_space<hbm>>
        tpu.enqueue_dma source(%dma_start3A_641 : memref<16x200xi32, #tpu.memory_space<hbm>>) target(%dma_start3A_639 : memref<16x200xi32, #tpu.memory_space<vmem>>) target_semaphore(%arg28 : memref<!tpu.dma_semaphore, #tpu.memory_space<semaphore_mem>>)
        %dma_start3A_642 = arith.constant 1 : i32
        %dma_start3A_643 = arith.constant 0 : i32
        %dma_start3A_644 = arith.constant 0 : i32
        %dma_start3A_645 = tpu.memref_slice %arg15[%dma_start3A_642, %dma_start3A_643, %dma_start3A_644] : memref<2x16x200xi32, #tpu.memory_space<vmem>> -> memref<1x16x200xi32, #tpu.memory_space<vmem>>
        %dma_start3A_646 = tpu.memref_squeeze %dma_start3A_645 : memref<1x16x200xi32, #tpu.memory_space<vmem>> -> memref<16x200xi32, #tpu.memory_space<vmem>>
        %dma_start3A_647 = arith.constant 0 : i32
        %dma_start3A_648 = tpu.memref_slice %arg6[%add3A_602, %dma_start3A_647] : memref<16384x200xi32, #tpu.memory_space<hbm>> -> memref<16x200xi32, #tpu.memory_space<hbm>>
        %dma_start3A_649 = arith.constant 0 : i32
        %dma_start3A_650 = arith.constant 0 : i32
        %dma_start3A_651 = tpu.memref_slice %arg15[%dma_start3A_642, %dma_start3A_649, %dma_start3A_650] : memref<2x16x200xi32, #tpu.memory_space<vmem>> -> memref<1x16x200xi32, #tpu.memory_space<vmem>>
        %dma_start3A_652 = tpu.memref_squeeze %dma_start3A_651 : memref<1x16x200xi32, #tpu.memory_space<vmem>> -> memref<16x200xi32, #tpu.memory_space<vmem>>
        %dma_start3A_653 = arith.constant 0 : i32
        %dma_start3A_654 = tpu.memref_slice %arg6[%add3A_602, %dma_start3A_653] : memref<16384x200xi32, #tpu.memory_space<hbm>> -> memref<16x200xi32, #tpu.memory_space<hbm>>
        tpu.enqueue_dma source(%dma_start3A_654 : memref<16x200xi32, #tpu.memory_space<hbm>>) target(%dma_start3A_652 : memref<16x200xi32, #tpu.memory_space<vmem>>) target_semaphore(%arg28 : memref<!tpu.dma_semaphore, #tpu.memory_space<semaphore_mem>>)
        %mul3A_655 = arith.constant 48 : i32
        %mul3A_656 = arith.muli %add3A_602, %mul3A_655 : i32
        %dma_start3A_657 = arith.constant 1 : i32
        %dma_start3A_658 = arith.constant 0 : i32
        %dma_start3A_659 = tpu.memref_slice %arg13[%dma_start3A_657, %dma_start3A_658] : memref<2x768xi32, #tpu.memory_space<vmem>> -> memref<1x768xi32, #tpu.memory_space<vmem>>
        %dma_start3A_660 = tpu.memref_squeeze %dma_start3A_659 : memref<1x768xi32, #tpu.memory_space<vmem>> -> memref<768xi32, #tpu.memory_space<vmem>>
        %dma_start3A_661 = tpu.memref_slice %arg4[%mul3A_656] : memref<786432xi32, #tpu.memory_space<hbm>> -> memref<768xi32, #tpu.memory_space<hbm>>
        %dma_start3A_662 = arith.constant 0 : i32
        %dma_start3A_663 = tpu.memref_slice %arg13[%dma_start3A_657, %dma_start3A_662] : memref<2x768xi32, #tpu.memory_space<vmem>> -> memref<1x768xi32, #tpu.memory_space<vmem>>
        %dma_start3A_664 = tpu.memref_squeeze %dma_start3A_663 : memref<1x768xi32, #tpu.memory_space<vmem>> -> memref<768xi32, #tpu.memory_space<vmem>>
        %dma_start3A_665 = tpu.memref_slice %arg4[%mul3A_656] : memref<786432xi32, #tpu.memory_space<hbm>> -> memref<768xi32, #tpu.memory_space<hbm>>
        tpu.enqueue_dma source(%dma_start3A_665 : memref<768xi32, #tpu.memory_space<hbm>>) target(%dma_start3A_664 : memref<768xi32, #tpu.memory_space<vmem>>) target_semaphore(%arg28 : memref<!tpu.dma_semaphore, #tpu.memory_space<semaphore_mem>>)
      } else {
      }
      %dma_start3A_218 = arith.constant 0 : i32
      %dma_start3A_219 = arith.constant 0 : i32
      %dma_start3A_220 = arith.constant 0 : i32
      %dma_start3A_221 = arith.constant 0 : i32
      %dma_start3A_222 = arith.constant 0 : i32
      %dma_start3A_223 = tpu.memref_slice %arg16[%dma_start3A_220, %dma_start3A_221, %dma_start3A_222] : memref<2x200x32xf32, #tpu.memory_space<vmem>> -> memref<1x128x32xf32, #tpu.memory_space<vmem>>
      %dma_start3A_224 = tpu.memref_squeeze %dma_start3A_223 : memref<1x128x32xf32, #tpu.memory_space<vmem>> -> memref<128x32xf32, #tpu.memory_space<vmem>>
      %dma_start3A_225 = arith.constant 0 : i32
      %dma_start3A_226 = tpu.memref_slice %arg11[%dma_start3A_218, %dma_start3A_219, %dma_start3A_225] : memref<2x16x200xi32, #tpu.memory_space<vmem>> -> memref<1x1x128xi32, #tpu.memory_space<vmem>>
      %dma_start3A_227 = tpu.memref_squeeze %dma_start3A_226 : memref<1x1x128xi32, #tpu.memory_space<vmem>> -> memref<128xi32, #tpu.memory_space<vmem>>
      %dma_start3A_228 = arith.constant 0 : i32
      %dma_start3A_229 = arith.constant 0 : i32
      %dma_start3A_230 = tpu.memref_slice %arg22[%dma_start3A_228, %dma_start3A_229] : memref<13752x32xf32, #tpu.memory_space<vmem_shared>> -> memref<13752x32xf32, #tpu.memory_space<vmem_shared>>
      tpu.enqueue_indirect_dma source(%dma_start3A_230 : memref<13752x32xf32, #tpu.memory_space<vmem_shared>>) target(%dma_start3A_224 : memref<128x32xf32, #tpu.memory_space<vmem>>) offsets(%dma_start3A_227 : memref<128xi32, #tpu.memory_space<vmem>>) semaphore(%arg25 : memref<!tpu.dma_semaphore, #tpu.memory_space<semaphore_mem>>)
      %dma_start3A_231 = arith.constant 0 : i32
      %dma_start3A_232 = arith.constant 0 : i32
      %dma_start3A_233 = arith.constant 0 : i32
      %dma_start3A_234 = arith.constant 128 : i32
      %dma_start3A_235 = arith.constant 0 : i32
      %dma_start3A_236 = tpu.memref_slice %arg16[%dma_start3A_233, %dma_start3A_234, %dma_start3A_235] : memref<2x200x32xf32, #tpu.memory_space<vmem>> -> memref<1x72x32xf32, #tpu.memory_space<vmem>>
      %dma_start3A_237 = tpu.memref_squeeze %dma_start3A_236 : memref<1x72x32xf32, #tpu.memory_space<vmem>> -> memref<72x32xf32, #tpu.memory_space<vmem>>
      %dma_start3A_238 = arith.constant 128 : i32
      %dma_start3A_239 = tpu.memref_slice %arg11[%dma_start3A_231, %dma_start3A_232, %dma_start3A_238] : memref<2x16x200xi32, #tpu.memory_space<vmem>> -> memref<1x1x72xi32, #tpu.memory_space<vmem>>
      %dma_start3A_240 = tpu.memref_squeeze %dma_start3A_239 : memref<1x1x72xi32, #tpu.memory_space<vmem>> -> memref<72xi32, #tpu.memory_space<vmem>>
      %dma_start3A_241 = arith.constant 0 : i32
      %dma_start3A_242 = arith.constant 0 : i32
      %dma_start3A_243 = tpu.memref_slice %arg22[%dma_start3A_241, %dma_start3A_242] : memref<13752x32xf32, #tpu.memory_space<vmem_shared>> -> memref<13752x32xf32, #tpu.memory_space<vmem_shared>>
      tpu.enqueue_indirect_dma source(%dma_start3A_243 : memref<13752x32xf32, #tpu.memory_space<vmem_shared>>) target(%dma_start3A_237 : memref<72x32xf32, #tpu.memory_space<vmem>>) offsets(%dma_start3A_240 : memref<72xi32, #tpu.memory_space<vmem>>) semaphore(%arg25 : memref<!tpu.dma_semaphore, #tpu.memory_space<semaphore_mem>>)
      %dma_start3A_244 = arith.constant 0 : i32
      %dma_start3A_245 = arith.constant 0 : i32
      %dma_start3A_246 = arith.constant 0 : i32
      %dma_start3A_247 = arith.constant 0 : i32
      %dma_start3A_248 = arith.constant 0 : i32
      %dma_start3A_249 = tpu.memref_slice %arg17[%dma_start3A_246, %dma_start3A_247, %dma_start3A_248] : memref<2x200x16xf32, #tpu.memory_space<vmem>> -> memref<1x128x16xf32, #tpu.memory_space<vmem>>
      %dma_start3A_250 = tpu.memref_squeeze %dma_start3A_249 : memref<1x128x16xf32, #tpu.memory_space<vmem>> -> memref<128x16xf32, #tpu.memory_space<vmem>>
      %dma_start3A_251 = arith.constant 0 : i32
      %dma_start3A_252 = tpu.memref_slice %arg12[%dma_start3A_244, %dma_start3A_245, %dma_start3A_251] : memref<2x16x200xi32, #tpu.memory_space<vmem>> -> memref<1x1x128xi32, #tpu.memory_space<vmem>>
      %dma_start3A_253 = tpu.memref_squeeze %dma_start3A_252 : memref<1x1x128xi32, #tpu.memory_space<vmem>> -> memref<128xi32, #tpu.memory_space<vmem>>
      %dma_start3A_254 = arith.constant 0 : i32
      %dma_start3A_255 = arith.constant 0 : i32
      %dma_start3A_256 = tpu.memref_slice %arg23[%dma_start3A_254, %dma_start3A_255] : memref<17393x16xf32, #tpu.memory_space<vmem_shared>> -> memref<17393x16xf32, #tpu.memory_space<vmem_shared>>
      tpu.enqueue_indirect_dma source(%dma_start3A_256 : memref<17393x16xf32, #tpu.memory_space<vmem_shared>>) target(%dma_start3A_250 : memref<128x16xf32, #tpu.memory_space<vmem>>) offsets(%dma_start3A_253 : memref<128xi32, #tpu.memory_space<vmem>>) semaphore(%arg25 : memref<!tpu.dma_semaphore, #tpu.memory_space<semaphore_mem>>)
      %dma_start3A_257 = arith.constant 0 : i32
      %dma_start3A_258 = arith.constant 0 : i32
      %dma_start3A_259 = arith.constant 0 : i32
      %dma_start3A_260 = arith.constant 128 : i32
      %dma_start3A_261 = arith.constant 0 : i32
      %dma_start3A_262 = tpu.memref_slice %arg17[%dma_start3A_259, %dma_start3A_260, %dma_start3A_261] : memref<2x200x16xf32, #tpu.memory_space<vmem>> -> memref<1x72x16xf32, #tpu.memory_space<vmem>>
      %dma_start3A_263 = tpu.memref_squeeze %dma_start3A_262 : memref<1x72x16xf32, #tpu.memory_space<vmem>> -> memref<72x16xf32, #tpu.memory_space<vmem>>
      %dma_start3A_264 = arith.constant 128 : i32
      %dma_start3A_265 = tpu.memref_slice %arg12[%dma_start3A_257, %dma_start3A_258, %dma_start3A_264] : memref<2x16x200xi32, #tpu.memory_space<vmem>> -> memref<1x1x72xi32, #tpu.memory_space<vmem>>
      %dma_start3A_266 = tpu.memref_squeeze %dma_start3A_265 : memref<1x1x72xi32, #tpu.memory_space<vmem>> -> memref<72xi32, #tpu.memory_space<vmem>>
      %dma_start3A_267 = arith.constant 0 : i32
      %dma_start3A_268 = arith.constant 0 : i32
      %dma_start3A_269 = tpu.memref_slice %arg23[%dma_start3A_267, %dma_start3A_268] : memref<17393x16xf32, #tpu.memory_space<vmem_shared>> -> memref<17393x16xf32, #tpu.memory_space<vmem_shared>>
      tpu.enqueue_indirect_dma source(%dma_start3A_269 : memref<17393x16xf32, #tpu.memory_space<vmem_shared>>) target(%dma_start3A_263 : memref<72x16xf32, #tpu.memory_space<vmem>>) offsets(%dma_start3A_266 : memref<72xi32, #tpu.memory_space<vmem>>) semaphore(%arg25 : memref<!tpu.dma_semaphore, #tpu.memory_space<semaphore_mem>>)
      %dma_start3A_270 = arith.constant 0 : i32
      %dma_start3A_271 = arith.constant 0 : i32
      %dma_start3A_272 = arith.constant 0 : i32
      %dma_start3A_273 = arith.constant 0 : i32
      %dma_start3A_274 = arith.constant 0 : i32
      %dma_start3A_275 = tpu.memref_slice %arg18[%dma_start3A_272, %dma_start3A_273, %dma_start3A_274] : memref<2x200x32xf32, #tpu.memory_space<vmem>> -> memref<1x128x32xf32, #tpu.memory_space<vmem>>
      %dma_start3A_276 = tpu.memref_squeeze %dma_start3A_275 : memref<1x128x32xf32, #tpu.memory_space<vmem>> -> memref<128x32xf32, #tpu.memory_space<vmem>>
      %dma_start3A_277 = arith.constant 0 : i32
      %dma_start3A_278 = tpu.memref_slice %arg14[%dma_start3A_270, %dma_start3A_271, %dma_start3A_277] : memref<2x16x200xi32, #tpu.memory_space<vmem>> -> memref<1x1x128xi32, #tpu.memory_space<vmem>>
      %dma_start3A_279 = tpu.memref_squeeze %dma_start3A_278 : memref<1x1x128xi32, #tpu.memory_space<vmem>> -> memref<128xi32, #tpu.memory_space<vmem>>
      %dma_start3A_280 = arith.constant 0 : i32
      %dma_start3A_281 = arith.constant 0 : i32
      %dma_start3A_282 = tpu.memref_slice %arg22[%dma_start3A_280, %dma_start3A_281] : memref<13752x32xf32, #tpu.memory_space<vmem_shared>> -> memref<13752x32xf32, #tpu.memory_space<vmem_shared>>
      tpu.enqueue_indirect_dma source(%dma_start3A_282 : memref<13752x32xf32, #tpu.memory_space<vmem_shared>>) target(%dma_start3A_276 : memref<128x32xf32, #tpu.memory_space<vmem>>) offsets(%dma_start3A_279 : memref<128xi32, #tpu.memory_space<vmem>>) semaphore(%arg25 : memref<!tpu.dma_semaphore, #tpu.memory_space<semaphore_mem>>)
      %dma_start3A_283 = arith.constant 0 : i32
      %dma_start3A_284 = arith.constant 0 : i32
      %dma_start3A_285 = arith.constant 0 : i32
      %dma_start3A_286 = arith.constant 128 : i32
      %dma_start3A_287 = arith.constant 0 : i32
      %dma_start3A_288 = tpu.memref_slice %arg18[%dma_start3A_285, %dma_start3A_286, %dma_start3A_287] : memref<2x200x32xf32, #tpu.memory_space<vmem>> -> memref<1x72x32xf32, #tpu.memory_space<vmem>>
      %dma_start3A_289 = tpu.memref_squeeze %dma_start3A_288 : memref<1x72x32xf32, #tpu.memory_space<vmem>> -> memref<72x32xf32, #tpu.memory_space<vmem>>
      %dma_start3A_290 = arith.constant 128 : i32
      %dma_start3A_291 = tpu.memref_slice %arg14[%dma_start3A_283, %dma_start3A_284, %dma_start3A_290] : memref<2x16x200xi32, #tpu.memory_space<vmem>> -> memref<1x1x72xi32, #tpu.memory_space<vmem>>
      %dma_start3A_292 = tpu.memref_squeeze %dma_start3A_291 : memref<1x1x72xi32, #tpu.memory_space<vmem>> -> memref<72xi32, #tpu.memory_space<vmem>>
      %dma_start3A_293 = arith.constant 0 : i32
      %dma_start3A_294 = arith.constant 0 : i32
      %dma_start3A_295 = tpu.memref_slice %arg22[%dma_start3A_293, %dma_start3A_294] : memref<13752x32xf32, #tpu.memory_space<vmem_shared>> -> memref<13752x32xf32, #tpu.memory_space<vmem_shared>>
      tpu.enqueue_indirect_dma source(%dma_start3A_295 : memref<13752x32xf32, #tpu.memory_space<vmem_shared>>) target(%dma_start3A_289 : memref<72x32xf32, #tpu.memory_space<vmem>>) offsets(%dma_start3A_292 : memref<72xi32, #tpu.memory_space<vmem>>) semaphore(%arg25 : memref<!tpu.dma_semaphore, #tpu.memory_space<semaphore_mem>>)
      %dma_start3A_296 = arith.constant 0 : i32
      %dma_start3A_297 = arith.constant 0 : i32
      %dma_start3A_298 = arith.constant 0 : i32
      %dma_start3A_299 = arith.constant 0 : i32
      %dma_start3A_300 = arith.constant 0 : i32
      %dma_start3A_301 = tpu.memref_slice %arg19[%dma_start3A_298, %dma_start3A_299, %dma_start3A_300] : memref<2x200x16xf32, #tpu.memory_space<vmem>> -> memref<1x128x16xf32, #tpu.memory_space<vmem>>
      %dma_start3A_302 = tpu.memref_squeeze %dma_start3A_301 : memref<1x128x16xf32, #tpu.memory_space<vmem>> -> memref<128x16xf32, #tpu.memory_space<vmem>>
      %dma_start3A_303 = arith.constant 0 : i32
      %dma_start3A_304 = tpu.memref_slice %arg15[%dma_start3A_296, %dma_start3A_297, %dma_start3A_303] : memref<2x16x200xi32, #tpu.memory_space<vmem>> -> memref<1x1x128xi32, #tpu.memory_space<vmem>>
      %dma_start3A_305 = tpu.memref_squeeze %dma_start3A_304 : memref<1x1x128xi32, #tpu.memory_space<vmem>> -> memref<128xi32, #tpu.memory_space<vmem>>
      %dma_start3A_306 = arith.constant 0 : i32
      %dma_start3A_307 = arith.constant 0 : i32
      %dma_start3A_308 = tpu.memref_slice %arg23[%dma_start3A_306, %dma_start3A_307] : memref<17393x16xf32, #tpu.memory_space<vmem_shared>> -> memref<17393x16xf32, #tpu.memory_space<vmem_shared>>
      tpu.enqueue_indirect_dma source(%dma_start3A_308 : memref<17393x16xf32, #tpu.memory_space<vmem_shared>>) target(%dma_start3A_302 : memref<128x16xf32, #tpu.memory_space<vmem>>) offsets(%dma_start3A_305 : memref<128xi32, #tpu.memory_space<vmem>>) semaphore(%arg25 : memref<!tpu.dma_semaphore, #tpu.memory_space<semaphore_mem>>)
      %dma_start3A_309 = arith.constant 0 : i32
      %dma_start3A_310 = arith.constant 0 : i32
      %dma_start3A_311 = arith.constant 0 : i32
      %dma_start3A_312 = arith.constant 128 : i32
      %dma_start3A_313 = arith.constant 0 : i32
      %dma_start3A_314 = tpu.memref_slice %arg19[%dma_start3A_311, %dma_start3A_312, %dma_start3A_313] : memref<2x200x16xf32, #tpu.memory_space<vmem>> -> memref<1x72x16xf32, #tpu.memory_space<vmem>>
      %dma_start3A_315 = tpu.memref_squeeze %dma_start3A_314 : memref<1x72x16xf32, #tpu.memory_space<vmem>> -> memref<72x16xf32, #tpu.memory_space<vmem>>
      %dma_start3A_316 = arith.constant 128 : i32
      %dma_start3A_317 = tpu.memref_slice %arg15[%dma_start3A_309, %dma_start3A_310, %dma_start3A_316] : memref<2x16x200xi32, #tpu.memory_space<vmem>> -> memref<1x1x72xi32, #tpu.memory_space<vmem>>
      %dma_start3A_318 = tpu.memref_squeeze %dma_start3A_317 : memref<1x1x72xi32, #tpu.memory_space<vmem>> -> memref<72xi32, #tpu.memory_space<vmem>>
      %dma_start3A_319 = arith.constant 0 : i32
      %dma_start3A_320 = arith.constant 0 : i32
      %dma_start3A_321 = tpu.memref_slice %arg23[%dma_start3A_319, %dma_start3A_320] : memref<17393x16xf32, #tpu.memory_space<vmem_shared>> -> memref<17393x16xf32, #tpu.memory_space<vmem_shared>>
      tpu.enqueue_indirect_dma source(%dma_start3A_321 : memref<17393x16xf32, #tpu.memory_space<vmem_shared>>) target(%dma_start3A_315 : memref<72x16xf32, #tpu.memory_space<vmem>>) offsets(%dma_start3A_318 : memref<72xi32, #tpu.memory_space<vmem>>) semaphore(%arg25 : memref<!tpu.dma_semaphore, #tpu.memory_space<semaphore_mem>>)
      %dma_wait3A_322 = arith.constant 0 : i32
      %dma_wait3A_323 = arith.constant 0 : i32
      %dma_wait3A_324 = tpu.memref_slice %arg8[%dma_wait3A_322, %dma_wait3A_323] : memref<17393x16xf32, #tpu.memory_space<hbm>> -> memref<768x16xf32, #tpu.memory_space<hbm>>
      %dma_wait3A_325 = arith.constant 0 : i32
      %dma_wait3A_326 = arith.constant 0 : i32
      %dma_wait3A_327 = tpu.memref_slice %arg8[%dma_wait3A_325, %dma_wait3A_326] : memref<17393x16xf32, #tpu.memory_space<hbm>> -> memref<768x16xf32, #tpu.memory_space<hbm>>
      tpu.wait_dma2 semaphore(%arg29 : memref<!tpu.dma_semaphore, #tpu.memory_space<semaphore_mem>>) src(%dma_wait3A_327 : memref<768x16xf32, #tpu.memory_space<hbm>>) dst(%arg20 : memref<768x16xf32, #tpu.memory_space<vmem>>)
      %scan3A_328 = arith.constant 0 : i32
      %scan3A_329 = arith.constant 0 : i32
      %scan3A_330 = arith.constant 8 : i32
      %scan3A_331 = arith.addi %scan3A_329, %scan3A_330 : i32
      %scan3A_332 = arith.constant 1 : i32
      %scan3A_333 = scf.for %scan3A_598 = %scan3A_329 to %scan3A_331 step %scan3A_332 iter_args(%scan3A_599 = %scan3A_328) -> (i32)  : i32 {
        %mul3A_600 = arith.constant 2 : i32
        %mul3A_601 = arith.muli %scan3A_598, %mul3A_600 : i32
        %add3A_602 = arith.constant 0 : i32
        %add3A_603 = arith.addi %mul3A_601, %add3A_602 : i32
        %add3A_604 = arith.constant 2 : i32
        %add3A_605 = arith.addi %add3A_603, %add3A_604 : i32
        %sub3A = arith.constant 1 : i32
        %sub3A_606 = arith.subi %add3A_605, %sub3A : i32
        %dma_start3A_607 = arith.constant 0 : i32
        %dma_start3A_608 = arith.constant 1 : i32
        %dma_start3A_609 = arith.constant 0 : i32
        %dma_start3A_610 = arith.constant 0 : i32
        %dma_start3A_611 = tpu.memref_slice %arg16[%dma_start3A_608, %dma_start3A_609, %dma_start3A_610] : memref<2x200x32xf32, #tpu.memory_space<vmem>> -> memref<1x128x32xf32, #tpu.memory_space<vmem>>
        %dma_start3A_612 = tpu.memref_squeeze %dma_start3A_611 : memref<1x128x32xf32, #tpu.memory_space<vmem>> -> memref<128x32xf32, #tpu.memory_space<vmem>>
        %dma_start3A_613 = arith.constant 0 : i32
        %dma_start3A_614 = tpu.memref_slice %arg11[%dma_start3A_607, %sub3A_606, %dma_start3A_613] : memref<2x16x200xi32, #tpu.memory_space<vmem>> -> memref<1x1x128xi32, #tpu.memory_space<vmem>>
        %dma_start3A_615 = tpu.memref_squeeze %dma_start3A_614 : memref<1x1x128xi32, #tpu.memory_space<vmem>> -> memref<128xi32, #tpu.memory_space<vmem>>
        %dma_start3A_616 = arith.constant 0 : i32
        %dma_start3A_617 = arith.constant 0 : i32
        %dma_start3A_618 = tpu.memref_slice %arg22[%dma_start3A_616, %dma_start3A_617] : memref<13752x32xf32, #tpu.memory_space<vmem_shared>> -> memref<13752x32xf32, #tpu.memory_space<vmem_shared>>
        tpu.enqueue_indirect_dma source(%dma_start3A_618 : memref<13752x32xf32, #tpu.memory_space<vmem_shared>>) target(%dma_start3A_612 : memref<128x32xf32, #tpu.memory_space<vmem>>) offsets(%dma_start3A_615 : memref<128xi32, #tpu.memory_space<vmem>>) semaphore(%arg26 : memref<!tpu.dma_semaphore, #tpu.memory_space<semaphore_mem>>)
        %dma_start3A_619 = arith.constant 0 : i32
        %dma_start3A_620 = arith.constant 1 : i32
        %dma_start3A_621 = arith.constant 128 : i32
        %dma_start3A_622 = arith.constant 0 : i32
        %dma_start3A_623 = tpu.memref_slice %arg16[%dma_start3A_620, %dma_start3A_621, %dma_start3A_622] : memref<2x200x32xf32, #tpu.memory_space<vmem>> -> memref<1x72x32xf32, #tpu.memory_space<vmem>>
        %dma_start3A_624 = tpu.memref_squeeze %dma_start3A_623 : memref<1x72x32xf32, #tpu.memory_space<vmem>> -> memref<72x32xf32, #tpu.memory_space<vmem>>
        %dma_start3A_625 = arith.constant 128 : i32
        %dma_start3A_626 = tpu.memref_slice %arg11[%dma_start3A_619, %sub3A_606, %dma_start3A_625] : memref<2x16x200xi32, #tpu.memory_space<vmem>> -> memref<1x1x72xi32, #tpu.memory_space<vmem>>
        %dma_start3A_627 = tpu.memref_squeeze %dma_start3A_626 : memref<1x1x72xi32, #tpu.memory_space<vmem>> -> memref<72xi32, #tpu.memory_space<vmem>>
        %dma_start3A_628 = arith.constant 0 : i32
        %dma_start3A_629 = arith.constant 0 : i32
        %dma_start3A_630 = tpu.memref_slice %arg22[%dma_start3A_628, %dma_start3A_629] : memref<13752x32xf32, #tpu.memory_space<vmem_shared>> -> memref<13752x32xf32, #tpu.memory_space<vmem_shared>>
        tpu.enqueue_indirect_dma source(%dma_start3A_630 : memref<13752x32xf32, #tpu.memory_space<vmem_shared>>) target(%dma_start3A_624 : memref<72x32xf32, #tpu.memory_space<vmem>>) offsets(%dma_start3A_627 : memref<72xi32, #tpu.memory_space<vmem>>) semaphore(%arg26 : memref<!tpu.dma_semaphore, #tpu.memory_space<semaphore_mem>>)
        %dma_start3A_631 = arith.constant 0 : i32
        %dma_start3A_632 = arith.constant 1 : i32
        %dma_start3A_633 = arith.constant 0 : i32
        %dma_start3A_634 = arith.constant 0 : i32
        %dma_start3A_635 = tpu.memref_slice %arg17[%dma_start3A_632, %dma_start3A_633, %dma_start3A_634] : memref<2x200x16xf32, #tpu.memory_space<vmem>> -> memref<1x128x16xf32, #tpu.memory_space<vmem>>
        %dma_start3A_636 = tpu.memref_squeeze %dma_start3A_635 : memref<1x128x16xf32, #tpu.memory_space<vmem>> -> memref<128x16xf32, #tpu.memory_space<vmem>>
        %dma_start3A_637 = arith.constant 0 : i32
        %dma_start3A_638 = tpu.memref_slice %arg12[%dma_start3A_631, %sub3A_606, %dma_start3A_637] : memref<2x16x200xi32, #tpu.memory_space<vmem>> -> memref<1x1x128xi32, #tpu.memory_space<vmem>>
        %dma_start3A_639 = tpu.memref_squeeze %dma_start3A_638 : memref<1x1x128xi32, #tpu.memory_space<vmem>> -> memref<128xi32, #tpu.memory_space<vmem>>
        %dma_start3A_640 = arith.constant 0 : i32
        %dma_start3A_641 = arith.constant 0 : i32
        %dma_start3A_642 = tpu.memref_slice %arg23[%dma_start3A_640, %dma_start3A_641] : memref<17393x16xf32, #tpu.memory_space<vmem_shared>> -> memref<17393x16xf32, #tpu.memory_space<vmem_shared>>
        tpu.enqueue_indirect_dma source(%dma_start3A_642 : memref<17393x16xf32, #tpu.memory_space<vmem_shared>>) target(%dma_start3A_636 : memref<128x16xf32, #tpu.memory_space<vmem>>) offsets(%dma_start3A_639 : memref<128xi32, #tpu.memory_space<vmem>>) semaphore(%arg26 : memref<!tpu.dma_semaphore, #tpu.memory_space<semaphore_mem>>)
        %dma_start3A_643 = arith.constant 0 : i32
        %dma_start3A_644 = arith.constant 1 : i32
        %dma_start3A_645 = arith.constant 128 : i32
        %dma_start3A_646 = arith.constant 0 : i32
        %dma_start3A_647 = tpu.memref_slice %arg17[%dma_start3A_644, %dma_start3A_645, %dma_start3A_646] : memref<2x200x16xf32, #tpu.memory_space<vmem>> -> memref<1x72x16xf32, #tpu.memory_space<vmem>>
        %dma_start3A_648 = tpu.memref_squeeze %dma_start3A_647 : memref<1x72x16xf32, #tpu.memory_space<vmem>> -> memref<72x16xf32, #tpu.memory_space<vmem>>
        %dma_start3A_649 = arith.constant 128 : i32
        %dma_start3A_650 = tpu.memref_slice %arg12[%dma_start3A_643, %sub3A_606, %dma_start3A_649] : memref<2x16x200xi32, #tpu.memory_space<vmem>> -> memref<1x1x72xi32, #tpu.memory_space<vmem>>
        %dma_start3A_651 = tpu.memref_squeeze %dma_start3A_650 : memref<1x1x72xi32, #tpu.memory_space<vmem>> -> memref<72xi32, #tpu.memory_space<vmem>>
        %dma_start3A_652 = arith.constant 0 : i32
        %dma_start3A_653 = arith.constant 0 : i32
        %dma_start3A_654 = tpu.memref_slice %arg23[%dma_start3A_652, %dma_start3A_653] : memref<17393x16xf32, #tpu.memory_space<vmem_shared>> -> memref<17393x16xf32, #tpu.memory_space<vmem_shared>>
        tpu.enqueue_indirect_dma source(%dma_start3A_654 : memref<17393x16xf32, #tpu.memory_space<vmem_shared>>) target(%dma_start3A_648 : memref<72x16xf32, #tpu.memory_space<vmem>>) offsets(%dma_start3A_651 : memref<72xi32, #tpu.memory_space<vmem>>) semaphore(%arg26 : memref<!tpu.dma_semaphore, #tpu.memory_space<semaphore_mem>>)
        %dma_start3A_655 = arith.constant 0 : i32
        %dma_start3A_656 = arith.constant 1 : i32
        %dma_start3A_657 = arith.constant 0 : i32
        %dma_start3A_658 = arith.constant 0 : i32
        %dma_start3A_659 = tpu.memref_slice %arg18[%dma_start3A_656, %dma_start3A_657, %dma_start3A_658] : memref<2x200x32xf32, #tpu.memory_space<vmem>> -> memref<1x128x32xf32, #tpu.memory_space<vmem>>
        %dma_start3A_660 = tpu.memref_squeeze %dma_start3A_659 : memref<1x128x32xf32, #tpu.memory_space<vmem>> -> memref<128x32xf32, #tpu.memory_space<vmem>>
        %dma_start3A_661 = arith.constant 0 : i32
        %dma_start3A_662 = tpu.memref_slice %arg14[%dma_start3A_655, %sub3A_606, %dma_start3A_661] : memref<2x16x200xi32, #tpu.memory_space<vmem>> -> memref<1x1x128xi32, #tpu.memory_space<vmem>>
        %dma_start3A_663 = tpu.memref_squeeze %dma_start3A_662 : memref<1x1x128xi32, #tpu.memory_space<vmem>> -> memref<128xi32, #tpu.memory_space<vmem>>
        %dma_start3A_664 = arith.constant 0 : i32
        %dma_start3A_665 = arith.constant 0 : i32
        %dma_start3A_666 = tpu.memref_slice %arg22[%dma_start3A_664, %dma_start3A_665] : memref<13752x32xf32, #tpu.memory_space<vmem_shared>> -> memref<13752x32xf32, #tpu.memory_space<vmem_shared>>
        tpu.enqueue_indirect_dma source(%dma_start3A_666 : memref<13752x32xf32, #tpu.memory_space<vmem_shared>>) target(%dma_start3A_660 : memref<128x32xf32, #tpu.memory_space<vmem>>) offsets(%dma_start3A_663 : memref<128xi32, #tpu.memory_space<vmem>>) semaphore(%arg26 : memref<!tpu.dma_semaphore, #tpu.memory_space<semaphore_mem>>)
        %dma_start3A_667 = arith.constant 0 : i32
        %dma_start3A_668 = arith.constant 1 : i32
        %dma_start3A_669 = arith.constant 128 : i32
        %dma_start3A_670 = arith.constant 0 : i32
        %dma_start3A_671 = tpu.memref_slice %arg18[%dma_start3A_668, %dma_start3A_669, %dma_start3A_670] : memref<2x200x32xf32, #tpu.memory_space<vmem>> -> memref<1x72x32xf32, #tpu.memory_space<vmem>>
        %dma_start3A_672 = tpu.memref_squeeze %dma_start3A_671 : memref<1x72x32xf32, #tpu.memory_space<vmem>> -> memref<72x32xf32, #tpu.memory_space<vmem>>
        %dma_start3A_673 = arith.constant 128 : i32
        %dma_start3A_674 = tpu.memref_slice %arg14[%dma_start3A_667, %sub3A_606, %dma_start3A_673] : memref<2x16x200xi32, #tpu.memory_space<vmem>> -> memref<1x1x72xi32, #tpu.memory_space<vmem>>
        %dma_start3A_675 = tpu.memref_squeeze %dma_start3A_674 : memref<1x1x72xi32, #tpu.memory_space<vmem>> -> memref<72xi32, #tpu.memory_space<vmem>>
        %dma_start3A_676 = arith.constant 0 : i32
        %dma_start3A_677 = arith.constant 0 : i32
        %dma_start3A_678 = tpu.memref_slice %arg22[%dma_start3A_676, %dma_start3A_677] : memref<13752x32xf32, #tpu.memory_space<vmem_shared>> -> memref<13752x32xf32, #tpu.memory_space<vmem_shared>>
        tpu.enqueue_indirect_dma source(%dma_start3A_678 : memref<13752x32xf32, #tpu.memory_space<vmem_shared>>) target(%dma_start3A_672 : memref<72x32xf32, #tpu.memory_space<vmem>>) offsets(%dma_start3A_675 : memref<72xi32, #tpu.memory_space<vmem>>) semaphore(%arg26 : memref<!tpu.dma_semaphore, #tpu.memory_space<semaphore_mem>>)
        %dma_start3A_679 = arith.constant 0 : i32
        %dma_start3A_680 = arith.constant 1 : i32
        %dma_start3A_681 = arith.constant 0 : i32
        %dma_start3A_682 = arith.constant 0 : i32
        %dma_start3A_683 = tpu.memref_slice %arg19[%dma_start3A_680, %dma_start3A_681, %dma_start3A_682] : memref<2x200x16xf32, #tpu.memory_space<vmem>> -> memref<1x128x16xf32, #tpu.memory_space<vmem>>
        %dma_start3A_684 = tpu.memref_squeeze %dma_start3A_683 : memref<1x128x16xf32, #tpu.memory_space<vmem>> -> memref<128x16xf32, #tpu.memory_space<vmem>>
        %dma_start3A_685 = arith.constant 0 : i32
        %dma_start3A_686 = tpu.memref_slice %arg15[%dma_start3A_679, %sub3A_606, %dma_start3A_685] : memref<2x16x200xi32, #tpu.memory_space<vmem>> -> memref<1x1x128xi32, #tpu.memory_space<vmem>>
        %dma_start3A_687 = tpu.memref_squeeze %dma_start3A_686 : memref<1x1x128xi32, #tpu.memory_space<vmem>> -> memref<128xi32, #tpu.memory_space<vmem>>
        %dma_start3A_688 = arith.constant 0 : i32
        %dma_start3A_689 = arith.constant 0 : i32
        %dma_start3A_690 = tpu.memref_slice %arg23[%dma_start3A_688, %dma_start3A_689] : memref<17393x16xf32, #tpu.memory_space<vmem_shared>> -> memref<17393x16xf32, #tpu.memory_space<vmem_shared>>
        tpu.enqueue_indirect_dma source(%dma_start3A_690 : memref<17393x16xf32, #tpu.memory_space<vmem_shared>>) target(%dma_start3A_684 : memref<128x16xf32, #tpu.memory_space<vmem>>) offsets(%dma_start3A_687 : memref<128xi32, #tpu.memory_space<vmem>>) semaphore(%arg26 : memref<!tpu.dma_semaphore, #tpu.memory_space<semaphore_mem>>)
        %dma_start3A_691 = arith.constant 0 : i32
        %dma_start3A_692 = arith.constant 1 : i32
        %dma_start3A_693 = arith.constant 128 : i32
        %dma_start3A_694 = arith.constant 0 : i32
        %dma_start3A_695 = tpu.memref_slice %arg19[%dma_start3A_692, %dma_start3A_693, %dma_start3A_694] : memref<2x200x16xf32, #tpu.memory_space<vmem>> -> memref<1x72x16xf32, #tpu.memory_space<vmem>>
        %dma_start3A_696 = tpu.memref_squeeze %dma_start3A_695 : memref<1x72x16xf32, #tpu.memory_space<vmem>> -> memref<72x16xf32, #tpu.memory_space<vmem>>
        %dma_start3A_697 = arith.constant 128 : i32
        %dma_start3A_698 = tpu.memref_slice %arg15[%dma_start3A_691, %sub3A_606, %dma_start3A_697] : memref<2x16x200xi32, #tpu.memory_space<vmem>> -> memref<1x1x72xi32, #tpu.memory_space<vmem>>
        %dma_start3A_699 = tpu.memref_squeeze %dma_start3A_698 : memref<1x1x72xi32, #tpu.memory_space<vmem>> -> memref<72xi32, #tpu.memory_space<vmem>>
        %dma_start3A_700 = arith.constant 0 : i32
        %dma_start3A_701 = arith.constant 0 : i32
        %dma_start3A_702 = tpu.memref_slice %arg23[%dma_start3A_700, %dma_start3A_701] : memref<17393x16xf32, #tpu.memory_space<vmem_shared>> -> memref<17393x16xf32, #tpu.memory_space<vmem_shared>>
        tpu.enqueue_indirect_dma source(%dma_start3A_702 : memref<17393x16xf32, #tpu.memory_space<vmem_shared>>) target(%dma_start3A_696 : memref<72x16xf32, #tpu.memory_space<vmem>>) offsets(%dma_start3A_699 : memref<72xi32, #tpu.memory_space<vmem>>) semaphore(%arg26 : memref<!tpu.dma_semaphore, #tpu.memory_space<semaphore_mem>>)
        %dma_wait3A_703 = arith.constant 0 : i32
        %dma_wait3A_704 = arith.constant 0 : i32
        %dma_wait3A_705 = arith.constant 0 : i32
        %dma_wait3A_706 = tpu.memref_slice %arg16[%dma_wait3A_703, %dma_wait3A_704, %dma_wait3A_705] : memref<2x200x32xf32, #tpu.memory_space<vmem>> -> memref<1x200x32xf32, #tpu.memory_space<vmem>>
        %dma_wait3A_707 = tpu.memref_squeeze %dma_wait3A_706 : memref<1x200x32xf32, #tpu.memory_space<vmem>> -> memref<200x32xf32, #tpu.memory_space<vmem>>
        %dma_wait3A_708 = arith.constant 0 : i32
        %dma_wait3A_709 = arith.constant 0 : i32
        %dma_wait3A_710 = tpu.memref_slice %arg7[%dma_wait3A_708, %dma_wait3A_709] : memref<13752x32xf32, #tpu.memory_space<hbm>> -> memref<200x32xf32, #tpu.memory_space<hbm>>
        %dma_wait3A_711 = arith.constant 0 : i32
        %dma_wait3A_712 = arith.constant 0 : i32
        %dma_wait3A_713 = tpu.memref_slice %arg16[%dma_wait3A_703, %dma_wait3A_711, %dma_wait3A_712] : memref<2x200x32xf32, #tpu.memory_space<vmem>> -> memref<1x200x32xf32, #tpu.memory_space<vmem>>
        %dma_wait3A_714 = tpu.memref_squeeze %dma_wait3A_713 : memref<1x200x32xf32, #tpu.memory_space<vmem>> -> memref<200x32xf32, #tpu.memory_space<vmem>>
        %dma_wait3A_715 = arith.constant 0 : i32
        %dma_wait3A_716 = arith.constant 0 : i32
        %dma_wait3A_717 = tpu.memref_slice %arg7[%dma_wait3A_715, %dma_wait3A_716] : memref<13752x32xf32, #tpu.memory_space<hbm>> -> memref<200x32xf32, #tpu.memory_space<hbm>>
        tpu.wait_dma2 semaphore(%arg25 : memref<!tpu.dma_semaphore, #tpu.memory_space<semaphore_mem>>) src(%dma_wait3A_717 : memref<200x32xf32, #tpu.memory_space<hbm>>) dst(%dma_wait3A_714 : memref<200x32xf32, #tpu.memory_space<vmem>>)
        %dma_wait3A_718 = arith.constant 0 : i32
        %dma_wait3A_719 = arith.constant 0 : i32
        %dma_wait3A_720 = arith.constant 0 : i32
        %dma_wait3A_721 = tpu.memref_slice %arg17[%dma_wait3A_718, %dma_wait3A_719, %dma_wait3A_720] : memref<2x200x16xf32, #tpu.memory_space<vmem>> -> memref<1x200x16xf32, #tpu.memory_space<vmem>>
        %dma_wait3A_722 = tpu.memref_squeeze %dma_wait3A_721 : memref<1x200x16xf32, #tpu.memory_space<vmem>> -> memref<200x16xf32, #tpu.memory_space<vmem>>
        %dma_wait3A_723 = arith.constant 0 : i32
        %dma_wait3A_724 = arith.constant 0 : i32
        %dma_wait3A_725 = tpu.memref_slice %arg8[%dma_wait3A_723, %dma_wait3A_724] : memref<17393x16xf32, #tpu.memory_space<hbm>> -> memref<200x16xf32, #tpu.memory_space<hbm>>
        %dma_wait3A_726 = arith.constant 0 : i32
        %dma_wait3A_727 = arith.constant 0 : i32
        %dma_wait3A_728 = tpu.memref_slice %arg17[%dma_wait3A_718, %dma_wait3A_726, %dma_wait3A_727] : memref<2x200x16xf32, #tpu.memory_space<vmem>> -> memref<1x200x16xf32, #tpu.memory_space<vmem>>
        %dma_wait3A_729 = tpu.memref_squeeze %dma_wait3A_728 : memref<1x200x16xf32, #tpu.memory_space<vmem>> -> memref<200x16xf32, #tpu.memory_space<vmem>>
        %dma_wait3A_730 = arith.constant 0 : i32
        %dma_wait3A_731 = arith.constant 0 : i32
        %dma_wait3A_732 = tpu.memref_slice %arg8[%dma_wait3A_730, %dma_wait3A_731] : memref<17393x16xf32, #tpu.memory_space<hbm>> -> memref<200x16xf32, #tpu.memory_space<hbm>>
        tpu.wait_dma2 semaphore(%arg25 : memref<!tpu.dma_semaphore, #tpu.memory_space<semaphore_mem>>) src(%dma_wait3A_732 : memref<200x16xf32, #tpu.memory_space<hbm>>) dst(%dma_wait3A_729 : memref<200x16xf32, #tpu.memory_space<vmem>>)
        %dma_wait3A_733 = arith.constant 0 : i32
        %dma_wait3A_734 = arith.constant 0 : i32
        %dma_wait3A_735 = arith.constant 0 : i32
        %dma_wait3A_736 = tpu.memref_slice %arg18[%dma_wait3A_733, %dma_wait3A_734, %dma_wait3A_735] : memref<2x200x32xf32, #tpu.memory_space<vmem>> -> memref<1x200x32xf32, #tpu.memory_space<vmem>>
        %dma_wait3A_737 = tpu.memref_squeeze %dma_wait3A_736 : memref<1x200x32xf32, #tpu.memory_space<vmem>> -> memref<200x32xf32, #tpu.memory_space<vmem>>
        %dma_wait3A_738 = arith.constant 0 : i32
        %dma_wait3A_739 = arith.constant 0 : i32
        %dma_wait3A_740 = tpu.memref_slice %arg7[%dma_wait3A_738, %dma_wait3A_739] : memref<13752x32xf32, #tpu.memory_space<hbm>> -> memref<200x32xf32, #tpu.memory_space<hbm>>
        %dma_wait3A_741 = arith.constant 0 : i32
        %dma_wait3A_742 = arith.constant 0 : i32
        %dma_wait3A_743 = tpu.memref_slice %arg18[%dma_wait3A_733, %dma_wait3A_741, %dma_wait3A_742] : memref<2x200x32xf32, #tpu.memory_space<vmem>> -> memref<1x200x32xf32, #tpu.memory_space<vmem>>
        %dma_wait3A_744 = tpu.memref_squeeze %dma_wait3A_743 : memref<1x200x32xf32, #tpu.memory_space<vmem>> -> memref<200x32xf32, #tpu.memory_space<vmem>>
        %dma_wait3A_745 = arith.constant 0 : i32
        %dma_wait3A_746 = arith.constant 0 : i32
        %dma_wait3A_747 = tpu.memref_slice %arg7[%dma_wait3A_745, %dma_wait3A_746] : memref<13752x32xf32, #tpu.memory_space<hbm>> -> memref<200x32xf32, #tpu.memory_space<hbm>>
        tpu.wait_dma2 semaphore(%arg25 : memref<!tpu.dma_semaphore, #tpu.memory_space<semaphore_mem>>) src(%dma_wait3A_747 : memref<200x32xf32, #tpu.memory_space<hbm>>) dst(%dma_wait3A_744 : memref<200x32xf32, #tpu.memory_space<vmem>>)
        %dma_wait3A_748 = arith.constant 0 : i32
        %dma_wait3A_749 = arith.constant 0 : i32
        %dma_wait3A_750 = arith.constant 0 : i32
        %dma_wait3A_751 = tpu.memref_slice %arg19[%dma_wait3A_748, %dma_wait3A_749, %dma_wait3A_750] : memref<2x200x16xf32, #tpu.memory_space<vmem>> -> memref<1x200x16xf32, #tpu.memory_space<vmem>>
        %dma_wait3A_752 = tpu.memref_squeeze %dma_wait3A_751 : memref<1x200x16xf32, #tpu.memory_space<vmem>> -> memref<200x16xf32, #tpu.memory_space<vmem>>
        %dma_wait3A_753 = arith.constant 0 : i32
        %dma_wait3A_754 = arith.constant 0 : i32
        %dma_wait3A_755 = tpu.memref_slice %arg8[%dma_wait3A_753, %dma_wait3A_754] : memref<17393x16xf32, #tpu.memory_space<hbm>> -> memref<200x16xf32, #tpu.memory_space<hbm>>
        %dma_wait3A_756 = arith.constant 0 : i32
        %dma_wait3A_757 = arith.constant 0 : i32
        %dma_wait3A_758 = tpu.memref_slice %arg19[%dma_wait3A_748, %dma_wait3A_756, %dma_wait3A_757] : memref<2x200x16xf32, #tpu.memory_space<vmem>> -> memref<1x200x16xf32, #tpu.memory_space<vmem>>
        %dma_wait3A_759 = tpu.memref_squeeze %dma_wait3A_758 : memref<1x200x16xf32, #tpu.memory_space<vmem>> -> memref<200x16xf32, #tpu.memory_space<vmem>>
        %dma_wait3A_760 = arith.constant 0 : i32
        %dma_wait3A_761 = arith.constant 0 : i32
        %dma_wait3A_762 = tpu.memref_slice %arg8[%dma_wait3A_760, %dma_wait3A_761] : memref<17393x16xf32, #tpu.memory_space<hbm>> -> memref<200x16xf32, #tpu.memory_space<hbm>>
        tpu.wait_dma2 semaphore(%arg25 : memref<!tpu.dma_semaphore, #tpu.memory_space<semaphore_mem>>) src(%dma_wait3A_762 : memref<200x16xf32, #tpu.memory_space<hbm>>) dst(%dma_wait3A_759 : memref<200x16xf32, #tpu.memory_space<vmem>>)
        %broadcast_in_dim3A = arith.constant 0.000000e+00 : f32
        %broadcast_in_dim3A_763 = vector.broadcast %broadcast_in_dim3A : f32 to vector<16xf32>
        %parallel_loop3A = arith.constant 0 : i32
        %parallel_loop3A_764 = arith.constant 200 : i32
        %parallel_loop3A_765 = arith.constant 4 : i32
        %parallel_loop3A_766:12 = scf.for %parallel_loop3A_1603 = %parallel_loop3A to %parallel_loop3A_764 step %parallel_loop3A_765 iter_args(%parallel_loop3A_1604 = %broadcast_in_dim3A_763, %parallel_loop3A_1605 = %broadcast_in_dim3A_763, %parallel_loop3A_1606 = %broadcast_in_dim3A_763, %parallel_loop3A_1607 = %broadcast_in_dim3A_763, %parallel_loop3A_1608 = %broadcast_in_dim3A_763, %parallel_loop3A_1609 = %broadcast_in_dim3A_763, %parallel_loop3A_1610 = %broadcast_in_dim3A_763, %parallel_loop3A_1611 = %broadcast_in_dim3A_763, %parallel_loop3A_1612 = %broadcast_in_dim3A_763, %parallel_loop3A_1613 = %broadcast_in_dim3A_763, %parallel_loop3A_1614 = %broadcast_in_dim3A_763, %parallel_loop3A_1615 = %broadcast_in_dim3A_763) -> (vector<16xf32>, vector<16xf32>, vector<16xf32>, vector<16xf32>, vector<16xf32>, vector<16xf32>, vector<16xf32>, vector<16xf32>, vector<16xf32>, vector<16xf32>, vector<16xf32>, vector<16xf32>)  : i32 {
          %parallel_loop3A_1616 = arith.constant 0 : i32
          %parallel_loop3A_1617 = arith.addi %parallel_loop3A_1603, %parallel_loop3A_1616 : i32
          %parallel_loop3A_1618 = arith.constant 0 : i32
          %parallel_loop3A_1619 = arith.index_cast %parallel_loop3A_1618 : i32 to index
          %parallel_loop3A_1620 = arith.index_cast %parallel_loop3A_1617 : i32 to index
          %parallel_loop3A_1621 = arith.constant 0 : index
          %parallel_loop3A_1622 = tpu.vector_load %arg16[%parallel_loop3A_1619, %parallel_loop3A_1620, %parallel_loop3A_1621] {strides = array<i32>} : memref<2x200x32xf32, #tpu.memory_space<vmem>>, vector<1x1x16xf32>,
          %parallel_loop3A_1623 = vector.shape_cast %parallel_loop3A_1622 : vector<1x1x16xf32> to vector<16xf32>
          %parallel_loop3A_1624 = arith.addf %parallel_loop3A_1604, %parallel_loop3A_1623 : vector<16xf32>
          %parallel_loop3A_1625 = arith.constant 0 : i32
          %parallel_loop3A_1626 = arith.index_cast %parallel_loop3A_1625 : i32 to index
          %parallel_loop3A_1627 = arith.index_cast %parallel_loop3A_1617 : i32 to index
          %parallel_loop3A_1628 = arith.constant 16 : index
          %parallel_loop3A_1629 = tpu.vector_load %arg16[%parallel_loop3A_1626, %parallel_loop3A_1627, %parallel_loop3A_1628] {strides = array<i32>} : memref<2x200x32xf32, #tpu.memory_space<vmem>>, vector<1x1x16xf32>,
          %parallel_loop3A_1630 = vector.shape_cast %parallel_loop3A_1629 : vector<1x1x16xf32> to vector<16xf32>
          %parallel_loop3A_1631 = arith.addf %parallel_loop3A_1606, %parallel_loop3A_1630 : vector<16xf32>
          %parallel_loop3A_1632 = arith.constant 0 : i32
          %parallel_loop3A_1633 = arith.index_cast %parallel_loop3A_1632 : i32 to index
          %parallel_loop3A_1634 = arith.index_cast %parallel_loop3A_1617 : i32 to index
          %parallel_loop3A_1635 = arith.constant 0 : index
          %parallel_loop3A_1636 = tpu.vector_load %arg17[%parallel_loop3A_1633, %parallel_loop3A_1634, %parallel_loop3A_1635] {strides = array<i32>} : memref<2x200x16xf32, #tpu.memory_space<vmem>>, vector<1x1x16xf32>,
          %parallel_loop3A_1637 = vector.shape_cast %parallel_loop3A_1636 : vector<1x1x16xf32> to vector<16xf32>
          %parallel_loop3A_1638 = arith.addf %parallel_loop3A_1608, %parallel_loop3A_1637 : vector<16xf32>
          %parallel_loop3A_1639 = arith.constant 0 : i32
          %parallel_loop3A_1640 = arith.index_cast %parallel_loop3A_1639 : i32 to index
          %parallel_loop3A_1641 = arith.index_cast %parallel_loop3A_1617 : i32 to index
          %parallel_loop3A_1642 = arith.constant 0 : index
          %parallel_loop3A_1643 = tpu.vector_load %arg18[%parallel_loop3A_1640, %parallel_loop3A_1641, %parallel_loop3A_1642] {strides = array<i32>} : memref<2x200x32xf32, #tpu.memory_space<vmem>>, vector<1x1x16xf32>,
          %parallel_loop3A_1644 = vector.shape_cast %parallel_loop3A_1643 : vector<1x1x16xf32> to vector<16xf32>
          %parallel_loop3A_1645 = arith.addf %parallel_loop3A_1610, %parallel_loop3A_1644 : vector<16xf32>
          %parallel_loop3A_1646 = arith.constant 0 : i32
          %parallel_loop3A_1647 = arith.index_cast %parallel_loop3A_1646 : i32 to index
          %parallel_loop3A_1648 = arith.index_cast %parallel_loop3A_1617 : i32 to index
          %parallel_loop3A_1649 = arith.constant 16 : index
          %parallel_loop3A_1650 = tpu.vector_load %arg18[%parallel_loop3A_1647, %parallel_loop3A_1648, %parallel_loop3A_1649] {strides = array<i32>} : memref<2x200x32xf32, #tpu.memory_space<vmem>>, vector<1x1x16xf32>,
          %parallel_loop3A_1651 = vector.shape_cast %parallel_loop3A_1650 : vector<1x1x16xf32> to vector<16xf32>
          %parallel_loop3A_1652 = arith.addf %parallel_loop3A_1612, %parallel_loop3A_1651 : vector<16xf32>
          %parallel_loop3A_1653 = arith.constant 0 : i32
          %parallel_loop3A_1654 = arith.index_cast %parallel_loop3A_1653 : i32 to index
          %parallel_loop3A_1655 = arith.index_cast %parallel_loop3A_1617 : i32 to index
          %parallel_loop3A_1656 = arith.constant 0 : index
          %parallel_loop3A_1657 = tpu.vector_load %arg19[%parallel_loop3A_1654, %parallel_loop3A_1655, %parallel_loop3A_1656] {strides = array<i32>} : memref<2x200x16xf32, #tpu.memory_space<vmem>>, vector<1x1x16xf32>,
          %parallel_loop3A_1658 = vector.shape_cast %parallel_loop3A_1657 : vector<1x1x16xf32> to vector<16xf32>
          %parallel_loop3A_1659 = arith.addf %parallel_loop3A_1614, %parallel_loop3A_1658 : vector<16xf32>
          %parallel_loop3A_1660 = arith.constant 1 : i32
          %parallel_loop3A_1661 = arith.addi %parallel_loop3A_1603, %parallel_loop3A_1660 : i32
          %parallel_loop3A_1662 = arith.constant 0 : i32
          %parallel_loop3A_1663 = arith.index_cast %parallel_loop3A_1662 : i32 to index
          %parallel_loop3A_1664 = arith.index_cast %parallel_loop3A_1661 : i32 to index
          %parallel_loop3A_1665 = arith.constant 0 : index
          %parallel_loop3A_1666 = tpu.vector_load %arg16[%parallel_loop3A_1663, %parallel_loop3A_1664, %parallel_loop3A_1665] {strides = array<i32>} : memref<2x200x32xf32, #tpu.memory_space<vmem>>, vector<1x1x16xf32>,
          %parallel_loop3A_1667 = vector.shape_cast %parallel_loop3A_1666 : vector<1x1x16xf32> to vector<16xf32>
          %parallel_loop3A_1668 = arith.addf %parallel_loop3A_1605, %parallel_loop3A_1667 : vector<16xf32>
          %parallel_loop3A_1669 = arith.constant 0 : i32
          %parallel_loop3A_1670 = arith.index_cast %parallel_loop3A_1669 : i32 to index
          %parallel_loop3A_1671 = arith.index_cast %parallel_loop3A_1661 : i32 to index
          %parallel_loop3A_1672 = arith.constant 16 : index
          %parallel_loop3A_1673 = tpu.vector_load %arg16[%parallel_loop3A_1670, %parallel_loop3A_1671, %parallel_loop3A_1672] {strides = array<i32>} : memref<2x200x32xf32, #tpu.memory_space<vmem>>, vector<1x1x16xf32>,
          %parallel_loop3A_1674 = vector.shape_cast %parallel_loop3A_1673 : vector<1x1x16xf32> to vector<16xf32>
          %parallel_loop3A_1675 = arith.addf %parallel_loop3A_1607, %parallel_loop3A_1674 : vector<16xf32>
          %parallel_loop3A_1676 = arith.constant 0 : i32
          %parallel_loop3A_1677 = arith.index_cast %parallel_loop3A_1676 : i32 to index
          %parallel_loop3A_1678 = arith.index_cast %parallel_loop3A_1661 : i32 to index
          %parallel_loop3A_1679 = arith.constant 0 : index
          %parallel_loop3A_1680 = tpu.vector_load %arg17[%parallel_loop3A_1677, %parallel_loop3A_1678, %parallel_loop3A_1679] {strides = array<i32>} : memref<2x200x16xf32, #tpu.memory_space<vmem>>, vector<1x1x16xf32>,
          %parallel_loop3A_1681 = vector.shape_cast %parallel_loop3A_1680 : vector<1x1x16xf32> to vector<16xf32>
          %parallel_loop3A_1682 = arith.addf %parallel_loop3A_1609, %parallel_loop3A_1681 : vector<16xf32>
          %parallel_loop3A_1683 = arith.constant 0 : i32
          %parallel_loop3A_1684 = arith.index_cast %parallel_loop3A_1683 : i32 to index
          %parallel_loop3A_1685 = arith.index_cast %parallel_loop3A_1661 : i32 to index
          %parallel_loop3A_1686 = arith.constant 0 : index
          %parallel_loop3A_1687 = tpu.vector_load %arg18[%parallel_loop3A_1684, %parallel_loop3A_1685, %parallel_loop3A_1686] {strides = array<i32>} : memref<2x200x32xf32, #tpu.memory_space<vmem>>, vector<1x1x16xf32>,
          %parallel_loop3A_1688 = vector.shape_cast %parallel_loop3A_1687 : vector<1x1x16xf32> to vector<16xf32>
          %parallel_loop3A_1689 = arith.addf %parallel_loop3A_1611, %parallel_loop3A_1688 : vector<16xf32>
          %parallel_loop3A_1690 = arith.constant 0 : i32
          %parallel_loop3A_1691 = arith.index_cast %parallel_loop3A_1690 : i32 to index
          %parallel_loop3A_1692 = arith.index_cast %parallel_loop3A_1661 : i32 to index
          %parallel_loop3A_1693 = arith.constant 16 : index
          %parallel_loop3A_1694 = tpu.vector_load %arg18[%parallel_loop3A_1691, %parallel_loop3A_1692, %parallel_loop3A_1693] {strides = array<i32>} : memref<2x200x32xf32, #tpu.memory_space<vmem>>, vector<1x1x16xf32>,
          %parallel_loop3A_1695 = vector.shape_cast %parallel_loop3A_1694 : vector<1x1x16xf32> to vector<16xf32>
          %parallel_loop3A_1696 = arith.addf %parallel_loop3A_1613, %parallel_loop3A_1695 : vector<16xf32>
          %parallel_loop3A_1697 = arith.constant 0 : i32
          %parallel_loop3A_1698 = arith.index_cast %parallel_loop3A_1697 : i32 to index
          %parallel_loop3A_1699 = arith.index_cast %parallel_loop3A_1661 : i32 to index
          %parallel_loop3A_1700 = arith.constant 0 : index
          %parallel_loop3A_1701 = tpu.vector_load %arg19[%parallel_loop3A_1698, %parallel_loop3A_1699, %parallel_loop3A_1700] {strides = array<i32>} : memref<2x200x16xf32, #tpu.memory_space<vmem>>, vector<1x1x16xf32>,
          %parallel_loop3A_1702 = vector.shape_cast %parallel_loop3A_1701 : vector<1x1x16xf32> to vector<16xf32>
          %parallel_loop3A_1703 = arith.addf %parallel_loop3A_1615, %parallel_loop3A_1702 : vector<16xf32>
          %parallel_loop3A_1704 = arith.constant 2 : i32
          %parallel_loop3A_1705 = arith.addi %parallel_loop3A_1603, %parallel_loop3A_1704 : i32
          %parallel_loop3A_1706 = arith.constant 0 : i32
          %parallel_loop3A_1707 = arith.index_cast %parallel_loop3A_1706 : i32 to index
          %parallel_loop3A_1708 = arith.index_cast %parallel_loop3A_1705 : i32 to index
          %parallel_loop3A_1709 = arith.constant 0 : index
          %parallel_loop3A_1710 = tpu.vector_load %arg16[%parallel_loop3A_1707, %parallel_loop3A_1708, %parallel_loop3A_1709] {strides = array<i32>} : memref<2x200x32xf32, #tpu.memory_space<vmem>>, vector<1x1x16xf32>,
          %parallel_loop3A_1711 = vector.shape_cast %parallel_loop3A_1710 : vector<1x1x16xf32> to vector<16xf32>
          %parallel_loop3A_1712 = arith.addf %parallel_loop3A_1624, %parallel_loop3A_1711 : vector<16xf32>
          %parallel_loop3A_1713 = arith.constant 0 : i32
          %parallel_loop3A_1714 = arith.index_cast %parallel_loop3A_1713 : i32 to index
          %parallel_loop3A_1715 = arith.index_cast %parallel_loop3A_1705 : i32 to index
          %parallel_loop3A_1716 = arith.constant 16 : index
          %parallel_loop3A_1717 = tpu.vector_load %arg16[%parallel_loop3A_1714, %parallel_loop3A_1715, %parallel_loop3A_1716] {strides = array<i32>} : memref<2x200x32xf32, #tpu.memory_space<vmem>>, vector<1x1x16xf32>,
          %parallel_loop3A_1718 = vector.shape_cast %parallel_loop3A_1717 : vector<1x1x16xf32> to vector<16xf32>
          %parallel_loop3A_1719 = arith.addf %parallel_loop3A_1631, %parallel_loop3A_1718 : vector<16xf32>
          %parallel_loop3A_1720 = arith.constant 0 : i32
          %parallel_loop3A_1721 = arith.index_cast %parallel_loop3A_1720 : i32 to index
          %parallel_loop3A_1722 = arith.index_cast %parallel_loop3A_1705 : i32 to index
          %parallel_loop3A_1723 = arith.constant 0 : index
          %parallel_loop3A_1724 = tpu.vector_load %arg17[%parallel_loop3A_1721, %parallel_loop3A_1722, %parallel_loop3A_1723] {strides = array<i32>} : memref<2x200x16xf32, #tpu.memory_space<vmem>>, vector<1x1x16xf32>,
          %parallel_loop3A_1725 = vector.shape_cast %parallel_loop3A_1724 : vector<1x1x16xf32> to vector<16xf32>
          %parallel_loop3A_1726 = arith.addf %parallel_loop3A_1638, %parallel_loop3A_1725 : vector<16xf32>
          %parallel_loop3A_1727 = arith.constant 0 : i32
          %parallel_loop3A_1728 = arith.index_cast %parallel_loop3A_1727 : i32 to index
          %parallel_loop3A_1729 = arith.index_cast %parallel_loop3A_1705 : i32 to index
          %parallel_loop3A_1730 = arith.constant 0 : index
          %parallel_loop3A_1731 = tpu.vector_load %arg18[%parallel_loop3A_1728, %parallel_loop3A_1729, %parallel_loop3A_1730] {strides = array<i32>} : memref<2x200x32xf32, #tpu.memory_space<vmem>>, vector<1x1x16xf32>,
          %parallel_loop3A_1732 = vector.shape_cast %parallel_loop3A_1731 : vector<1x1x16xf32> to vector<16xf32>
          %parallel_loop3A_1733 = arith.addf %parallel_loop3A_1645, %parallel_loop3A_1732 : vector<16xf32>
          %parallel_loop3A_1734 = arith.constant 0 : i32
          %parallel_loop3A_1735 = arith.index_cast %parallel_loop3A_1734 : i32 to index
          %parallel_loop3A_1736 = arith.index_cast %parallel_loop3A_1705 : i32 to index
          %parallel_loop3A_1737 = arith.constant 16 : index
          %parallel_loop3A_1738 = tpu.vector_load %arg18[%parallel_loop3A_1735, %parallel_loop3A_1736, %parallel_loop3A_1737] {strides = array<i32>} : memref<2x200x32xf32, #tpu.memory_space<vmem>>, vector<1x1x16xf32>,
          %parallel_loop3A_1739 = vector.shape_cast %parallel_loop3A_1738 : vector<1x1x16xf32> to vector<16xf32>
          %parallel_loop3A_1740 = arith.addf %parallel_loop3A_1652, %parallel_loop3A_1739 : vector<16xf32>
          %parallel_loop3A_1741 = arith.constant 0 : i32
          %parallel_loop3A_1742 = arith.index_cast %parallel_loop3A_1741 : i32 to index
          %parallel_loop3A_1743 = arith.index_cast %parallel_loop3A_1705 : i32 to index
          %parallel_loop3A_1744 = arith.constant 0 : index
          %parallel_loop3A_1745 = tpu.vector_load %arg19[%parallel_loop3A_1742, %parallel_loop3A_1743, %parallel_loop3A_1744] {strides = array<i32>} : memref<2x200x16xf32, #tpu.memory_space<vmem>>, vector<1x1x16xf32>,
          %parallel_loop3A_1746 = vector.shape_cast %parallel_loop3A_1745 : vector<1x1x16xf32> to vector<16xf32>
          %parallel_loop3A_1747 = arith.addf %parallel_loop3A_1659, %parallel_loop3A_1746 : vector<16xf32>
          %parallel_loop3A_1748 = arith.constant 3 : i32
          %parallel_loop3A_1749 = arith.addi %parallel_loop3A_1603, %parallel_loop3A_1748 : i32
          %parallel_loop3A_1750 = arith.constant 0 : i32
          %parallel_loop3A_1751 = arith.index_cast %parallel_loop3A_1750 : i32 to index
          %parallel_loop3A_1752 = arith.index_cast %parallel_loop3A_1749 : i32 to index
          %parallel_loop3A_1753 = arith.constant 0 : index
          %parallel_loop3A_1754 = tpu.vector_load %arg16[%parallel_loop3A_1751, %parallel_loop3A_1752, %parallel_loop3A_1753] {strides = array<i32>} : memref<2x200x32xf32, #tpu.memory_space<vmem>>, vector<1x1x16xf32>,
          %parallel_loop3A_1755 = vector.shape_cast %parallel_loop3A_1754 : vector<1x1x16xf32> to vector<16xf32>
          %parallel_loop3A_1756 = arith.addf %parallel_loop3A_1668, %parallel_loop3A_1755 : vector<16xf32>
          %parallel_loop3A_1757 = arith.constant 0 : i32
          %parallel_loop3A_1758 = arith.index_cast %parallel_loop3A_1757 : i32 to index
          %parallel_loop3A_1759 = arith.index_cast %parallel_loop3A_1749 : i32 to index
          %parallel_loop3A_1760 = arith.constant 16 : index
          %parallel_loop3A_1761 = tpu.vector_load %arg16[%parallel_loop3A_1758, %parallel_loop3A_1759, %parallel_loop3A_1760] {strides = array<i32>} : memref<2x200x32xf32, #tpu.memory_space<vmem>>, vector<1x1x16xf32>,
          %parallel_loop3A_1762 = vector.shape_cast %parallel_loop3A_1761 : vector<1x1x16xf32> to vector<16xf32>
          %parallel_loop3A_1763 = arith.addf %parallel_loop3A_1675, %parallel_loop3A_1762 : vector<16xf32>
          %parallel_loop3A_1764 = arith.constant 0 : i32
          %parallel_loop3A_1765 = arith.index_cast %parallel_loop3A_1764 : i32 to index
          %parallel_loop3A_1766 = arith.index_cast %parallel_loop3A_1749 : i32 to index
          %parallel_loop3A_1767 = arith.constant 0 : index
          %parallel_loop3A_1768 = tpu.vector_load %arg17[%parallel_loop3A_1765, %parallel_loop3A_1766, %parallel_loop3A_1767] {strides = array<i32>} : memref<2x200x16xf32, #tpu.memory_space<vmem>>, vector<1x1x16xf32>,
          %parallel_loop3A_1769 = vector.shape_cast %parallel_loop3A_1768 : vector<1x1x16xf32> to vector<16xf32>
          %parallel_loop3A_1770 = arith.addf %parallel_loop3A_1682, %parallel_loop3A_1769 : vector<16xf32>
          %parallel_loop3A_1771 = arith.constant 0 : i32
          %parallel_loop3A_1772 = arith.index_cast %parallel_loop3A_1771 : i32 to index
          %parallel_loop3A_1773 = arith.index_cast %parallel_loop3A_1749 : i32 to index
          %parallel_loop3A_1774 = arith.constant 0 : index
          %parallel_loop3A_1775 = tpu.vector_load %arg18[%parallel_loop3A_1772, %parallel_loop3A_1773, %parallel_loop3A_1774] {strides = array<i32>} : memref<2x200x32xf32, #tpu.memory_space<vmem>>, vector<1x1x16xf32>,
          %parallel_loop3A_1776 = vector.shape_cast %parallel_loop3A_1775 : vector<1x1x16xf32> to vector<16xf32>
          %parallel_loop3A_1777 = arith.addf %parallel_loop3A_1689, %parallel_loop3A_1776 : vector<16xf32>
          %parallel_loop3A_1778 = arith.constant 0 : i32
          %parallel_loop3A_1779 = arith.index_cast %parallel_loop3A_1778 : i32 to index
          %parallel_loop3A_1780 = arith.index_cast %parallel_loop3A_1749 : i32 to index
          %parallel_loop3A_1781 = arith.constant 16 : index
          %parallel_loop3A_1782 = tpu.vector_load %arg18[%parallel_loop3A_1779, %parallel_loop3A_1780, %parallel_loop3A_1781] {strides = array<i32>} : memref<2x200x32xf32, #tpu.memory_space<vmem>>, vector<1x1x16xf32>,
          %parallel_loop3A_1783 = vector.shape_cast %parallel_loop3A_1782 : vector<1x1x16xf32> to vector<16xf32>
          %parallel_loop3A_1784 = arith.addf %parallel_loop3A_1696, %parallel_loop3A_1783 : vector<16xf32>
          %parallel_loop3A_1785 = arith.constant 0 : i32
          %parallel_loop3A_1786 = arith.index_cast %parallel_loop3A_1785 : i32 to index
          %parallel_loop3A_1787 = arith.index_cast %parallel_loop3A_1749 : i32 to index
          %parallel_loop3A_1788 = arith.constant 0 : index
          %parallel_loop3A_1789 = tpu.vector_load %arg19[%parallel_loop3A_1786, %parallel_loop3A_1787, %parallel_loop3A_1788] {strides = array<i32>} : memref<2x200x16xf32, #tpu.memory_space<vmem>>, vector<1x1x16xf32>,
          %parallel_loop3A_1790 = vector.shape_cast %parallel_loop3A_1789 : vector<1x1x16xf32> to vector<16xf32>
          %parallel_loop3A_1791 = arith.addf %parallel_loop3A_1703, %parallel_loop3A_1790 : vector<16xf32>
          scf.yield %parallel_loop3A_1712, %parallel_loop3A_1756, %parallel_loop3A_1719, %parallel_loop3A_1763, %parallel_loop3A_1726, %parallel_loop3A_1770, %parallel_loop3A_1733, %parallel_loop3A_1777, %parallel_loop3A_1740, %parallel_loop3A_1784, %parallel_loop3A_1747, %parallel_loop3A_1791 : vector<16xf32>, vector<16xf32>, vector<16xf32>, vector<16xf32>, vector<16xf32>, vector<16xf32>, vector<16xf32>, vector<16xf32>, vector<16xf32>, vector<16xf32>, vector<16xf32>, vector<16xf32>
        } {sc.loop_unroll_factor = 2 : i64, sc.parallel_access}
        %add3A_767 = arith.addf %parallel_loop3A_766#0, %parallel_loop3A_766#1 : vector<16xf32>
        %mul3A_768 = arith.constant 5.000000e-03 : f32
        %mul3A_769 = vector.broadcast %mul3A_768 : f32 to vector<16xf32>
        %mul3A_770 = arith.mulf %add3A_767, %mul3A_769 : vector<16xf32>
        %swap3A = arith.index_cast %add3A_603 : i32 to index
        %swap3A_771 = arith.constant 0 : index
        %swap3A_772 = tpu.vector_load %arg21[%swap3A, %swap3A_771] {strides = array<i32>} : memref<16x128xf32, #tpu.memory_space<vmem>>, vector<1x16xf32>,
        %swap3A_773 = vector.shape_cast %swap3A_772 : vector<1x16xf32> to vector<16xf32>
        %swap3A_774 = vector.shape_cast %mul3A_770 : vector<16xf32> to vector<1x16xf32>
        tpu.vector_store %arg21[%swap3A, %swap3A_771], %swap3A_774 {strides = array<i32>} : memref<16x128xf32, #tpu.memory_space<vmem>>, vector<1x16xf32>,
        %add3A_775 = arith.addf %parallel_loop3A_766#2, %parallel_loop3A_766#3 : vector<16xf32>
        %mul3A_776 = arith.constant 5.000000e-03 : f32
        %mul3A_777 = vector.broadcast %mul3A_776 : f32 to vector<16xf32>
        %mul3A_778 = arith.mulf %add3A_775, %mul3A_777 : vector<16xf32>
        %swap3A_779 = arith.index_cast %add3A_603 : i32 to index
        %swap3A_780 = arith.constant 16 : index
        %swap3A_781 = tpu.vector_load %arg21[%swap3A_779, %swap3A_780] {strides = array<i32>} : memref<16x128xf32, #tpu.memory_space<vmem>>, vector<1x16xf32>,
        %swap3A_782 = vector.shape_cast %swap3A_781 : vector<1x16xf32> to vector<16xf32>
        %swap3A_783 = vector.shape_cast %mul3A_778 : vector<16xf32> to vector<1x16xf32>
        tpu.vector_store %arg21[%swap3A_779, %swap3A_780], %swap3A_783 {strides = array<i32>} : memref<16x128xf32, #tpu.memory_space<vmem>>, vector<1x16xf32>,
        %add3A_784 = arith.addf %parallel_loop3A_766#4, %parallel_loop3A_766#5 : vector<16xf32>
        %mul3A_785 = arith.constant 5.000000e-03 : f32
        %mul3A_786 = vector.broadcast %mul3A_785 : f32 to vector<16xf32>
        %mul3A_787 = arith.mulf %add3A_784, %mul3A_786 : vector<16xf32>
        %swap3A_788 = arith.index_cast %add3A_603 : i32 to index
        %swap3A_789 = arith.constant 32 : index
        %swap3A_790 = tpu.vector_load %arg21[%swap3A_788, %swap3A_789] {strides = array<i32>} : memref<16x128xf32, #tpu.memory_space<vmem>>, vector<1x16xf32>,
        %swap3A_791 = vector.shape_cast %swap3A_790 : vector<1x16xf32> to vector<16xf32>
        %swap3A_792 = vector.shape_cast %mul3A_787 : vector<16xf32> to vector<1x16xf32>
        tpu.vector_store %arg21[%swap3A_788, %swap3A_789], %swap3A_792 {strides = array<i32>} : memref<16x128xf32, #tpu.memory_space<vmem>>, vector<1x16xf32>,
        %add3A_793 = arith.addf %parallel_loop3A_766#6, %parallel_loop3A_766#7 : vector<16xf32>
        %mul3A_794 = arith.constant 5.000000e-03 : f32
        %mul3A_795 = vector.broadcast %mul3A_794 : f32 to vector<16xf32>
        %mul3A_796 = arith.mulf %add3A_793, %mul3A_795 : vector<16xf32>
        %swap3A_797 = arith.index_cast %add3A_603 : i32 to index
        %swap3A_798 = arith.constant 64 : index
        %swap3A_799 = tpu.vector_load %arg21[%swap3A_797, %swap3A_798] {strides = array<i32>} : memref<16x128xf32, #tpu.memory_space<vmem>>, vector<1x16xf32>,
        %swap3A_800 = vector.shape_cast %swap3A_799 : vector<1x16xf32> to vector<16xf32>
        %swap3A_801 = vector.shape_cast %mul3A_796 : vector<16xf32> to vector<1x16xf32>
        tpu.vector_store %arg21[%swap3A_797, %swap3A_798], %swap3A_801 {strides = array<i32>} : memref<16x128xf32, #tpu.memory_space<vmem>>, vector<1x16xf32>,
        %add3A_802 = arith.addf %parallel_loop3A_766#8, %parallel_loop3A_766#9 : vector<16xf32>
        %mul3A_803 = arith.constant 5.000000e-03 : f32
        %mul3A_804 = vector.broadcast %mul3A_803 : f32 to vector<16xf32>
        %mul3A_805 = arith.mulf %add3A_802, %mul3A_804 : vector<16xf32>
        %swap3A_806 = arith.index_cast %add3A_603 : i32 to index
        %swap3A_807 = arith.constant 80 : index
        %swap3A_808 = tpu.vector_load %arg21[%swap3A_806, %swap3A_807] {strides = array<i32>} : memref<16x128xf32, #tpu.memory_space<vmem>>, vector<1x16xf32>,
        %swap3A_809 = vector.shape_cast %swap3A_808 : vector<1x16xf32> to vector<16xf32>
        %swap3A_810 = vector.shape_cast %mul3A_805 : vector<16xf32> to vector<1x16xf32>
        tpu.vector_store %arg21[%swap3A_806, %swap3A_807], %swap3A_810 {strides = array<i32>} : memref<16x128xf32, #tpu.memory_space<vmem>>, vector<1x16xf32>,
        %add3A_811 = arith.addf %parallel_loop3A_766#10, %parallel_loop3A_766#11 : vector<16xf32>
        %mul3A_812 = arith.constant 5.000000e-03 : f32
        %mul3A_813 = vector.broadcast %mul3A_812 : f32 to vector<16xf32>
        %mul3A_814 = arith.mulf %add3A_811, %mul3A_813 : vector<16xf32>
        %swap3A_815 = arith.index_cast %add3A_603 : i32 to index
        %swap3A_816 = arith.constant 96 : index
        %swap3A_817 = tpu.vector_load %arg21[%swap3A_815, %swap3A_816] {strides = array<i32>} : memref<16x128xf32, #tpu.memory_space<vmem>>, vector<1x16xf32>,
        %swap3A_818 = vector.shape_cast %swap3A_817 : vector<1x16xf32> to vector<16xf32>
        %swap3A_819 = vector.shape_cast %mul3A_814 : vector<16xf32> to vector<1x16xf32>
        tpu.vector_store %arg21[%swap3A_815, %swap3A_816], %swap3A_819 {strides = array<i32>} : memref<16x128xf32, #tpu.memory_space<vmem>>, vector<1x16xf32>,
        %broadcast_in_dim3A_820 = arith.constant 0.000000e+00 : f32
        %broadcast_in_dim3A_821 = vector.broadcast %broadcast_in_dim3A_820 : f32 to vector<16xf32>
        %broadcast_in_dim3A_822 = arith.constant 0.000000e+00 : f32
        %broadcast_in_dim3A_823 = vector.broadcast %broadcast_in_dim3A_822 : f32 to vector<16xf32>
        %broadcast_in_dim3A_824 = arith.constant 0.000000e+00 : f32
        %broadcast_in_dim3A_825 = vector.broadcast %broadcast_in_dim3A_824 : f32 to vector<16xf32>
        %broadcast_in_dim3A_826 = arith.constant 0.000000e+00 : f32
        %broadcast_in_dim3A_827 = vector.broadcast %broadcast_in_dim3A_826 : f32 to vector<16xf32>
        %mul3A_828 = arith.constant 48 : i32
        %mul3A_829 = arith.muli %add3A_603, %mul3A_828 : i32
        %add3A_830 = arith.constant 0 : i32
        %add3A_831 = arith.addi %mul3A_829, %add3A_830 : i32
        %add3A_832 = arith.constant 0 : i32
        %add3A_833 = arith.addi %add3A_831, %add3A_832 : i32
        %get3A = arith.index_cast %add3A_833 : i32 to index
        %get3A_834 = arith.constant 0 : index
        %get3A_835 = tpu.vector_load %arg20[%get3A, %get3A_834] {strides = array<i32>} : memref<768x16xf32, #tpu.memory_space<vmem>>, vector<1x16xf32>,
        %get3A_836 = vector.shape_cast %get3A_835 : vector<1x16xf32> to vector<16xf32>
        %add3A_837 = arith.addf %broadcast_in_dim3A_821, %get3A_836 : vector<16xf32>
        %add3A_838 = arith.constant 1 : i32
        %add3A_839 = arith.addi %add3A_831, %add3A_838 : i32
        %get3A_840 = arith.index_cast %add3A_839 : i32 to index
        %get3A_841 = arith.constant 0 : index
        %get3A_842 = tpu.vector_load %arg20[%get3A_840, %get3A_841] {strides = array<i32>} : memref<768x16xf32, #tpu.memory_space<vmem>>, vector<1x16xf32>,
        %get3A_843 = vector.shape_cast %get3A_842 : vector<1x16xf32> to vector<16xf32>
        %add3A_844 = arith.addf %broadcast_in_dim3A_823, %get3A_843 : vector<16xf32>
        %add3A_845 = arith.constant 2 : i32
        %add3A_846 = arith.addi %add3A_831, %add3A_845 : i32
        %get3A_847 = arith.index_cast %add3A_846 : i32 to index
        %get3A_848 = arith.constant 0 : index
        %get3A_849 = tpu.vector_load %arg20[%get3A_847, %get3A_848] {strides = array<i32>} : memref<768x16xf32, #tpu.memory_space<vmem>>, vector<1x16xf32>,
        %get3A_850 = vector.shape_cast %get3A_849 : vector<1x16xf32> to vector<16xf32>
        %add3A_851 = arith.addf %broadcast_in_dim3A_825, %get3A_850 : vector<16xf32>
        %add3A_852 = arith.constant 3 : i32
        %add3A_853 = arith.addi %add3A_831, %add3A_852 : i32
        %get3A_854 = arith.index_cast %add3A_853 : i32 to index
        %get3A_855 = arith.constant 0 : index
        %get3A_856 = tpu.vector_load %arg20[%get3A_854, %get3A_855] {strides = array<i32>} : memref<768x16xf32, #tpu.memory_space<vmem>>, vector<1x16xf32>,
        %get3A_857 = vector.shape_cast %get3A_856 : vector<1x16xf32> to vector<16xf32>
        %add3A_858 = arith.addf %broadcast_in_dim3A_827, %get3A_857 : vector<16xf32>
        %add3A_859 = arith.constant 4 : i32
        %add3A_860 = arith.addi %add3A_831, %add3A_859 : i32
        %get3A_861 = arith.index_cast %add3A_860 : i32 to index
        %get3A_862 = arith.constant 0 : index
        %get3A_863 = tpu.vector_load %arg20[%get3A_861, %get3A_862] {strides = array<i32>} : memref<768x16xf32, #tpu.memory_space<vmem>>, vector<1x16xf32>,
        %get3A_864 = vector.shape_cast %get3A_863 : vector<1x16xf32> to vector<16xf32>
        %add3A_865 = arith.addf %add3A_837, %get3A_864 : vector<16xf32>
        %add3A_866 = arith.constant 5 : i32
        %add3A_867 = arith.addi %add3A_831, %add3A_866 : i32
        %get3A_868 = arith.index_cast %add3A_867 : i32 to index
        %get3A_869 = arith.constant 0 : index
        %get3A_870 = tpu.vector_load %arg20[%get3A_868, %get3A_869] {strides = array<i32>} : memref<768x16xf32, #tpu.memory_space<vmem>>, vector<1x16xf32>,
        %get3A_871 = vector.shape_cast %get3A_870 : vector<1x16xf32> to vector<16xf32>
        %add3A_872 = arith.addf %add3A_844, %get3A_871 : vector<16xf32>
        %add3A_873 = arith.constant 6 : i32
        %add3A_874 = arith.addi %add3A_831, %add3A_873 : i32
        %get3A_875 = arith.index_cast %add3A_874 : i32 to index
        %get3A_876 = arith.constant 0 : index
        %get3A_877 = tpu.vector_load %arg20[%get3A_875, %get3A_876] {strides = array<i32>} : memref<768x16xf32, #tpu.memory_space<vmem>>, vector<1x16xf32>,
        %get3A_878 = vector.shape_cast %get3A_877 : vector<1x16xf32> to vector<16xf32>
        %add3A_879 = arith.addf %add3A_851, %get3A_878 : vector<16xf32>
        %add3A_880 = arith.constant 7 : i32
        %add3A_881 = arith.addi %add3A_831, %add3A_880 : i32
        %get3A_882 = arith.index_cast %add3A_881 : i32 to index
        %get3A_883 = arith.constant 0 : index
        %get3A_884 = tpu.vector_load %arg20[%get3A_882, %get3A_883] {strides = array<i32>} : memref<768x16xf32, #tpu.memory_space<vmem>>, vector<1x16xf32>,
        %get3A_885 = vector.shape_cast %get3A_884 : vector<1x16xf32> to vector<16xf32>
        %add3A_886 = arith.addf %add3A_858, %get3A_885 : vector<16xf32>
        %add3A_887 = arith.constant 8 : i32
        %add3A_888 = arith.addi %add3A_831, %add3A_887 : i32
        %get3A_889 = arith.index_cast %add3A_888 : i32 to index
        %get3A_890 = arith.constant 0 : index
        %get3A_891 = tpu.vector_load %arg20[%get3A_889, %get3A_890] {strides = array<i32>} : memref<768x16xf32, #tpu.memory_space<vmem>>, vector<1x16xf32>,
        %get3A_892 = vector.shape_cast %get3A_891 : vector<1x16xf32> to vector<16xf32>
        %add3A_893 = arith.addf %add3A_865, %get3A_892 : vector<16xf32>
        %add3A_894 = arith.constant 9 : i32
        %add3A_895 = arith.addi %add3A_831, %add3A_894 : i32
        %get3A_896 = arith.index_cast %add3A_895 : i32 to index
        %get3A_897 = arith.constant 0 : index
        %get3A_898 = tpu.vector_load %arg20[%get3A_896, %get3A_897] {strides = array<i32>} : memref<768x16xf32, #tpu.memory_space<vmem>>, vector<1x16xf32>,
        %get3A_899 = vector.shape_cast %get3A_898 : vector<1x16xf32> to vector<16xf32>
        %add3A_900 = arith.addf %add3A_872, %get3A_899 : vector<16xf32>
        %add3A_901 = arith.constant 10 : i32
        %add3A_902 = arith.addi %add3A_831, %add3A_901 : i32
        %get3A_903 = arith.index_cast %add3A_902 : i32 to index
        %get3A_904 = arith.constant 0 : index
        %get3A_905 = tpu.vector_load %arg20[%get3A_903, %get3A_904] {strides = array<i32>} : memref<768x16xf32, #tpu.memory_space<vmem>>, vector<1x16xf32>,
        %get3A_906 = vector.shape_cast %get3A_905 : vector<1x16xf32> to vector<16xf32>
        %add3A_907 = arith.addf %add3A_879, %get3A_906 : vector<16xf32>
        %add3A_908 = arith.constant 11 : i32
        %add3A_909 = arith.addi %add3A_831, %add3A_908 : i32
        %get3A_910 = arith.index_cast %add3A_909 : i32 to index
        %get3A_911 = arith.constant 0 : index
        %get3A_912 = tpu.vector_load %arg20[%get3A_910, %get3A_911] {strides = array<i32>} : memref<768x16xf32, #tpu.memory_space<vmem>>, vector<1x16xf32>,
        %get3A_913 = vector.shape_cast %get3A_912 : vector<1x16xf32> to vector<16xf32>
        %add3A_914 = arith.addf %add3A_886, %get3A_913 : vector<16xf32>
        %add3A_915 = arith.constant 12 : i32
        %add3A_916 = arith.addi %add3A_831, %add3A_915 : i32
        %get3A_917 = arith.index_cast %add3A_916 : i32 to index
        %get3A_918 = arith.constant 0 : index
        %get3A_919 = tpu.vector_load %arg20[%get3A_917, %get3A_918] {strides = array<i32>} : memref<768x16xf32, #tpu.memory_space<vmem>>, vector<1x16xf32>,
        %get3A_920 = vector.shape_cast %get3A_919 : vector<1x16xf32> to vector<16xf32>
        %add3A_921 = arith.addf %add3A_893, %get3A_920 : vector<16xf32>
        %add3A_922 = arith.constant 13 : i32
        %add3A_923 = arith.addi %add3A_831, %add3A_922 : i32
        %get3A_924 = arith.index_cast %add3A_923 : i32 to index
        %get3A_925 = arith.constant 0 : index
        %get3A_926 = tpu.vector_load %arg20[%get3A_924, %get3A_925] {strides = array<i32>} : memref<768x16xf32, #tpu.memory_space<vmem>>, vector<1x16xf32>,
        %get3A_927 = vector.shape_cast %get3A_926 : vector<1x16xf32> to vector<16xf32>
        %add3A_928 = arith.addf %add3A_900, %get3A_927 : vector<16xf32>
        %add3A_929 = arith.constant 14 : i32
        %add3A_930 = arith.addi %add3A_831, %add3A_929 : i32
        %get3A_931 = arith.index_cast %add3A_930 : i32 to index
        %get3A_932 = arith.constant 0 : index
        %get3A_933 = tpu.vector_load %arg20[%get3A_931, %get3A_932] {strides = array<i32>} : memref<768x16xf32, #tpu.memory_space<vmem>>, vector<1x16xf32>,
        %get3A_934 = vector.shape_cast %get3A_933 : vector<1x16xf32> to vector<16xf32>
        %add3A_935 = arith.addf %add3A_907, %get3A_934 : vector<16xf32>
        %add3A_936 = arith.constant 15 : i32
        %add3A_937 = arith.addi %add3A_831, %add3A_936 : i32
        %get3A_938 = arith.index_cast %add3A_937 : i32 to index
        %get3A_939 = arith.constant 0 : index
        %get3A_940 = tpu.vector_load %arg20[%get3A_938, %get3A_939] {strides = array<i32>} : memref<768x16xf32, #tpu.memory_space<vmem>>, vector<1x16xf32>,
        %get3A_941 = vector.shape_cast %get3A_940 : vector<1x16xf32> to vector<16xf32>
        %add3A_942 = arith.addf %add3A_914, %get3A_941 : vector<16xf32>
        %add3A_943 = arith.constant 16 : i32
        %add3A_944 = arith.addi %add3A_831, %add3A_943 : i32
        %get3A_945 = arith.index_cast %add3A_944 : i32 to index
        %get3A_946 = arith.constant 0 : index
        %get3A_947 = tpu.vector_load %arg20[%get3A_945, %get3A_946] {strides = array<i32>} : memref<768x16xf32, #tpu.memory_space<vmem>>, vector<1x16xf32>,
        %get3A_948 = vector.shape_cast %get3A_947 : vector<1x16xf32> to vector<16xf32>
        %add3A_949 = arith.addf %add3A_921, %get3A_948 : vector<16xf32>
        %add3A_950 = arith.constant 17 : i32
        %add3A_951 = arith.addi %add3A_831, %add3A_950 : i32
        %get3A_952 = arith.index_cast %add3A_951 : i32 to index
        %get3A_953 = arith.constant 0 : index
        %get3A_954 = tpu.vector_load %arg20[%get3A_952, %get3A_953] {strides = array<i32>} : memref<768x16xf32, #tpu.memory_space<vmem>>, vector<1x16xf32>,
        %get3A_955 = vector.shape_cast %get3A_954 : vector<1x16xf32> to vector<16xf32>
        %add3A_956 = arith.addf %add3A_928, %get3A_955 : vector<16xf32>
        %add3A_957 = arith.constant 18 : i32
        %add3A_958 = arith.addi %add3A_831, %add3A_957 : i32
        %get3A_959 = arith.index_cast %add3A_958 : i32 to index
        %get3A_960 = arith.constant 0 : index
        %get3A_961 = tpu.vector_load %arg20[%get3A_959, %get3A_960] {strides = array<i32>} : memref<768x16xf32, #tpu.memory_space<vmem>>, vector<1x16xf32>,
        %get3A_962 = vector.shape_cast %get3A_961 : vector<1x16xf32> to vector<16xf32>
        %add3A_963 = arith.addf %add3A_935, %get3A_962 : vector<16xf32>
        %add3A_964 = arith.constant 19 : i32
        %add3A_965 = arith.addi %add3A_831, %add3A_964 : i32
        %get3A_966 = arith.index_cast %add3A_965 : i32 to index
        %get3A_967 = arith.constant 0 : index
        %get3A_968 = tpu.vector_load %arg20[%get3A_966, %get3A_967] {strides = array<i32>} : memref<768x16xf32, #tpu.memory_space<vmem>>, vector<1x16xf32>,
        %get3A_969 = vector.shape_cast %get3A_968 : vector<1x16xf32> to vector<16xf32>
        %add3A_970 = arith.addf %add3A_942, %get3A_969 : vector<16xf32>
        %add3A_971 = arith.addf %add3A_949, %add3A_956 : vector<16xf32>
        %add3A_972 = arith.addf %add3A_963, %add3A_970 : vector<16xf32>
        %add3A_973 = arith.addf %add3A_971, %add3A_972 : vector<16xf32>
        %mul3A_974 = arith.constant 5.000000e-02 : f32
        %mul3A_975 = vector.broadcast %mul3A_974 : f32 to vector<16xf32>
        %mul3A_976 = arith.mulf %add3A_973, %mul3A_975 : vector<16xf32>
        %swap3A_977 = arith.index_cast %add3A_603 : i32 to index
        %swap3A_978 = arith.constant 48 : index
        %swap3A_979 = tpu.vector_load %arg21[%swap3A_977, %swap3A_978] {strides = array<i32>} : memref<16x128xf32, #tpu.memory_space<vmem>>, vector<1x16xf32>,
        %swap3A_980 = vector.shape_cast %swap3A_979 : vector<1x16xf32> to vector<16xf32>
        %swap3A_981 = vector.shape_cast %mul3A_976 : vector<16xf32> to vector<1x16xf32>
        tpu.vector_store %arg21[%swap3A_977, %swap3A_978], %swap3A_981 {strides = array<i32>} : memref<16x128xf32, #tpu.memory_space<vmem>>, vector<1x16xf32>,
        %broadcast_in_dim3A_982 = arith.constant 0.000000e+00 : f32
        %broadcast_in_dim3A_983 = vector.broadcast %broadcast_in_dim3A_982 : f32 to vector<16xf32>
        %broadcast_in_dim3A_984 = arith.constant 0.000000e+00 : f32
        %broadcast_in_dim3A_985 = vector.broadcast %broadcast_in_dim3A_984 : f32 to vector<16xf32>
        %broadcast_in_dim3A_986 = arith.constant 0.000000e+00 : f32
        %broadcast_in_dim3A_987 = vector.broadcast %broadcast_in_dim3A_986 : f32 to vector<16xf32>
        %broadcast_in_dim3A_988 = arith.constant 0.000000e+00 : f32
        %broadcast_in_dim3A_989 = vector.broadcast %broadcast_in_dim3A_988 : f32 to vector<16xf32>
        %mul3A_990 = arith.constant 48 : i32
        %mul3A_991 = arith.muli %add3A_603, %mul3A_990 : i32
        %add3A_992 = arith.constant 24 : i32
        %add3A_993 = arith.addi %mul3A_991, %add3A_992 : i32
        %add3A_994 = arith.constant 0 : i32
        %add3A_995 = arith.addi %add3A_993, %add3A_994 : i32
        %get3A_996 = arith.index_cast %add3A_995 : i32 to index
        %get3A_997 = arith.constant 0 : index
        %get3A_998 = tpu.vector_load %arg20[%get3A_996, %get3A_997] {strides = array<i32>} : memref<768x16xf32, #tpu.memory_space<vmem>>, vector<1x16xf32>,
        %get3A_999 = vector.shape_cast %get3A_998 : vector<1x16xf32> to vector<16xf32>
        %add3A_1000 = arith.addf %broadcast_in_dim3A_983, %get3A_999 : vector<16xf32>
        %add3A_1001 = arith.constant 1 : i32
        %add3A_1002 = arith.addi %add3A_993, %add3A_1001 : i32
        %get3A_1003 = arith.index_cast %add3A_1002 : i32 to index
        %get3A_1004 = arith.constant 0 : index
        %get3A_1005 = tpu.vector_load %arg20[%get3A_1003, %get3A_1004] {strides = array<i32>} : memref<768x16xf32, #tpu.memory_space<vmem>>, vector<1x16xf32>,
        %get3A_1006 = vector.shape_cast %get3A_1005 : vector<1x16xf32> to vector<16xf32>
        %add3A_1007 = arith.addf %broadcast_in_dim3A_985, %get3A_1006 : vector<16xf32>
        %add3A_1008 = arith.constant 2 : i32
        %add3A_1009 = arith.addi %add3A_993, %add3A_1008 : i32
        %get3A_1010 = arith.index_cast %add3A_1009 : i32 to index
        %get3A_1011 = arith.constant 0 : index
        %get3A_1012 = tpu.vector_load %arg20[%get3A_1010, %get3A_1011] {strides = array<i32>} : memref<768x16xf32, #tpu.memory_space<vmem>>, vector<1x16xf32>,
        %get3A_1013 = vector.shape_cast %get3A_1012 : vector<1x16xf32> to vector<16xf32>
        %add3A_1014 = arith.addf %broadcast_in_dim3A_987, %get3A_1013 : vector<16xf32>
        %add3A_1015 = arith.constant 3 : i32
        %add3A_1016 = arith.addi %add3A_993, %add3A_1015 : i32
        %get3A_1017 = arith.index_cast %add3A_1016 : i32 to index
        %get3A_1018 = arith.constant 0 : index
        %get3A_1019 = tpu.vector_load %arg20[%get3A_1017, %get3A_1018] {strides = array<i32>} : memref<768x16xf32, #tpu.memory_space<vmem>>, vector<1x16xf32>,
        %get3A_1020 = vector.shape_cast %get3A_1019 : vector<1x16xf32> to vector<16xf32>
        %add3A_1021 = arith.addf %broadcast_in_dim3A_989, %get3A_1020 : vector<16xf32>
        %add3A_1022 = arith.constant 4 : i32
        %add3A_1023 = arith.addi %add3A_993, %add3A_1022 : i32
        %get3A_1024 = arith.index_cast %add3A_1023 : i32 to index
        %get3A_1025 = arith.constant 0 : index
        %get3A_1026 = tpu.vector_load %arg20[%get3A_1024, %get3A_1025] {strides = array<i32>} : memref<768x16xf32, #tpu.memory_space<vmem>>, vector<1x16xf32>,
        %get3A_1027 = vector.shape_cast %get3A_1026 : vector<1x16xf32> to vector<16xf32>
        %add3A_1028 = arith.addf %add3A_1000, %get3A_1027 : vector<16xf32>
        %add3A_1029 = arith.constant 5 : i32
        %add3A_1030 = arith.addi %add3A_993, %add3A_1029 : i32
        %get3A_1031 = arith.index_cast %add3A_1030 : i32 to index
        %get3A_1032 = arith.constant 0 : index
        %get3A_1033 = tpu.vector_load %arg20[%get3A_1031, %get3A_1032] {strides = array<i32>} : memref<768x16xf32, #tpu.memory_space<vmem>>, vector<1x16xf32>,
        %get3A_1034 = vector.shape_cast %get3A_1033 : vector<1x16xf32> to vector<16xf32>
        %add3A_1035 = arith.addf %add3A_1007, %get3A_1034 : vector<16xf32>
        %add3A_1036 = arith.constant 6 : i32
        %add3A_1037 = arith.addi %add3A_993, %add3A_1036 : i32
        %get3A_1038 = arith.index_cast %add3A_1037 : i32 to index
        %get3A_1039 = arith.constant 0 : index
        %get3A_1040 = tpu.vector_load %arg20[%get3A_1038, %get3A_1039] {strides = array<i32>} : memref<768x16xf32, #tpu.memory_space<vmem>>, vector<1x16xf32>,
        %get3A_1041 = vector.shape_cast %get3A_1040 : vector<1x16xf32> to vector<16xf32>
        %add3A_1042 = arith.addf %add3A_1014, %get3A_1041 : vector<16xf32>
        %add3A_1043 = arith.constant 7 : i32
        %add3A_1044 = arith.addi %add3A_993, %add3A_1043 : i32
        %get3A_1045 = arith.index_cast %add3A_1044 : i32 to index
        %get3A_1046 = arith.constant 0 : index
        %get3A_1047 = tpu.vector_load %arg20[%get3A_1045, %get3A_1046] {strides = array<i32>} : memref<768x16xf32, #tpu.memory_space<vmem>>, vector<1x16xf32>,
        %get3A_1048 = vector.shape_cast %get3A_1047 : vector<1x16xf32> to vector<16xf32>
        %add3A_1049 = arith.addf %add3A_1021, %get3A_1048 : vector<16xf32>
        %add3A_1050 = arith.constant 8 : i32
        %add3A_1051 = arith.addi %add3A_993, %add3A_1050 : i32
        %get3A_1052 = arith.index_cast %add3A_1051 : i32 to index
        %get3A_1053 = arith.constant 0 : index
        %get3A_1054 = tpu.vector_load %arg20[%get3A_1052, %get3A_1053] {strides = array<i32>} : memref<768x16xf32, #tpu.memory_space<vmem>>, vector<1x16xf32>,
        %get3A_1055 = vector.shape_cast %get3A_1054 : vector<1x16xf32> to vector<16xf32>
        %add3A_1056 = arith.addf %add3A_1028, %get3A_1055 : vector<16xf32>
        %add3A_1057 = arith.constant 9 : i32
        %add3A_1058 = arith.addi %add3A_993, %add3A_1057 : i32
        %get3A_1059 = arith.index_cast %add3A_1058 : i32 to index
        %get3A_1060 = arith.constant 0 : index
        %get3A_1061 = tpu.vector_load %arg20[%get3A_1059, %get3A_1060] {strides = array<i32>} : memref<768x16xf32, #tpu.memory_space<vmem>>, vector<1x16xf32>,
        %get3A_1062 = vector.shape_cast %get3A_1061 : vector<1x16xf32> to vector<16xf32>
        %add3A_1063 = arith.addf %add3A_1035, %get3A_1062 : vector<16xf32>
        %add3A_1064 = arith.constant 10 : i32
        %add3A_1065 = arith.addi %add3A_993, %add3A_1064 : i32
        %get3A_1066 = arith.index_cast %add3A_1065 : i32 to index
        %get3A_1067 = arith.constant 0 : index
        %get3A_1068 = tpu.vector_load %arg20[%get3A_1066, %get3A_1067] {strides = array<i32>} : memref<768x16xf32, #tpu.memory_space<vmem>>, vector<1x16xf32>,
        %get3A_1069 = vector.shape_cast %get3A_1068 : vector<1x16xf32> to vector<16xf32>
        %add3A_1070 = arith.addf %add3A_1042, %get3A_1069 : vector<16xf32>
        %add3A_1071 = arith.constant 11 : i32
        %add3A_1072 = arith.addi %add3A_993, %add3A_1071 : i32
        %get3A_1073 = arith.index_cast %add3A_1072 : i32 to index
        %get3A_1074 = arith.constant 0 : index
        %get3A_1075 = tpu.vector_load %arg20[%get3A_1073, %get3A_1074] {strides = array<i32>} : memref<768x16xf32, #tpu.memory_space<vmem>>, vector<1x16xf32>,
        %get3A_1076 = vector.shape_cast %get3A_1075 : vector<1x16xf32> to vector<16xf32>
        %add3A_1077 = arith.addf %add3A_1049, %get3A_1076 : vector<16xf32>
        %add3A_1078 = arith.constant 12 : i32
        %add3A_1079 = arith.addi %add3A_993, %add3A_1078 : i32
        %get3A_1080 = arith.index_cast %add3A_1079 : i32 to index
        %get3A_1081 = arith.constant 0 : index
        %get3A_1082 = tpu.vector_load %arg20[%get3A_1080, %get3A_1081] {strides = array<i32>} : memref<768x16xf32, #tpu.memory_space<vmem>>, vector<1x16xf32>,
        %get3A_1083 = vector.shape_cast %get3A_1082 : vector<1x16xf32> to vector<16xf32>
        %add3A_1084 = arith.addf %add3A_1056, %get3A_1083 : vector<16xf32>
        %add3A_1085 = arith.constant 13 : i32
        %add3A_1086 = arith.addi %add3A_993, %add3A_1085 : i32
        %get3A_1087 = arith.index_cast %add3A_1086 : i32 to index
        %get3A_1088 = arith.constant 0 : index
        %get3A_1089 = tpu.vector_load %arg20[%get3A_1087, %get3A_1088] {strides = array<i32>} : memref<768x16xf32, #tpu.memory_space<vmem>>, vector<1x16xf32>,
        %get3A_1090 = vector.shape_cast %get3A_1089 : vector<1x16xf32> to vector<16xf32>
        %add3A_1091 = arith.addf %add3A_1063, %get3A_1090 : vector<16xf32>
        %add3A_1092 = arith.constant 14 : i32
        %add3A_1093 = arith.addi %add3A_993, %add3A_1092 : i32
        %get3A_1094 = arith.index_cast %add3A_1093 : i32 to index
        %get3A_1095 = arith.constant 0 : index
        %get3A_1096 = tpu.vector_load %arg20[%get3A_1094, %get3A_1095] {strides = array<i32>} : memref<768x16xf32, #tpu.memory_space<vmem>>, vector<1x16xf32>,
        %get3A_1097 = vector.shape_cast %get3A_1096 : vector<1x16xf32> to vector<16xf32>
        %add3A_1098 = arith.addf %add3A_1070, %get3A_1097 : vector<16xf32>
        %add3A_1099 = arith.constant 15 : i32
        %add3A_1100 = arith.addi %add3A_993, %add3A_1099 : i32
        %get3A_1101 = arith.index_cast %add3A_1100 : i32 to index
        %get3A_1102 = arith.constant 0 : index
        %get3A_1103 = tpu.vector_load %arg20[%get3A_1101, %get3A_1102] {strides = array<i32>} : memref<768x16xf32, #tpu.memory_space<vmem>>, vector<1x16xf32>,
        %get3A_1104 = vector.shape_cast %get3A_1103 : vector<1x16xf32> to vector<16xf32>
        %add3A_1105 = arith.addf %add3A_1077, %get3A_1104 : vector<16xf32>
        %add3A_1106 = arith.constant 16 : i32
        %add3A_1107 = arith.addi %add3A_993, %add3A_1106 : i32
        %get3A_1108 = arith.index_cast %add3A_1107 : i32 to index
        %get3A_1109 = arith.constant 0 : index
        %get3A_1110 = tpu.vector_load %arg20[%get3A_1108, %get3A_1109] {strides = array<i32>} : memref<768x16xf32, #tpu.memory_space<vmem>>, vector<1x16xf32>,
        %get3A_1111 = vector.shape_cast %get3A_1110 : vector<1x16xf32> to vector<16xf32>
        %add3A_1112 = arith.addf %add3A_1084, %get3A_1111 : vector<16xf32>
        %add3A_1113 = arith.constant 17 : i32
        %add3A_1114 = arith.addi %add3A_993, %add3A_1113 : i32
        %get3A_1115 = arith.index_cast %add3A_1114 : i32 to index
        %get3A_1116 = arith.constant 0 : index
        %get3A_1117 = tpu.vector_load %arg20[%get3A_1115, %get3A_1116] {strides = array<i32>} : memref<768x16xf32, #tpu.memory_space<vmem>>, vector<1x16xf32>,
        %get3A_1118 = vector.shape_cast %get3A_1117 : vector<1x16xf32> to vector<16xf32>
        %add3A_1119 = arith.addf %add3A_1091, %get3A_1118 : vector<16xf32>
        %add3A_1120 = arith.constant 18 : i32
        %add3A_1121 = arith.addi %add3A_993, %add3A_1120 : i32
        %get3A_1122 = arith.index_cast %add3A_1121 : i32 to index
        %get3A_1123 = arith.constant 0 : index
        %get3A_1124 = tpu.vector_load %arg20[%get3A_1122, %get3A_1123] {strides = array<i32>} : memref<768x16xf32, #tpu.memory_space<vmem>>, vector<1x16xf32>,
        %get3A_1125 = vector.shape_cast %get3A_1124 : vector<1x16xf32> to vector<16xf32>
        %add3A_1126 = arith.addf %add3A_1098, %get3A_1125 : vector<16xf32>
        %add3A_1127 = arith.constant 19 : i32
        %add3A_1128 = arith.addi %add3A_993, %add3A_1127 : i32
        %get3A_1129 = arith.index_cast %add3A_1128 : i32 to index
        %get3A_1130 = arith.constant 0 : index
        %get3A_1131 = tpu.vector_load %arg20[%get3A_1129, %get3A_1130] {strides = array<i32>} : memref<768x16xf32, #tpu.memory_space<vmem>>, vector<1x16xf32>,
        %get3A_1132 = vector.shape_cast %get3A_1131 : vector<1x16xf32> to vector<16xf32>
        %add3A_1133 = arith.addf %add3A_1105, %get3A_1132 : vector<16xf32>
        %add3A_1134 = arith.addf %add3A_1112, %add3A_1119 : vector<16xf32>
        %add3A_1135 = arith.addf %add3A_1126, %add3A_1133 : vector<16xf32>
        %add3A_1136 = arith.addf %add3A_1134, %add3A_1135 : vector<16xf32>
        %mul3A_1137 = arith.constant 5.000000e-02 : f32
        %mul3A_1138 = vector.broadcast %mul3A_1137 : f32 to vector<16xf32>
        %mul3A_1139 = arith.mulf %add3A_1136, %mul3A_1138 : vector<16xf32>
        %swap3A_1140 = arith.index_cast %add3A_603 : i32 to index
        %swap3A_1141 = arith.constant 112 : index
        %swap3A_1142 = tpu.vector_load %arg21[%swap3A_1140, %swap3A_1141] {strides = array<i32>} : memref<16x128xf32, #tpu.memory_space<vmem>>, vector<1x16xf32>,
        %swap3A_1143 = vector.shape_cast %swap3A_1142 : vector<1x16xf32> to vector<16xf32>
        %swap3A_1144 = vector.shape_cast %mul3A_1139 : vector<16xf32> to vector<1x16xf32>
        tpu.vector_store %arg21[%swap3A_1140, %swap3A_1141], %swap3A_1144 {strides = array<i32>} : memref<16x128xf32, #tpu.memory_space<vmem>>, vector<1x16xf32>,
        %add3A_1145 = arith.constant 1 : i32
        %add3A_1146 = arith.addi %mul3A_601, %add3A_1145 : i32
        %add3A_1147 = arith.constant 2 : i32
        %add3A_1148 = arith.addi %add3A_1146, %add3A_1147 : i32
        %sub3A_1149 = arith.constant 1 : i32
        %sub3A_1150 = arith.subi %add3A_1148, %sub3A_1149 : i32
        %lt3A_1151 = arith.constant 16 : i32
        %lt3A_1152 = arith.cmpi slt, %sub3A_1150, %lt3A_1151 : i32
        %convert_element_type3A_1153 = arith.extui %lt3A_1152 : i1 to i32
        %cond3A_1154 = arith.constant 0 : i32
        %cond3A_1155 = arith.cmpi ne, %convert_element_type3A_1153, %cond3A_1154 : i32
        scf.if %cond3A_1155 {
          %dma_start3A_1603 = arith.constant 0 : i32
          %dma_start3A_1604 = arith.constant 0 : i32
          %dma_start3A_1605 = arith.constant 0 : i32
          %dma_start3A_1606 = arith.constant 0 : i32
          %dma_start3A_1607 = tpu.memref_slice %arg16[%dma_start3A_1604, %dma_start3A_1605, %dma_start3A_1606] : memref<2x200x32xf32, #tpu.memory_space<vmem>> -> memref<1x128x32xf32, #tpu.memory_space<vmem>>
          %dma_start3A_1608 = tpu.memref_squeeze %dma_start3A_1607 : memref<1x128x32xf32, #tpu.memory_space<vmem>> -> memref<128x32xf32, #tpu.memory_space<vmem>>
          %dma_start3A_1609 = arith.constant 0 : i32
          %dma_start3A_1610 = tpu.memref_slice %arg11[%dma_start3A_1603, %sub3A_1150, %dma_start3A_1609] : memref<2x16x200xi32, #tpu.memory_space<vmem>> -> memref<1x1x128xi32, #tpu.memory_space<vmem>>
          %dma_start3A_1611 = tpu.memref_squeeze %dma_start3A_1610 : memref<1x1x128xi32, #tpu.memory_space<vmem>> -> memref<128xi32, #tpu.memory_space<vmem>>
          %dma_start3A_1612 = arith.constant 0 : i32
          %dma_start3A_1613 = arith.constant 0 : i32
          %dma_start3A_1614 = tpu.memref_slice %arg22[%dma_start3A_1612, %dma_start3A_1613] : memref<13752x32xf32, #tpu.memory_space<vmem_shared>> -> memref<13752x32xf32, #tpu.memory_space<vmem_shared>>
          tpu.enqueue_indirect_dma source(%dma_start3A_1614 : memref<13752x32xf32, #tpu.memory_space<vmem_shared>>) target(%dma_start3A_1608 : memref<128x32xf32, #tpu.memory_space<vmem>>) offsets(%dma_start3A_1611 : memref<128xi32, #tpu.memory_space<vmem>>) semaphore(%arg25 : memref<!tpu.dma_semaphore, #tpu.memory_space<semaphore_mem>>)
          %dma_start3A_1615 = arith.constant 0 : i32
          %dma_start3A_1616 = arith.constant 0 : i32
          %dma_start3A_1617 = arith.constant 128 : i32
          %dma_start3A_1618 = arith.constant 0 : i32
          %dma_start3A_1619 = tpu.memref_slice %arg16[%dma_start3A_1616, %dma_start3A_1617, %dma_start3A_1618] : memref<2x200x32xf32, #tpu.memory_space<vmem>> -> memref<1x72x32xf32, #tpu.memory_space<vmem>>
          %dma_start3A_1620 = tpu.memref_squeeze %dma_start3A_1619 : memref<1x72x32xf32, #tpu.memory_space<vmem>> -> memref<72x32xf32, #tpu.memory_space<vmem>>
          %dma_start3A_1621 = arith.constant 128 : i32
          %dma_start3A_1622 = tpu.memref_slice %arg11[%dma_start3A_1615, %sub3A_1150, %dma_start3A_1621] : memref<2x16x200xi32, #tpu.memory_space<vmem>> -> memref<1x1x72xi32, #tpu.memory_space<vmem>>
          %dma_start3A_1623 = tpu.memref_squeeze %dma_start3A_1622 : memref<1x1x72xi32, #tpu.memory_space<vmem>> -> memref<72xi32, #tpu.memory_space<vmem>>
          %dma_start3A_1624 = arith.constant 0 : i32
          %dma_start3A_1625 = arith.constant 0 : i32
          %dma_start3A_1626 = tpu.memref_slice %arg22[%dma_start3A_1624, %dma_start3A_1625] : memref<13752x32xf32, #tpu.memory_space<vmem_shared>> -> memref<13752x32xf32, #tpu.memory_space<vmem_shared>>
          tpu.enqueue_indirect_dma source(%dma_start3A_1626 : memref<13752x32xf32, #tpu.memory_space<vmem_shared>>) target(%dma_start3A_1620 : memref<72x32xf32, #tpu.memory_space<vmem>>) offsets(%dma_start3A_1623 : memref<72xi32, #tpu.memory_space<vmem>>) semaphore(%arg25 : memref<!tpu.dma_semaphore, #tpu.memory_space<semaphore_mem>>)
          %dma_start3A_1627 = arith.constant 0 : i32
          %dma_start3A_1628 = arith.constant 0 : i32
          %dma_start3A_1629 = arith.constant 0 : i32
          %dma_start3A_1630 = arith.constant 0 : i32
          %dma_start3A_1631 = tpu.memref_slice %arg17[%dma_start3A_1628, %dma_start3A_1629, %dma_start3A_1630] : memref<2x200x16xf32, #tpu.memory_space<vmem>> -> memref<1x128x16xf32, #tpu.memory_space<vmem>>
          %dma_start3A_1632 = tpu.memref_squeeze %dma_start3A_1631 : memref<1x128x16xf32, #tpu.memory_space<vmem>> -> memref<128x16xf32, #tpu.memory_space<vmem>>
          %dma_start3A_1633 = arith.constant 0 : i32
          %dma_start3A_1634 = tpu.memref_slice %arg12[%dma_start3A_1627, %sub3A_1150, %dma_start3A_1633] : memref<2x16x200xi32, #tpu.memory_space<vmem>> -> memref<1x1x128xi32, #tpu.memory_space<vmem>>
          %dma_start3A_1635 = tpu.memref_squeeze %dma_start3A_1634 : memref<1x1x128xi32, #tpu.memory_space<vmem>> -> memref<128xi32, #tpu.memory_space<vmem>>
          %dma_start3A_1636 = arith.constant 0 : i32
          %dma_start3A_1637 = arith.constant 0 : i32
          %dma_start3A_1638 = tpu.memref_slice %arg23[%dma_start3A_1636, %dma_start3A_1637] : memref<17393x16xf32, #tpu.memory_space<vmem_shared>> -> memref<17393x16xf32, #tpu.memory_space<vmem_shared>>
          tpu.enqueue_indirect_dma source(%dma_start3A_1638 : memref<17393x16xf32, #tpu.memory_space<vmem_shared>>) target(%dma_start3A_1632 : memref<128x16xf32, #tpu.memory_space<vmem>>) offsets(%dma_start3A_1635 : memref<128xi32, #tpu.memory_space<vmem>>) semaphore(%arg25 : memref<!tpu.dma_semaphore, #tpu.memory_space<semaphore_mem>>)
          %dma_start3A_1639 = arith.constant 0 : i32
          %dma_start3A_1640 = arith.constant 0 : i32
          %dma_start3A_1641 = arith.constant 128 : i32
          %dma_start3A_1642 = arith.constant 0 : i32
          %dma_start3A_1643 = tpu.memref_slice %arg17[%dma_start3A_1640, %dma_start3A_1641, %dma_start3A_1642] : memref<2x200x16xf32, #tpu.memory_space<vmem>> -> memref<1x72x16xf32, #tpu.memory_space<vmem>>
          %dma_start3A_1644 = tpu.memref_squeeze %dma_start3A_1643 : memref<1x72x16xf32, #tpu.memory_space<vmem>> -> memref<72x16xf32, #tpu.memory_space<vmem>>
          %dma_start3A_1645 = arith.constant 128 : i32
          %dma_start3A_1646 = tpu.memref_slice %arg12[%dma_start3A_1639, %sub3A_1150, %dma_start3A_1645] : memref<2x16x200xi32, #tpu.memory_space<vmem>> -> memref<1x1x72xi32, #tpu.memory_space<vmem>>
          %dma_start3A_1647 = tpu.memref_squeeze %dma_start3A_1646 : memref<1x1x72xi32, #tpu.memory_space<vmem>> -> memref<72xi32, #tpu.memory_space<vmem>>
          %dma_start3A_1648 = arith.constant 0 : i32
          %dma_start3A_1649 = arith.constant 0 : i32
          %dma_start3A_1650 = tpu.memref_slice %arg23[%dma_start3A_1648, %dma_start3A_1649] : memref<17393x16xf32, #tpu.memory_space<vmem_shared>> -> memref<17393x16xf32, #tpu.memory_space<vmem_shared>>
          tpu.enqueue_indirect_dma source(%dma_start3A_1650 : memref<17393x16xf32, #tpu.memory_space<vmem_shared>>) target(%dma_start3A_1644 : memref<72x16xf32, #tpu.memory_space<vmem>>) offsets(%dma_start3A_1647 : memref<72xi32, #tpu.memory_space<vmem>>) semaphore(%arg25 : memref<!tpu.dma_semaphore, #tpu.memory_space<semaphore_mem>>)
          %dma_start3A_1651 = arith.constant 0 : i32
          %dma_start3A_1652 = arith.constant 0 : i32
          %dma_start3A_1653 = arith.constant 0 : i32
          %dma_start3A_1654 = arith.constant 0 : i32
          %dma_start3A_1655 = tpu.memref_slice %arg18[%dma_start3A_1652, %dma_start3A_1653, %dma_start3A_1654] : memref<2x200x32xf32, #tpu.memory_space<vmem>> -> memref<1x128x32xf32, #tpu.memory_space<vmem>>
          %dma_start3A_1656 = tpu.memref_squeeze %dma_start3A_1655 : memref<1x128x32xf32, #tpu.memory_space<vmem>> -> memref<128x32xf32, #tpu.memory_space<vmem>>
          %dma_start3A_1657 = arith.constant 0 : i32
          %dma_start3A_1658 = tpu.memref_slice %arg14[%dma_start3A_1651, %sub3A_1150, %dma_start3A_1657] : memref<2x16x200xi32, #tpu.memory_space<vmem>> -> memref<1x1x128xi32, #tpu.memory_space<vmem>>
          %dma_start3A_1659 = tpu.memref_squeeze %dma_start3A_1658 : memref<1x1x128xi32, #tpu.memory_space<vmem>> -> memref<128xi32, #tpu.memory_space<vmem>>
          %dma_start3A_1660 = arith.constant 0 : i32
          %dma_start3A_1661 = arith.constant 0 : i32
          %dma_start3A_1662 = tpu.memref_slice %arg22[%dma_start3A_1660, %dma_start3A_1661] : memref<13752x32xf32, #tpu.memory_space<vmem_shared>> -> memref<13752x32xf32, #tpu.memory_space<vmem_shared>>
          tpu.enqueue_indirect_dma source(%dma_start3A_1662 : memref<13752x32xf32, #tpu.memory_space<vmem_shared>>) target(%dma_start3A_1656 : memref<128x32xf32, #tpu.memory_space<vmem>>) offsets(%dma_start3A_1659 : memref<128xi32, #tpu.memory_space<vmem>>) semaphore(%arg25 : memref<!tpu.dma_semaphore, #tpu.memory_space<semaphore_mem>>)
          %dma_start3A_1663 = arith.constant 0 : i32
          %dma_start3A_1664 = arith.constant 0 : i32
          %dma_start3A_1665 = arith.constant 128 : i32
          %dma_start3A_1666 = arith.constant 0 : i32
          %dma_start3A_1667 = tpu.memref_slice %arg18[%dma_start3A_1664, %dma_start3A_1665, %dma_start3A_1666] : memref<2x200x32xf32, #tpu.memory_space<vmem>> -> memref<1x72x32xf32, #tpu.memory_space<vmem>>
          %dma_start3A_1668 = tpu.memref_squeeze %dma_start3A_1667 : memref<1x72x32xf32, #tpu.memory_space<vmem>> -> memref<72x32xf32, #tpu.memory_space<vmem>>
          %dma_start3A_1669 = arith.constant 128 : i32
          %dma_start3A_1670 = tpu.memref_slice %arg14[%dma_start3A_1663, %sub3A_1150, %dma_start3A_1669] : memref<2x16x200xi32, #tpu.memory_space<vmem>> -> memref<1x1x72xi32, #tpu.memory_space<vmem>>
          %dma_start3A_1671 = tpu.memref_squeeze %dma_start3A_1670 : memref<1x1x72xi32, #tpu.memory_space<vmem>> -> memref<72xi32, #tpu.memory_space<vmem>>
          %dma_start3A_1672 = arith.constant 0 : i32
          %dma_start3A_1673 = arith.constant 0 : i32
          %dma_start3A_1674 = tpu.memref_slice %arg22[%dma_start3A_1672, %dma_start3A_1673] : memref<13752x32xf32, #tpu.memory_space<vmem_shared>> -> memref<13752x32xf32, #tpu.memory_space<vmem_shared>>
          tpu.enqueue_indirect_dma source(%dma_start3A_1674 : memref<13752x32xf32, #tpu.memory_space<vmem_shared>>) target(%dma_start3A_1668 : memref<72x32xf32, #tpu.memory_space<vmem>>) offsets(%dma_start3A_1671 : memref<72xi32, #tpu.memory_space<vmem>>) semaphore(%arg25 : memref<!tpu.dma_semaphore, #tpu.memory_space<semaphore_mem>>)
          %dma_start3A_1675 = arith.constant 0 : i32
          %dma_start3A_1676 = arith.constant 0 : i32
          %dma_start3A_1677 = arith.constant 0 : i32
          %dma_start3A_1678 = arith.constant 0 : i32
          %dma_start3A_1679 = tpu.memref_slice %arg19[%dma_start3A_1676, %dma_start3A_1677, %dma_start3A_1678] : memref<2x200x16xf32, #tpu.memory_space<vmem>> -> memref<1x128x16xf32, #tpu.memory_space<vmem>>
          %dma_start3A_1680 = tpu.memref_squeeze %dma_start3A_1679 : memref<1x128x16xf32, #tpu.memory_space<vmem>> -> memref<128x16xf32, #tpu.memory_space<vmem>>
          %dma_start3A_1681 = arith.constant 0 : i32
          %dma_start3A_1682 = tpu.memref_slice %arg15[%dma_start3A_1675, %sub3A_1150, %dma_start3A_1681] : memref<2x16x200xi32, #tpu.memory_space<vmem>> -> memref<1x1x128xi32, #tpu.memory_space<vmem>>
          %dma_start3A_1683 = tpu.memref_squeeze %dma_start3A_1682 : memref<1x1x128xi32, #tpu.memory_space<vmem>> -> memref<128xi32, #tpu.memory_space<vmem>>
          %dma_start3A_1684 = arith.constant 0 : i32
          %dma_start3A_1685 = arith.constant 0 : i32
          %dma_start3A_1686 = tpu.memref_slice %arg23[%dma_start3A_1684, %dma_start3A_1685] : memref<17393x16xf32, #tpu.memory_space<vmem_shared>> -> memref<17393x16xf32, #tpu.memory_space<vmem_shared>>
          tpu.enqueue_indirect_dma source(%dma_start3A_1686 : memref<17393x16xf32, #tpu.memory_space<vmem_shared>>) target(%dma_start3A_1680 : memref<128x16xf32, #tpu.memory_space<vmem>>) offsets(%dma_start3A_1683 : memref<128xi32, #tpu.memory_space<vmem>>) semaphore(%arg25 : memref<!tpu.dma_semaphore, #tpu.memory_space<semaphore_mem>>)
          %dma_start3A_1687 = arith.constant 0 : i32
          %dma_start3A_1688 = arith.constant 0 : i32
          %dma_start3A_1689 = arith.constant 128 : i32
          %dma_start3A_1690 = arith.constant 0 : i32
          %dma_start3A_1691 = tpu.memref_slice %arg19[%dma_start3A_1688, %dma_start3A_1689, %dma_start3A_1690] : memref<2x200x16xf32, #tpu.memory_space<vmem>> -> memref<1x72x16xf32, #tpu.memory_space<vmem>>
          %dma_start3A_1692 = tpu.memref_squeeze %dma_start3A_1691 : memref<1x72x16xf32, #tpu.memory_space<vmem>> -> memref<72x16xf32, #tpu.memory_space<vmem>>
          %dma_start3A_1693 = arith.constant 128 : i32
          %dma_start3A_1694 = tpu.memref_slice %arg15[%dma_start3A_1687, %sub3A_1150, %dma_start3A_1693] : memref<2x16x200xi32, #tpu.memory_space<vmem>> -> memref<1x1x72xi32, #tpu.memory_space<vmem>>
          %dma_start3A_1695 = tpu.memref_squeeze %dma_start3A_1694 : memref<1x1x72xi32, #tpu.memory_space<vmem>> -> memref<72xi32, #tpu.memory_space<vmem>>
          %dma_start3A_1696 = arith.constant 0 : i32
          %dma_start3A_1697 = arith.constant 0 : i32
          %dma_start3A_1698 = tpu.memref_slice %arg23[%dma_start3A_1696, %dma_start3A_1697] : memref<17393x16xf32, #tpu.memory_space<vmem_shared>> -> memref<17393x16xf32, #tpu.memory_space<vmem_shared>>
          tpu.enqueue_indirect_dma source(%dma_start3A_1698 : memref<17393x16xf32, #tpu.memory_space<vmem_shared>>) target(%dma_start3A_1692 : memref<72x16xf32, #tpu.memory_space<vmem>>) offsets(%dma_start3A_1695 : memref<72xi32, #tpu.memory_space<vmem>>) semaphore(%arg25 : memref<!tpu.dma_semaphore, #tpu.memory_space<semaphore_mem>>)
        } else {
        }
        %dma_wait3A_1156 = arith.constant 1 : i32
        %dma_wait3A_1157 = arith.constant 0 : i32
        %dma_wait3A_1158 = arith.constant 0 : i32
        %dma_wait3A_1159 = tpu.memref_slice %arg16[%dma_wait3A_1156, %dma_wait3A_1157, %dma_wait3A_1158] : memref<2x200x32xf32, #tpu.memory_space<vmem>> -> memref<1x200x32xf32, #tpu.memory_space<vmem>>
        %dma_wait3A_1160 = tpu.memref_squeeze %dma_wait3A_1159 : memref<1x200x32xf32, #tpu.memory_space<vmem>> -> memref<200x32xf32, #tpu.memory_space<vmem>>
        %dma_wait3A_1161 = arith.constant 0 : i32
        %dma_wait3A_1162 = arith.constant 0 : i32
        %dma_wait3A_1163 = tpu.memref_slice %arg7[%dma_wait3A_1161, %dma_wait3A_1162] : memref<13752x32xf32, #tpu.memory_space<hbm>> -> memref<200x32xf32, #tpu.memory_space<hbm>>
        %dma_wait3A_1164 = arith.constant 0 : i32
        %dma_wait3A_1165 = arith.constant 0 : i32
        %dma_wait3A_1166 = tpu.memref_slice %arg16[%dma_wait3A_1156, %dma_wait3A_1164, %dma_wait3A_1165] : memref<2x200x32xf32, #tpu.memory_space<vmem>> -> memref<1x200x32xf32, #tpu.memory_space<vmem>>
        %dma_wait3A_1167 = tpu.memref_squeeze %dma_wait3A_1166 : memref<1x200x32xf32, #tpu.memory_space<vmem>> -> memref<200x32xf32, #tpu.memory_space<vmem>>
        %dma_wait3A_1168 = arith.constant 0 : i32
        %dma_wait3A_1169 = arith.constant 0 : i32
        %dma_wait3A_1170 = tpu.memref_slice %arg7[%dma_wait3A_1168, %dma_wait3A_1169] : memref<13752x32xf32, #tpu.memory_space<hbm>> -> memref<200x32xf32, #tpu.memory_space<hbm>>
        tpu.wait_dma2 semaphore(%arg26 : memref<!tpu.dma_semaphore, #tpu.memory_space<semaphore_mem>>) src(%dma_wait3A_1170 : memref<200x32xf32, #tpu.memory_space<hbm>>) dst(%dma_wait3A_1167 : memref<200x32xf32, #tpu.memory_space<vmem>>)
        %dma_wait3A_1171 = arith.constant 1 : i32
        %dma_wait3A_1172 = arith.constant 0 : i32
        %dma_wait3A_1173 = arith.constant 0 : i32
        %dma_wait3A_1174 = tpu.memref_slice %arg17[%dma_wait3A_1171, %dma_wait3A_1172, %dma_wait3A_1173] : memref<2x200x16xf32, #tpu.memory_space<vmem>> -> memref<1x200x16xf32, #tpu.memory_space<vmem>>
        %dma_wait3A_1175 = tpu.memref_squeeze %dma_wait3A_1174 : memref<1x200x16xf32, #tpu.memory_space<vmem>> -> memref<200x16xf32, #tpu.memory_space<vmem>>
        %dma_wait3A_1176 = arith.constant 0 : i32
        %dma_wait3A_1177 = arith.constant 0 : i32
        %dma_wait3A_1178 = tpu.memref_slice %arg8[%dma_wait3A_1176, %dma_wait3A_1177] : memref<17393x16xf32, #tpu.memory_space<hbm>> -> memref<200x16xf32, #tpu.memory_space<hbm>>
        %dma_wait3A_1179 = arith.constant 0 : i32
        %dma_wait3A_1180 = arith.constant 0 : i32
        %dma_wait3A_1181 = tpu.memref_slice %arg17[%dma_wait3A_1171, %dma_wait3A_1179, %dma_wait3A_1180] : memref<2x200x16xf32, #tpu.memory_space<vmem>> -> memref<1x200x16xf32, #tpu.memory_space<vmem>>
        %dma_wait3A_1182 = tpu.memref_squeeze %dma_wait3A_1181 : memref<1x200x16xf32, #tpu.memory_space<vmem>> -> memref<200x16xf32, #tpu.memory_space<vmem>>
        %dma_wait3A_1183 = arith.constant 0 : i32
        %dma_wait3A_1184 = arith.constant 0 : i32
        %dma_wait3A_1185 = tpu.memref_slice %arg8[%dma_wait3A_1183, %dma_wait3A_1184] : memref<17393x16xf32, #tpu.memory_space<hbm>> -> memref<200x16xf32, #tpu.memory_space<hbm>>
        tpu.wait_dma2 semaphore(%arg26 : memref<!tpu.dma_semaphore, #tpu.memory_space<semaphore_mem>>) src(%dma_wait3A_1185 : memref<200x16xf32, #tpu.memory_space<hbm>>) dst(%dma_wait3A_1182 : memref<200x16xf32, #tpu.memory_space<vmem>>)
        %dma_wait3A_1186 = arith.constant 1 : i32
        %dma_wait3A_1187 = arith.constant 0 : i32
        %dma_wait3A_1188 = arith.constant 0 : i32
        %dma_wait3A_1189 = tpu.memref_slice %arg18[%dma_wait3A_1186, %dma_wait3A_1187, %dma_wait3A_1188] : memref<2x200x32xf32, #tpu.memory_space<vmem>> -> memref<1x200x32xf32, #tpu.memory_space<vmem>>
        %dma_wait3A_1190 = tpu.memref_squeeze %dma_wait3A_1189 : memref<1x200x32xf32, #tpu.memory_space<vmem>> -> memref<200x32xf32, #tpu.memory_space<vmem>>
        %dma_wait3A_1191 = arith.constant 0 : i32
        %dma_wait3A_1192 = arith.constant 0 : i32
        %dma_wait3A_1193 = tpu.memref_slice %arg7[%dma_wait3A_1191, %dma_wait3A_1192] : memref<13752x32xf32, #tpu.memory_space<hbm>> -> memref<200x32xf32, #tpu.memory_space<hbm>>
        %dma_wait3A_1194 = arith.constant 0 : i32
        %dma_wait3A_1195 = arith.constant 0 : i32
        %dma_wait3A_1196 = tpu.memref_slice %arg18[%dma_wait3A_1186, %dma_wait3A_1194, %dma_wait3A_1195] : memref<2x200x32xf32, #tpu.memory_space<vmem>> -> memref<1x200x32xf32, #tpu.memory_space<vmem>>
        %dma_wait3A_1197 = tpu.memref_squeeze %dma_wait3A_1196 : memref<1x200x32xf32, #tpu.memory_space<vmem>> -> memref<200x32xf32, #tpu.memory_space<vmem>>
        %dma_wait3A_1198 = arith.constant 0 : i32
        %dma_wait3A_1199 = arith.constant 0 : i32
        %dma_wait3A_1200 = tpu.memref_slice %arg7[%dma_wait3A_1198, %dma_wait3A_1199] : memref<13752x32xf32, #tpu.memory_space<hbm>> -> memref<200x32xf32, #tpu.memory_space<hbm>>
        tpu.wait_dma2 semaphore(%arg26 : memref<!tpu.dma_semaphore, #tpu.memory_space<semaphore_mem>>) src(%dma_wait3A_1200 : memref<200x32xf32, #tpu.memory_space<hbm>>) dst(%dma_wait3A_1197 : memref<200x32xf32, #tpu.memory_space<vmem>>)
        %dma_wait3A_1201 = arith.constant 1 : i32
        %dma_wait3A_1202 = arith.constant 0 : i32
        %dma_wait3A_1203 = arith.constant 0 : i32
        %dma_wait3A_1204 = tpu.memref_slice %arg19[%dma_wait3A_1201, %dma_wait3A_1202, %dma_wait3A_1203] : memref<2x200x16xf32, #tpu.memory_space<vmem>> -> memref<1x200x16xf32, #tpu.memory_space<vmem>>
        %dma_wait3A_1205 = tpu.memref_squeeze %dma_wait3A_1204 : memref<1x200x16xf32, #tpu.memory_space<vmem>> -> memref<200x16xf32, #tpu.memory_space<vmem>>
        %dma_wait3A_1206 = arith.constant 0 : i32
        %dma_wait3A_1207 = arith.constant 0 : i32
        %dma_wait3A_1208 = tpu.memref_slice %arg8[%dma_wait3A_1206, %dma_wait3A_1207] : memref<17393x16xf32, #tpu.memory_space<hbm>> -> memref<200x16xf32, #tpu.memory_space<hbm>>
        %dma_wait3A_1209 = arith.constant 0 : i32
        %dma_wait3A_1210 = arith.constant 0 : i32
        %dma_wait3A_1211 = tpu.memref_slice %arg19[%dma_wait3A_1201, %dma_wait3A_1209, %dma_wait3A_1210] : memref<2x200x16xf32, #tpu.memory_space<vmem>> -> memref<1x200x16xf32, #tpu.memory_space<vmem>>
        %dma_wait3A_1212 = tpu.memref_squeeze %dma_wait3A_1211 : memref<1x200x16xf32, #tpu.memory_space<vmem>> -> memref<200x16xf32, #tpu.memory_space<vmem>>
        %dma_wait3A_1213 = arith.constant 0 : i32
        %dma_wait3A_1214 = arith.constant 0 : i32
        %dma_wait3A_1215 = tpu.memref_slice %arg8[%dma_wait3A_1213, %dma_wait3A_1214] : memref<17393x16xf32, #tpu.memory_space<hbm>> -> memref<200x16xf32, #tpu.memory_space<hbm>>
        tpu.wait_dma2 semaphore(%arg26 : memref<!tpu.dma_semaphore, #tpu.memory_space<semaphore_mem>>) src(%dma_wait3A_1215 : memref<200x16xf32, #tpu.memory_space<hbm>>) dst(%dma_wait3A_1212 : memref<200x16xf32, #tpu.memory_space<vmem>>)
        %broadcast_in_dim3A_1216 = arith.constant 0.000000e+00 : f32
        %broadcast_in_dim3A_1217 = vector.broadcast %broadcast_in_dim3A_1216 : f32 to vector<16xf32>
        %parallel_loop3A_1218 = arith.constant 0 : i32
        %parallel_loop3A_1219 = arith.constant 200 : i32
        %parallel_loop3A_1220 = arith.constant 4 : i32
        %parallel_loop3A_1221:12 = scf.for %parallel_loop3A_1603 = %parallel_loop3A_1218 to %parallel_loop3A_1219 step %parallel_loop3A_1220 iter_args(%parallel_loop3A_1604 = %broadcast_in_dim3A_1217, %parallel_loop3A_1605 = %broadcast_in_dim3A_1217, %parallel_loop3A_1606 = %broadcast_in_dim3A_1217, %parallel_loop3A_1607 = %broadcast_in_dim3A_1217, %parallel_loop3A_1608 = %broadcast_in_dim3A_1217, %parallel_loop3A_1609 = %broadcast_in_dim3A_1217, %parallel_loop3A_1610 = %broadcast_in_dim3A_1217, %parallel_loop3A_1611 = %broadcast_in_dim3A_1217, %parallel_loop3A_1612 = %broadcast_in_dim3A_1217, %parallel_loop3A_1613 = %broadcast_in_dim3A_1217, %parallel_loop3A_1614 = %broadcast_in_dim3A_1217, %parallel_loop3A_1615 = %broadcast_in_dim3A_1217) -> (vector<16xf32>, vector<16xf32>, vector<16xf32>, vector<16xf32>, vector<16xf32>, vector<16xf32>, vector<16xf32>, vector<16xf32>, vector<16xf32>, vector<16xf32>, vector<16xf32>, vector<16xf32>)  : i32 {
          %parallel_loop3A_1616 = arith.constant 0 : i32
          %parallel_loop3A_1617 = arith.addi %parallel_loop3A_1603, %parallel_loop3A_1616 : i32
          %parallel_loop3A_1618 = arith.constant 1 : i32
          %parallel_loop3A_1619 = arith.index_cast %parallel_loop3A_1618 : i32 to index
          %parallel_loop3A_1620 = arith.index_cast %parallel_loop3A_1617 : i32 to index
          %parallel_loop3A_1621 = arith.constant 0 : index
          %parallel_loop3A_1622 = tpu.vector_load %arg16[%parallel_loop3A_1619, %parallel_loop3A_1620, %parallel_loop3A_1621] {strides = array<i32>} : memref<2x200x32xf32, #tpu.memory_space<vmem>>, vector<1x1x16xf32>,
          %parallel_loop3A_1623 = vector.shape_cast %parallel_loop3A_1622 : vector<1x1x16xf32> to vector<16xf32>
          %parallel_loop3A_1624 = arith.addf %parallel_loop3A_1604, %parallel_loop3A_1623 : vector<16xf32>
          %parallel_loop3A_1625 = arith.constant 1 : i32
          %parallel_loop3A_1626 = arith.index_cast %parallel_loop3A_1625 : i32 to index
          %parallel_loop3A_1627 = arith.index_cast %parallel_loop3A_1617 : i32 to index
          %parallel_loop3A_1628 = arith.constant 16 : index
          %parallel_loop3A_1629 = tpu.vector_load %arg16[%parallel_loop3A_1626, %parallel_loop3A_1627, %parallel_loop3A_1628] {strides = array<i32>} : memref<2x200x32xf32, #tpu.memory_space<vmem>>, vector<1x1x16xf32>,
          %parallel_loop3A_1630 = vector.shape_cast %parallel_loop3A_1629 : vector<1x1x16xf32> to vector<16xf32>
          %parallel_loop3A_1631 = arith.addf %parallel_loop3A_1606, %parallel_loop3A_1630 : vector<16xf32>
          %parallel_loop3A_1632 = arith.constant 1 : i32
          %parallel_loop3A_1633 = arith.index_cast %parallel_loop3A_1632 : i32 to index
          %parallel_loop3A_1634 = arith.index_cast %parallel_loop3A_1617 : i32 to index
          %parallel_loop3A_1635 = arith.constant 0 : index
          %parallel_loop3A_1636 = tpu.vector_load %arg17[%parallel_loop3A_1633, %parallel_loop3A_1634, %parallel_loop3A_1635] {strides = array<i32>} : memref<2x200x16xf32, #tpu.memory_space<vmem>>, vector<1x1x16xf32>,
          %parallel_loop3A_1637 = vector.shape_cast %parallel_loop3A_1636 : vector<1x1x16xf32> to vector<16xf32>
          %parallel_loop3A_1638 = arith.addf %parallel_loop3A_1608, %parallel_loop3A_1637 : vector<16xf32>
          %parallel_loop3A_1639 = arith.constant 1 : i32
          %parallel_loop3A_1640 = arith.index_cast %parallel_loop3A_1639 : i32 to index
          %parallel_loop3A_1641 = arith.index_cast %parallel_loop3A_1617 : i32 to index
          %parallel_loop3A_1642 = arith.constant 0 : index
          %parallel_loop3A_1643 = tpu.vector_load %arg18[%parallel_loop3A_1640, %parallel_loop3A_1641, %parallel_loop3A_1642] {strides = array<i32>} : memref<2x200x32xf32, #tpu.memory_space<vmem>>, vector<1x1x16xf32>,
          %parallel_loop3A_1644 = vector.shape_cast %parallel_loop3A_1643 : vector<1x1x16xf32> to vector<16xf32>
          %parallel_loop3A_1645 = arith.addf %parallel_loop3A_1610, %parallel_loop3A_1644 : vector<16xf32>
          %parallel_loop3A_1646 = arith.constant 1 : i32
          %parallel_loop3A_1647 = arith.index_cast %parallel_loop3A_1646 : i32 to index
          %parallel_loop3A_1648 = arith.index_cast %parallel_loop3A_1617 : i32 to index
          %parallel_loop3A_1649 = arith.constant 16 : index
          %parallel_loop3A_1650 = tpu.vector_load %arg18[%parallel_loop3A_1647, %parallel_loop3A_1648, %parallel_loop3A_1649] {strides = array<i32>} : memref<2x200x32xf32, #tpu.memory_space<vmem>>, vector<1x1x16xf32>,
          %parallel_loop3A_1651 = vector.shape_cast %parallel_loop3A_1650 : vector<1x1x16xf32> to vector<16xf32>
          %parallel_loop3A_1652 = arith.addf %parallel_loop3A_1612, %parallel_loop3A_1651 : vector<16xf32>
          %parallel_loop3A_1653 = arith.constant 1 : i32
          %parallel_loop3A_1654 = arith.index_cast %parallel_loop3A_1653 : i32 to index
          %parallel_loop3A_1655 = arith.index_cast %parallel_loop3A_1617 : i32 to index
          %parallel_loop3A_1656 = arith.constant 0 : index
          %parallel_loop3A_1657 = tpu.vector_load %arg19[%parallel_loop3A_1654, %parallel_loop3A_1655, %parallel_loop3A_1656] {strides = array<i32>} : memref<2x200x16xf32, #tpu.memory_space<vmem>>, vector<1x1x16xf32>,
          %parallel_loop3A_1658 = vector.shape_cast %parallel_loop3A_1657 : vector<1x1x16xf32> to vector<16xf32>
          %parallel_loop3A_1659 = arith.addf %parallel_loop3A_1614, %parallel_loop3A_1658 : vector<16xf32>
          %parallel_loop3A_1660 = arith.constant 1 : i32
          %parallel_loop3A_1661 = arith.addi %parallel_loop3A_1603, %parallel_loop3A_1660 : i32
          %parallel_loop3A_1662 = arith.constant 1 : i32
          %parallel_loop3A_1663 = arith.index_cast %parallel_loop3A_1662 : i32 to index
          %parallel_loop3A_1664 = arith.index_cast %parallel_loop3A_1661 : i32 to index
          %parallel_loop3A_1665 = arith.constant 0 : index
          %parallel_loop3A_1666 = tpu.vector_load %arg16[%parallel_loop3A_1663, %parallel_loop3A_1664, %parallel_loop3A_1665] {strides = array<i32>} : memref<2x200x32xf32, #tpu.memory_space<vmem>>, vector<1x1x16xf32>,
          %parallel_loop3A_1667 = vector.shape_cast %parallel_loop3A_1666 : vector<1x1x16xf32> to vector<16xf32>
          %parallel_loop3A_1668 = arith.addf %parallel_loop3A_1605, %parallel_loop3A_1667 : vector<16xf32>
          %parallel_loop3A_1669 = arith.constant 1 : i32
          %parallel_loop3A_1670 = arith.index_cast %parallel_loop3A_1669 : i32 to index
          %parallel_loop3A_1671 = arith.index_cast %parallel_loop3A_1661 : i32 to index
          %parallel_loop3A_1672 = arith.constant 16 : index
          %parallel_loop3A_1673 = tpu.vector_load %arg16[%parallel_loop3A_1670, %parallel_loop3A_1671, %parallel_loop3A_1672] {strides = array<i32>} : memref<2x200x32xf32, #tpu.memory_space<vmem>>, vector<1x1x16xf32>,
          %parallel_loop3A_1674 = vector.shape_cast %parallel_loop3A_1673 : vector<1x1x16xf32> to vector<16xf32>
          %parallel_loop3A_1675 = arith.addf %parallel_loop3A_1607, %parallel_loop3A_1674 : vector<16xf32>
          %parallel_loop3A_1676 = arith.constant 1 : i32
          %parallel_loop3A_1677 = arith.index_cast %parallel_loop3A_1676 : i32 to index
          %parallel_loop3A_1678 = arith.index_cast %parallel_loop3A_1661 : i32 to index
          %parallel_loop3A_1679 = arith.constant 0 : index
          %parallel_loop3A_1680 = tpu.vector_load %arg17[%parallel_loop3A_1677, %parallel_loop3A_1678, %parallel_loop3A_1679] {strides = array<i32>} : memref<2x200x16xf32, #tpu.memory_space<vmem>>, vector<1x1x16xf32>,
          %parallel_loop3A_1681 = vector.shape_cast %parallel_loop3A_1680 : vector<1x1x16xf32> to vector<16xf32>
          %parallel_loop3A_1682 = arith.addf %parallel_loop3A_1609, %parallel_loop3A_1681 : vector<16xf32>
          %parallel_loop3A_1683 = arith.constant 1 : i32
          %parallel_loop3A_1684 = arith.index_cast %parallel_loop3A_1683 : i32 to index
          %parallel_loop3A_1685 = arith.index_cast %parallel_loop3A_1661 : i32 to index
          %parallel_loop3A_1686 = arith.constant 0 : index
          %parallel_loop3A_1687 = tpu.vector_load %arg18[%parallel_loop3A_1684, %parallel_loop3A_1685, %parallel_loop3A_1686] {strides = array<i32>} : memref<2x200x32xf32, #tpu.memory_space<vmem>>, vector<1x1x16xf32>,
          %parallel_loop3A_1688 = vector.shape_cast %parallel_loop3A_1687 : vector<1x1x16xf32> to vector<16xf32>
          %parallel_loop3A_1689 = arith.addf %parallel_loop3A_1611, %parallel_loop3A_1688 : vector<16xf32>
          %parallel_loop3A_1690 = arith.constant 1 : i32
          %parallel_loop3A_1691 = arith.index_cast %parallel_loop3A_1690 : i32 to index
          %parallel_loop3A_1692 = arith.index_cast %parallel_loop3A_1661 : i32 to index
          %parallel_loop3A_1693 = arith.constant 16 : index
          %parallel_loop3A_1694 = tpu.vector_load %arg18[%parallel_loop3A_1691, %parallel_loop3A_1692, %parallel_loop3A_1693] {strides = array<i32>} : memref<2x200x32xf32, #tpu.memory_space<vmem>>, vector<1x1x16xf32>,
          %parallel_loop3A_1695 = vector.shape_cast %parallel_loop3A_1694 : vector<1x1x16xf32> to vector<16xf32>
          %parallel_loop3A_1696 = arith.addf %parallel_loop3A_1613, %parallel_loop3A_1695 : vector<16xf32>
          %parallel_loop3A_1697 = arith.constant 1 : i32
          %parallel_loop3A_1698 = arith.index_cast %parallel_loop3A_1697 : i32 to index
          %parallel_loop3A_1699 = arith.index_cast %parallel_loop3A_1661 : i32 to index
          %parallel_loop3A_1700 = arith.constant 0 : index
          %parallel_loop3A_1701 = tpu.vector_load %arg19[%parallel_loop3A_1698, %parallel_loop3A_1699, %parallel_loop3A_1700] {strides = array<i32>} : memref<2x200x16xf32, #tpu.memory_space<vmem>>, vector<1x1x16xf32>,
          %parallel_loop3A_1702 = vector.shape_cast %parallel_loop3A_1701 : vector<1x1x16xf32> to vector<16xf32>
          %parallel_loop3A_1703 = arith.addf %parallel_loop3A_1615, %parallel_loop3A_1702 : vector<16xf32>
          %parallel_loop3A_1704 = arith.constant 2 : i32
          %parallel_loop3A_1705 = arith.addi %parallel_loop3A_1603, %parallel_loop3A_1704 : i32
          %parallel_loop3A_1706 = arith.constant 1 : i32
          %parallel_loop3A_1707 = arith.index_cast %parallel_loop3A_1706 : i32 to index
          %parallel_loop3A_1708 = arith.index_cast %parallel_loop3A_1705 : i32 to index
          %parallel_loop3A_1709 = arith.constant 0 : index
          %parallel_loop3A_1710 = tpu.vector_load %arg16[%parallel_loop3A_1707, %parallel_loop3A_1708, %parallel_loop3A_1709] {strides = array<i32>} : memref<2x200x32xf32, #tpu.memory_space<vmem>>, vector<1x1x16xf32>,
          %parallel_loop3A_1711 = vector.shape_cast %parallel_loop3A_1710 : vector<1x1x16xf32> to vector<16xf32>
          %parallel_loop3A_1712 = arith.addf %parallel_loop3A_1624, %parallel_loop3A_1711 : vector<16xf32>
          %parallel_loop3A_1713 = arith.constant 1 : i32
          %parallel_loop3A_1714 = arith.index_cast %parallel_loop3A_1713 : i32 to index
          %parallel_loop3A_1715 = arith.index_cast %parallel_loop3A_1705 : i32 to index
          %parallel_loop3A_1716 = arith.constant 16 : index
          %parallel_loop3A_1717 = tpu.vector_load %arg16[%parallel_loop3A_1714, %parallel_loop3A_1715, %parallel_loop3A_1716] {strides = array<i32>} : memref<2x200x32xf32, #tpu.memory_space<vmem>>, vector<1x1x16xf32>,
          %parallel_loop3A_1718 = vector.shape_cast %parallel_loop3A_1717 : vector<1x1x16xf32> to vector<16xf32>
          %parallel_loop3A_1719 = arith.addf %parallel_loop3A_1631, %parallel_loop3A_1718 : vector<16xf32>
          %parallel_loop3A_1720 = arith.constant 1 : i32
          %parallel_loop3A_1721 = arith.index_cast %parallel_loop3A_1720 : i32 to index
          %parallel_loop3A_1722 = arith.index_cast %parallel_loop3A_1705 : i32 to index
          %parallel_loop3A_1723 = arith.constant 0 : index
          %parallel_loop3A_1724 = tpu.vector_load %arg17[%parallel_loop3A_1721, %parallel_loop3A_1722, %parallel_loop3A_1723] {strides = array<i32>} : memref<2x200x16xf32, #tpu.memory_space<vmem>>, vector<1x1x16xf32>,
          %parallel_loop3A_1725 = vector.shape_cast %parallel_loop3A_1724 : vector<1x1x16xf32> to vector<16xf32>
          %parallel_loop3A_1726 = arith.addf %parallel_loop3A_1638, %parallel_loop3A_1725 : vector<16xf32>
          %parallel_loop3A_1727 = arith.constant 1 : i32
          %parallel_loop3A_1728 = arith.index_cast %parallel_loop3A_1727 : i32 to index
          %parallel_loop3A_1729 = arith.index_cast %parallel_loop3A_1705 : i32 to index
          %parallel_loop3A_1730 = arith.constant 0 : index
          %parallel_loop3A_1731 = tpu.vector_load %arg18[%parallel_loop3A_1728, %parallel_loop3A_1729, %parallel_loop3A_1730] {strides = array<i32>} : memref<2x200x32xf32, #tpu.memory_space<vmem>>, vector<1x1x16xf32>,
          %parallel_loop3A_1732 = vector.shape_cast %parallel_loop3A_1731 : vector<1x1x16xf32> to vector<16xf32>
          %parallel_loop3A_1733 = arith.addf %parallel_loop3A_1645, %parallel_loop3A_1732 : vector<16xf32>
          %parallel_loop3A_1734 = arith.constant 1 : i32
          %parallel_loop3A_1735 = arith.index_cast %parallel_loop3A_1734 : i32 to index
          %parallel_loop3A_1736 = arith.index_cast %parallel_loop3A_1705 : i32 to index
          %parallel_loop3A_1737 = arith.constant 16 : index
          %parallel_loop3A_1738 = tpu.vector_load %arg18[%parallel_loop3A_1735, %parallel_loop3A_1736, %parallel_loop3A_1737] {strides = array<i32>} : memref<2x200x32xf32, #tpu.memory_space<vmem>>, vector<1x1x16xf32>,
          %parallel_loop3A_1739 = vector.shape_cast %parallel_loop3A_1738 : vector<1x1x16xf32> to vector<16xf32>
          %parallel_loop3A_1740 = arith.addf %parallel_loop3A_1652, %parallel_loop3A_1739 : vector<16xf32>
          %parallel_loop3A_1741 = arith.constant 1 : i32
          %parallel_loop3A_1742 = arith.index_cast %parallel_loop3A_1741 : i32 to index
          %parallel_loop3A_1743 = arith.index_cast %parallel_loop3A_1705 : i32 to index
          %parallel_loop3A_1744 = arith.constant 0 : index
          %parallel_loop3A_1745 = tpu.vector_load %arg19[%parallel_loop3A_1742, %parallel_loop3A_1743, %parallel_loop3A_1744] {strides = array<i32>} : memref<2x200x16xf32, #tpu.memory_space<vmem>>, vector<1x1x16xf32>,
          %parallel_loop3A_1746 = vector.shape_cast %parallel_loop3A_1745 : vector<1x1x16xf32> to vector<16xf32>
          %parallel_loop3A_1747 = arith.addf %parallel_loop3A_1659, %parallel_loop3A_1746 : vector<16xf32>
          %parallel_loop3A_1748 = arith.constant 3 : i32
          %parallel_loop3A_1749 = arith.addi %parallel_loop3A_1603, %parallel_loop3A_1748 : i32
          %parallel_loop3A_1750 = arith.constant 1 : i32
          %parallel_loop3A_1751 = arith.index_cast %parallel_loop3A_1750 : i32 to index
          %parallel_loop3A_1752 = arith.index_cast %parallel_loop3A_1749 : i32 to index
          %parallel_loop3A_1753 = arith.constant 0 : index
          %parallel_loop3A_1754 = tpu.vector_load %arg16[%parallel_loop3A_1751, %parallel_loop3A_1752, %parallel_loop3A_1753] {strides = array<i32>} : memref<2x200x32xf32, #tpu.memory_space<vmem>>, vector<1x1x16xf32>,
          %parallel_loop3A_1755 = vector.shape_cast %parallel_loop3A_1754 : vector<1x1x16xf32> to vector<16xf32>
          %parallel_loop3A_1756 = arith.addf %parallel_loop3A_1668, %parallel_loop3A_1755 : vector<16xf32>
          %parallel_loop3A_1757 = arith.constant 1 : i32
          %parallel_loop3A_1758 = arith.index_cast %parallel_loop3A_1757 : i32 to index
          %parallel_loop3A_1759 = arith.index_cast %parallel_loop3A_1749 : i32 to index
          %parallel_loop3A_1760 = arith.constant 16 : index
          %parallel_loop3A_1761 = tpu.vector_load %arg16[%parallel_loop3A_1758, %parallel_loop3A_1759, %parallel_loop3A_1760] {strides = array<i32>} : memref<2x200x32xf32, #tpu.memory_space<vmem>>, vector<1x1x16xf32>,
          %parallel_loop3A_1762 = vector.shape_cast %parallel_loop3A_1761 : vector<1x1x16xf32> to vector<16xf32>
          %parallel_loop3A_1763 = arith.addf %parallel_loop3A_1675, %parallel_loop3A_1762 : vector<16xf32>
          %parallel_loop3A_1764 = arith.constant 1 : i32
          %parallel_loop3A_1765 = arith.index_cast %parallel_loop3A_1764 : i32 to index
          %parallel_loop3A_1766 = arith.index_cast %parallel_loop3A_1749 : i32 to index
          %parallel_loop3A_1767 = arith.constant 0 : index
          %parallel_loop3A_1768 = tpu.vector_load %arg17[%parallel_loop3A_1765, %parallel_loop3A_1766, %parallel_loop3A_1767] {strides = array<i32>} : memref<2x200x16xf32, #tpu.memory_space<vmem>>, vector<1x1x16xf32>,
          %parallel_loop3A_1769 = vector.shape_cast %parallel_loop3A_1768 : vector<1x1x16xf32> to vector<16xf32>
          %parallel_loop3A_1770 = arith.addf %parallel_loop3A_1682, %parallel_loop3A_1769 : vector<16xf32>
          %parallel_loop3A_1771 = arith.constant 1 : i32
          %parallel_loop3A_1772 = arith.index_cast %parallel_loop3A_1771 : i32 to index
          %parallel_loop3A_1773 = arith.index_cast %parallel_loop3A_1749 : i32 to index
          %parallel_loop3A_1774 = arith.constant 0 : index
          %parallel_loop3A_1775 = tpu.vector_load %arg18[%parallel_loop3A_1772, %parallel_loop3A_1773, %parallel_loop3A_1774] {strides = array<i32>} : memref<2x200x32xf32, #tpu.memory_space<vmem>>, vector<1x1x16xf32>,
          %parallel_loop3A_1776 = vector.shape_cast %parallel_loop3A_1775 : vector<1x1x16xf32> to vector<16xf32>
          %parallel_loop3A_1777 = arith.addf %parallel_loop3A_1689, %parallel_loop3A_1776 : vector<16xf32>
          %parallel_loop3A_1778 = arith.constant 1 : i32
          %parallel_loop3A_1779 = arith.index_cast %parallel_loop3A_1778 : i32 to index
          %parallel_loop3A_1780 = arith.index_cast %parallel_loop3A_1749 : i32 to index
          %parallel_loop3A_1781 = arith.constant 16 : index
          %parallel_loop3A_1782 = tpu.vector_load %arg18[%parallel_loop3A_1779, %parallel_loop3A_1780, %parallel_loop3A_1781] {strides = array<i32>} : memref<2x200x32xf32, #tpu.memory_space<vmem>>, vector<1x1x16xf32>,
          %parallel_loop3A_1783 = vector.shape_cast %parallel_loop3A_1782 : vector<1x1x16xf32> to vector<16xf32>
          %parallel_loop3A_1784 = arith.addf %parallel_loop3A_1696, %parallel_loop3A_1783 : vector<16xf32>
          %parallel_loop3A_1785 = arith.constant 1 : i32
          %parallel_loop3A_1786 = arith.index_cast %parallel_loop3A_1785 : i32 to index
          %parallel_loop3A_1787 = arith.index_cast %parallel_loop3A_1749 : i32 to index
          %parallel_loop3A_1788 = arith.constant 0 : index
          %parallel_loop3A_1789 = tpu.vector_load %arg19[%parallel_loop3A_1786, %parallel_loop3A_1787, %parallel_loop3A_1788] {strides = array<i32>} : memref<2x200x16xf32, #tpu.memory_space<vmem>>, vector<1x1x16xf32>,
          %parallel_loop3A_1790 = vector.shape_cast %parallel_loop3A_1789 : vector<1x1x16xf32> to vector<16xf32>
          %parallel_loop3A_1791 = arith.addf %parallel_loop3A_1703, %parallel_loop3A_1790 : vector<16xf32>
          scf.yield %parallel_loop3A_1712, %parallel_loop3A_1756, %parallel_loop3A_1719, %parallel_loop3A_1763, %parallel_loop3A_1726, %parallel_loop3A_1770, %parallel_loop3A_1733, %parallel_loop3A_1777, %parallel_loop3A_1740, %parallel_loop3A_1784, %parallel_loop3A_1747, %parallel_loop3A_1791 : vector<16xf32>, vector<16xf32>, vector<16xf32>, vector<16xf32>, vector<16xf32>, vector<16xf32>, vector<16xf32>, vector<16xf32>, vector<16xf32>, vector<16xf32>, vector<16xf32>, vector<16xf32>
        } {sc.loop_unroll_factor = 2 : i64, sc.parallel_access}
        %add3A_1222 = arith.addf %parallel_loop3A_1221#0, %parallel_loop3A_1221#1 : vector<16xf32>
        %mul3A_1223 = arith.constant 5.000000e-03 : f32
        %mul3A_1224 = vector.broadcast %mul3A_1223 : f32 to vector<16xf32>
        %mul3A_1225 = arith.mulf %add3A_1222, %mul3A_1224 : vector<16xf32>
        %swap3A_1226 = arith.index_cast %add3A_1146 : i32 to index
        %swap3A_1227 = arith.constant 0 : index
        %swap3A_1228 = tpu.vector_load %arg21[%swap3A_1226, %swap3A_1227] {strides = array<i32>} : memref<16x128xf32, #tpu.memory_space<vmem>>, vector<1x16xf32>,
        %swap3A_1229 = vector.shape_cast %swap3A_1228 : vector<1x16xf32> to vector<16xf32>
        %swap3A_1230 = vector.shape_cast %mul3A_1225 : vector<16xf32> to vector<1x16xf32>
        tpu.vector_store %arg21[%swap3A_1226, %swap3A_1227], %swap3A_1230 {strides = array<i32>} : memref<16x128xf32, #tpu.memory_space<vmem>>, vector<1x16xf32>,
        %add3A_1231 = arith.addf %parallel_loop3A_1221#2, %parallel_loop3A_1221#3 : vector<16xf32>
        %mul3A_1232 = arith.constant 5.000000e-03 : f32
        %mul3A_1233 = vector.broadcast %mul3A_1232 : f32 to vector<16xf32>
        %mul3A_1234 = arith.mulf %add3A_1231, %mul3A_1233 : vector<16xf32>
        %swap3A_1235 = arith.index_cast %add3A_1146 : i32 to index
        %swap3A_1236 = arith.constant 16 : index
        %swap3A_1237 = tpu.vector_load %arg21[%swap3A_1235, %swap3A_1236] {strides = array<i32>} : memref<16x128xf32, #tpu.memory_space<vmem>>, vector<1x16xf32>,
        %swap3A_1238 = vector.shape_cast %swap3A_1237 : vector<1x16xf32> to vector<16xf32>
        %swap3A_1239 = vector.shape_cast %mul3A_1234 : vector<16xf32> to vector<1x16xf32>
        tpu.vector_store %arg21[%swap3A_1235, %swap3A_1236], %swap3A_1239 {strides = array<i32>} : memref<16x128xf32, #tpu.memory_space<vmem>>, vector<1x16xf32>,
        %add3A_1240 = arith.addf %parallel_loop3A_1221#4, %parallel_loop3A_1221#5 : vector<16xf32>
        %mul3A_1241 = arith.constant 5.000000e-03 : f32
        %mul3A_1242 = vector.broadcast %mul3A_1241 : f32 to vector<16xf32>
        %mul3A_1243 = arith.mulf %add3A_1240, %mul3A_1242 : vector<16xf32>
        %swap3A_1244 = arith.index_cast %add3A_1146 : i32 to index
        %swap3A_1245 = arith.constant 32 : index
        %swap3A_1246 = tpu.vector_load %arg21[%swap3A_1244, %swap3A_1245] {strides = array<i32>} : memref<16x128xf32, #tpu.memory_space<vmem>>, vector<1x16xf32>,
        %swap3A_1247 = vector.shape_cast %swap3A_1246 : vector<1x16xf32> to vector<16xf32>
        %swap3A_1248 = vector.shape_cast %mul3A_1243 : vector<16xf32> to vector<1x16xf32>
        tpu.vector_store %arg21[%swap3A_1244, %swap3A_1245], %swap3A_1248 {strides = array<i32>} : memref<16x128xf32, #tpu.memory_space<vmem>>, vector<1x16xf32>,
        %add3A_1249 = arith.addf %parallel_loop3A_1221#6, %parallel_loop3A_1221#7 : vector<16xf32>
        %mul3A_1250 = arith.constant 5.000000e-03 : f32
        %mul3A_1251 = vector.broadcast %mul3A_1250 : f32 to vector<16xf32>
        %mul3A_1252 = arith.mulf %add3A_1249, %mul3A_1251 : vector<16xf32>
        %swap3A_1253 = arith.index_cast %add3A_1146 : i32 to index
        %swap3A_1254 = arith.constant 64 : index
        %swap3A_1255 = tpu.vector_load %arg21[%swap3A_1253, %swap3A_1254] {strides = array<i32>} : memref<16x128xf32, #tpu.memory_space<vmem>>, vector<1x16xf32>,
        %swap3A_1256 = vector.shape_cast %swap3A_1255 : vector<1x16xf32> to vector<16xf32>
        %swap3A_1257 = vector.shape_cast %mul3A_1252 : vector<16xf32> to vector<1x16xf32>
        tpu.vector_store %arg21[%swap3A_1253, %swap3A_1254], %swap3A_1257 {strides = array<i32>} : memref<16x128xf32, #tpu.memory_space<vmem>>, vector<1x16xf32>,
        %add3A_1258 = arith.addf %parallel_loop3A_1221#8, %parallel_loop3A_1221#9 : vector<16xf32>
        %mul3A_1259 = arith.constant 5.000000e-03 : f32
        %mul3A_1260 = vector.broadcast %mul3A_1259 : f32 to vector<16xf32>
        %mul3A_1261 = arith.mulf %add3A_1258, %mul3A_1260 : vector<16xf32>
        %swap3A_1262 = arith.index_cast %add3A_1146 : i32 to index
        %swap3A_1263 = arith.constant 80 : index
        %swap3A_1264 = tpu.vector_load %arg21[%swap3A_1262, %swap3A_1263] {strides = array<i32>} : memref<16x128xf32, #tpu.memory_space<vmem>>, vector<1x16xf32>,
        %swap3A_1265 = vector.shape_cast %swap3A_1264 : vector<1x16xf32> to vector<16xf32>
        %swap3A_1266 = vector.shape_cast %mul3A_1261 : vector<16xf32> to vector<1x16xf32>
        tpu.vector_store %arg21[%swap3A_1262, %swap3A_1263], %swap3A_1266 {strides = array<i32>} : memref<16x128xf32, #tpu.memory_space<vmem>>, vector<1x16xf32>,
        %add3A_1267 = arith.addf %parallel_loop3A_1221#10, %parallel_loop3A_1221#11 : vector<16xf32>
        %mul3A_1268 = arith.constant 5.000000e-03 : f32
        %mul3A_1269 = vector.broadcast %mul3A_1268 : f32 to vector<16xf32>
        %mul3A_1270 = arith.mulf %add3A_1267, %mul3A_1269 : vector<16xf32>
        %swap3A_1271 = arith.index_cast %add3A_1146 : i32 to index
        %swap3A_1272 = arith.constant 96 : index
        %swap3A_1273 = tpu.vector_load %arg21[%swap3A_1271, %swap3A_1272] {strides = array<i32>} : memref<16x128xf32, #tpu.memory_space<vmem>>, vector<1x16xf32>,
        %swap3A_1274 = vector.shape_cast %swap3A_1273 : vector<1x16xf32> to vector<16xf32>
        %swap3A_1275 = vector.shape_cast %mul3A_1270 : vector<16xf32> to vector<1x16xf32>
        tpu.vector_store %arg21[%swap3A_1271, %swap3A_1272], %swap3A_1275 {strides = array<i32>} : memref<16x128xf32, #tpu.memory_space<vmem>>, vector<1x16xf32>,
        %broadcast_in_dim3A_1276 = arith.constant 0.000000e+00 : f32
        %broadcast_in_dim3A_1277 = vector.broadcast %broadcast_in_dim3A_1276 : f32 to vector<16xf32>
        %broadcast_in_dim3A_1278 = arith.constant 0.000000e+00 : f32
        %broadcast_in_dim3A_1279 = vector.broadcast %broadcast_in_dim3A_1278 : f32 to vector<16xf32>
        %broadcast_in_dim3A_1280 = arith.constant 0.000000e+00 : f32
        %broadcast_in_dim3A_1281 = vector.broadcast %broadcast_in_dim3A_1280 : f32 to vector<16xf32>
        %broadcast_in_dim3A_1282 = arith.constant 0.000000e+00 : f32
        %broadcast_in_dim3A_1283 = vector.broadcast %broadcast_in_dim3A_1282 : f32 to vector<16xf32>
        %mul3A_1284 = arith.constant 48 : i32
        %mul3A_1285 = arith.muli %add3A_1146, %mul3A_1284 : i32
        %add3A_1286 = arith.constant 0 : i32
        %add3A_1287 = arith.addi %mul3A_1285, %add3A_1286 : i32
        %add3A_1288 = arith.constant 0 : i32
        %add3A_1289 = arith.addi %add3A_1287, %add3A_1288 : i32
        %get3A_1290 = arith.index_cast %add3A_1289 : i32 to index
        %get3A_1291 = arith.constant 0 : index
        %get3A_1292 = tpu.vector_load %arg20[%get3A_1290, %get3A_1291] {strides = array<i32>} : memref<768x16xf32, #tpu.memory_space<vmem>>, vector<1x16xf32>,
        %get3A_1293 = vector.shape_cast %get3A_1292 : vector<1x16xf32> to vector<16xf32>
        %add3A_1294 = arith.addf %broadcast_in_dim3A_1277, %get3A_1293 : vector<16xf32>
        %add3A_1295 = arith.constant 1 : i32
        %add3A_1296 = arith.addi %add3A_1287, %add3A_1295 : i32
        %get3A_1297 = arith.index_cast %add3A_1296 : i32 to index
        %get3A_1298 = arith.constant 0 : index
        %get3A_1299 = tpu.vector_load %arg20[%get3A_1297, %get3A_1298] {strides = array<i32>} : memref<768x16xf32, #tpu.memory_space<vmem>>, vector<1x16xf32>,
        %get3A_1300 = vector.shape_cast %get3A_1299 : vector<1x16xf32> to vector<16xf32>
        %add3A_1301 = arith.addf %broadcast_in_dim3A_1279, %get3A_1300 : vector<16xf32>
        %add3A_1302 = arith.constant 2 : i32
        %add3A_1303 = arith.addi %add3A_1287, %add3A_1302 : i32
        %get3A_1304 = arith.index_cast %add3A_1303 : i32 to index
        %get3A_1305 = arith.constant 0 : index
        %get3A_1306 = tpu.vector_load %arg20[%get3A_1304, %get3A_1305] {strides = array<i32>} : memref<768x16xf32, #tpu.memory_space<vmem>>, vector<1x16xf32>,
        %get3A_1307 = vector.shape_cast %get3A_1306 : vector<1x16xf32> to vector<16xf32>
        %add3A_1308 = arith.addf %broadcast_in_dim3A_1281, %get3A_1307 : vector<16xf32>
        %add3A_1309 = arith.constant 3 : i32
        %add3A_1310 = arith.addi %add3A_1287, %add3A_1309 : i32
        %get3A_1311 = arith.index_cast %add3A_1310 : i32 to index
        %get3A_1312 = arith.constant 0 : index
        %get3A_1313 = tpu.vector_load %arg20[%get3A_1311, %get3A_1312] {strides = array<i32>} : memref<768x16xf32, #tpu.memory_space<vmem>>, vector<1x16xf32>,
        %get3A_1314 = vector.shape_cast %get3A_1313 : vector<1x16xf32> to vector<16xf32>
        %add3A_1315 = arith.addf %broadcast_in_dim3A_1283, %get3A_1314 : vector<16xf32>
        %add3A_1316 = arith.constant 4 : i32
        %add3A_1317 = arith.addi %add3A_1287, %add3A_1316 : i32
        %get3A_1318 = arith.index_cast %add3A_1317 : i32 to index
        %get3A_1319 = arith.constant 0 : index
        %get3A_1320 = tpu.vector_load %arg20[%get3A_1318, %get3A_1319] {strides = array<i32>} : memref<768x16xf32, #tpu.memory_space<vmem>>, vector<1x16xf32>,
        %get3A_1321 = vector.shape_cast %get3A_1320 : vector<1x16xf32> to vector<16xf32>
        %add3A_1322 = arith.addf %add3A_1294, %get3A_1321 : vector<16xf32>
        %add3A_1323 = arith.constant 5 : i32
        %add3A_1324 = arith.addi %add3A_1287, %add3A_1323 : i32
        %get3A_1325 = arith.index_cast %add3A_1324 : i32 to index
        %get3A_1326 = arith.constant 0 : index
        %get3A_1327 = tpu.vector_load %arg20[%get3A_1325, %get3A_1326] {strides = array<i32>} : memref<768x16xf32, #tpu.memory_space<vmem>>, vector<1x16xf32>,
        %get3A_1328 = vector.shape_cast %get3A_1327 : vector<1x16xf32> to vector<16xf32>
        %add3A_1329 = arith.addf %add3A_1301, %get3A_1328 : vector<16xf32>
        %add3A_1330 = arith.constant 6 : i32
        %add3A_1331 = arith.addi %add3A_1287, %add3A_1330 : i32
        %get3A_1332 = arith.index_cast %add3A_1331 : i32 to index
        %get3A_1333 = arith.constant 0 : index
        %get3A_1334 = tpu.vector_load %arg20[%get3A_1332, %get3A_1333] {strides = array<i32>} : memref<768x16xf32, #tpu.memory_space<vmem>>, vector<1x16xf32>,
        %get3A_1335 = vector.shape_cast %get3A_1334 : vector<1x16xf32> to vector<16xf32>
        %add3A_1336 = arith.addf %add3A_1308, %get3A_1335 : vector<16xf32>
        %add3A_1337 = arith.constant 7 : i32
        %add3A_1338 = arith.addi %add3A_1287, %add3A_1337 : i32
        %get3A_1339 = arith.index_cast %add3A_1338 : i32 to index
        %get3A_1340 = arith.constant 0 : index
        %get3A_1341 = tpu.vector_load %arg20[%get3A_1339, %get3A_1340] {strides = array<i32>} : memref<768x16xf32, #tpu.memory_space<vmem>>, vector<1x16xf32>,
        %get3A_1342 = vector.shape_cast %get3A_1341 : vector<1x16xf32> to vector<16xf32>
        %add3A_1343 = arith.addf %add3A_1315, %get3A_1342 : vector<16xf32>
        %add3A_1344 = arith.constant 8 : i32
        %add3A_1345 = arith.addi %add3A_1287, %add3A_1344 : i32
        %get3A_1346 = arith.index_cast %add3A_1345 : i32 to index
        %get3A_1347 = arith.constant 0 : index
        %get3A_1348 = tpu.vector_load %arg20[%get3A_1346, %get3A_1347] {strides = array<i32>} : memref<768x16xf32, #tpu.memory_space<vmem>>, vector<1x16xf32>,
        %get3A_1349 = vector.shape_cast %get3A_1348 : vector<1x16xf32> to vector<16xf32>
        %add3A_1350 = arith.addf %add3A_1322, %get3A_1349 : vector<16xf32>
        %add3A_1351 = arith.constant 9 : i32
        %add3A_1352 = arith.addi %add3A_1287, %add3A_1351 : i32
        %get3A_1353 = arith.index_cast %add3A_1352 : i32 to index
        %get3A_1354 = arith.constant 0 : index
        %get3A_1355 = tpu.vector_load %arg20[%get3A_1353, %get3A_1354] {strides = array<i32>} : memref<768x16xf32, #tpu.memory_space<vmem>>, vector<1x16xf32>,
        %get3A_1356 = vector.shape_cast %get3A_1355 : vector<1x16xf32> to vector<16xf32>
        %add3A_1357 = arith.addf %add3A_1329, %get3A_1356 : vector<16xf32>
        %add3A_1358 = arith.constant 10 : i32
        %add3A_1359 = arith.addi %add3A_1287, %add3A_1358 : i32
        %get3A_1360 = arith.index_cast %add3A_1359 : i32 to index
        %get3A_1361 = arith.constant 0 : index
        %get3A_1362 = tpu.vector_load %arg20[%get3A_1360, %get3A_1361] {strides = array<i32>} : memref<768x16xf32, #tpu.memory_space<vmem>>, vector<1x16xf32>,
        %get3A_1363 = vector.shape_cast %get3A_1362 : vector<1x16xf32> to vector<16xf32>
        %add3A_1364 = arith.addf %add3A_1336, %get3A_1363 : vector<16xf32>
        %add3A_1365 = arith.constant 11 : i32
        %add3A_1366 = arith.addi %add3A_1287, %add3A_1365 : i32
        %get3A_1367 = arith.index_cast %add3A_1366 : i32 to index
        %get3A_1368 = arith.constant 0 : index
        %get3A_1369 = tpu.vector_load %arg20[%get3A_1367, %get3A_1368] {strides = array<i32>} : memref<768x16xf32, #tpu.memory_space<vmem>>, vector<1x16xf32>,
        %get3A_1370 = vector.shape_cast %get3A_1369 : vector<1x16xf32> to vector<16xf32>
        %add3A_1371 = arith.addf %add3A_1343, %get3A_1370 : vector<16xf32>
        %add3A_1372 = arith.constant 12 : i32
        %add3A_1373 = arith.addi %add3A_1287, %add3A_1372 : i32
        %get3A_1374 = arith.index_cast %add3A_1373 : i32 to index
        %get3A_1375 = arith.constant 0 : index
        %get3A_1376 = tpu.vector_load %arg20[%get3A_1374, %get3A_1375] {strides = array<i32>} : memref<768x16xf32, #tpu.memory_space<vmem>>, vector<1x16xf32>,
        %get3A_1377 = vector.shape_cast %get3A_1376 : vector<1x16xf32> to vector<16xf32>
        %add3A_1378 = arith.addf %add3A_1350, %get3A_1377 : vector<16xf32>
        %add3A_1379 = arith.constant 13 : i32
        %add3A_1380 = arith.addi %add3A_1287, %add3A_1379 : i32
        %get3A_1381 = arith.index_cast %add3A_1380 : i32 to index
        %get3A_1382 = arith.constant 0 : index
        %get3A_1383 = tpu.vector_load %arg20[%get3A_1381, %get3A_1382] {strides = array<i32>} : memref<768x16xf32, #tpu.memory_space<vmem>>, vector<1x16xf32>,
        %get3A_1384 = vector.shape_cast %get3A_1383 : vector<1x16xf32> to vector<16xf32>
        %add3A_1385 = arith.addf %add3A_1357, %get3A_1384 : vector<16xf32>
        %add3A_1386 = arith.constant 14 : i32
        %add3A_1387 = arith.addi %add3A_1287, %add3A_1386 : i32
        %get3A_1388 = arith.index_cast %add3A_1387 : i32 to index
        %get3A_1389 = arith.constant 0 : index
        %get3A_1390 = tpu.vector_load %arg20[%get3A_1388, %get3A_1389] {strides = array<i32>} : memref<768x16xf32, #tpu.memory_space<vmem>>, vector<1x16xf32>,
        %get3A_1391 = vector.shape_cast %get3A_1390 : vector<1x16xf32> to vector<16xf32>
        %add3A_1392 = arith.addf %add3A_1364, %get3A_1391 : vector<16xf32>
        %add3A_1393 = arith.constant 15 : i32
        %add3A_1394 = arith.addi %add3A_1287, %add3A_1393 : i32
        %get3A_1395 = arith.index_cast %add3A_1394 : i32 to index
        %get3A_1396 = arith.constant 0 : index
        %get3A_1397 = tpu.vector_load %arg20[%get3A_1395, %get3A_1396] {strides = array<i32>} : memref<768x16xf32, #tpu.memory_space<vmem>>, vector<1x16xf32>,
        %get3A_1398 = vector.shape_cast %get3A_1397 : vector<1x16xf32> to vector<16xf32>
        %add3A_1399 = arith.addf %add3A_1371, %get3A_1398 : vector<16xf32>
        %add3A_1400 = arith.constant 16 : i32
        %add3A_1401 = arith.addi %add3A_1287, %add3A_1400 : i32
        %get3A_1402 = arith.index_cast %add3A_1401 : i32 to index
        %get3A_1403 = arith.constant 0 : index
        %get3A_1404 = tpu.vector_load %arg20[%get3A_1402, %get3A_1403] {strides = array<i32>} : memref<768x16xf32, #tpu.memory_space<vmem>>, vector<1x16xf32>,
        %get3A_1405 = vector.shape_cast %get3A_1404 : vector<1x16xf32> to vector<16xf32>
        %add3A_1406 = arith.addf %add3A_1378, %get3A_1405 : vector<16xf32>
        %add3A_1407 = arith.constant 17 : i32
        %add3A_1408 = arith.addi %add3A_1287, %add3A_1407 : i32
        %get3A_1409 = arith.index_cast %add3A_1408 : i32 to index
        %get3A_1410 = arith.constant 0 : index
        %get3A_1411 = tpu.vector_load %arg20[%get3A_1409, %get3A_1410] {strides = array<i32>} : memref<768x16xf32, #tpu.memory_space<vmem>>, vector<1x16xf32>,
        %get3A_1412 = vector.shape_cast %get3A_1411 : vector<1x16xf32> to vector<16xf32>
        %add3A_1413 = arith.addf %add3A_1385, %get3A_1412 : vector<16xf32>
        %add3A_1414 = arith.constant 18 : i32
        %add3A_1415 = arith.addi %add3A_1287, %add3A_1414 : i32
        %get3A_1416 = arith.index_cast %add3A_1415 : i32 to index
        %get3A_1417 = arith.constant 0 : index
        %get3A_1418 = tpu.vector_load %arg20[%get3A_1416, %get3A_1417] {strides = array<i32>} : memref<768x16xf32, #tpu.memory_space<vmem>>, vector<1x16xf32>,
        %get3A_1419 = vector.shape_cast %get3A_1418 : vector<1x16xf32> to vector<16xf32>
        %add3A_1420 = arith.addf %add3A_1392, %get3A_1419 : vector<16xf32>
        %add3A_1421 = arith.constant 19 : i32
        %add3A_1422 = arith.addi %add3A_1287, %add3A_1421 : i32
        %get3A_1423 = arith.index_cast %add3A_1422 : i32 to index
        %get3A_1424 = arith.constant 0 : index
        %get3A_1425 = tpu.vector_load %arg20[%get3A_1423, %get3A_1424] {strides = array<i32>} : memref<768x16xf32, #tpu.memory_space<vmem>>, vector<1x16xf32>,
        %get3A_1426 = vector.shape_cast %get3A_1425 : vector<1x16xf32> to vector<16xf32>
        %add3A_1427 = arith.addf %add3A_1399, %get3A_1426 : vector<16xf32>
        %add3A_1428 = arith.addf %add3A_1406, %add3A_1413 : vector<16xf32>
        %add3A_1429 = arith.addf %add3A_1420, %add3A_1427 : vector<16xf32>
        %add3A_1430 = arith.addf %add3A_1428, %add3A_1429 : vector<16xf32>
        %mul3A_1431 = arith.constant 5.000000e-02 : f32
        %mul3A_1432 = vector.broadcast %mul3A_1431 : f32 to vector<16xf32>
        %mul3A_1433 = arith.mulf %add3A_1430, %mul3A_1432 : vector<16xf32>
        %swap3A_1434 = arith.index_cast %add3A_1146 : i32 to index
        %swap3A_1435 = arith.constant 48 : index
        %swap3A_1436 = tpu.vector_load %arg21[%swap3A_1434, %swap3A_1435] {strides = array<i32>} : memref<16x128xf32, #tpu.memory_space<vmem>>, vector<1x16xf32>,
        %swap3A_1437 = vector.shape_cast %swap3A_1436 : vector<1x16xf32> to vector<16xf32>
        %swap3A_1438 = vector.shape_cast %mul3A_1433 : vector<16xf32> to vector<1x16xf32>
        tpu.vector_store %arg21[%swap3A_1434, %swap3A_1435], %swap3A_1438 {strides = array<i32>} : memref<16x128xf32, #tpu.memory_space<vmem>>, vector<1x16xf32>,
        %broadcast_in_dim3A_1439 = arith.constant 0.000000e+00 : f32
        %broadcast_in_dim3A_1440 = vector.broadcast %broadcast_in_dim3A_1439 : f32 to vector<16xf32>
        %broadcast_in_dim3A_1441 = arith.constant 0.000000e+00 : f32
        %broadcast_in_dim3A_1442 = vector.broadcast %broadcast_in_dim3A_1441 : f32 to vector<16xf32>
        %broadcast_in_dim3A_1443 = arith.constant 0.000000e+00 : f32
        %broadcast_in_dim3A_1444 = vector.broadcast %broadcast_in_dim3A_1443 : f32 to vector<16xf32>
        %broadcast_in_dim3A_1445 = arith.constant 0.000000e+00 : f32
        %broadcast_in_dim3A_1446 = vector.broadcast %broadcast_in_dim3A_1445 : f32 to vector<16xf32>
        %mul3A_1447 = arith.constant 48 : i32
        %mul3A_1448 = arith.muli %add3A_1146, %mul3A_1447 : i32
        %add3A_1449 = arith.constant 24 : i32
        %add3A_1450 = arith.addi %mul3A_1448, %add3A_1449 : i32
        %add3A_1451 = arith.constant 0 : i32
        %add3A_1452 = arith.addi %add3A_1450, %add3A_1451 : i32
        %get3A_1453 = arith.index_cast %add3A_1452 : i32 to index
        %get3A_1454 = arith.constant 0 : index
        %get3A_1455 = tpu.vector_load %arg20[%get3A_1453, %get3A_1454] {strides = array<i32>} : memref<768x16xf32, #tpu.memory_space<vmem>>, vector<1x16xf32>,
        %get3A_1456 = vector.shape_cast %get3A_1455 : vector<1x16xf32> to vector<16xf32>
        %add3A_1457 = arith.addf %broadcast_in_dim3A_1440, %get3A_1456 : vector<16xf32>
        %add3A_1458 = arith.constant 1 : i32
        %add3A_1459 = arith.addi %add3A_1450, %add3A_1458 : i32
        %get3A_1460 = arith.index_cast %add3A_1459 : i32 to index
        %get3A_1461 = arith.constant 0 : index
        %get3A_1462 = tpu.vector_load %arg20[%get3A_1460, %get3A_1461] {strides = array<i32>} : memref<768x16xf32, #tpu.memory_space<vmem>>, vector<1x16xf32>,
        %get3A_1463 = vector.shape_cast %get3A_1462 : vector<1x16xf32> to vector<16xf32>
        %add3A_1464 = arith.addf %broadcast_in_dim3A_1442, %get3A_1463 : vector<16xf32>
        %add3A_1465 = arith.constant 2 : i32
        %add3A_1466 = arith.addi %add3A_1450, %add3A_1465 : i32
        %get3A_1467 = arith.index_cast %add3A_1466 : i32 to index
        %get3A_1468 = arith.constant 0 : index
        %get3A_1469 = tpu.vector_load %arg20[%get3A_1467, %get3A_1468] {strides = array<i32>} : memref<768x16xf32, #tpu.memory_space<vmem>>, vector<1x16xf32>,
        %get3A_1470 = vector.shape_cast %get3A_1469 : vector<1x16xf32> to vector<16xf32>
        %add3A_1471 = arith.addf %broadcast_in_dim3A_1444, %get3A_1470 : vector<16xf32>
        %add3A_1472 = arith.constant 3 : i32
        %add3A_1473 = arith.addi %add3A_1450, %add3A_1472 : i32
        %get3A_1474 = arith.index_cast %add3A_1473 : i32 to index
        %get3A_1475 = arith.constant 0 : index
        %get3A_1476 = tpu.vector_load %arg20[%get3A_1474, %get3A_1475] {strides = array<i32>} : memref<768x16xf32, #tpu.memory_space<vmem>>, vector<1x16xf32>,
        %get3A_1477 = vector.shape_cast %get3A_1476 : vector<1x16xf32> to vector<16xf32>
        %add3A_1478 = arith.addf %broadcast_in_dim3A_1446, %get3A_1477 : vector<16xf32>
        %add3A_1479 = arith.constant 4 : i32
        %add3A_1480 = arith.addi %add3A_1450, %add3A_1479 : i32
        %get3A_1481 = arith.index_cast %add3A_1480 : i32 to index
        %get3A_1482 = arith.constant 0 : index
        %get3A_1483 = tpu.vector_load %arg20[%get3A_1481, %get3A_1482] {strides = array<i32>} : memref<768x16xf32, #tpu.memory_space<vmem>>, vector<1x16xf32>,
        %get3A_1484 = vector.shape_cast %get3A_1483 : vector<1x16xf32> to vector<16xf32>
        %add3A_1485 = arith.addf %add3A_1457, %get3A_1484 : vector<16xf32>
        %add3A_1486 = arith.constant 5 : i32
        %add3A_1487 = arith.addi %add3A_1450, %add3A_1486 : i32
        %get3A_1488 = arith.index_cast %add3A_1487 : i32 to index
        %get3A_1489 = arith.constant 0 : index
        %get3A_1490 = tpu.vector_load %arg20[%get3A_1488, %get3A_1489] {strides = array<i32>} : memref<768x16xf32, #tpu.memory_space<vmem>>, vector<1x16xf32>,
        %get3A_1491 = vector.shape_cast %get3A_1490 : vector<1x16xf32> to vector<16xf32>
        %add3A_1492 = arith.addf %add3A_1464, %get3A_1491 : vector<16xf32>
        %add3A_1493 = arith.constant 6 : i32
        %add3A_1494 = arith.addi %add3A_1450, %add3A_1493 : i32
        %get3A_1495 = arith.index_cast %add3A_1494 : i32 to index
        %get3A_1496 = arith.constant 0 : index
        %get3A_1497 = tpu.vector_load %arg20[%get3A_1495, %get3A_1496] {strides = array<i32>} : memref<768x16xf32, #tpu.memory_space<vmem>>, vector<1x16xf32>,
        %get3A_1498 = vector.shape_cast %get3A_1497 : vector<1x16xf32> to vector<16xf32>
        %add3A_1499 = arith.addf %add3A_1471, %get3A_1498 : vector<16xf32>
        %add3A_1500 = arith.constant 7 : i32
        %add3A_1501 = arith.addi %add3A_1450, %add3A_1500 : i32
        %get3A_1502 = arith.index_cast %add3A_1501 : i32 to index
        %get3A_1503 = arith.constant 0 : index
        %get3A_1504 = tpu.vector_load %arg20[%get3A_1502, %get3A_1503] {strides = array<i32>} : memref<768x16xf32, #tpu.memory_space<vmem>>, vector<1x16xf32>,
        %get3A_1505 = vector.shape_cast %get3A_1504 : vector<1x16xf32> to vector<16xf32>
        %add3A_1506 = arith.addf %add3A_1478, %get3A_1505 : vector<16xf32>
        %add3A_1507 = arith.constant 8 : i32
        %add3A_1508 = arith.addi %add3A_1450, %add3A_1507 : i32
        %get3A_1509 = arith.index_cast %add3A_1508 : i32 to index
        %get3A_1510 = arith.constant 0 : index
        %get3A_1511 = tpu.vector_load %arg20[%get3A_1509, %get3A_1510] {strides = array<i32>} : memref<768x16xf32, #tpu.memory_space<vmem>>, vector<1x16xf32>,
        %get3A_1512 = vector.shape_cast %get3A_1511 : vector<1x16xf32> to vector<16xf32>
        %add3A_1513 = arith.addf %add3A_1485, %get3A_1512 : vector<16xf32>
        %add3A_1514 = arith.constant 9 : i32
        %add3A_1515 = arith.addi %add3A_1450, %add3A_1514 : i32
        %get3A_1516 = arith.index_cast %add3A_1515 : i32 to index
        %get3A_1517 = arith.constant 0 : index
        %get3A_1518 = tpu.vector_load %arg20[%get3A_1516, %get3A_1517] {strides = array<i32>} : memref<768x16xf32, #tpu.memory_space<vmem>>, vector<1x16xf32>,
        %get3A_1519 = vector.shape_cast %get3A_1518 : vector<1x16xf32> to vector<16xf32>
        %add3A_1520 = arith.addf %add3A_1492, %get3A_1519 : vector<16xf32>
        %add3A_1521 = arith.constant 10 : i32
        %add3A_1522 = arith.addi %add3A_1450, %add3A_1521 : i32
        %get3A_1523 = arith.index_cast %add3A_1522 : i32 to index
        %get3A_1524 = arith.constant 0 : index
        %get3A_1525 = tpu.vector_load %arg20[%get3A_1523, %get3A_1524] {strides = array<i32>} : memref<768x16xf32, #tpu.memory_space<vmem>>, vector<1x16xf32>,
        %get3A_1526 = vector.shape_cast %get3A_1525 : vector<1x16xf32> to vector<16xf32>
        %add3A_1527 = arith.addf %add3A_1499, %get3A_1526 : vector<16xf32>
        %add3A_1528 = arith.constant 11 : i32
        %add3A_1529 = arith.addi %add3A_1450, %add3A_1528 : i32
        %get3A_1530 = arith.index_cast %add3A_1529 : i32 to index
        %get3A_1531 = arith.constant 0 : index
        %get3A_1532 = tpu.vector_load %arg20[%get3A_1530, %get3A_1531] {strides = array<i32>} : memref<768x16xf32, #tpu.memory_space<vmem>>, vector<1x16xf32>,
        %get3A_1533 = vector.shape_cast %get3A_1532 : vector<1x16xf32> to vector<16xf32>
        %add3A_1534 = arith.addf %add3A_1506, %get3A_1533 : vector<16xf32>
        %add3A_1535 = arith.constant 12 : i32
        %add3A_1536 = arith.addi %add3A_1450, %add3A_1535 : i32
        %get3A_1537 = arith.index_cast %add3A_1536 : i32 to index
        %get3A_1538 = arith.constant 0 : index
        %get3A_1539 = tpu.vector_load %arg20[%get3A_1537, %get3A_1538] {strides = array<i32>} : memref<768x16xf32, #tpu.memory_space<vmem>>, vector<1x16xf32>,
        %get3A_1540 = vector.shape_cast %get3A_1539 : vector<1x16xf32> to vector<16xf32>
        %add3A_1541 = arith.addf %add3A_1513, %get3A_1540 : vector<16xf32>
        %add3A_1542 = arith.constant 13 : i32
        %add3A_1543 = arith.addi %add3A_1450, %add3A_1542 : i32
        %get3A_1544 = arith.index_cast %add3A_1543 : i32 to index
        %get3A_1545 = arith.constant 0 : index
        %get3A_1546 = tpu.vector_load %arg20[%get3A_1544, %get3A_1545] {strides = array<i32>} : memref<768x16xf32, #tpu.memory_space<vmem>>, vector<1x16xf32>,
        %get3A_1547 = vector.shape_cast %get3A_1546 : vector<1x16xf32> to vector<16xf32>
        %add3A_1548 = arith.addf %add3A_1520, %get3A_1547 : vector<16xf32>
        %add3A_1549 = arith.constant 14 : i32
        %add3A_1550 = arith.addi %add3A_1450, %add3A_1549 : i32
        %get3A_1551 = arith.index_cast %add3A_1550 : i32 to index
        %get3A_1552 = arith.constant 0 : index
        %get3A_1553 = tpu.vector_load %arg20[%get3A_1551, %get3A_1552] {strides = array<i32>} : memref<768x16xf32, #tpu.memory_space<vmem>>, vector<1x16xf32>,
        %get3A_1554 = vector.shape_cast %get3A_1553 : vector<1x16xf32> to vector<16xf32>
        %add3A_1555 = arith.addf %add3A_1527, %get3A_1554 : vector<16xf32>
        %add3A_1556 = arith.constant 15 : i32
        %add3A_1557 = arith.addi %add3A_1450, %add3A_1556 : i32
        %get3A_1558 = arith.index_cast %add3A_1557 : i32 to index
        %get3A_1559 = arith.constant 0 : index
        %get3A_1560 = tpu.vector_load %arg20[%get3A_1558, %get3A_1559] {strides = array<i32>} : memref<768x16xf32, #tpu.memory_space<vmem>>, vector<1x16xf32>,
        %get3A_1561 = vector.shape_cast %get3A_1560 : vector<1x16xf32> to vector<16xf32>
        %add3A_1562 = arith.addf %add3A_1534, %get3A_1561 : vector<16xf32>
        %add3A_1563 = arith.constant 16 : i32
        %add3A_1564 = arith.addi %add3A_1450, %add3A_1563 : i32
        %get3A_1565 = arith.index_cast %add3A_1564 : i32 to index
        %get3A_1566 = arith.constant 0 : index
        %get3A_1567 = tpu.vector_load %arg20[%get3A_1565, %get3A_1566] {strides = array<i32>} : memref<768x16xf32, #tpu.memory_space<vmem>>, vector<1x16xf32>,
        %get3A_1568 = vector.shape_cast %get3A_1567 : vector<1x16xf32> to vector<16xf32>
        %add3A_1569 = arith.addf %add3A_1541, %get3A_1568 : vector<16xf32>
        %add3A_1570 = arith.constant 17 : i32
        %add3A_1571 = arith.addi %add3A_1450, %add3A_1570 : i32
        %get3A_1572 = arith.index_cast %add3A_1571 : i32 to index
        %get3A_1573 = arith.constant 0 : index
        %get3A_1574 = tpu.vector_load %arg20[%get3A_1572, %get3A_1573] {strides = array<i32>} : memref<768x16xf32, #tpu.memory_space<vmem>>, vector<1x16xf32>,
        %get3A_1575 = vector.shape_cast %get3A_1574 : vector<1x16xf32> to vector<16xf32>
        %add3A_1576 = arith.addf %add3A_1548, %get3A_1575 : vector<16xf32>
        %add3A_1577 = arith.constant 18 : i32
        %add3A_1578 = arith.addi %add3A_1450, %add3A_1577 : i32
        %get3A_1579 = arith.index_cast %add3A_1578 : i32 to index
        %get3A_1580 = arith.constant 0 : index
        %get3A_1581 = tpu.vector_load %arg20[%get3A_1579, %get3A_1580] {strides = array<i32>} : memref<768x16xf32, #tpu.memory_space<vmem>>, vector<1x16xf32>,
        %get3A_1582 = vector.shape_cast %get3A_1581 : vector<1x16xf32> to vector<16xf32>
        %add3A_1583 = arith.addf %add3A_1555, %get3A_1582 : vector<16xf32>
        %add3A_1584 = arith.constant 19 : i32
        %add3A_1585 = arith.addi %add3A_1450, %add3A_1584 : i32
        %get3A_1586 = arith.index_cast %add3A_1585 : i32 to index
        %get3A_1587 = arith.constant 0 : index
        %get3A_1588 = tpu.vector_load %arg20[%get3A_1586, %get3A_1587] {strides = array<i32>} : memref<768x16xf32, #tpu.memory_space<vmem>>, vector<1x16xf32>,
        %get3A_1589 = vector.shape_cast %get3A_1588 : vector<1x16xf32> to vector<16xf32>
        %add3A_1590 = arith.addf %add3A_1562, %get3A_1589 : vector<16xf32>
        %add3A_1591 = arith.addf %add3A_1569, %add3A_1576 : vector<16xf32>
        %add3A_1592 = arith.addf %add3A_1583, %add3A_1590 : vector<16xf32>
        %add3A_1593 = arith.addf %add3A_1591, %add3A_1592 : vector<16xf32>
        %mul3A_1594 = arith.constant 5.000000e-02 : f32
        %mul3A_1595 = vector.broadcast %mul3A_1594 : f32 to vector<16xf32>
        %mul3A_1596 = arith.mulf %add3A_1593, %mul3A_1595 : vector<16xf32>
        %swap3A_1597 = arith.index_cast %add3A_1146 : i32 to index
        %swap3A_1598 = arith.constant 112 : index
        %swap3A_1599 = tpu.vector_load %arg21[%swap3A_1597, %swap3A_1598] {strides = array<i32>} : memref<16x128xf32, #tpu.memory_space<vmem>>, vector<1x16xf32>,
        %swap3A_1600 = vector.shape_cast %swap3A_1599 : vector<1x16xf32> to vector<16xf32>
        %swap3A_1601 = vector.shape_cast %mul3A_1596 : vector<16xf32> to vector<1x16xf32>
        tpu.vector_store %arg21[%swap3A_1597, %swap3A_1598], %swap3A_1601 {strides = array<i32>} : memref<16x128xf32, #tpu.memory_space<vmem>>, vector<1x16xf32>,
        %scan3A_1602 = arith.constant 0 : i32
        scf.yield %scan3A_1602 : i32
      }
      %scan3A_334 = arith.constant 8 : i32
      "tpu.region"() ({
        %run_scoped3A = tpu.sem_alloc : memref<!tpu.dma_semaphore, #tpu.memory_space<semaphore_mem>>
        %dma_start3A_598 = arith.constant 0 : i32
        %dma_start3A_599 = tpu.memref_slice %arg10[%add3A_81, %dma_start3A_598] : memref<16384x128xf32, #tpu.memory_space<hbm>> -> memref<16x128xf32, #tpu.memory_space<hbm>>
        %dma_start3A_600 = arith.constant 0 : i32
        %dma_start3A_601 = tpu.memref_slice %arg10[%add3A_81, %dma_start3A_600] : memref<16384x128xf32, #tpu.memory_space<hbm>> -> memref<16x128xf32, #tpu.memory_space<hbm>>
        tpu.enqueue_dma source(%arg21 : memref<16x128xf32, #tpu.memory_space<vmem>>) target(%dma_start3A_601 : memref<16x128xf32, #tpu.memory_space<hbm>>) target_semaphore(%run_scoped3A : memref<!tpu.dma_semaphore, #tpu.memory_space<semaphore_mem>>)
        %dma_wait3A_602 = arith.constant 0 : i32
        %dma_wait3A_603 = tpu.memref_slice %arg10[%add3A_81, %dma_wait3A_602] : memref<16384x128xf32, #tpu.memory_space<hbm>> -> memref<16x128xf32, #tpu.memory_space<hbm>>
        %dma_wait3A_604 = arith.constant 0 : i32
        %dma_wait3A_605 = tpu.memref_slice %arg10[%add3A_81, %dma_wait3A_604] : memref<16384x128xf32, #tpu.memory_space<hbm>> -> memref<16x128xf32, #tpu.memory_space<hbm>>
        tpu.wait_dma2 semaphore(%run_scoped3A : memref<!tpu.dma_semaphore, #tpu.memory_space<semaphore_mem>>) src(%arg21 : memref<16x128xf32, #tpu.memory_space<vmem>>) dst(%dma_wait3A_605 : memref<16x128xf32, #tpu.memory_space<hbm>>)
        tpu.yield
      }) : () -> ()
      %mul3A_335 = arith.constant 2 : i32
      %mul3A_336 = arith.muli %mul3A_335, %scan3A_75 : i32
      %add3A_337 = arith.constant 1 : i32
      %add3A_338 = arith.addi %mul3A_336, %add3A_337 : i32
      %mul3A_339 = arith.constant 16 : i32
      %mul3A_340 = arith.muli %add3A_338, %mul3A_339 : i32
      %add3A_341 = arith.addi %mul3A_2, %mul3A_340 : i32
      %dma_wait3A_342 = arith.constant 1 : i32
      %dma_wait3A_343 = arith.constant 0 : i32
      %dma_wait3A_344 = arith.constant 0 : i32
      %dma_wait3A_345 = tpu.memref_slice %arg11[%dma_wait3A_342, %dma_wait3A_343, %dma_wait3A_344] : memref<2x16x200xi32, #tpu.memory_space<vmem>> -> memref<1x16x200xi32, #tpu.memory_space<vmem>>
      %dma_wait3A_346 = tpu.memref_squeeze %dma_wait3A_345 : memref<1x16x200xi32, #tpu.memory_space<vmem>> -> memref<16x200xi32, #tpu.memory_space<vmem>>
      %dma_wait3A_347 = arith.constant 0 : i32
      %dma_wait3A_348 = arith.constant 0 : i32
      %dma_wait3A_349 = tpu.memref_slice %arg2[%dma_wait3A_347, %dma_wait3A_348] : memref<16384x200xi32, #tpu.memory_space<hbm>> -> memref<16x200xi32, #tpu.memory_space<hbm>>
      %dma_wait3A_350 = arith.constant 0 : i32
      %dma_wait3A_351 = arith.constant 0 : i32
      %dma_wait3A_352 = tpu.memref_slice %arg11[%dma_wait3A_342, %dma_wait3A_350, %dma_wait3A_351] : memref<2x16x200xi32, #tpu.memory_space<vmem>> -> memref<1x16x200xi32, #tpu.memory_space<vmem>>
      %dma_wait3A_353 = tpu.memref_squeeze %dma_wait3A_352 : memref<1x16x200xi32, #tpu.memory_space<vmem>> -> memref<16x200xi32, #tpu.memory_space<vmem>>
      %dma_wait3A_354 = arith.constant 0 : i32
      %dma_wait3A_355 = arith.constant 0 : i32
      %dma_wait3A_356 = tpu.memref_slice %arg2[%dma_wait3A_354, %dma_wait3A_355] : memref<16384x200xi32, #tpu.memory_space<hbm>> -> memref<16x200xi32, #tpu.memory_space<hbm>>
      tpu.wait_dma2 semaphore(%arg28 : memref<!tpu.dma_semaphore, #tpu.memory_space<semaphore_mem>>) src(%dma_wait3A_356 : memref<16x200xi32, #tpu.memory_space<hbm>>) dst(%dma_wait3A_353 : memref<16x200xi32, #tpu.memory_space<vmem>>)
      %dma_wait3A_357 = arith.constant 1 : i32
      %dma_wait3A_358 = arith.constant 0 : i32
      %dma_wait3A_359 = arith.constant 0 : i32
      %dma_wait3A_360 = tpu.memref_slice %arg12[%dma_wait3A_357, %dma_wait3A_358, %dma_wait3A_359] : memref<2x16x200xi32, #tpu.memory_space<vmem>> -> memref<1x16x200xi32, #tpu.memory_space<vmem>>
      %dma_wait3A_361 = tpu.memref_squeeze %dma_wait3A_360 : memref<1x16x200xi32, #tpu.memory_space<vmem>> -> memref<16x200xi32, #tpu.memory_space<vmem>>
      %dma_wait3A_362 = arith.constant 0 : i32
      %dma_wait3A_363 = arith.constant 0 : i32
      %dma_wait3A_364 = tpu.memref_slice %arg3[%dma_wait3A_362, %dma_wait3A_363] : memref<16384x200xi32, #tpu.memory_space<hbm>> -> memref<16x200xi32, #tpu.memory_space<hbm>>
      %dma_wait3A_365 = arith.constant 0 : i32
      %dma_wait3A_366 = arith.constant 0 : i32
      %dma_wait3A_367 = tpu.memref_slice %arg12[%dma_wait3A_357, %dma_wait3A_365, %dma_wait3A_366] : memref<2x16x200xi32, #tpu.memory_space<vmem>> -> memref<1x16x200xi32, #tpu.memory_space<vmem>>
      %dma_wait3A_368 = tpu.memref_squeeze %dma_wait3A_367 : memref<1x16x200xi32, #tpu.memory_space<vmem>> -> memref<16x200xi32, #tpu.memory_space<vmem>>
      %dma_wait3A_369 = arith.constant 0 : i32
      %dma_wait3A_370 = arith.constant 0 : i32
      %dma_wait3A_371 = tpu.memref_slice %arg3[%dma_wait3A_369, %dma_wait3A_370] : memref<16384x200xi32, #tpu.memory_space<hbm>> -> memref<16x200xi32, #tpu.memory_space<hbm>>
      tpu.wait_dma2 semaphore(%arg28 : memref<!tpu.dma_semaphore, #tpu.memory_space<semaphore_mem>>) src(%dma_wait3A_371 : memref<16x200xi32, #tpu.memory_space<hbm>>) dst(%dma_wait3A_368 : memref<16x200xi32, #tpu.memory_space<vmem>>)
      %dma_wait3A_372 = arith.constant 1 : i32
      %dma_wait3A_373 = arith.constant 0 : i32
      %dma_wait3A_374 = arith.constant 0 : i32
      %dma_wait3A_375 = tpu.memref_slice %arg14[%dma_wait3A_372, %dma_wait3A_373, %dma_wait3A_374] : memref<2x16x200xi32, #tpu.memory_space<vmem>> -> memref<1x16x200xi32, #tpu.memory_space<vmem>>
      %dma_wait3A_376 = tpu.memref_squeeze %dma_wait3A_375 : memref<1x16x200xi32, #tpu.memory_space<vmem>> -> memref<16x200xi32, #tpu.memory_space<vmem>>
      %dma_wait3A_377 = arith.constant 0 : i32
      %dma_wait3A_378 = arith.constant 0 : i32
      %dma_wait3A_379 = tpu.memref_slice %arg5[%dma_wait3A_377, %dma_wait3A_378] : memref<16384x200xi32, #tpu.memory_space<hbm>> -> memref<16x200xi32, #tpu.memory_space<hbm>>
      %dma_wait3A_380 = arith.constant 0 : i32
      %dma_wait3A_381 = arith.constant 0 : i32
      %dma_wait3A_382 = tpu.memref_slice %arg14[%dma_wait3A_372, %dma_wait3A_380, %dma_wait3A_381] : memref<2x16x200xi32, #tpu.memory_space<vmem>> -> memref<1x16x200xi32, #tpu.memory_space<vmem>>
      %dma_wait3A_383 = tpu.memref_squeeze %dma_wait3A_382 : memref<1x16x200xi32, #tpu.memory_space<vmem>> -> memref<16x200xi32, #tpu.memory_space<vmem>>
      %dma_wait3A_384 = arith.constant 0 : i32
      %dma_wait3A_385 = arith.constant 0 : i32
      %dma_wait3A_386 = tpu.memref_slice %arg5[%dma_wait3A_384, %dma_wait3A_385] : memref<16384x200xi32, #tpu.memory_space<hbm>> -> memref<16x200xi32, #tpu.memory_space<hbm>>
      tpu.wait_dma2 semaphore(%arg28 : memref<!tpu.dma_semaphore, #tpu.memory_space<semaphore_mem>>) src(%dma_wait3A_386 : memref<16x200xi32, #tpu.memory_space<hbm>>) dst(%dma_wait3A_383 : memref<16x200xi32, #tpu.memory_space<vmem>>)
      %dma_wait3A_387 = arith.constant 1 : i32
      %dma_wait3A_388 = arith.constant 0 : i32
      %dma_wait3A_389 = arith.constant 0 : i32
      %dma_wait3A_390 = tpu.memref_slice %arg15[%dma_wait3A_387, %dma_wait3A_388, %dma_wait3A_389] : memref<2x16x200xi32, #tpu.memory_space<vmem>> -> memref<1x16x200xi32, #tpu.memory_space<vmem>>
      %dma_wait3A_391 = tpu.memref_squeeze %dma_wait3A_390 : memref<1x16x200xi32, #tpu.memory_space<vmem>> -> memref<16x200xi32, #tpu.memory_space<vmem>>
      %dma_wait3A_392 = arith.constant 0 : i32
      %dma_wait3A_393 = arith.constant 0 : i32
      %dma_wait3A_394 = tpu.memref_slice %arg6[%dma_wait3A_392, %dma_wait3A_393] : memref<16384x200xi32, #tpu.memory_space<hbm>> -> memref<16x200xi32, #tpu.memory_space<hbm>>
      %dma_wait3A_395 = arith.constant 0 : i32
      %dma_wait3A_396 = arith.constant 0 : i32
      %dma_wait3A_397 = tpu.memref_slice %arg15[%dma_wait3A_387, %dma_wait3A_395, %dma_wait3A_396] : memref<2x16x200xi32, #tpu.memory_space<vmem>> -> memref<1x16x200xi32, #tpu.memory_space<vmem>>
      %dma_wait3A_398 = tpu.memref_squeeze %dma_wait3A_397 : memref<1x16x200xi32, #tpu.memory_space<vmem>> -> memref<16x200xi32, #tpu.memory_space<vmem>>
      %dma_wait3A_399 = arith.constant 0 : i32
      %dma_wait3A_400 = arith.constant 0 : i32
      %dma_wait3A_401 = tpu.memref_slice %arg6[%dma_wait3A_399, %dma_wait3A_400] : memref<16384x200xi32, #tpu.memory_space<hbm>> -> memref<16x200xi32, #tpu.memory_space<hbm>>
      tpu.wait_dma2 semaphore(%arg28 : memref<!tpu.dma_semaphore, #tpu.memory_space<semaphore_mem>>) src(%dma_wait3A_401 : memref<16x200xi32, #tpu.memory_space<hbm>>) dst(%dma_wait3A_398 : memref<16x200xi32, #tpu.memory_space<vmem>>)
      %dma_wait3A_402 = arith.constant 1 : i32
      %dma_wait3A_403 = arith.constant 0 : i32
      %dma_wait3A_404 = tpu.memref_slice %arg13[%dma_wait3A_402, %dma_wait3A_403] : memref<2x768xi32, #tpu.memory_space<vmem>> -> memref<1x768xi32, #tpu.memory_space<vmem>>
      %dma_wait3A_405 = tpu.memref_squeeze %dma_wait3A_404 : memref<1x768xi32, #tpu.memory_space<vmem>> -> memref<768xi32, #tpu.memory_space<vmem>>
      %dma_wait3A_406 = arith.constant 0 : i32
      %dma_wait3A_407 = tpu.memref_slice %arg4[%dma_wait3A_406] : memref<786432xi32, #tpu.memory_space<hbm>> -> memref<768xi32, #tpu.memory_space<hbm>>
      %dma_wait3A_408 = arith.constant 0 : i32
      %dma_wait3A_409 = tpu.memref_slice %arg13[%dma_wait3A_402, %dma_wait3A_408] : memref<2x768xi32, #tpu.memory_space<vmem>> -> memref<1x768xi32, #tpu.memory_space<vmem>>
      %dma_wait3A_410 = tpu.memref_squeeze %dma_wait3A_409 : memref<1x768xi32, #tpu.memory_space<vmem>> -> memref<768xi32, #tpu.memory_space<vmem>>
      %dma_wait3A_411 = arith.constant 0 : i32
      %dma_wait3A_412 = tpu.memref_slice %arg4[%dma_wait3A_411] : memref<786432xi32, #tpu.memory_space<hbm>> -> memref<768xi32, #tpu.memory_space<hbm>>
      tpu.wait_dma2 semaphore(%arg28 : memref<!tpu.dma_semaphore, #tpu.memory_space<semaphore_mem>>) src(%dma_wait3A_412 : memref<768xi32, #tpu.memory_space<hbm>>) dst(%dma_wait3A_410 : memref<768xi32, #tpu.memory_space<vmem>>)
      %dma_start3A_413 = arith.constant 1 : i32
      %dma_start3A_414 = arith.constant 0 : i32
      %dma_start3A_415 = arith.constant 0 : i32
      %dma_start3A_416 = tpu.memref_slice %arg20[%dma_start3A_414, %dma_start3A_415] : memref<768x16xf32, #tpu.memory_space<vmem>> -> memref<128x16xf32, #tpu.memory_space<vmem>>
      %dma_start3A_417 = arith.constant 0 : i32
      %dma_start3A_418 = tpu.memref_slice %arg13[%dma_start3A_413, %dma_start3A_417] : memref<2x768xi32, #tpu.memory_space<vmem>> -> memref<1x128xi32, #tpu.memory_space<vmem>>
      %dma_start3A_419 = tpu.memref_squeeze %dma_start3A_418 : memref<1x128xi32, #tpu.memory_space<vmem>> -> memref<128xi32, #tpu.memory_space<vmem>>
      %dma_start3A_420 = arith.constant 0 : i32
      %dma_start3A_421 = arith.constant 0 : i32
      %dma_start3A_422 = tpu.memref_slice %arg24[%dma_start3A_420, %dma_start3A_421] : memref<30x16xf32, #tpu.memory_space<vmem_shared>> -> memref<30x16xf32, #tpu.memory_space<vmem_shared>>
      tpu.enqueue_indirect_dma source(%dma_start3A_422 : memref<30x16xf32, #tpu.memory_space<vmem_shared>>) target(%dma_start3A_416 : memref<128x16xf32, #tpu.memory_space<vmem>>) offsets(%dma_start3A_419 : memref<128xi32, #tpu.memory_space<vmem>>) semaphore(%arg29 : memref<!tpu.dma_semaphore, #tpu.memory_space<semaphore_mem>>)
      %dma_start3A_423 = arith.constant 1 : i32
      %dma_start3A_424 = arith.constant 128 : i32
      %dma_start3A_425 = arith.constant 0 : i32
      %dma_start3A_426 = tpu.memref_slice %arg20[%dma_start3A_424, %dma_start3A_425] : memref<768x16xf32, #tpu.memory_space<vmem>> -> memref<128x16xf32, #tpu.memory_space<vmem>>
      %dma_start3A_427 = arith.constant 128 : i32
      %dma_start3A_428 = tpu.memref_slice %arg13[%dma_start3A_423, %dma_start3A_427] : memref<2x768xi32, #tpu.memory_space<vmem>> -> memref<1x128xi32, #tpu.memory_space<vmem>>
      %dma_start3A_429 = tpu.memref_squeeze %dma_start3A_428 : memref<1x128xi32, #tpu.memory_space<vmem>> -> memref<128xi32, #tpu.memory_space<vmem>>
      %dma_start3A_430 = arith.constant 0 : i32
      %dma_start3A_431 = arith.constant 0 : i32
      %dma_start3A_432 = tpu.memref_slice %arg24[%dma_start3A_430, %dma_start3A_431] : memref<30x16xf32, #tpu.memory_space<vmem_shared>> -> memref<30x16xf32, #tpu.memory_space<vmem_shared>>
      tpu.enqueue_indirect_dma source(%dma_start3A_432 : memref<30x16xf32, #tpu.memory_space<vmem_shared>>) target(%dma_start3A_426 : memref<128x16xf32, #tpu.memory_space<vmem>>) offsets(%dma_start3A_429 : memref<128xi32, #tpu.memory_space<vmem>>) semaphore(%arg29 : memref<!tpu.dma_semaphore, #tpu.memory_space<semaphore_mem>>)
      %dma_start3A_433 = arith.constant 1 : i32
      %dma_start3A_434 = arith.constant 256 : i32
      %dma_start3A_435 = arith.constant 0 : i32
      %dma_start3A_436 = tpu.memref_slice %arg20[%dma_start3A_434, %dma_start3A_435] : memref<768x16xf32, #tpu.memory_space<vmem>> -> memref<128x16xf32, #tpu.memory_space<vmem>>
      %dma_start3A_437 = arith.constant 256 : i32
      %dma_start3A_438 = tpu.memref_slice %arg13[%dma_start3A_433, %dma_start3A_437] : memref<2x768xi32, #tpu.memory_space<vmem>> -> memref<1x128xi32, #tpu.memory_space<vmem>>
      %dma_start3A_439 = tpu.memref_squeeze %dma_start3A_438 : memref<1x128xi32, #tpu.memory_space<vmem>> -> memref<128xi32, #tpu.memory_space<vmem>>
      %dma_start3A_440 = arith.constant 0 : i32
      %dma_start3A_441 = arith.constant 0 : i32
      %dma_start3A_442 = tpu.memref_slice %arg24[%dma_start3A_440, %dma_start3A_441] : memref<30x16xf32, #tpu.memory_space<vmem_shared>> -> memref<30x16xf32, #tpu.memory_space<vmem_shared>>
      tpu.enqueue_indirect_dma source(%dma_start3A_442 : memref<30x16xf32, #tpu.memory_space<vmem_shared>>) target(%dma_start3A_436 : memref<128x16xf32, #tpu.memory_space<vmem>>) offsets(%dma_start3A_439 : memref<128xi32, #tpu.memory_space<vmem>>) semaphore(%arg29 : memref<!tpu.dma_semaphore, #tpu.memory_space<semaphore_mem>>)
      %dma_start3A_443 = arith.constant 1 : i32
      %dma_start3A_444 = arith.constant 384 : i32
      %dma_start3A_445 = arith.constant 0 : i32
      %dma_start3A_446 = tpu.memref_slice %arg20[%dma_start3A_444, %dma_start3A_445] : memref<768x16xf32, #tpu.memory_space<vmem>> -> memref<128x16xf32, #tpu.memory_space<vmem>>
      %dma_start3A_447 = arith.constant 384 : i32
      %dma_start3A_448 = tpu.memref_slice %arg13[%dma_start3A_443, %dma_start3A_447] : memref<2x768xi32, #tpu.memory_space<vmem>> -> memref<1x128xi32, #tpu.memory_space<vmem>>
      %dma_start3A_449 = tpu.memref_squeeze %dma_start3A_448 : memref<1x128xi32, #tpu.memory_space<vmem>> -> memref<128xi32, #tpu.memory_space<vmem>>
      %dma_start3A_450 = arith.constant 0 : i32
      %dma_start3A_451 = arith.constant 0 : i32
      %dma_start3A_452 = tpu.memref_slice %arg24[%dma_start3A_450, %dma_start3A_451] : memref<30x16xf32, #tpu.memory_space<vmem_shared>> -> memref<30x16xf32, #tpu.memory_space<vmem_shared>>
      tpu.enqueue_indirect_dma source(%dma_start3A_452 : memref<30x16xf32, #tpu.memory_space<vmem_shared>>) target(%dma_start3A_446 : memref<128x16xf32, #tpu.memory_space<vmem>>) offsets(%dma_start3A_449 : memref<128xi32, #tpu.memory_space<vmem>>) semaphore(%arg29 : memref<!tpu.dma_semaphore, #tpu.memory_space<semaphore_mem>>)
      %dma_start3A_453 = arith.constant 1 : i32
      %dma_start3A_454 = arith.constant 512 : i32
      %dma_start3A_455 = arith.constant 0 : i32
      %dma_start3A_456 = tpu.memref_slice %arg20[%dma_start3A_454, %dma_start3A_455] : memref<768x16xf32, #tpu.memory_space<vmem>> -> memref<128x16xf32, #tpu.memory_space<vmem>>
      %dma_start3A_457 = arith.constant 512 : i32
      %dma_start3A_458 = tpu.memref_slice %arg13[%dma_start3A_453, %dma_start3A_457] : memref<2x768xi32, #tpu.memory_space<vmem>> -> memref<1x128xi32, #tpu.memory_space<vmem>>
      %dma_start3A_459 = tpu.memref_squeeze %dma_start3A_458 : memref<1x128xi32, #tpu.memory_space<vmem>> -> memref<128xi32, #tpu.memory_space<vmem>>
      %dma_start3A_460 = arith.constant 0 : i32
      %dma_start3A_461 = arith.constant 0 : i32
      %dma_start3A_462 = tpu.memref_slice %arg24[%dma_start3A_460, %dma_start3A_461] : memref<30x16xf32, #tpu.memory_space<vmem_shared>> -> memref<30x16xf32, #tpu.memory_space<vmem_shared>>
      tpu.enqueue_indirect_dma source(%dma_start3A_462 : memref<30x16xf32, #tpu.memory_space<vmem_shared>>) target(%dma_start3A_456 : memref<128x16xf32, #tpu.memory_space<vmem>>) offsets(%dma_start3A_459 : memref<128xi32, #tpu.memory_space<vmem>>) semaphore(%arg29 : memref<!tpu.dma_semaphore, #tpu.memory_space<semaphore_mem>>)
      %dma_start3A_463 = arith.constant 1 : i32
      %dma_start3A_464 = arith.constant 640 : i32
      %dma_start3A_465 = arith.constant 0 : i32
      %dma_start3A_466 = tpu.memref_slice %arg20[%dma_start3A_464, %dma_start3A_465] : memref<768x16xf32, #tpu.memory_space<vmem>> -> memref<128x16xf32, #tpu.memory_space<vmem>>
      %dma_start3A_467 = arith.constant 640 : i32
      %dma_start3A_468 = tpu.memref_slice %arg13[%dma_start3A_463, %dma_start3A_467] : memref<2x768xi32, #tpu.memory_space<vmem>> -> memref<1x128xi32, #tpu.memory_space<vmem>>
      %dma_start3A_469 = tpu.memref_squeeze %dma_start3A_468 : memref<1x128xi32, #tpu.memory_space<vmem>> -> memref<128xi32, #tpu.memory_space<vmem>>
      %dma_start3A_470 = arith.constant 0 : i32
      %dma_start3A_471 = arith.constant 0 : i32
      %dma_start3A_472 = tpu.memref_slice %arg24[%dma_start3A_470, %dma_start3A_471] : memref<30x16xf32, #tpu.memory_space<vmem_shared>> -> memref<30x16xf32, #tpu.memory_space<vmem_shared>>
      tpu.enqueue_indirect_dma source(%dma_start3A_472 : memref<30x16xf32, #tpu.memory_space<vmem_shared>>) target(%dma_start3A_466 : memref<128x16xf32, #tpu.memory_space<vmem>>) offsets(%dma_start3A_469 : memref<128xi32, #tpu.memory_space<vmem>>) semaphore(%arg29 : memref<!tpu.dma_semaphore, #tpu.memory_space<semaphore_mem>>)
      %add3A_473 = arith.constant 1 : i32
      %add3A_474 = arith.addi %add3A_338, %add3A_473 : i32
      %lt3A_475 = arith.constant 32 : i32
      %lt3A_476 = arith.cmpi slt, %add3A_474, %lt3A_475 : i32
      %convert_element_type3A_477 = arith.extui %lt3A_476 : i1 to i32
      %cond3A_478 = arith.constant 0 : i32
      %cond3A_479 = arith.cmpi ne, %convert_element_type3A_477, %cond3A_478 : i32
      scf.if %cond3A_479 {
        %add3A_598 = arith.constant 1 : i32
        %add3A_599 = arith.addi %add3A_338, %add3A_598 : i32
        %mul3A_600 = arith.constant 16 : i32
        %mul3A_601 = arith.muli %add3A_599, %mul3A_600 : i32
        %add3A_602 = arith.addi %mul3A_2, %mul3A_601 : i32
        %dma_start3A_603 = arith.constant 0 : i32
        %dma_start3A_604 = arith.constant 0 : i32
        %dma_start3A_605 = arith.constant 0 : i32
        %dma_start3A_606 = tpu.memref_slice %arg11[%dma_start3A_603, %dma_start3A_604, %dma_start3A_605] : memref<2x16x200xi32, #tpu.memory_space<vmem>> -> memref<1x16x200xi32, #tpu.memory_space<vmem>>
        %dma_start3A_607 = tpu.memref_squeeze %dma_start3A_606 : memref<1x16x200xi32, #tpu.memory_space<vmem>> -> memref<16x200xi32, #tpu.memory_space<vmem>>
        %dma_start3A_608 = arith.constant 0 : i32
        %dma_start3A_609 = tpu.memref_slice %arg2[%add3A_602, %dma_start3A_608] : memref<16384x200xi32, #tpu.memory_space<hbm>> -> memref<16x200xi32, #tpu.memory_space<hbm>>
        %dma_start3A_610 = arith.constant 0 : i32
        %dma_start3A_611 = arith.constant 0 : i32
        %dma_start3A_612 = tpu.memref_slice %arg11[%dma_start3A_603, %dma_start3A_610, %dma_start3A_611] : memref<2x16x200xi32, #tpu.memory_space<vmem>> -> memref<1x16x200xi32, #tpu.memory_space<vmem>>
        %dma_start3A_613 = tpu.memref_squeeze %dma_start3A_612 : memref<1x16x200xi32, #tpu.memory_space<vmem>> -> memref<16x200xi32, #tpu.memory_space<vmem>>
        %dma_start3A_614 = arith.constant 0 : i32
        %dma_start3A_615 = tpu.memref_slice %arg2[%add3A_602, %dma_start3A_614] : memref<16384x200xi32, #tpu.memory_space<hbm>> -> memref<16x200xi32, #tpu.memory_space<hbm>>
        tpu.enqueue_dma source(%dma_start3A_615 : memref<16x200xi32, #tpu.memory_space<hbm>>) target(%dma_start3A_613 : memref<16x200xi32, #tpu.memory_space<vmem>>) target_semaphore(%arg27 : memref<!tpu.dma_semaphore, #tpu.memory_space<semaphore_mem>>)
        %dma_start3A_616 = arith.constant 0 : i32
        %dma_start3A_617 = arith.constant 0 : i32
        %dma_start3A_618 = arith.constant 0 : i32
        %dma_start3A_619 = tpu.memref_slice %arg12[%dma_start3A_616, %dma_start3A_617, %dma_start3A_618] : memref<2x16x200xi32, #tpu.memory_space<vmem>> -> memref<1x16x200xi32, #tpu.memory_space<vmem>>
        %dma_start3A_620 = tpu.memref_squeeze %dma_start3A_619 : memref<1x16x200xi32, #tpu.memory_space<vmem>> -> memref<16x200xi32, #tpu.memory_space<vmem>>
        %dma_start3A_621 = arith.constant 0 : i32
        %dma_start3A_622 = tpu.memref_slice %arg3[%add3A_602, %dma_start3A_621] : memref<16384x200xi32, #tpu.memory_space<hbm>> -> memref<16x200xi32, #tpu.memory_space<hbm>>
        %dma_start3A_623 = arith.constant 0 : i32
        %dma_start3A_624 = arith.constant 0 : i32
        %dma_start3A_625 = tpu.memref_slice %arg12[%dma_start3A_616, %dma_start3A_623, %dma_start3A_624] : memref<2x16x200xi32, #tpu.memory_space<vmem>> -> memref<1x16x200xi32, #tpu.memory_space<vmem>>
        %dma_start3A_626 = tpu.memref_squeeze %dma_start3A_625 : memref<1x16x200xi32, #tpu.memory_space<vmem>> -> memref<16x200xi32, #tpu.memory_space<vmem>>
        %dma_start3A_627 = arith.constant 0 : i32
        %dma_start3A_628 = tpu.memref_slice %arg3[%add3A_602, %dma_start3A_627] : memref<16384x200xi32, #tpu.memory_space<hbm>> -> memref<16x200xi32, #tpu.memory_space<hbm>>
        tpu.enqueue_dma source(%dma_start3A_628 : memref<16x200xi32, #tpu.memory_space<hbm>>) target(%dma_start3A_626 : memref<16x200xi32, #tpu.memory_space<vmem>>) target_semaphore(%arg27 : memref<!tpu.dma_semaphore, #tpu.memory_space<semaphore_mem>>)
        %dma_start3A_629 = arith.constant 0 : i32
        %dma_start3A_630 = arith.constant 0 : i32
        %dma_start3A_631 = arith.constant 0 : i32
        %dma_start3A_632 = tpu.memref_slice %arg14[%dma_start3A_629, %dma_start3A_630, %dma_start3A_631] : memref<2x16x200xi32, #tpu.memory_space<vmem>> -> memref<1x16x200xi32, #tpu.memory_space<vmem>>
        %dma_start3A_633 = tpu.memref_squeeze %dma_start3A_632 : memref<1x16x200xi32, #tpu.memory_space<vmem>> -> memref<16x200xi32, #tpu.memory_space<vmem>>
        %dma_start3A_634 = arith.constant 0 : i32
        %dma_start3A_635 = tpu.memref_slice %arg5[%add3A_602, %dma_start3A_634] : memref<16384x200xi32, #tpu.memory_space<hbm>> -> memref<16x200xi32, #tpu.memory_space<hbm>>
        %dma_start3A_636 = arith.constant 0 : i32
        %dma_start3A_637 = arith.constant 0 : i32
        %dma_start3A_638 = tpu.memref_slice %arg14[%dma_start3A_629, %dma_start3A_636, %dma_start3A_637] : memref<2x16x200xi32, #tpu.memory_space<vmem>> -> memref<1x16x200xi32, #tpu.memory_space<vmem>>
        %dma_start3A_639 = tpu.memref_squeeze %dma_start3A_638 : memref<1x16x200xi32, #tpu.memory_space<vmem>> -> memref<16x200xi32, #tpu.memory_space<vmem>>
        %dma_start3A_640 = arith.constant 0 : i32
        %dma_start3A_641 = tpu.memref_slice %arg5[%add3A_602, %dma_start3A_640] : memref<16384x200xi32, #tpu.memory_space<hbm>> -> memref<16x200xi32, #tpu.memory_space<hbm>>
        tpu.enqueue_dma source(%dma_start3A_641 : memref<16x200xi32, #tpu.memory_space<hbm>>) target(%dma_start3A_639 : memref<16x200xi32, #tpu.memory_space<vmem>>) target_semaphore(%arg27 : memref<!tpu.dma_semaphore, #tpu.memory_space<semaphore_mem>>)
        %dma_start3A_642 = arith.constant 0 : i32
        %dma_start3A_643 = arith.constant 0 : i32
        %dma_start3A_644 = arith.constant 0 : i32
        %dma_start3A_645 = tpu.memref_slice %arg15[%dma_start3A_642, %dma_start3A_643, %dma_start3A_644] : memref<2x16x200xi32, #tpu.memory_space<vmem>> -> memref<1x16x200xi32, #tpu.memory_space<vmem>>
        %dma_start3A_646 = tpu.memref_squeeze %dma_start3A_645 : memref<1x16x200xi32, #tpu.memory_space<vmem>> -> memref<16x200xi32, #tpu.memory_space<vmem>>
        %dma_start3A_647 = arith.constant 0 : i32
        %dma_start3A_648 = tpu.memref_slice %arg6[%add3A_602, %dma_start3A_647] : memref<16384x200xi32, #tpu.memory_space<hbm>> -> memref<16x200xi32, #tpu.memory_space<hbm>>
        %dma_start3A_649 = arith.constant 0 : i32
        %dma_start3A_650 = arith.constant 0 : i32
        %dma_start3A_651 = tpu.memref_slice %arg15[%dma_start3A_642, %dma_start3A_649, %dma_start3A_650] : memref<2x16x200xi32, #tpu.memory_space<vmem>> -> memref<1x16x200xi32, #tpu.memory_space<vmem>>
        %dma_start3A_652 = tpu.memref_squeeze %dma_start3A_651 : memref<1x16x200xi32, #tpu.memory_space<vmem>> -> memref<16x200xi32, #tpu.memory_space<vmem>>
        %dma_start3A_653 = arith.constant 0 : i32
        %dma_start3A_654 = tpu.memref_slice %arg6[%add3A_602, %dma_start3A_653] : memref<16384x200xi32, #tpu.memory_space<hbm>> -> memref<16x200xi32, #tpu.memory_space<hbm>>
        tpu.enqueue_dma source(%dma_start3A_654 : memref<16x200xi32, #tpu.memory_space<hbm>>) target(%dma_start3A_652 : memref<16x200xi32, #tpu.memory_space<vmem>>) target_semaphore(%arg27 : memref<!tpu.dma_semaphore, #tpu.memory_space<semaphore_mem>>)
        %mul3A_655 = arith.constant 48 : i32
        %mul3A_656 = arith.muli %add3A_602, %mul3A_655 : i32
        %dma_start3A_657 = arith.constant 0 : i32
        %dma_start3A_658 = arith.constant 0 : i32
        %dma_start3A_659 = tpu.memref_slice %arg13[%dma_start3A_657, %dma_start3A_658] : memref<2x768xi32, #tpu.memory_space<vmem>> -> memref<1x768xi32, #tpu.memory_space<vmem>>
        %dma_start3A_660 = tpu.memref_squeeze %dma_start3A_659 : memref<1x768xi32, #tpu.memory_space<vmem>> -> memref<768xi32, #tpu.memory_space<vmem>>
        %dma_start3A_661 = tpu.memref_slice %arg4[%mul3A_656] : memref<786432xi32, #tpu.memory_space<hbm>> -> memref<768xi32, #tpu.memory_space<hbm>>
        %dma_start3A_662 = arith.constant 0 : i32
        %dma_start3A_663 = tpu.memref_slice %arg13[%dma_start3A_657, %dma_start3A_662] : memref<2x768xi32, #tpu.memory_space<vmem>> -> memref<1x768xi32, #tpu.memory_space<vmem>>
        %dma_start3A_664 = tpu.memref_squeeze %dma_start3A_663 : memref<1x768xi32, #tpu.memory_space<vmem>> -> memref<768xi32, #tpu.memory_space<vmem>>
        %dma_start3A_665 = tpu.memref_slice %arg4[%mul3A_656] : memref<786432xi32, #tpu.memory_space<hbm>> -> memref<768xi32, #tpu.memory_space<hbm>>
        tpu.enqueue_dma source(%dma_start3A_665 : memref<768xi32, #tpu.memory_space<hbm>>) target(%dma_start3A_664 : memref<768xi32, #tpu.memory_space<vmem>>) target_semaphore(%arg27 : memref<!tpu.dma_semaphore, #tpu.memory_space<semaphore_mem>>)
      } else {
      }
      %dma_start3A_480 = arith.constant 1 : i32
      %dma_start3A_481 = arith.constant 0 : i32
      %dma_start3A_482 = arith.constant 0 : i32
      %dma_start3A_483 = arith.constant 0 : i32
      %dma_start3A_484 = arith.constant 0 : i32
      %dma_start3A_485 = tpu.memref_slice %arg16[%dma_start3A_482, %dma_start3A_483, %dma_start3A_484] : memref<2x200x32xf32, #tpu.memory_space<vmem>> -> memref<1x128x32xf32, #tpu.memory_space<vmem>>
      %dma_start3A_486 = tpu.memref_squeeze %dma_start3A_485 : memref<1x128x32xf32, #tpu.memory_space<vmem>> -> memref<128x32xf32, #tpu.memory_space<vmem>>
      %dma_start3A_487 = arith.constant 0 : i32
      %dma_start3A_488 = tpu.memref_slice %arg11[%dma_start3A_480, %dma_start3A_481, %dma_start3A_487] : memref<2x16x200xi32, #tpu.memory_space<vmem>> -> memref<1x1x128xi32, #tpu.memory_space<vmem>>
      %dma_start3A_489 = tpu.memref_squeeze %dma_start3A_488 : memref<1x1x128xi32, #tpu.memory_space<vmem>> -> memref<128xi32, #tpu.memory_space<vmem>>
      %dma_start3A_490 = arith.constant 0 : i32
      %dma_start3A_491 = arith.constant 0 : i32
      %dma_start3A_492 = tpu.memref_slice %arg22[%dma_start3A_490, %dma_start3A_491] : memref<13752x32xf32, #tpu.memory_space<vmem_shared>> -> memref<13752x32xf32, #tpu.memory_space<vmem_shared>>
      tpu.enqueue_indirect_dma source(%dma_start3A_492 : memref<13752x32xf32, #tpu.memory_space<vmem_shared>>) target(%dma_start3A_486 : memref<128x32xf32, #tpu.memory_space<vmem>>) offsets(%dma_start3A_489 : memref<128xi32, #tpu.memory_space<vmem>>) semaphore(%arg25 : memref<!tpu.dma_semaphore, #tpu.memory_space<semaphore_mem>>)
      %dma_start3A_493 = arith.constant 1 : i32
      %dma_start3A_494 = arith.constant 0 : i32
      %dma_start3A_495 = arith.constant 0 : i32
      %dma_start3A_496 = arith.constant 128 : i32
      %dma_start3A_497 = arith.constant 0 : i32
      %dma_start3A_498 = tpu.memref_slice %arg16[%dma_start3A_495, %dma_start3A_496, %dma_start3A_497] : memref<2x200x32xf32, #tpu.memory_space<vmem>> -> memref<1x72x32xf32, #tpu.memory_space<vmem>>
      %dma_start3A_499 = tpu.memref_squeeze %dma_start3A_498 : memref<1x72x32xf32, #tpu.memory_space<vmem>> -> memref<72x32xf32, #tpu.memory_space<vmem>>
      %dma_start3A_500 = arith.constant 128 : i32
      %dma_start3A_501 = tpu.memref_slice %arg11[%dma_start3A_493, %dma_start3A_494, %dma_start3A_500] : memref<2x16x200xi32, #tpu.memory_space<vmem>> -> memref<1x1x72xi32, #tpu.memory_space<vmem>>
      %dma_start3A_502 = tpu.memref_squeeze %dma_start3A_501 : memref<1x1x72xi32, #tpu.memory_space<vmem>> -> memref<72xi32, #tpu.memory_space<vmem>>
      %dma_start3A_503 = arith.constant 0 : i32
      %dma_start3A_504 = arith.constant 0 : i32
      %dma_start3A_505 = tpu.memref_slice %arg22[%dma_start3A_503, %dma_start3A_504] : memref<13752x32xf32, #tpu.memory_space<vmem_shared>> -> memref<13752x32xf32, #tpu.memory_space<vmem_shared>>
      tpu.enqueue_indirect_dma source(%dma_start3A_505 : memref<13752x32xf32, #tpu.memory_space<vmem_shared>>) target(%dma_start3A_499 : memref<72x32xf32, #tpu.memory_space<vmem>>) offsets(%dma_start3A_502 : memref<72xi32, #tpu.memory_space<vmem>>) semaphore(%arg25 : memref<!tpu.dma_semaphore, #tpu.memory_space<semaphore_mem>>)
      %dma_start3A_506 = arith.constant 1 : i32
      %dma_start3A_507 = arith.constant 0 : i32
      %dma_start3A_508 = arith.constant 0 : i32
      %dma_start3A_509 = arith.constant 0 : i32
      %dma_start3A_510 = arith.constant 0 : i32
      %dma_start3A_511 = tpu.memref_slice %arg17[%dma_start3A_508, %dma_start3A_509, %dma_start3A_510] : memref<2x200x16xf32, #tpu.memory_space<vmem>> -> memref<1x128x16xf32, #tpu.memory_space<vmem>>
      %dma_start3A_512 = tpu.memref_squeeze %dma_start3A_511 : memref<1x128x16xf32, #tpu.memory_space<vmem>> -> memref<128x16xf32, #tpu.memory_space<vmem>>
      %dma_start3A_513 = arith.constant 0 : i32
      %dma_start3A_514 = tpu.memref_slice %arg12[%dma_start3A_506, %dma_start3A_507, %dma_start3A_513] : memref<2x16x200xi32, #tpu.memory_space<vmem>> -> memref<1x1x128xi32, #tpu.memory_space<vmem>>
      %dma_start3A_515 = tpu.memref_squeeze %dma_start3A_514 : memref<1x1x128xi32, #tpu.memory_space<vmem>> -> memref<128xi32, #tpu.memory_space<vmem>>
      %dma_start3A_516 = arith.constant 0 : i32
      %dma_start3A_517 = arith.constant 0 : i32
      %dma_start3A_518 = tpu.memref_slice %arg23[%dma_start3A_516, %dma_start3A_517] : memref<17393x16xf32, #tpu.memory_space<vmem_shared>> -> memref<17393x16xf32, #tpu.memory_space<vmem_shared>>
      tpu.enqueue_indirect_dma source(%dma_start3A_518 : memref<17393x16xf32, #tpu.memory_space<vmem_shared>>) target(%dma_start3A_512 : memref<128x16xf32, #tpu.memory_space<vmem>>) offsets(%dma_start3A_515 : memref<128xi32, #tpu.memory_space<vmem>>) semaphore(%arg25 : memref<!tpu.dma_semaphore, #tpu.memory_space<semaphore_mem>>)
      %dma_start3A_519 = arith.constant 1 : i32
      %dma_start3A_520 = arith.constant 0 : i32
      %dma_start3A_521 = arith.constant 0 : i32
      %dma_start3A_522 = arith.constant 128 : i32
      %dma_start3A_523 = arith.constant 0 : i32
      %dma_start3A_524 = tpu.memref_slice %arg17[%dma_start3A_521, %dma_start3A_522, %dma_start3A_523] : memref<2x200x16xf32, #tpu.memory_space<vmem>> -> memref<1x72x16xf32, #tpu.memory_space<vmem>>
      %dma_start3A_525 = tpu.memref_squeeze %dma_start3A_524 : memref<1x72x16xf32, #tpu.memory_space<vmem>> -> memref<72x16xf32, #tpu.memory_space<vmem>>
      %dma_start3A_526 = arith.constant 128 : i32
      %dma_start3A_527 = tpu.memref_slice %arg12[%dma_start3A_519, %dma_start3A_520, %dma_start3A_526] : memref<2x16x200xi32, #tpu.memory_space<vmem>> -> memref<1x1x72xi32, #tpu.memory_space<vmem>>
      %dma_start3A_528 = tpu.memref_squeeze %dma_start3A_527 : memref<1x1x72xi32, #tpu.memory_space<vmem>> -> memref<72xi32, #tpu.memory_space<vmem>>
      %dma_start3A_529 = arith.constant 0 : i32
      %dma_start3A_530 = arith.constant 0 : i32
      %dma_start3A_531 = tpu.memref_slice %arg23[%dma_start3A_529, %dma_start3A_530] : memref<17393x16xf32, #tpu.memory_space<vmem_shared>> -> memref<17393x16xf32, #tpu.memory_space<vmem_shared>>
      tpu.enqueue_indirect_dma source(%dma_start3A_531 : memref<17393x16xf32, #tpu.memory_space<vmem_shared>>) target(%dma_start3A_525 : memref<72x16xf32, #tpu.memory_space<vmem>>) offsets(%dma_start3A_528 : memref<72xi32, #tpu.memory_space<vmem>>) semaphore(%arg25 : memref<!tpu.dma_semaphore, #tpu.memory_space<semaphore_mem>>)
      %dma_start3A_532 = arith.constant 1 : i32
      %dma_start3A_533 = arith.constant 0 : i32
      %dma_start3A_534 = arith.constant 0 : i32
      %dma_start3A_535 = arith.constant 0 : i32
      %dma_start3A_536 = arith.constant 0 : i32
      %dma_start3A_537 = tpu.memref_slice %arg18[%dma_start3A_534, %dma_start3A_535, %dma_start3A_536] : memref<2x200x32xf32, #tpu.memory_space<vmem>> -> memref<1x128x32xf32, #tpu.memory_space<vmem>>
      %dma_start3A_538 = tpu.memref_squeeze %dma_start3A_537 : memref<1x128x32xf32, #tpu.memory_space<vmem>> -> memref<128x32xf32, #tpu.memory_space<vmem>>
      %dma_start3A_539 = arith.constant 0 : i32
      %dma_start3A_540 = tpu.memref_slice %arg14[%dma_start3A_532, %dma_start3A_533, %dma_start3A_539] : memref<2x16x200xi32, #tpu.memory_space<vmem>> -> memref<1x1x128xi32, #tpu.memory_space<vmem>>
      %dma_start3A_541 = tpu.memref_squeeze %dma_start3A_540 : memref<1x1x128xi32, #tpu.memory_space<vmem>> -> memref<128xi32, #tpu.memory_space<vmem>>
      %dma_start3A_542 = arith.constant 0 : i32
      %dma_start3A_543 = arith.constant 0 : i32
      %dma_start3A_544 = tpu.memref_slice %arg22[%dma_start3A_542, %dma_start3A_543] : memref<13752x32xf32, #tpu.memory_space<vmem_shared>> -> memref<13752x32xf32, #tpu.memory_space<vmem_shared>>
      tpu.enqueue_indirect_dma source(%dma_start3A_544 : memref<13752x32xf32, #tpu.memory_space<vmem_shared>>) target(%dma_start3A_538 : memref<128x32xf32, #tpu.memory_space<vmem>>) offsets(%dma_start3A_541 : memref<128xi32, #tpu.memory_space<vmem>>) semaphore(%arg25 : memref<!tpu.dma_semaphore, #tpu.memory_space<semaphore_mem>>)
      %dma_start3A_545 = arith.constant 1 : i32
      %dma_start3A_546 = arith.constant 0 : i32
      %dma_start3A_547 = arith.constant 0 : i32
      %dma_start3A_548 = arith.constant 128 : i32
      %dma_start3A_549 = arith.constant 0 : i32
      %dma_start3A_550 = tpu.memref_slice %arg18[%dma_start3A_547, %dma_start3A_548, %dma_start3A_549] : memref<2x200x32xf32, #tpu.memory_space<vmem>> -> memref<1x72x32xf32, #tpu.memory_space<vmem>>
      %dma_start3A_551 = tpu.memref_squeeze %dma_start3A_550 : memref<1x72x32xf32, #tpu.memory_space<vmem>> -> memref<72x32xf32, #tpu.memory_space<vmem>>
      %dma_start3A_552 = arith.constant 128 : i32
      %dma_start3A_553 = tpu.memref_slice %arg14[%dma_start3A_545, %dma_start3A_546, %dma_start3A_552] : memref<2x16x200xi32, #tpu.memory_space<vmem>> -> memref<1x1x72xi32, #tpu.memory_space<vmem>>
      %dma_start3A_554 = tpu.memref_squeeze %dma_start3A_553 : memref<1x1x72xi32, #tpu.memory_space<vmem>> -> memref<72xi32, #tpu.memory_space<vmem>>
      %dma_start3A_555 = arith.constant 0 : i32
      %dma_start3A_556 = arith.constant 0 : i32
      %dma_start3A_557 = tpu.memref_slice %arg22[%dma_start3A_555, %dma_start3A_556] : memref<13752x32xf32, #tpu.memory_space<vmem_shared>> -> memref<13752x32xf32, #tpu.memory_space<vmem_shared>>
      tpu.enqueue_indirect_dma source(%dma_start3A_557 : memref<13752x32xf32, #tpu.memory_space<vmem_shared>>) target(%dma_start3A_551 : memref<72x32xf32, #tpu.memory_space<vmem>>) offsets(%dma_start3A_554 : memref<72xi32, #tpu.memory_space<vmem>>) semaphore(%arg25 : memref<!tpu.dma_semaphore, #tpu.memory_space<semaphore_mem>>)
      %dma_start3A_558 = arith.constant 1 : i32
      %dma_start3A_559 = arith.constant 0 : i32
      %dma_start3A_560 = arith.constant 0 : i32
      %dma_start3A_561 = arith.constant 0 : i32
      %dma_start3A_562 = arith.constant 0 : i32
      %dma_start3A_563 = tpu.memref_slice %arg19[%dma_start3A_560, %dma_start3A_561, %dma_start3A_562] : memref<2x200x16xf32, #tpu.memory_space<vmem>> -> memref<1x128x16xf32, #tpu.memory_space<vmem>>
      %dma_start3A_564 = tpu.memref_squeeze %dma_start3A_563 : memref<1x128x16xf32, #tpu.memory_space<vmem>> -> memref<128x16xf32, #tpu.memory_space<vmem>>
      %dma_start3A_565 = arith.constant 0 : i32
      %dma_start3A_566 = tpu.memref_slice %arg15[%dma_start3A_558, %dma_start3A_559, %dma_start3A_565] : memref<2x16x200xi32, #tpu.memory_space<vmem>> -> memref<1x1x128xi32, #tpu.memory_space<vmem>>
      %dma_start3A_567 = tpu.memref_squeeze %dma_start3A_566 : memref<1x1x128xi32, #tpu.memory_space<vmem>> -> memref<128xi32, #tpu.memory_space<vmem>>
      %dma_start3A_568 = arith.constant 0 : i32
      %dma_start3A_569 = arith.constant 0 : i32
      %dma_start3A_570 = tpu.memref_slice %arg23[%dma_start3A_568, %dma_start3A_569] : memref<17393x16xf32, #tpu.memory_space<vmem_shared>> -> memref<17393x16xf32, #tpu.memory_space<vmem_shared>>
      tpu.enqueue_indirect_dma source(%dma_start3A_570 : memref<17393x16xf32, #tpu.memory_space<vmem_shared>>) target(%dma_start3A_564 : memref<128x16xf32, #tpu.memory_space<vmem>>) offsets(%dma_start3A_567 : memref<128xi32, #tpu.memory_space<vmem>>) semaphore(%arg25 : memref<!tpu.dma_semaphore, #tpu.memory_space<semaphore_mem>>)
      %dma_start3A_571 = arith.constant 1 : i32
      %dma_start3A_572 = arith.constant 0 : i32
      %dma_start3A_573 = arith.constant 0 : i32
      %dma_start3A_574 = arith.constant 128 : i32
      %dma_start3A_575 = arith.constant 0 : i32
      %dma_start3A_576 = tpu.memref_slice %arg19[%dma_start3A_573, %dma_start3A_574, %dma_start3A_575] : memref<2x200x16xf32, #tpu.memory_space<vmem>> -> memref<1x72x16xf32, #tpu.memory_space<vmem>>
      %dma_start3A_577 = tpu.memref_squeeze %dma_start3A_576 : memref<1x72x16xf32, #tpu.memory_space<vmem>> -> memref<72x16xf32, #tpu.memory_space<vmem>>
      %dma_start3A_578 = arith.constant 128 : i32
      %dma_start3A_579 = tpu.memref_slice %arg15[%dma_start3A_571, %dma_start3A_572, %dma_start3A_578] : memref<2x16x200xi32, #tpu.memory_space<vmem>> -> memref<1x1x72xi32, #tpu.memory_space<vmem>>
      %dma_start3A_580 = tpu.memref_squeeze %dma_start3A_579 : memref<1x1x72xi32, #tpu.memory_space<vmem>> -> memref<72xi32, #tpu.memory_space<vmem>>
      %dma_start3A_581 = arith.constant 0 : i32
      %dma_start3A_582 = arith.constant 0 : i32
      %dma_start3A_583 = tpu.memref_slice %arg23[%dma_start3A_581, %dma_start3A_582] : memref<17393x16xf32, #tpu.memory_space<vmem_shared>> -> memref<17393x16xf32, #tpu.memory_space<vmem_shared>>
      tpu.enqueue_indirect_dma source(%dma_start3A_583 : memref<17393x16xf32, #tpu.memory_space<vmem_shared>>) target(%dma_start3A_577 : memref<72x16xf32, #tpu.memory_space<vmem>>) offsets(%dma_start3A_580 : memref<72xi32, #tpu.memory_space<vmem>>) semaphore(%arg25 : memref<!tpu.dma_semaphore, #tpu.memory_space<semaphore_mem>>)
      %dma_wait3A_584 = arith.constant 0 : i32
      %dma_wait3A_585 = arith.constant 0 : i32
      %dma_wait3A_586 = tpu.memref_slice %arg8[%dma_wait3A_584, %dma_wait3A_585] : memref<17393x16xf32, #tpu.memory_space<hbm>> -> memref<768x16xf32, #tpu.memory_space<hbm>>
      %dma_wait3A_587 = arith.constant 0 : i32
      %dma_wait3A_588 = arith.constant 0 : i32
      %dma_wait3A_589 = tpu.memref_slice %arg8[%dma_wait3A_587, %dma_wait3A_588] : memref<17393x16xf32, #tpu.memory_space<hbm>> -> memref<768x16xf32, #tpu.memory_space<hbm>>
      tpu.wait_dma2 semaphore(%arg29 : memref<!tpu.dma_semaphore, #tpu.memory_space<semaphore_mem>>) src(%dma_wait3A_589 : memref<768x16xf32, #tpu.memory_space<hbm>>) dst(%arg20 : memref<768x16xf32, #tpu.memory_space<vmem>>)
      %scan3A_590 = arith.constant 0 : i32
      %scan3A_591 = arith.constant 0 : i32
      %scan3A_592 = arith.constant 8 : i32
      %scan3A_593 = arith.addi %scan3A_591, %scan3A_592 : i32
      %scan3A_594 = arith.constant 1 : i32
      %scan3A_595 = scf.for %scan3A_598 = %scan3A_591 to %scan3A_593 step %scan3A_594 iter_args(%scan3A_599 = %scan3A_590) -> (i32)  : i32 {
        %mul3A_600 = arith.constant 2 : i32
        %mul3A_601 = arith.muli %scan3A_598, %mul3A_600 : i32
        %add3A_602 = arith.constant 0 : i32
        %add3A_603 = arith.addi %mul3A_601, %add3A_602 : i32
        %add3A_604 = arith.constant 2 : i32
        %add3A_605 = arith.addi %add3A_603, %add3A_604 : i32
        %sub3A = arith.constant 1 : i32
        %sub3A_606 = arith.subi %add3A_605, %sub3A : i32
        %dma_start3A_607 = arith.constant 1 : i32
        %dma_start3A_608 = arith.constant 1 : i32
        %dma_start3A_609 = arith.constant 0 : i32
        %dma_start3A_610 = arith.constant 0 : i32
        %dma_start3A_611 = tpu.memref_slice %arg16[%dma_start3A_608, %dma_start3A_609, %dma_start3A_610] : memref<2x200x32xf32, #tpu.memory_space<vmem>> -> memref<1x128x32xf32, #tpu.memory_space<vmem>>
        %dma_start3A_612 = tpu.memref_squeeze %dma_start3A_611 : memref<1x128x32xf32, #tpu.memory_space<vmem>> -> memref<128x32xf32, #tpu.memory_space<vmem>>
        %dma_start3A_613 = arith.constant 0 : i32
        %dma_start3A_614 = tpu.memref_slice %arg11[%dma_start3A_607, %sub3A_606, %dma_start3A_613] : memref<2x16x200xi32, #tpu.memory_space<vmem>> -> memref<1x1x128xi32, #tpu.memory_space<vmem>>
        %dma_start3A_615 = tpu.memref_squeeze %dma_start3A_614 : memref<1x1x128xi32, #tpu.memory_space<vmem>> -> memref<128xi32, #tpu.memory_space<vmem>>
        %dma_start3A_616 = arith.constant 0 : i32
        %dma_start3A_617 = arith.constant 0 : i32
        %dma_start3A_618 = tpu.memref_slice %arg22[%dma_start3A_616, %dma_start3A_617] : memref<13752x32xf32, #tpu.memory_space<vmem_shared>> -> memref<13752x32xf32, #tpu.memory_space<vmem_shared>>
        tpu.enqueue_indirect_dma source(%dma_start3A_618 : memref<13752x32xf32, #tpu.memory_space<vmem_shared>>) target(%dma_start3A_612 : memref<128x32xf32, #tpu.memory_space<vmem>>) offsets(%dma_start3A_615 : memref<128xi32, #tpu.memory_space<vmem>>) semaphore(%arg26 : memref<!tpu.dma_semaphore, #tpu.memory_space<semaphore_mem>>)
        %dma_start3A_619 = arith.constant 1 : i32
        %dma_start3A_620 = arith.constant 1 : i32
        %dma_start3A_621 = arith.constant 128 : i32
        %dma_start3A_622 = arith.constant 0 : i32
        %dma_start3A_623 = tpu.memref_slice %arg16[%dma_start3A_620, %dma_start3A_621, %dma_start3A_622] : memref<2x200x32xf32, #tpu.memory_space<vmem>> -> memref<1x72x32xf32, #tpu.memory_space<vmem>>
        %dma_start3A_624 = tpu.memref_squeeze %dma_start3A_623 : memref<1x72x32xf32, #tpu.memory_space<vmem>> -> memref<72x32xf32, #tpu.memory_space<vmem>>
        %dma_start3A_625 = arith.constant 128 : i32
        %dma_start3A_626 = tpu.memref_slice %arg11[%dma_start3A_619, %sub3A_606, %dma_start3A_625] : memref<2x16x200xi32, #tpu.memory_space<vmem>> -> memref<1x1x72xi32, #tpu.memory_space<vmem>>
        %dma_start3A_627 = tpu.memref_squeeze %dma_start3A_626 : memref<1x1x72xi32, #tpu.memory_space<vmem>> -> memref<72xi32, #tpu.memory_space<vmem>>
        %dma_start3A_628 = arith.constant 0 : i32
        %dma_start3A_629 = arith.constant 0 : i32
        %dma_start3A_630 = tpu.memref_slice %arg22[%dma_start3A_628, %dma_start3A_629] : memref<13752x32xf32, #tpu.memory_space<vmem_shared>> -> memref<13752x32xf32, #tpu.memory_space<vmem_shared>>
        tpu.enqueue_indirect_dma source(%dma_start3A_630 : memref<13752x32xf32, #tpu.memory_space<vmem_shared>>) target(%dma_start3A_624 : memref<72x32xf32, #tpu.memory_space<vmem>>) offsets(%dma_start3A_627 : memref<72xi32, #tpu.memory_space<vmem>>) semaphore(%arg26 : memref<!tpu.dma_semaphore, #tpu.memory_space<semaphore_mem>>)
        %dma_start3A_631 = arith.constant 1 : i32
        %dma_start3A_632 = arith.constant 1 : i32
        %dma_start3A_633 = arith.constant 0 : i32
        %dma_start3A_634 = arith.constant 0 : i32
        %dma_start3A_635 = tpu.memref_slice %arg17[%dma_start3A_632, %dma_start3A_633, %dma_start3A_634] : memref<2x200x16xf32, #tpu.memory_space<vmem>> -> memref<1x128x16xf32, #tpu.memory_space<vmem>>
        %dma_start3A_636 = tpu.memref_squeeze %dma_start3A_635 : memref<1x128x16xf32, #tpu.memory_space<vmem>> -> memref<128x16xf32, #tpu.memory_space<vmem>>
        %dma_start3A_637 = arith.constant 0 : i32
        %dma_start3A_638 = tpu.memref_slice %arg12[%dma_start3A_631, %sub3A_606, %dma_start3A_637] : memref<2x16x200xi32, #tpu.memory_space<vmem>> -> memref<1x1x128xi32, #tpu.memory_space<vmem>>
        %dma_start3A_639 = tpu.memref_squeeze %dma_start3A_638 : memref<1x1x128xi32, #tpu.memory_space<vmem>> -> memref<128xi32, #tpu.memory_space<vmem>>
        %dma_start3A_640 = arith.constant 0 : i32
        %dma_start3A_641 = arith.constant 0 : i32
        %dma_start3A_642 = tpu.memref_slice %arg23[%dma_start3A_640, %dma_start3A_641] : memref<17393x16xf32, #tpu.memory_space<vmem_shared>> -> memref<17393x16xf32, #tpu.memory_space<vmem_shared>>
        tpu.enqueue_indirect_dma source(%dma_start3A_642 : memref<17393x16xf32, #tpu.memory_space<vmem_shared>>) target(%dma_start3A_636 : memref<128x16xf32, #tpu.memory_space<vmem>>) offsets(%dma_start3A_639 : memref<128xi32, #tpu.memory_space<vmem>>) semaphore(%arg26 : memref<!tpu.dma_semaphore, #tpu.memory_space<semaphore_mem>>)
        %dma_start3A_643 = arith.constant 1 : i32
        %dma_start3A_644 = arith.constant 1 : i32
        %dma_start3A_645 = arith.constant 128 : i32
        %dma_start3A_646 = arith.constant 0 : i32
        %dma_start3A_647 = tpu.memref_slice %arg17[%dma_start3A_644, %dma_start3A_645, %dma_start3A_646] : memref<2x200x16xf32, #tpu.memory_space<vmem>> -> memref<1x72x16xf32, #tpu.memory_space<vmem>>
        %dma_start3A_648 = tpu.memref_squeeze %dma_start3A_647 : memref<1x72x16xf32, #tpu.memory_space<vmem>> -> memref<72x16xf32, #tpu.memory_space<vmem>>
        %dma_start3A_649 = arith.constant 128 : i32
        %dma_start3A_650 = tpu.memref_slice %arg12[%dma_start3A_643, %sub3A_606, %dma_start3A_649] : memref<2x16x200xi32, #tpu.memory_space<vmem>> -> memref<1x1x72xi32, #tpu.memory_space<vmem>>
        %dma_start3A_651 = tpu.memref_squeeze %dma_start3A_650 : memref<1x1x72xi32, #tpu.memory_space<vmem>> -> memref<72xi32, #tpu.memory_space<vmem>>
        %dma_start3A_652 = arith.constant 0 : i32
        %dma_start3A_653 = arith.constant 0 : i32
        %dma_start3A_654 = tpu.memref_slice %arg23[%dma_start3A_652, %dma_start3A_653] : memref<17393x16xf32, #tpu.memory_space<vmem_shared>> -> memref<17393x16xf32, #tpu.memory_space<vmem_shared>>
        tpu.enqueue_indirect_dma source(%dma_start3A_654 : memref<17393x16xf32, #tpu.memory_space<vmem_shared>>) target(%dma_start3A_648 : memref<72x16xf32, #tpu.memory_space<vmem>>) offsets(%dma_start3A_651 : memref<72xi32, #tpu.memory_space<vmem>>) semaphore(%arg26 : memref<!tpu.dma_semaphore, #tpu.memory_space<semaphore_mem>>)
        %dma_start3A_655 = arith.constant 1 : i32
        %dma_start3A_656 = arith.constant 1 : i32
        %dma_start3A_657 = arith.constant 0 : i32
        %dma_start3A_658 = arith.constant 0 : i32
        %dma_start3A_659 = tpu.memref_slice %arg18[%dma_start3A_656, %dma_start3A_657, %dma_start3A_658] : memref<2x200x32xf32, #tpu.memory_space<vmem>> -> memref<1x128x32xf32, #tpu.memory_space<vmem>>
        %dma_start3A_660 = tpu.memref_squeeze %dma_start3A_659 : memref<1x128x32xf32, #tpu.memory_space<vmem>> -> memref<128x32xf32, #tpu.memory_space<vmem>>
        %dma_start3A_661 = arith.constant 0 : i32
        %dma_start3A_662 = tpu.memref_slice %arg14[%dma_start3A_655, %sub3A_606, %dma_start3A_661] : memref<2x16x200xi32, #tpu.memory_space<vmem>> -> memref<1x1x128xi32, #tpu.memory_space<vmem>>
        %dma_start3A_663 = tpu.memref_squeeze %dma_start3A_662 : memref<1x1x128xi32, #tpu.memory_space<vmem>> -> memref<128xi32, #tpu.memory_space<vmem>>
        %dma_start3A_664 = arith.constant 0 : i32
        %dma_start3A_665 = arith.constant 0 : i32
        %dma_start3A_666 = tpu.memref_slice %arg22[%dma_start3A_664, %dma_start3A_665] : memref<13752x32xf32, #tpu.memory_space<vmem_shared>> -> memref<13752x32xf32, #tpu.memory_space<vmem_shared>>
        tpu.enqueue_indirect_dma source(%dma_start3A_666 : memref<13752x32xf32, #tpu.memory_space<vmem_shared>>) target(%dma_start3A_660 : memref<128x32xf32, #tpu.memory_space<vmem>>) offsets(%dma_start3A_663 : memref<128xi32, #tpu.memory_space<vmem>>) semaphore(%arg26 : memref<!tpu.dma_semaphore, #tpu.memory_space<semaphore_mem>>)
        %dma_start3A_667 = arith.constant 1 : i32
        %dma_start3A_668 = arith.constant 1 : i32
        %dma_start3A_669 = arith.constant 128 : i32
        %dma_start3A_670 = arith.constant 0 : i32
        %dma_start3A_671 = tpu.memref_slice %arg18[%dma_start3A_668, %dma_start3A_669, %dma_start3A_670] : memref<2x200x32xf32, #tpu.memory_space<vmem>> -> memref<1x72x32xf32, #tpu.memory_space<vmem>>
        %dma_start3A_672 = tpu.memref_squeeze %dma_start3A_671 : memref<1x72x32xf32, #tpu.memory_space<vmem>> -> memref<72x32xf32, #tpu.memory_space<vmem>>
        %dma_start3A_673 = arith.constant 128 : i32
        %dma_start3A_674 = tpu.memref_slice %arg14[%dma_start3A_667, %sub3A_606, %dma_start3A_673] : memref<2x16x200xi32, #tpu.memory_space<vmem>> -> memref<1x1x72xi32, #tpu.memory_space<vmem>>
        %dma_start3A_675 = tpu.memref_squeeze %dma_start3A_674 : memref<1x1x72xi32, #tpu.memory_space<vmem>> -> memref<72xi32, #tpu.memory_space<vmem>>
        %dma_start3A_676 = arith.constant 0 : i32
        %dma_start3A_677 = arith.constant 0 : i32
        %dma_start3A_678 = tpu.memref_slice %arg22[%dma_start3A_676, %dma_start3A_677] : memref<13752x32xf32, #tpu.memory_space<vmem_shared>> -> memref<13752x32xf32, #tpu.memory_space<vmem_shared>>
        tpu.enqueue_indirect_dma source(%dma_start3A_678 : memref<13752x32xf32, #tpu.memory_space<vmem_shared>>) target(%dma_start3A_672 : memref<72x32xf32, #tpu.memory_space<vmem>>) offsets(%dma_start3A_675 : memref<72xi32, #tpu.memory_space<vmem>>) semaphore(%arg26 : memref<!tpu.dma_semaphore, #tpu.memory_space<semaphore_mem>>)
        %dma_start3A_679 = arith.constant 1 : i32
        %dma_start3A_680 = arith.constant 1 : i32
        %dma_start3A_681 = arith.constant 0 : i32
        %dma_start3A_682 = arith.constant 0 : i32
        %dma_start3A_683 = tpu.memref_slice %arg19[%dma_start3A_680, %dma_start3A_681, %dma_start3A_682] : memref<2x200x16xf32, #tpu.memory_space<vmem>> -> memref<1x128x16xf32, #tpu.memory_space<vmem>>
        %dma_start3A_684 = tpu.memref_squeeze %dma_start3A_683 : memref<1x128x16xf32, #tpu.memory_space<vmem>> -> memref<128x16xf32, #tpu.memory_space<vmem>>
        %dma_start3A_685 = arith.constant 0 : i32
        %dma_start3A_686 = tpu.memref_slice %arg15[%dma_start3A_679, %sub3A_606, %dma_start3A_685] : memref<2x16x200xi32, #tpu.memory_space<vmem>> -> memref<1x1x128xi32, #tpu.memory_space<vmem>>
        %dma_start3A_687 = tpu.memref_squeeze %dma_start3A_686 : memref<1x1x128xi32, #tpu.memory_space<vmem>> -> memref<128xi32, #tpu.memory_space<vmem>>
        %dma_start3A_688 = arith.constant 0 : i32
        %dma_start3A_689 = arith.constant 0 : i32
        %dma_start3A_690 = tpu.memref_slice %arg23[%dma_start3A_688, %dma_start3A_689] : memref<17393x16xf32, #tpu.memory_space<vmem_shared>> -> memref<17393x16xf32, #tpu.memory_space<vmem_shared>>
        tpu.enqueue_indirect_dma source(%dma_start3A_690 : memref<17393x16xf32, #tpu.memory_space<vmem_shared>>) target(%dma_start3A_684 : memref<128x16xf32, #tpu.memory_space<vmem>>) offsets(%dma_start3A_687 : memref<128xi32, #tpu.memory_space<vmem>>) semaphore(%arg26 : memref<!tpu.dma_semaphore, #tpu.memory_space<semaphore_mem>>)
        %dma_start3A_691 = arith.constant 1 : i32
        %dma_start3A_692 = arith.constant 1 : i32
        %dma_start3A_693 = arith.constant 128 : i32
        %dma_start3A_694 = arith.constant 0 : i32
        %dma_start3A_695 = tpu.memref_slice %arg19[%dma_start3A_692, %dma_start3A_693, %dma_start3A_694] : memref<2x200x16xf32, #tpu.memory_space<vmem>> -> memref<1x72x16xf32, #tpu.memory_space<vmem>>
        %dma_start3A_696 = tpu.memref_squeeze %dma_start3A_695 : memref<1x72x16xf32, #tpu.memory_space<vmem>> -> memref<72x16xf32, #tpu.memory_space<vmem>>
        %dma_start3A_697 = arith.constant 128 : i32
        %dma_start3A_698 = tpu.memref_slice %arg15[%dma_start3A_691, %sub3A_606, %dma_start3A_697] : memref<2x16x200xi32, #tpu.memory_space<vmem>> -> memref<1x1x72xi32, #tpu.memory_space<vmem>>
        %dma_start3A_699 = tpu.memref_squeeze %dma_start3A_698 : memref<1x1x72xi32, #tpu.memory_space<vmem>> -> memref<72xi32, #tpu.memory_space<vmem>>
        %dma_start3A_700 = arith.constant 0 : i32
        %dma_start3A_701 = arith.constant 0 : i32
        %dma_start3A_702 = tpu.memref_slice %arg23[%dma_start3A_700, %dma_start3A_701] : memref<17393x16xf32, #tpu.memory_space<vmem_shared>> -> memref<17393x16xf32, #tpu.memory_space<vmem_shared>>
        tpu.enqueue_indirect_dma source(%dma_start3A_702 : memref<17393x16xf32, #tpu.memory_space<vmem_shared>>) target(%dma_start3A_696 : memref<72x16xf32, #tpu.memory_space<vmem>>) offsets(%dma_start3A_699 : memref<72xi32, #tpu.memory_space<vmem>>) semaphore(%arg26 : memref<!tpu.dma_semaphore, #tpu.memory_space<semaphore_mem>>)
        %dma_wait3A_703 = arith.constant 0 : i32
        %dma_wait3A_704 = arith.constant 0 : i32
        %dma_wait3A_705 = arith.constant 0 : i32
        %dma_wait3A_706 = tpu.memref_slice %arg16[%dma_wait3A_703, %dma_wait3A_704, %dma_wait3A_705] : memref<2x200x32xf32, #tpu.memory_space<vmem>> -> memref<1x200x32xf32, #tpu.memory_space<vmem>>
        %dma_wait3A_707 = tpu.memref_squeeze %dma_wait3A_706 : memref<1x200x32xf32, #tpu.memory_space<vmem>> -> memref<200x32xf32, #tpu.memory_space<vmem>>
        %dma_wait3A_708 = arith.constant 0 : i32
        %dma_wait3A_709 = arith.constant 0 : i32
        %dma_wait3A_710 = tpu.memref_slice %arg7[%dma_wait3A_708, %dma_wait3A_709] : memref<13752x32xf32, #tpu.memory_space<hbm>> -> memref<200x32xf32, #tpu.memory_space<hbm>>
        %dma_wait3A_711 = arith.constant 0 : i32
        %dma_wait3A_712 = arith.constant 0 : i32
        %dma_wait3A_713 = tpu.memref_slice %arg16[%dma_wait3A_703, %dma_wait3A_711, %dma_wait3A_712] : memref<2x200x32xf32, #tpu.memory_space<vmem>> -> memref<1x200x32xf32, #tpu.memory_space<vmem>>
        %dma_wait3A_714 = tpu.memref_squeeze %dma_wait3A_713 : memref<1x200x32xf32, #tpu.memory_space<vmem>> -> memref<200x32xf32, #tpu.memory_space<vmem>>
        %dma_wait3A_715 = arith.constant 0 : i32
        %dma_wait3A_716 = arith.constant 0 : i32
        %dma_wait3A_717 = tpu.memref_slice %arg7[%dma_wait3A_715, %dma_wait3A_716] : memref<13752x32xf32, #tpu.memory_space<hbm>> -> memref<200x32xf32, #tpu.memory_space<hbm>>
        tpu.wait_dma2 semaphore(%arg25 : memref<!tpu.dma_semaphore, #tpu.memory_space<semaphore_mem>>) src(%dma_wait3A_717 : memref<200x32xf32, #tpu.memory_space<hbm>>) dst(%dma_wait3A_714 : memref<200x32xf32, #tpu.memory_space<vmem>>)
        %dma_wait3A_718 = arith.constant 0 : i32
        %dma_wait3A_719 = arith.constant 0 : i32
        %dma_wait3A_720 = arith.constant 0 : i32
        %dma_wait3A_721 = tpu.memref_slice %arg17[%dma_wait3A_718, %dma_wait3A_719, %dma_wait3A_720] : memref<2x200x16xf32, #tpu.memory_space<vmem>> -> memref<1x200x16xf32, #tpu.memory_space<vmem>>
        %dma_wait3A_722 = tpu.memref_squeeze %dma_wait3A_721 : memref<1x200x16xf32, #tpu.memory_space<vmem>> -> memref<200x16xf32, #tpu.memory_space<vmem>>
        %dma_wait3A_723 = arith.constant 0 : i32
        %dma_wait3A_724 = arith.constant 0 : i32
        %dma_wait3A_725 = tpu.memref_slice %arg8[%dma_wait3A_723, %dma_wait3A_724] : memref<17393x16xf32, #tpu.memory_space<hbm>> -> memref<200x16xf32, #tpu.memory_space<hbm>>
        %dma_wait3A_726 = arith.constant 0 : i32
        %dma_wait3A_727 = arith.constant 0 : i32
        %dma_wait3A_728 = tpu.memref_slice %arg17[%dma_wait3A_718, %dma_wait3A_726, %dma_wait3A_727] : memref<2x200x16xf32, #tpu.memory_space<vmem>> -> memref<1x200x16xf32, #tpu.memory_space<vmem>>
        %dma_wait3A_729 = tpu.memref_squeeze %dma_wait3A_728 : memref<1x200x16xf32, #tpu.memory_space<vmem>> -> memref<200x16xf32, #tpu.memory_space<vmem>>
        %dma_wait3A_730 = arith.constant 0 : i32
        %dma_wait3A_731 = arith.constant 0 : i32
        %dma_wait3A_732 = tpu.memref_slice %arg8[%dma_wait3A_730, %dma_wait3A_731] : memref<17393x16xf32, #tpu.memory_space<hbm>> -> memref<200x16xf32, #tpu.memory_space<hbm>>
        tpu.wait_dma2 semaphore(%arg25 : memref<!tpu.dma_semaphore, #tpu.memory_space<semaphore_mem>>) src(%dma_wait3A_732 : memref<200x16xf32, #tpu.memory_space<hbm>>) dst(%dma_wait3A_729 : memref<200x16xf32, #tpu.memory_space<vmem>>)
        %dma_wait3A_733 = arith.constant 0 : i32
        %dma_wait3A_734 = arith.constant 0 : i32
        %dma_wait3A_735 = arith.constant 0 : i32
        %dma_wait3A_736 = tpu.memref_slice %arg18[%dma_wait3A_733, %dma_wait3A_734, %dma_wait3A_735] : memref<2x200x32xf32, #tpu.memory_space<vmem>> -> memref<1x200x32xf32, #tpu.memory_space<vmem>>
        %dma_wait3A_737 = tpu.memref_squeeze %dma_wait3A_736 : memref<1x200x32xf32, #tpu.memory_space<vmem>> -> memref<200x32xf32, #tpu.memory_space<vmem>>
        %dma_wait3A_738 = arith.constant 0 : i32
        %dma_wait3A_739 = arith.constant 0 : i32
        %dma_wait3A_740 = tpu.memref_slice %arg7[%dma_wait3A_738, %dma_wait3A_739] : memref<13752x32xf32, #tpu.memory_space<hbm>> -> memref<200x32xf32, #tpu.memory_space<hbm>>
        %dma_wait3A_741 = arith.constant 0 : i32
        %dma_wait3A_742 = arith.constant 0 : i32
        %dma_wait3A_743 = tpu.memref_slice %arg18[%dma_wait3A_733, %dma_wait3A_741, %dma_wait3A_742] : memref<2x200x32xf32, #tpu.memory_space<vmem>> -> memref<1x200x32xf32, #tpu.memory_space<vmem>>
        %dma_wait3A_744 = tpu.memref_squeeze %dma_wait3A_743 : memref<1x200x32xf32, #tpu.memory_space<vmem>> -> memref<200x32xf32, #tpu.memory_space<vmem>>
        %dma_wait3A_745 = arith.constant 0 : i32
        %dma_wait3A_746 = arith.constant 0 : i32
        %dma_wait3A_747 = tpu.memref_slice %arg7[%dma_wait3A_745, %dma_wait3A_746] : memref<13752x32xf32, #tpu.memory_space<hbm>> -> memref<200x32xf32, #tpu.memory_space<hbm>>
        tpu.wait_dma2 semaphore(%arg25 : memref<!tpu.dma_semaphore, #tpu.memory_space<semaphore_mem>>) src(%dma_wait3A_747 : memref<200x32xf32, #tpu.memory_space<hbm>>) dst(%dma_wait3A_744 : memref<200x32xf32, #tpu.memory_space<vmem>>)
        %dma_wait3A_748 = arith.constant 0 : i32
        %dma_wait3A_749 = arith.constant 0 : i32
        %dma_wait3A_750 = arith.constant 0 : i32
        %dma_wait3A_751 = tpu.memref_slice %arg19[%dma_wait3A_748, %dma_wait3A_749, %dma_wait3A_750] : memref<2x200x16xf32, #tpu.memory_space<vmem>> -> memref<1x200x16xf32, #tpu.memory_space<vmem>>
        %dma_wait3A_752 = tpu.memref_squeeze %dma_wait3A_751 : memref<1x200x16xf32, #tpu.memory_space<vmem>> -> memref<200x16xf32, #tpu.memory_space<vmem>>
        %dma_wait3A_753 = arith.constant 0 : i32
        %dma_wait3A_754 = arith.constant 0 : i32
        %dma_wait3A_755 = tpu.memref_slice %arg8[%dma_wait3A_753, %dma_wait3A_754] : memref<17393x16xf32, #tpu.memory_space<hbm>> -> memref<200x16xf32, #tpu.memory_space<hbm>>
        %dma_wait3A_756 = arith.constant 0 : i32
        %dma_wait3A_757 = arith.constant 0 : i32
        %dma_wait3A_758 = tpu.memref_slice %arg19[%dma_wait3A_748, %dma_wait3A_756, %dma_wait3A_757] : memref<2x200x16xf32, #tpu.memory_space<vmem>> -> memref<1x200x16xf32, #tpu.memory_space<vmem>>
        %dma_wait3A_759 = tpu.memref_squeeze %dma_wait3A_758 : memref<1x200x16xf32, #tpu.memory_space<vmem>> -> memref<200x16xf32, #tpu.memory_space<vmem>>
        %dma_wait3A_760 = arith.constant 0 : i32
        %dma_wait3A_761 = arith.constant 0 : i32
        %dma_wait3A_762 = tpu.memref_slice %arg8[%dma_wait3A_760, %dma_wait3A_761] : memref<17393x16xf32, #tpu.memory_space<hbm>> -> memref<200x16xf32, #tpu.memory_space<hbm>>
        tpu.wait_dma2 semaphore(%arg25 : memref<!tpu.dma_semaphore, #tpu.memory_space<semaphore_mem>>) src(%dma_wait3A_762 : memref<200x16xf32, #tpu.memory_space<hbm>>) dst(%dma_wait3A_759 : memref<200x16xf32, #tpu.memory_space<vmem>>)
        %broadcast_in_dim3A = arith.constant 0.000000e+00 : f32
        %broadcast_in_dim3A_763 = vector.broadcast %broadcast_in_dim3A : f32 to vector<16xf32>
        %parallel_loop3A = arith.constant 0 : i32
        %parallel_loop3A_764 = arith.constant 200 : i32
        %parallel_loop3A_765 = arith.constant 4 : i32
        %parallel_loop3A_766:12 = scf.for %parallel_loop3A_1603 = %parallel_loop3A to %parallel_loop3A_764 step %parallel_loop3A_765 iter_args(%parallel_loop3A_1604 = %broadcast_in_dim3A_763, %parallel_loop3A_1605 = %broadcast_in_dim3A_763, %parallel_loop3A_1606 = %broadcast_in_dim3A_763, %parallel_loop3A_1607 = %broadcast_in_dim3A_763, %parallel_loop3A_1608 = %broadcast_in_dim3A_763, %parallel_loop3A_1609 = %broadcast_in_dim3A_763, %parallel_loop3A_1610 = %broadcast_in_dim3A_763, %parallel_loop3A_1611 = %broadcast_in_dim3A_763, %parallel_loop3A_1612 = %broadcast_in_dim3A_763, %parallel_loop3A_1613 = %broadcast_in_dim3A_763, %parallel_loop3A_1614 = %broadcast_in_dim3A_763, %parallel_loop3A_1615 = %broadcast_in_dim3A_763) -> (vector<16xf32>, vector<16xf32>, vector<16xf32>, vector<16xf32>, vector<16xf32>, vector<16xf32>, vector<16xf32>, vector<16xf32>, vector<16xf32>, vector<16xf32>, vector<16xf32>, vector<16xf32>)  : i32 {
          %parallel_loop3A_1616 = arith.constant 0 : i32
          %parallel_loop3A_1617 = arith.addi %parallel_loop3A_1603, %parallel_loop3A_1616 : i32
          %parallel_loop3A_1618 = arith.constant 0 : i32
          %parallel_loop3A_1619 = arith.index_cast %parallel_loop3A_1618 : i32 to index
          %parallel_loop3A_1620 = arith.index_cast %parallel_loop3A_1617 : i32 to index
          %parallel_loop3A_1621 = arith.constant 0 : index
          %parallel_loop3A_1622 = tpu.vector_load %arg16[%parallel_loop3A_1619, %parallel_loop3A_1620, %parallel_loop3A_1621] {strides = array<i32>} : memref<2x200x32xf32, #tpu.memory_space<vmem>>, vector<1x1x16xf32>,
          %parallel_loop3A_1623 = vector.shape_cast %parallel_loop3A_1622 : vector<1x1x16xf32> to vector<16xf32>
          %parallel_loop3A_1624 = arith.addf %parallel_loop3A_1604, %parallel_loop3A_1623 : vector<16xf32>
          %parallel_loop3A_1625 = arith.constant 0 : i32
          %parallel_loop3A_1626 = arith.index_cast %parallel_loop3A_1625 : i32 to index
          %parallel_loop3A_1627 = arith.index_cast %parallel_loop3A_1617 : i32 to index
          %parallel_loop3A_1628 = arith.constant 16 : index
          %parallel_loop3A_1629 = tpu.vector_load %arg16[%parallel_loop3A_1626, %parallel_loop3A_1627, %parallel_loop3A_1628] {strides = array<i32>} : memref<2x200x32xf32, #tpu.memory_space<vmem>>, vector<1x1x16xf32>,
          %parallel_loop3A_1630 = vector.shape_cast %parallel_loop3A_1629 : vector<1x1x16xf32> to vector<16xf32>
          %parallel_loop3A_1631 = arith.addf %parallel_loop3A_1606, %parallel_loop3A_1630 : vector<16xf32>
          %parallel_loop3A_1632 = arith.constant 0 : i32
          %parallel_loop3A_1633 = arith.index_cast %parallel_loop3A_1632 : i32 to index
          %parallel_loop3A_1634 = arith.index_cast %parallel_loop3A_1617 : i32 to index
          %parallel_loop3A_1635 = arith.constant 0 : index
          %parallel_loop3A_1636 = tpu.vector_load %arg17[%parallel_loop3A_1633, %parallel_loop3A_1634, %parallel_loop3A_1635] {strides = array<i32>} : memref<2x200x16xf32, #tpu.memory_space<vmem>>, vector<1x1x16xf32>,
          %parallel_loop3A_1637 = vector.shape_cast %parallel_loop3A_1636 : vector<1x1x16xf32> to vector<16xf32>
          %parallel_loop3A_1638 = arith.addf %parallel_loop3A_1608, %parallel_loop3A_1637 : vector<16xf32>
          %parallel_loop3A_1639 = arith.constant 0 : i32
          %parallel_loop3A_1640 = arith.index_cast %parallel_loop3A_1639 : i32 to index
          %parallel_loop3A_1641 = arith.index_cast %parallel_loop3A_1617 : i32 to index
          %parallel_loop3A_1642 = arith.constant 0 : index
          %parallel_loop3A_1643 = tpu.vector_load %arg18[%parallel_loop3A_1640, %parallel_loop3A_1641, %parallel_loop3A_1642] {strides = array<i32>} : memref<2x200x32xf32, #tpu.memory_space<vmem>>, vector<1x1x16xf32>,
          %parallel_loop3A_1644 = vector.shape_cast %parallel_loop3A_1643 : vector<1x1x16xf32> to vector<16xf32>
          %parallel_loop3A_1645 = arith.addf %parallel_loop3A_1610, %parallel_loop3A_1644 : vector<16xf32>
          %parallel_loop3A_1646 = arith.constant 0 : i32
          %parallel_loop3A_1647 = arith.index_cast %parallel_loop3A_1646 : i32 to index
          %parallel_loop3A_1648 = arith.index_cast %parallel_loop3A_1617 : i32 to index
          %parallel_loop3A_1649 = arith.constant 16 : index
          %parallel_loop3A_1650 = tpu.vector_load %arg18[%parallel_loop3A_1647, %parallel_loop3A_1648, %parallel_loop3A_1649] {strides = array<i32>} : memref<2x200x32xf32, #tpu.memory_space<vmem>>, vector<1x1x16xf32>,
          %parallel_loop3A_1651 = vector.shape_cast %parallel_loop3A_1650 : vector<1x1x16xf32> to vector<16xf32>
          %parallel_loop3A_1652 = arith.addf %parallel_loop3A_1612, %parallel_loop3A_1651 : vector<16xf32>
          %parallel_loop3A_1653 = arith.constant 0 : i32
          %parallel_loop3A_1654 = arith.index_cast %parallel_loop3A_1653 : i32 to index
          %parallel_loop3A_1655 = arith.index_cast %parallel_loop3A_1617 : i32 to index
          %parallel_loop3A_1656 = arith.constant 0 : index
          %parallel_loop3A_1657 = tpu.vector_load %arg19[%parallel_loop3A_1654, %parallel_loop3A_1655, %parallel_loop3A_1656] {strides = array<i32>} : memref<2x200x16xf32, #tpu.memory_space<vmem>>, vector<1x1x16xf32>,
          %parallel_loop3A_1658 = vector.shape_cast %parallel_loop3A_1657 : vector<1x1x16xf32> to vector<16xf32>
          %parallel_loop3A_1659 = arith.addf %parallel_loop3A_1614, %parallel_loop3A_1658 : vector<16xf32>
          %parallel_loop3A_1660 = arith.constant 1 : i32
          %parallel_loop3A_1661 = arith.addi %parallel_loop3A_1603, %parallel_loop3A_1660 : i32
          %parallel_loop3A_1662 = arith.constant 0 : i32
          %parallel_loop3A_1663 = arith.index_cast %parallel_loop3A_1662 : i32 to index
          %parallel_loop3A_1664 = arith.index_cast %parallel_loop3A_1661 : i32 to index
          %parallel_loop3A_1665 = arith.constant 0 : index
          %parallel_loop3A_1666 = tpu.vector_load %arg16[%parallel_loop3A_1663, %parallel_loop3A_1664, %parallel_loop3A_1665] {strides = array<i32>} : memref<2x200x32xf32, #tpu.memory_space<vmem>>, vector<1x1x16xf32>,
          %parallel_loop3A_1667 = vector.shape_cast %parallel_loop3A_1666 : vector<1x1x16xf32> to vector<16xf32>
          %parallel_loop3A_1668 = arith.addf %parallel_loop3A_1605, %parallel_loop3A_1667 : vector<16xf32>
          %parallel_loop3A_1669 = arith.constant 0 : i32
          %parallel_loop3A_1670 = arith.index_cast %parallel_loop3A_1669 : i32 to index
          %parallel_loop3A_1671 = arith.index_cast %parallel_loop3A_1661 : i32 to index
          %parallel_loop3A_1672 = arith.constant 16 : index
          %parallel_loop3A_1673 = tpu.vector_load %arg16[%parallel_loop3A_1670, %parallel_loop3A_1671, %parallel_loop3A_1672] {strides = array<i32>} : memref<2x200x32xf32, #tpu.memory_space<vmem>>, vector<1x1x16xf32>,
          %parallel_loop3A_1674 = vector.shape_cast %parallel_loop3A_1673 : vector<1x1x16xf32> to vector<16xf32>
          %parallel_loop3A_1675 = arith.addf %parallel_loop3A_1607, %parallel_loop3A_1674 : vector<16xf32>
          %parallel_loop3A_1676 = arith.constant 0 : i32
          %parallel_loop3A_1677 = arith.index_cast %parallel_loop3A_1676 : i32 to index
          %parallel_loop3A_1678 = arith.index_cast %parallel_loop3A_1661 : i32 to index
          %parallel_loop3A_1679 = arith.constant 0 : index
          %parallel_loop3A_1680 = tpu.vector_load %arg17[%parallel_loop3A_1677, %parallel_loop3A_1678, %parallel_loop3A_1679] {strides = array<i32>} : memref<2x200x16xf32, #tpu.memory_space<vmem>>, vector<1x1x16xf32>,
          %parallel_loop3A_1681 = vector.shape_cast %parallel_loop3A_1680 : vector<1x1x16xf32> to vector<16xf32>
          %parallel_loop3A_1682 = arith.addf %parallel_loop3A_1609, %parallel_loop3A_1681 : vector<16xf32>
          %parallel_loop3A_1683 = arith.constant 0 : i32
          %parallel_loop3A_1684 = arith.index_cast %parallel_loop3A_1683 : i32 to index
          %parallel_loop3A_1685 = arith.index_cast %parallel_loop3A_1661 : i32 to index
          %parallel_loop3A_1686 = arith.constant 0 : index
          %parallel_loop3A_1687 = tpu.vector_load %arg18[%parallel_loop3A_1684, %parallel_loop3A_1685, %parallel_loop3A_1686] {strides = array<i32>} : memref<2x200x32xf32, #tpu.memory_space<vmem>>, vector<1x1x16xf32>,
          %parallel_loop3A_1688 = vector.shape_cast %parallel_loop3A_1687 : vector<1x1x16xf32> to vector<16xf32>
          %parallel_loop3A_1689 = arith.addf %parallel_loop3A_1611, %parallel_loop3A_1688 : vector<16xf32>
          %parallel_loop3A_1690 = arith.constant 0 : i32
          %parallel_loop3A_1691 = arith.index_cast %parallel_loop3A_1690 : i32 to index
          %parallel_loop3A_1692 = arith.index_cast %parallel_loop3A_1661 : i32 to index
          %parallel_loop3A_1693 = arith.constant 16 : index
          %parallel_loop3A_1694 = tpu.vector_load %arg18[%parallel_loop3A_1691, %parallel_loop3A_1692, %parallel_loop3A_1693] {strides = array<i32>} : memref<2x200x32xf32, #tpu.memory_space<vmem>>, vector<1x1x16xf32>,
          %parallel_loop3A_1695 = vector.shape_cast %parallel_loop3A_1694 : vector<1x1x16xf32> to vector<16xf32>
          %parallel_loop3A_1696 = arith.addf %parallel_loop3A_1613, %parallel_loop3A_1695 : vector<16xf32>
          %parallel_loop3A_1697 = arith.constant 0 : i32
          %parallel_loop3A_1698 = arith.index_cast %parallel_loop3A_1697 : i32 to index
          %parallel_loop3A_1699 = arith.index_cast %parallel_loop3A_1661 : i32 to index
          %parallel_loop3A_1700 = arith.constant 0 : index
          %parallel_loop3A_1701 = tpu.vector_load %arg19[%parallel_loop3A_1698, %parallel_loop3A_1699, %parallel_loop3A_1700] {strides = array<i32>} : memref<2x200x16xf32, #tpu.memory_space<vmem>>, vector<1x1x16xf32>,
          %parallel_loop3A_1702 = vector.shape_cast %parallel_loop3A_1701 : vector<1x1x16xf32> to vector<16xf32>
          %parallel_loop3A_1703 = arith.addf %parallel_loop3A_1615, %parallel_loop3A_1702 : vector<16xf32>
          %parallel_loop3A_1704 = arith.constant 2 : i32
          %parallel_loop3A_1705 = arith.addi %parallel_loop3A_1603, %parallel_loop3A_1704 : i32
          %parallel_loop3A_1706 = arith.constant 0 : i32
          %parallel_loop3A_1707 = arith.index_cast %parallel_loop3A_1706 : i32 to index
          %parallel_loop3A_1708 = arith.index_cast %parallel_loop3A_1705 : i32 to index
          %parallel_loop3A_1709 = arith.constant 0 : index
          %parallel_loop3A_1710 = tpu.vector_load %arg16[%parallel_loop3A_1707, %parallel_loop3A_1708, %parallel_loop3A_1709] {strides = array<i32>} : memref<2x200x32xf32, #tpu.memory_space<vmem>>, vector<1x1x16xf32>,
          %parallel_loop3A_1711 = vector.shape_cast %parallel_loop3A_1710 : vector<1x1x16xf32> to vector<16xf32>
          %parallel_loop3A_1712 = arith.addf %parallel_loop3A_1624, %parallel_loop3A_1711 : vector<16xf32>
          %parallel_loop3A_1713 = arith.constant 0 : i32
          %parallel_loop3A_1714 = arith.index_cast %parallel_loop3A_1713 : i32 to index
          %parallel_loop3A_1715 = arith.index_cast %parallel_loop3A_1705 : i32 to index
          %parallel_loop3A_1716 = arith.constant 16 : index
          %parallel_loop3A_1717 = tpu.vector_load %arg16[%parallel_loop3A_1714, %parallel_loop3A_1715, %parallel_loop3A_1716] {strides = array<i32>} : memref<2x200x32xf32, #tpu.memory_space<vmem>>, vector<1x1x16xf32>,
          %parallel_loop3A_1718 = vector.shape_cast %parallel_loop3A_1717 : vector<1x1x16xf32> to vector<16xf32>
          %parallel_loop3A_1719 = arith.addf %parallel_loop3A_1631, %parallel_loop3A_1718 : vector<16xf32>
          %parallel_loop3A_1720 = arith.constant 0 : i32
          %parallel_loop3A_1721 = arith.index_cast %parallel_loop3A_1720 : i32 to index
          %parallel_loop3A_1722 = arith.index_cast %parallel_loop3A_1705 : i32 to index
          %parallel_loop3A_1723 = arith.constant 0 : index
          %parallel_loop3A_1724 = tpu.vector_load %arg17[%parallel_loop3A_1721, %parallel_loop3A_1722, %parallel_loop3A_1723] {strides = array<i32>} : memref<2x200x16xf32, #tpu.memory_space<vmem>>, vector<1x1x16xf32>,
          %parallel_loop3A_1725 = vector.shape_cast %parallel_loop3A_1724 : vector<1x1x16xf32> to vector<16xf32>
          %parallel_loop3A_1726 = arith.addf %parallel_loop3A_1638, %parallel_loop3A_1725 : vector<16xf32>
          %parallel_loop3A_1727 = arith.constant 0 : i32
          %parallel_loop3A_1728 = arith.index_cast %parallel_loop3A_1727 : i32 to index
          %parallel_loop3A_1729 = arith.index_cast %parallel_loop3A_1705 : i32 to index
          %parallel_loop3A_1730 = arith.constant 0 : index
          %parallel_loop3A_1731 = tpu.vector_load %arg18[%parallel_loop3A_1728, %parallel_loop3A_1729, %parallel_loop3A_1730] {strides = array<i32>} : memref<2x200x32xf32, #tpu.memory_space<vmem>>, vector<1x1x16xf32>,
          %parallel_loop3A_1732 = vector.shape_cast %parallel_loop3A_1731 : vector<1x1x16xf32> to vector<16xf32>
          %parallel_loop3A_1733 = arith.addf %parallel_loop3A_1645, %parallel_loop3A_1732 : vector<16xf32>
          %parallel_loop3A_1734 = arith.constant 0 : i32
          %parallel_loop3A_1735 = arith.index_cast %parallel_loop3A_1734 : i32 to index
          %parallel_loop3A_1736 = arith.index_cast %parallel_loop3A_1705 : i32 to index
          %parallel_loop3A_1737 = arith.constant 16 : index
          %parallel_loop3A_1738 = tpu.vector_load %arg18[%parallel_loop3A_1735, %parallel_loop3A_1736, %parallel_loop3A_1737] {strides = array<i32>} : memref<2x200x32xf32, #tpu.memory_space<vmem>>, vector<1x1x16xf32>,
          %parallel_loop3A_1739 = vector.shape_cast %parallel_loop3A_1738 : vector<1x1x16xf32> to vector<16xf32>
          %parallel_loop3A_1740 = arith.addf %parallel_loop3A_1652, %parallel_loop3A_1739 : vector<16xf32>
          %parallel_loop3A_1741 = arith.constant 0 : i32
          %parallel_loop3A_1742 = arith.index_cast %parallel_loop3A_1741 : i32 to index
          %parallel_loop3A_1743 = arith.index_cast %parallel_loop3A_1705 : i32 to index
          %parallel_loop3A_1744 = arith.constant 0 : index
          %parallel_loop3A_1745 = tpu.vector_load %arg19[%parallel_loop3A_1742, %parallel_loop3A_1743, %parallel_loop3A_1744] {strides = array<i32>} : memref<2x200x16xf32, #tpu.memory_space<vmem>>, vector<1x1x16xf32>,
          %parallel_loop3A_1746 = vector.shape_cast %parallel_loop3A_1745 : vector<1x1x16xf32> to vector<16xf32>
          %parallel_loop3A_1747 = arith.addf %parallel_loop3A_1659, %parallel_loop3A_1746 : vector<16xf32>
          %parallel_loop3A_1748 = arith.constant 3 : i32
          %parallel_loop3A_1749 = arith.addi %parallel_loop3A_1603, %parallel_loop3A_1748 : i32
          %parallel_loop3A_1750 = arith.constant 0 : i32
          %parallel_loop3A_1751 = arith.index_cast %parallel_loop3A_1750 : i32 to index
          %parallel_loop3A_1752 = arith.index_cast %parallel_loop3A_1749 : i32 to index
          %parallel_loop3A_1753 = arith.constant 0 : index
          %parallel_loop3A_1754 = tpu.vector_load %arg16[%parallel_loop3A_1751, %parallel_loop3A_1752, %parallel_loop3A_1753] {strides = array<i32>} : memref<2x200x32xf32, #tpu.memory_space<vmem>>, vector<1x1x16xf32>,
          %parallel_loop3A_1755 = vector.shape_cast %parallel_loop3A_1754 : vector<1x1x16xf32> to vector<16xf32>
          %parallel_loop3A_1756 = arith.addf %parallel_loop3A_1668, %parallel_loop3A_1755 : vector<16xf32>
          %parallel_loop3A_1757 = arith.constant 0 : i32
          %parallel_loop3A_1758 = arith.index_cast %parallel_loop3A_1757 : i32 to index
          %parallel_loop3A_1759 = arith.index_cast %parallel_loop3A_1749 : i32 to index
          %parallel_loop3A_1760 = arith.constant 16 : index
          %parallel_loop3A_1761 = tpu.vector_load %arg16[%parallel_loop3A_1758, %parallel_loop3A_1759, %parallel_loop3A_1760] {strides = array<i32>} : memref<2x200x32xf32, #tpu.memory_space<vmem>>, vector<1x1x16xf32>,
          %parallel_loop3A_1762 = vector.shape_cast %parallel_loop3A_1761 : vector<1x1x16xf32> to vector<16xf32>
          %parallel_loop3A_1763 = arith.addf %parallel_loop3A_1675, %parallel_loop3A_1762 : vector<16xf32>
          %parallel_loop3A_1764 = arith.constant 0 : i32
          %parallel_loop3A_1765 = arith.index_cast %parallel_loop3A_1764 : i32 to index
          %parallel_loop3A_1766 = arith.index_cast %parallel_loop3A_1749 : i32 to index
          %parallel_loop3A_1767 = arith.constant 0 : index
          %parallel_loop3A_1768 = tpu.vector_load %arg17[%parallel_loop3A_1765, %parallel_loop3A_1766, %parallel_loop3A_1767] {strides = array<i32>} : memref<2x200x16xf32, #tpu.memory_space<vmem>>, vector<1x1x16xf32>,
          %parallel_loop3A_1769 = vector.shape_cast %parallel_loop3A_1768 : vector<1x1x16xf32> to vector<16xf32>
          %parallel_loop3A_1770 = arith.addf %parallel_loop3A_1682, %parallel_loop3A_1769 : vector<16xf32>
          %parallel_loop3A_1771 = arith.constant 0 : i32
          %parallel_loop3A_1772 = arith.index_cast %parallel_loop3A_1771 : i32 to index
          %parallel_loop3A_1773 = arith.index_cast %parallel_loop3A_1749 : i32 to index
          %parallel_loop3A_1774 = arith.constant 0 : index
          %parallel_loop3A_1775 = tpu.vector_load %arg18[%parallel_loop3A_1772, %parallel_loop3A_1773, %parallel_loop3A_1774] {strides = array<i32>} : memref<2x200x32xf32, #tpu.memory_space<vmem>>, vector<1x1x16xf32>,
          %parallel_loop3A_1776 = vector.shape_cast %parallel_loop3A_1775 : vector<1x1x16xf32> to vector<16xf32>
          %parallel_loop3A_1777 = arith.addf %parallel_loop3A_1689, %parallel_loop3A_1776 : vector<16xf32>
          %parallel_loop3A_1778 = arith.constant 0 : i32
          %parallel_loop3A_1779 = arith.index_cast %parallel_loop3A_1778 : i32 to index
          %parallel_loop3A_1780 = arith.index_cast %parallel_loop3A_1749 : i32 to index
          %parallel_loop3A_1781 = arith.constant 16 : index
          %parallel_loop3A_1782 = tpu.vector_load %arg18[%parallel_loop3A_1779, %parallel_loop3A_1780, %parallel_loop3A_1781] {strides = array<i32>} : memref<2x200x32xf32, #tpu.memory_space<vmem>>, vector<1x1x16xf32>,
          %parallel_loop3A_1783 = vector.shape_cast %parallel_loop3A_1782 : vector<1x1x16xf32> to vector<16xf32>
          %parallel_loop3A_1784 = arith.addf %parallel_loop3A_1696, %parallel_loop3A_1783 : vector<16xf32>
          %parallel_loop3A_1785 = arith.constant 0 : i32
          %parallel_loop3A_1786 = arith.index_cast %parallel_loop3A_1785 : i32 to index
          %parallel_loop3A_1787 = arith.index_cast %parallel_loop3A_1749 : i32 to index
          %parallel_loop3A_1788 = arith.constant 0 : index
          %parallel_loop3A_1789 = tpu.vector_load %arg19[%parallel_loop3A_1786, %parallel_loop3A_1787, %parallel_loop3A_1788] {strides = array<i32>} : memref<2x200x16xf32, #tpu.memory_space<vmem>>, vector<1x1x16xf32>,
          %parallel_loop3A_1790 = vector.shape_cast %parallel_loop3A_1789 : vector<1x1x16xf32> to vector<16xf32>
          %parallel_loop3A_1791 = arith.addf %parallel_loop3A_1703, %parallel_loop3A_1790 : vector<16xf32>
          scf.yield %parallel_loop3A_1712, %parallel_loop3A_1756, %parallel_loop3A_1719, %parallel_loop3A_1763, %parallel_loop3A_1726, %parallel_loop3A_1770, %parallel_loop3A_1733, %parallel_loop3A_1777, %parallel_loop3A_1740, %parallel_loop3A_1784, %parallel_loop3A_1747, %parallel_loop3A_1791 : vector<16xf32>, vector<16xf32>, vector<16xf32>, vector<16xf32>, vector<16xf32>, vector<16xf32>, vector<16xf32>, vector<16xf32>, vector<16xf32>, vector<16xf32>, vector<16xf32>, vector<16xf32>
        } {sc.loop_unroll_factor = 2 : i64, sc.parallel_access}
        %add3A_767 = arith.addf %parallel_loop3A_766#0, %parallel_loop3A_766#1 : vector<16xf32>
        %mul3A_768 = arith.constant 5.000000e-03 : f32
        %mul3A_769 = vector.broadcast %mul3A_768 : f32 to vector<16xf32>
        %mul3A_770 = arith.mulf %add3A_767, %mul3A_769 : vector<16xf32>
        %swap3A = arith.index_cast %add3A_603 : i32 to index
        %swap3A_771 = arith.constant 0 : index
        %swap3A_772 = tpu.vector_load %arg21[%swap3A, %swap3A_771] {strides = array<i32>} : memref<16x128xf32, #tpu.memory_space<vmem>>, vector<1x16xf32>,
        %swap3A_773 = vector.shape_cast %swap3A_772 : vector<1x16xf32> to vector<16xf32>
        %swap3A_774 = vector.shape_cast %mul3A_770 : vector<16xf32> to vector<1x16xf32>
        tpu.vector_store %arg21[%swap3A, %swap3A_771], %swap3A_774 {strides = array<i32>} : memref<16x128xf32, #tpu.memory_space<vmem>>, vector<1x16xf32>,
        %add3A_775 = arith.addf %parallel_loop3A_766#2, %parallel_loop3A_766#3 : vector<16xf32>
        %mul3A_776 = arith.constant 5.000000e-03 : f32
        %mul3A_777 = vector.broadcast %mul3A_776 : f32 to vector<16xf32>
        %mul3A_778 = arith.mulf %add3A_775, %mul3A_777 : vector<16xf32>
        %swap3A_779 = arith.index_cast %add3A_603 : i32 to index
        %swap3A_780 = arith.constant 16 : index
        %swap3A_781 = tpu.vector_load %arg21[%swap3A_779, %swap3A_780] {strides = array<i32>} : memref<16x128xf32, #tpu.memory_space<vmem>>, vector<1x16xf32>,
        %swap3A_782 = vector.shape_cast %swap3A_781 : vector<1x16xf32> to vector<16xf32>
        %swap3A_783 = vector.shape_cast %mul3A_778 : vector<16xf32> to vector<1x16xf32>
        tpu.vector_store %arg21[%swap3A_779, %swap3A_780], %swap3A_783 {strides = array<i32>} : memref<16x128xf32, #tpu.memory_space<vmem>>, vector<1x16xf32>,
        %add3A_784 = arith.addf %parallel_loop3A_766#4, %parallel_loop3A_766#5 : vector<16xf32>
        %mul3A_785 = arith.constant 5.000000e-03 : f32
        %mul3A_786 = vector.broadcast %mul3A_785 : f32 to vector<16xf32>
        %mul3A_787 = arith.mulf %add3A_784, %mul3A_786 : vector<16xf32>
        %swap3A_788 = arith.index_cast %add3A_603 : i32 to index
        %swap3A_789 = arith.constant 32 : index
        %swap3A_790 = tpu.vector_load %arg21[%swap3A_788, %swap3A_789] {strides = array<i32>} : memref<16x128xf32, #tpu.memory_space<vmem>>, vector<1x16xf32>,
        %swap3A_791 = vector.shape_cast %swap3A_790 : vector<1x16xf32> to vector<16xf32>
        %swap3A_792 = vector.shape_cast %mul3A_787 : vector<16xf32> to vector<1x16xf32>
        tpu.vector_store %arg21[%swap3A_788, %swap3A_789], %swap3A_792 {strides = array<i32>} : memref<16x128xf32, #tpu.memory_space<vmem>>, vector<1x16xf32>,
        %add3A_793 = arith.addf %parallel_loop3A_766#6, %parallel_loop3A_766#7 : vector<16xf32>
        %mul3A_794 = arith.constant 5.000000e-03 : f32
        %mul3A_795 = vector.broadcast %mul3A_794 : f32 to vector<16xf32>
        %mul3A_796 = arith.mulf %add3A_793, %mul3A_795 : vector<16xf32>
        %swap3A_797 = arith.index_cast %add3A_603 : i32 to index
        %swap3A_798 = arith.constant 64 : index
        %swap3A_799 = tpu.vector_load %arg21[%swap3A_797, %swap3A_798] {strides = array<i32>} : memref<16x128xf32, #tpu.memory_space<vmem>>, vector<1x16xf32>,
        %swap3A_800 = vector.shape_cast %swap3A_799 : vector<1x16xf32> to vector<16xf32>
        %swap3A_801 = vector.shape_cast %mul3A_796 : vector<16xf32> to vector<1x16xf32>
        tpu.vector_store %arg21[%swap3A_797, %swap3A_798], %swap3A_801 {strides = array<i32>} : memref<16x128xf32, #tpu.memory_space<vmem>>, vector<1x16xf32>,
        %add3A_802 = arith.addf %parallel_loop3A_766#8, %parallel_loop3A_766#9 : vector<16xf32>
        %mul3A_803 = arith.constant 5.000000e-03 : f32
        %mul3A_804 = vector.broadcast %mul3A_803 : f32 to vector<16xf32>
        %mul3A_805 = arith.mulf %add3A_802, %mul3A_804 : vector<16xf32>
        %swap3A_806 = arith.index_cast %add3A_603 : i32 to index
        %swap3A_807 = arith.constant 80 : index
        %swap3A_808 = tpu.vector_load %arg21[%swap3A_806, %swap3A_807] {strides = array<i32>} : memref<16x128xf32, #tpu.memory_space<vmem>>, vector<1x16xf32>,
        %swap3A_809 = vector.shape_cast %swap3A_808 : vector<1x16xf32> to vector<16xf32>
        %swap3A_810 = vector.shape_cast %mul3A_805 : vector<16xf32> to vector<1x16xf32>
        tpu.vector_store %arg21[%swap3A_806, %swap3A_807], %swap3A_810 {strides = array<i32>} : memref<16x128xf32, #tpu.memory_space<vmem>>, vector<1x16xf32>,
        %add3A_811 = arith.addf %parallel_loop3A_766#10, %parallel_loop3A_766#11 : vector<16xf32>
        %mul3A_812 = arith.constant 5.000000e-03 : f32
        %mul3A_813 = vector.broadcast %mul3A_812 : f32 to vector<16xf32>
        %mul3A_814 = arith.mulf %add3A_811, %mul3A_813 : vector<16xf32>
        %swap3A_815 = arith.index_cast %add3A_603 : i32 to index
        %swap3A_816 = arith.constant 96 : index
        %swap3A_817 = tpu.vector_load %arg21[%swap3A_815, %swap3A_816] {strides = array<i32>} : memref<16x128xf32, #tpu.memory_space<vmem>>, vector<1x16xf32>,
        %swap3A_818 = vector.shape_cast %swap3A_817 : vector<1x16xf32> to vector<16xf32>
        %swap3A_819 = vector.shape_cast %mul3A_814 : vector<16xf32> to vector<1x16xf32>
        tpu.vector_store %arg21[%swap3A_815, %swap3A_816], %swap3A_819 {strides = array<i32>} : memref<16x128xf32, #tpu.memory_space<vmem>>, vector<1x16xf32>,
        %broadcast_in_dim3A_820 = arith.constant 0.000000e+00 : f32
        %broadcast_in_dim3A_821 = vector.broadcast %broadcast_in_dim3A_820 : f32 to vector<16xf32>
        %broadcast_in_dim3A_822 = arith.constant 0.000000e+00 : f32
        %broadcast_in_dim3A_823 = vector.broadcast %broadcast_in_dim3A_822 : f32 to vector<16xf32>
        %broadcast_in_dim3A_824 = arith.constant 0.000000e+00 : f32
        %broadcast_in_dim3A_825 = vector.broadcast %broadcast_in_dim3A_824 : f32 to vector<16xf32>
        %broadcast_in_dim3A_826 = arith.constant 0.000000e+00 : f32
        %broadcast_in_dim3A_827 = vector.broadcast %broadcast_in_dim3A_826 : f32 to vector<16xf32>
        %mul3A_828 = arith.constant 48 : i32
        %mul3A_829 = arith.muli %add3A_603, %mul3A_828 : i32
        %add3A_830 = arith.constant 0 : i32
        %add3A_831 = arith.addi %mul3A_829, %add3A_830 : i32
        %add3A_832 = arith.constant 0 : i32
        %add3A_833 = arith.addi %add3A_831, %add3A_832 : i32
        %get3A = arith.index_cast %add3A_833 : i32 to index
        %get3A_834 = arith.constant 0 : index
        %get3A_835 = tpu.vector_load %arg20[%get3A, %get3A_834] {strides = array<i32>} : memref<768x16xf32, #tpu.memory_space<vmem>>, vector<1x16xf32>,
        %get3A_836 = vector.shape_cast %get3A_835 : vector<1x16xf32> to vector<16xf32>
        %add3A_837 = arith.addf %broadcast_in_dim3A_821, %get3A_836 : vector<16xf32>
        %add3A_838 = arith.constant 1 : i32
        %add3A_839 = arith.addi %add3A_831, %add3A_838 : i32
        %get3A_840 = arith.index_cast %add3A_839 : i32 to index
        %get3A_841 = arith.constant 0 : index
        %get3A_842 = tpu.vector_load %arg20[%get3A_840, %get3A_841] {strides = array<i32>} : memref<768x16xf32, #tpu.memory_space<vmem>>, vector<1x16xf32>,
        %get3A_843 = vector.shape_cast %get3A_842 : vector<1x16xf32> to vector<16xf32>
        %add3A_844 = arith.addf %broadcast_in_dim3A_823, %get3A_843 : vector<16xf32>
        %add3A_845 = arith.constant 2 : i32
        %add3A_846 = arith.addi %add3A_831, %add3A_845 : i32
        %get3A_847 = arith.index_cast %add3A_846 : i32 to index
        %get3A_848 = arith.constant 0 : index
        %get3A_849 = tpu.vector_load %arg20[%get3A_847, %get3A_848] {strides = array<i32>} : memref<768x16xf32, #tpu.memory_space<vmem>>, vector<1x16xf32>,
        %get3A_850 = vector.shape_cast %get3A_849 : vector<1x16xf32> to vector<16xf32>
        %add3A_851 = arith.addf %broadcast_in_dim3A_825, %get3A_850 : vector<16xf32>
        %add3A_852 = arith.constant 3 : i32
        %add3A_853 = arith.addi %add3A_831, %add3A_852 : i32
        %get3A_854 = arith.index_cast %add3A_853 : i32 to index
        %get3A_855 = arith.constant 0 : index
        %get3A_856 = tpu.vector_load %arg20[%get3A_854, %get3A_855] {strides = array<i32>} : memref<768x16xf32, #tpu.memory_space<vmem>>, vector<1x16xf32>,
        %get3A_857 = vector.shape_cast %get3A_856 : vector<1x16xf32> to vector<16xf32>
        %add3A_858 = arith.addf %broadcast_in_dim3A_827, %get3A_857 : vector<16xf32>
        %add3A_859 = arith.constant 4 : i32
        %add3A_860 = arith.addi %add3A_831, %add3A_859 : i32
        %get3A_861 = arith.index_cast %add3A_860 : i32 to index
        %get3A_862 = arith.constant 0 : index
        %get3A_863 = tpu.vector_load %arg20[%get3A_861, %get3A_862] {strides = array<i32>} : memref<768x16xf32, #tpu.memory_space<vmem>>, vector<1x16xf32>,
        %get3A_864 = vector.shape_cast %get3A_863 : vector<1x16xf32> to vector<16xf32>
        %add3A_865 = arith.addf %add3A_837, %get3A_864 : vector<16xf32>
        %add3A_866 = arith.constant 5 : i32
        %add3A_867 = arith.addi %add3A_831, %add3A_866 : i32
        %get3A_868 = arith.index_cast %add3A_867 : i32 to index
        %get3A_869 = arith.constant 0 : index
        %get3A_870 = tpu.vector_load %arg20[%get3A_868, %get3A_869] {strides = array<i32>} : memref<768x16xf32, #tpu.memory_space<vmem>>, vector<1x16xf32>,
        %get3A_871 = vector.shape_cast %get3A_870 : vector<1x16xf32> to vector<16xf32>
        %add3A_872 = arith.addf %add3A_844, %get3A_871 : vector<16xf32>
        %add3A_873 = arith.constant 6 : i32
        %add3A_874 = arith.addi %add3A_831, %add3A_873 : i32
        %get3A_875 = arith.index_cast %add3A_874 : i32 to index
        %get3A_876 = arith.constant 0 : index
        %get3A_877 = tpu.vector_load %arg20[%get3A_875, %get3A_876] {strides = array<i32>} : memref<768x16xf32, #tpu.memory_space<vmem>>, vector<1x16xf32>,
        %get3A_878 = vector.shape_cast %get3A_877 : vector<1x16xf32> to vector<16xf32>
        %add3A_879 = arith.addf %add3A_851, %get3A_878 : vector<16xf32>
        %add3A_880 = arith.constant 7 : i32
        %add3A_881 = arith.addi %add3A_831, %add3A_880 : i32
        %get3A_882 = arith.index_cast %add3A_881 : i32 to index
        %get3A_883 = arith.constant 0 : index
        %get3A_884 = tpu.vector_load %arg20[%get3A_882, %get3A_883] {strides = array<i32>} : memref<768x16xf32, #tpu.memory_space<vmem>>, vector<1x16xf32>,
        %get3A_885 = vector.shape_cast %get3A_884 : vector<1x16xf32> to vector<16xf32>
        %add3A_886 = arith.addf %add3A_858, %get3A_885 : vector<16xf32>
        %add3A_887 = arith.constant 8 : i32
        %add3A_888 = arith.addi %add3A_831, %add3A_887 : i32
        %get3A_889 = arith.index_cast %add3A_888 : i32 to index
        %get3A_890 = arith.constant 0 : index
        %get3A_891 = tpu.vector_load %arg20[%get3A_889, %get3A_890] {strides = array<i32>} : memref<768x16xf32, #tpu.memory_space<vmem>>, vector<1x16xf32>,
        %get3A_892 = vector.shape_cast %get3A_891 : vector<1x16xf32> to vector<16xf32>
        %add3A_893 = arith.addf %add3A_865, %get3A_892 : vector<16xf32>
        %add3A_894 = arith.constant 9 : i32
        %add3A_895 = arith.addi %add3A_831, %add3A_894 : i32
        %get3A_896 = arith.index_cast %add3A_895 : i32 to index
        %get3A_897 = arith.constant 0 : index
        %get3A_898 = tpu.vector_load %arg20[%get3A_896, %get3A_897] {strides = array<i32>} : memref<768x16xf32, #tpu.memory_space<vmem>>, vector<1x16xf32>,
        %get3A_899 = vector.shape_cast %get3A_898 : vector<1x16xf32> to vector<16xf32>
        %add3A_900 = arith.addf %add3A_872, %get3A_899 : vector<16xf32>
        %add3A_901 = arith.constant 10 : i32
        %add3A_902 = arith.addi %add3A_831, %add3A_901 : i32
        %get3A_903 = arith.index_cast %add3A_902 : i32 to index
        %get3A_904 = arith.constant 0 : index
        %get3A_905 = tpu.vector_load %arg20[%get3A_903, %get3A_904] {strides = array<i32>} : memref<768x16xf32, #tpu.memory_space<vmem>>, vector<1x16xf32>,
        %get3A_906 = vector.shape_cast %get3A_905 : vector<1x16xf32> to vector<16xf32>
        %add3A_907 = arith.addf %add3A_879, %get3A_906 : vector<16xf32>
        %add3A_908 = arith.constant 11 : i32
        %add3A_909 = arith.addi %add3A_831, %add3A_908 : i32
        %get3A_910 = arith.index_cast %add3A_909 : i32 to index
        %get3A_911 = arith.constant 0 : index
        %get3A_912 = tpu.vector_load %arg20[%get3A_910, %get3A_911] {strides = array<i32>} : memref<768x16xf32, #tpu.memory_space<vmem>>, vector<1x16xf32>,
        %get3A_913 = vector.shape_cast %get3A_912 : vector<1x16xf32> to vector<16xf32>
        %add3A_914 = arith.addf %add3A_886, %get3A_913 : vector<16xf32>
        %add3A_915 = arith.constant 12 : i32
        %add3A_916 = arith.addi %add3A_831, %add3A_915 : i32
        %get3A_917 = arith.index_cast %add3A_916 : i32 to index
        %get3A_918 = arith.constant 0 : index
        %get3A_919 = tpu.vector_load %arg20[%get3A_917, %get3A_918] {strides = array<i32>} : memref<768x16xf32, #tpu.memory_space<vmem>>, vector<1x16xf32>,
        %get3A_920 = vector.shape_cast %get3A_919 : vector<1x16xf32> to vector<16xf32>
        %add3A_921 = arith.addf %add3A_893, %get3A_920 : vector<16xf32>
        %add3A_922 = arith.constant 13 : i32
        %add3A_923 = arith.addi %add3A_831, %add3A_922 : i32
        %get3A_924 = arith.index_cast %add3A_923 : i32 to index
        %get3A_925 = arith.constant 0 : index
        %get3A_926 = tpu.vector_load %arg20[%get3A_924, %get3A_925] {strides = array<i32>} : memref<768x16xf32, #tpu.memory_space<vmem>>, vector<1x16xf32>,
        %get3A_927 = vector.shape_cast %get3A_926 : vector<1x16xf32> to vector<16xf32>
        %add3A_928 = arith.addf %add3A_900, %get3A_927 : vector<16xf32>
        %add3A_929 = arith.constant 14 : i32
        %add3A_930 = arith.addi %add3A_831, %add3A_929 : i32
        %get3A_931 = arith.index_cast %add3A_930 : i32 to index
        %get3A_932 = arith.constant 0 : index
        %get3A_933 = tpu.vector_load %arg20[%get3A_931, %get3A_932] {strides = array<i32>} : memref<768x16xf32, #tpu.memory_space<vmem>>, vector<1x16xf32>,
        %get3A_934 = vector.shape_cast %get3A_933 : vector<1x16xf32> to vector<16xf32>
        %add3A_935 = arith.addf %add3A_907, %get3A_934 : vector<16xf32>
        %add3A_936 = arith.constant 15 : i32
        %add3A_937 = arith.addi %add3A_831, %add3A_936 : i32
        %get3A_938 = arith.index_cast %add3A_937 : i32 to index
        %get3A_939 = arith.constant 0 : index
        %get3A_940 = tpu.vector_load %arg20[%get3A_938, %get3A_939] {strides = array<i32>} : memref<768x16xf32, #tpu.memory_space<vmem>>, vector<1x16xf32>,
        %get3A_941 = vector.shape_cast %get3A_940 : vector<1x16xf32> to vector<16xf32>
        %add3A_942 = arith.addf %add3A_914, %get3A_941 : vector<16xf32>
        %add3A_943 = arith.constant 16 : i32
        %add3A_944 = arith.addi %add3A_831, %add3A_943 : i32
        %get3A_945 = arith.index_cast %add3A_944 : i32 to index
        %get3A_946 = arith.constant 0 : index
        %get3A_947 = tpu.vector_load %arg20[%get3A_945, %get3A_946] {strides = array<i32>} : memref<768x16xf32, #tpu.memory_space<vmem>>, vector<1x16xf32>,
        %get3A_948 = vector.shape_cast %get3A_947 : vector<1x16xf32> to vector<16xf32>
        %add3A_949 = arith.addf %add3A_921, %get3A_948 : vector<16xf32>
        %add3A_950 = arith.constant 17 : i32
        %add3A_951 = arith.addi %add3A_831, %add3A_950 : i32
        %get3A_952 = arith.index_cast %add3A_951 : i32 to index
        %get3A_953 = arith.constant 0 : index
        %get3A_954 = tpu.vector_load %arg20[%get3A_952, %get3A_953] {strides = array<i32>} : memref<768x16xf32, #tpu.memory_space<vmem>>, vector<1x16xf32>,
        %get3A_955 = vector.shape_cast %get3A_954 : vector<1x16xf32> to vector<16xf32>
        %add3A_956 = arith.addf %add3A_928, %get3A_955 : vector<16xf32>
        %add3A_957 = arith.constant 18 : i32
        %add3A_958 = arith.addi %add3A_831, %add3A_957 : i32
        %get3A_959 = arith.index_cast %add3A_958 : i32 to index
        %get3A_960 = arith.constant 0 : index
        %get3A_961 = tpu.vector_load %arg20[%get3A_959, %get3A_960] {strides = array<i32>} : memref<768x16xf32, #tpu.memory_space<vmem>>, vector<1x16xf32>,
        %get3A_962 = vector.shape_cast %get3A_961 : vector<1x16xf32> to vector<16xf32>
        %add3A_963 = arith.addf %add3A_935, %get3A_962 : vector<16xf32>
        %add3A_964 = arith.constant 19 : i32
        %add3A_965 = arith.addi %add3A_831, %add3A_964 : i32
        %get3A_966 = arith.index_cast %add3A_965 : i32 to index
        %get3A_967 = arith.constant 0 : index
        %get3A_968 = tpu.vector_load %arg20[%get3A_966, %get3A_967] {strides = array<i32>} : memref<768x16xf32, #tpu.memory_space<vmem>>, vector<1x16xf32>,
        %get3A_969 = vector.shape_cast %get3A_968 : vector<1x16xf32> to vector<16xf32>
        %add3A_970 = arith.addf %add3A_942, %get3A_969 : vector<16xf32>
        %add3A_971 = arith.addf %add3A_949, %add3A_956 : vector<16xf32>
        %add3A_972 = arith.addf %add3A_963, %add3A_970 : vector<16xf32>
        %add3A_973 = arith.addf %add3A_971, %add3A_972 : vector<16xf32>
        %mul3A_974 = arith.constant 5.000000e-02 : f32
        %mul3A_975 = vector.broadcast %mul3A_974 : f32 to vector<16xf32>
        %mul3A_976 = arith.mulf %add3A_973, %mul3A_975 : vector<16xf32>
        %swap3A_977 = arith.index_cast %add3A_603 : i32 to index
        %swap3A_978 = arith.constant 48 : index
        %swap3A_979 = tpu.vector_load %arg21[%swap3A_977, %swap3A_978] {strides = array<i32>} : memref<16x128xf32, #tpu.memory_space<vmem>>, vector<1x16xf32>,
        %swap3A_980 = vector.shape_cast %swap3A_979 : vector<1x16xf32> to vector<16xf32>
        %swap3A_981 = vector.shape_cast %mul3A_976 : vector<16xf32> to vector<1x16xf32>
        tpu.vector_store %arg21[%swap3A_977, %swap3A_978], %swap3A_981 {strides = array<i32>} : memref<16x128xf32, #tpu.memory_space<vmem>>, vector<1x16xf32>,
        %broadcast_in_dim3A_982 = arith.constant 0.000000e+00 : f32
        %broadcast_in_dim3A_983 = vector.broadcast %broadcast_in_dim3A_982 : f32 to vector<16xf32>
        %broadcast_in_dim3A_984 = arith.constant 0.000000e+00 : f32
        %broadcast_in_dim3A_985 = vector.broadcast %broadcast_in_dim3A_984 : f32 to vector<16xf32>
        %broadcast_in_dim3A_986 = arith.constant 0.000000e+00 : f32
        %broadcast_in_dim3A_987 = vector.broadcast %broadcast_in_dim3A_986 : f32 to vector<16xf32>
        %broadcast_in_dim3A_988 = arith.constant 0.000000e+00 : f32
        %broadcast_in_dim3A_989 = vector.broadcast %broadcast_in_dim3A_988 : f32 to vector<16xf32>
        %mul3A_990 = arith.constant 48 : i32
        %mul3A_991 = arith.muli %add3A_603, %mul3A_990 : i32
        %add3A_992 = arith.constant 24 : i32
        %add3A_993 = arith.addi %mul3A_991, %add3A_992 : i32
        %add3A_994 = arith.constant 0 : i32
        %add3A_995 = arith.addi %add3A_993, %add3A_994 : i32
        %get3A_996 = arith.index_cast %add3A_995 : i32 to index
        %get3A_997 = arith.constant 0 : index
        %get3A_998 = tpu.vector_load %arg20[%get3A_996, %get3A_997] {strides = array<i32>} : memref<768x16xf32, #tpu.memory_space<vmem>>, vector<1x16xf32>,
        %get3A_999 = vector.shape_cast %get3A_998 : vector<1x16xf32> to vector<16xf32>
        %add3A_1000 = arith.addf %broadcast_in_dim3A_983, %get3A_999 : vector<16xf32>
        %add3A_1001 = arith.constant 1 : i32
        %add3A_1002 = arith.addi %add3A_993, %add3A_1001 : i32
        %get3A_1003 = arith.index_cast %add3A_1002 : i32 to index
        %get3A_1004 = arith.constant 0 : index
        %get3A_1005 = tpu.vector_load %arg20[%get3A_1003, %get3A_1004] {strides = array<i32>} : memref<768x16xf32, #tpu.memory_space<vmem>>, vector<1x16xf32>,
        %get3A_1006 = vector.shape_cast %get3A_1005 : vector<1x16xf32> to vector<16xf32>
        %add3A_1007 = arith.addf %broadcast_in_dim3A_985, %get3A_1006 : vector<16xf32>
        %add3A_1008 = arith.constant 2 : i32
        %add3A_1009 = arith.addi %add3A_993, %add3A_1008 : i32
        %get3A_1010 = arith.index_cast %add3A_1009 : i32 to index
        %get3A_1011 = arith.constant 0 : index
        %get3A_1012 = tpu.vector_load %arg20[%get3A_1010, %get3A_1011] {strides = array<i32>} : memref<768x16xf32, #tpu.memory_space<vmem>>, vector<1x16xf32>,
        %get3A_1013 = vector.shape_cast %get3A_1012 : vector<1x16xf32> to vector<16xf32>
        %add3A_1014 = arith.addf %broadcast_in_dim3A_987, %get3A_1013 : vector<16xf32>
        %add3A_1015 = arith.constant 3 : i32
        %add3A_1016 = arith.addi %add3A_993, %add3A_1015 : i32
        %get3A_1017 = arith.index_cast %add3A_1016 : i32 to index
        %get3A_1018 = arith.constant 0 : index
        %get3A_1019 = tpu.vector_load %arg20[%get3A_1017, %get3A_1018] {strides = array<i32>} : memref<768x16xf32, #tpu.memory_space<vmem>>, vector<1x16xf32>,
        %get3A_1020 = vector.shape_cast %get3A_1019 : vector<1x16xf32> to vector<16xf32>
        %add3A_1021 = arith.addf %broadcast_in_dim3A_989, %get3A_1020 : vector<16xf32>
        %add3A_1022 = arith.constant 4 : i32
        %add3A_1023 = arith.addi %add3A_993, %add3A_1022 : i32
        %get3A_1024 = arith.index_cast %add3A_1023 : i32 to index
        %get3A_1025 = arith.constant 0 : index
        %get3A_1026 = tpu.vector_load %arg20[%get3A_1024, %get3A_1025] {strides = array<i32>} : memref<768x16xf32, #tpu.memory_space<vmem>>, vector<1x16xf32>,
        %get3A_1027 = vector.shape_cast %get3A_1026 : vector<1x16xf32> to vector<16xf32>
        %add3A_1028 = arith.addf %add3A_1000, %get3A_1027 : vector<16xf32>
        %add3A_1029 = arith.constant 5 : i32
        %add3A_1030 = arith.addi %add3A_993, %add3A_1029 : i32
        %get3A_1031 = arith.index_cast %add3A_1030 : i32 to index
        %get3A_1032 = arith.constant 0 : index
        %get3A_1033 = tpu.vector_load %arg20[%get3A_1031, %get3A_1032] {strides = array<i32>} : memref<768x16xf32, #tpu.memory_space<vmem>>, vector<1x16xf32>,
        %get3A_1034 = vector.shape_cast %get3A_1033 : vector<1x16xf32> to vector<16xf32>
        %add3A_1035 = arith.addf %add3A_1007, %get3A_1034 : vector<16xf32>
        %add3A_1036 = arith.constant 6 : i32
        %add3A_1037 = arith.addi %add3A_993, %add3A_1036 : i32
        %get3A_1038 = arith.index_cast %add3A_1037 : i32 to index
        %get3A_1039 = arith.constant 0 : index
        %get3A_1040 = tpu.vector_load %arg20[%get3A_1038, %get3A_1039] {strides = array<i32>} : memref<768x16xf32, #tpu.memory_space<vmem>>, vector<1x16xf32>,
        %get3A_1041 = vector.shape_cast %get3A_1040 : vector<1x16xf32> to vector<16xf32>
        %add3A_1042 = arith.addf %add3A_1014, %get3A_1041 : vector<16xf32>
        %add3A_1043 = arith.constant 7 : i32
        %add3A_1044 = arith.addi %add3A_993, %add3A_1043 : i32
        %get3A_1045 = arith.index_cast %add3A_1044 : i32 to index
        %get3A_1046 = arith.constant 0 : index
        %get3A_1047 = tpu.vector_load %arg20[%get3A_1045, %get3A_1046] {strides = array<i32>} : memref<768x16xf32, #tpu.memory_space<vmem>>, vector<1x16xf32>,
        %get3A_1048 = vector.shape_cast %get3A_1047 : vector<1x16xf32> to vector<16xf32>
        %add3A_1049 = arith.addf %add3A_1021, %get3A_1048 : vector<16xf32>
        %add3A_1050 = arith.constant 8 : i32
        %add3A_1051 = arith.addi %add3A_993, %add3A_1050 : i32
        %get3A_1052 = arith.index_cast %add3A_1051 : i32 to index
        %get3A_1053 = arith.constant 0 : index
        %get3A_1054 = tpu.vector_load %arg20[%get3A_1052, %get3A_1053] {strides = array<i32>} : memref<768x16xf32, #tpu.memory_space<vmem>>, vector<1x16xf32>,
        %get3A_1055 = vector.shape_cast %get3A_1054 : vector<1x16xf32> to vector<16xf32>
        %add3A_1056 = arith.addf %add3A_1028, %get3A_1055 : vector<16xf32>
        %add3A_1057 = arith.constant 9 : i32
        %add3A_1058 = arith.addi %add3A_993, %add3A_1057 : i32
        %get3A_1059 = arith.index_cast %add3A_1058 : i32 to index
        %get3A_1060 = arith.constant 0 : index
        %get3A_1061 = tpu.vector_load %arg20[%get3A_1059, %get3A_1060] {strides = array<i32>} : memref<768x16xf32, #tpu.memory_space<vmem>>, vector<1x16xf32>,
        %get3A_1062 = vector.shape_cast %get3A_1061 : vector<1x16xf32> to vector<16xf32>
        %add3A_1063 = arith.addf %add3A_1035, %get3A_1062 : vector<16xf32>
        %add3A_1064 = arith.constant 10 : i32
        %add3A_1065 = arith.addi %add3A_993, %add3A_1064 : i32
        %get3A_1066 = arith.index_cast %add3A_1065 : i32 to index
        %get3A_1067 = arith.constant 0 : index
        %get3A_1068 = tpu.vector_load %arg20[%get3A_1066, %get3A_1067] {strides = array<i32>} : memref<768x16xf32, #tpu.memory_space<vmem>>, vector<1x16xf32>,
        %get3A_1069 = vector.shape_cast %get3A_1068 : vector<1x16xf32> to vector<16xf32>
        %add3A_1070 = arith.addf %add3A_1042, %get3A_1069 : vector<16xf32>
        %add3A_1071 = arith.constant 11 : i32
        %add3A_1072 = arith.addi %add3A_993, %add3A_1071 : i32
        %get3A_1073 = arith.index_cast %add3A_1072 : i32 to index
        %get3A_1074 = arith.constant 0 : index
        %get3A_1075 = tpu.vector_load %arg20[%get3A_1073, %get3A_1074] {strides = array<i32>} : memref<768x16xf32, #tpu.memory_space<vmem>>, vector<1x16xf32>,
        %get3A_1076 = vector.shape_cast %get3A_1075 : vector<1x16xf32> to vector<16xf32>
        %add3A_1077 = arith.addf %add3A_1049, %get3A_1076 : vector<16xf32>
        %add3A_1078 = arith.constant 12 : i32
        %add3A_1079 = arith.addi %add3A_993, %add3A_1078 : i32
        %get3A_1080 = arith.index_cast %add3A_1079 : i32 to index
        %get3A_1081 = arith.constant 0 : index
        %get3A_1082 = tpu.vector_load %arg20[%get3A_1080, %get3A_1081] {strides = array<i32>} : memref<768x16xf32, #tpu.memory_space<vmem>>, vector<1x16xf32>,
        %get3A_1083 = vector.shape_cast %get3A_1082 : vector<1x16xf32> to vector<16xf32>
        %add3A_1084 = arith.addf %add3A_1056, %get3A_1083 : vector<16xf32>
        %add3A_1085 = arith.constant 13 : i32
        %add3A_1086 = arith.addi %add3A_993, %add3A_1085 : i32
        %get3A_1087 = arith.index_cast %add3A_1086 : i32 to index
        %get3A_1088 = arith.constant 0 : index
        %get3A_1089 = tpu.vector_load %arg20[%get3A_1087, %get3A_1088] {strides = array<i32>} : memref<768x16xf32, #tpu.memory_space<vmem>>, vector<1x16xf32>,
        %get3A_1090 = vector.shape_cast %get3A_1089 : vector<1x16xf32> to vector<16xf32>
        %add3A_1091 = arith.addf %add3A_1063, %get3A_1090 : vector<16xf32>
        %add3A_1092 = arith.constant 14 : i32
        %add3A_1093 = arith.addi %add3A_993, %add3A_1092 : i32
        %get3A_1094 = arith.index_cast %add3A_1093 : i32 to index
        %get3A_1095 = arith.constant 0 : index
        %get3A_1096 = tpu.vector_load %arg20[%get3A_1094, %get3A_1095] {strides = array<i32>} : memref<768x16xf32, #tpu.memory_space<vmem>>, vector<1x16xf32>,
        %get3A_1097 = vector.shape_cast %get3A_1096 : vector<1x16xf32> to vector<16xf32>
        %add3A_1098 = arith.addf %add3A_1070, %get3A_1097 : vector<16xf32>
        %add3A_1099 = arith.constant 15 : i32
        %add3A_1100 = arith.addi %add3A_993, %add3A_1099 : i32
        %get3A_1101 = arith.index_cast %add3A_1100 : i32 to index
        %get3A_1102 = arith.constant 0 : index
        %get3A_1103 = tpu.vector_load %arg20[%get3A_1101, %get3A_1102] {strides = array<i32>} : memref<768x16xf32, #tpu.memory_space<vmem>>, vector<1x16xf32>,
        %get3A_1104 = vector.shape_cast %get3A_1103 : vector<1x16xf32> to vector<16xf32>
        %add3A_1105 = arith.addf %add3A_1077, %get3A_1104 : vector<16xf32>
        %add3A_1106 = arith.constant 16 : i32
        %add3A_1107 = arith.addi %add3A_993, %add3A_1106 : i32
        %get3A_1108 = arith.index_cast %add3A_1107 : i32 to index
        %get3A_1109 = arith.constant 0 : index
        %get3A_1110 = tpu.vector_load %arg20[%get3A_1108, %get3A_1109] {strides = array<i32>} : memref<768x16xf32, #tpu.memory_space<vmem>>, vector<1x16xf32>,
        %get3A_1111 = vector.shape_cast %get3A_1110 : vector<1x16xf32> to vector<16xf32>
        %add3A_1112 = arith.addf %add3A_1084, %get3A_1111 : vector<16xf32>
        %add3A_1113 = arith.constant 17 : i32
        %add3A_1114 = arith.addi %add3A_993, %add3A_1113 : i32
        %get3A_1115 = arith.index_cast %add3A_1114 : i32 to index
        %get3A_1116 = arith.constant 0 : index
        %get3A_1117 = tpu.vector_load %arg20[%get3A_1115, %get3A_1116] {strides = array<i32>} : memref<768x16xf32, #tpu.memory_space<vmem>>, vector<1x16xf32>,
        %get3A_1118 = vector.shape_cast %get3A_1117 : vector<1x16xf32> to vector<16xf32>
        %add3A_1119 = arith.addf %add3A_1091, %get3A_1118 : vector<16xf32>
        %add3A_1120 = arith.constant 18 : i32
        %add3A_1121 = arith.addi %add3A_993, %add3A_1120 : i32
        %get3A_1122 = arith.index_cast %add3A_1121 : i32 to index
        %get3A_1123 = arith.constant 0 : index
        %get3A_1124 = tpu.vector_load %arg20[%get3A_1122, %get3A_1123] {strides = array<i32>} : memref<768x16xf32, #tpu.memory_space<vmem>>, vector<1x16xf32>,
        %get3A_1125 = vector.shape_cast %get3A_1124 : vector<1x16xf32> to vector<16xf32>
        %add3A_1126 = arith.addf %add3A_1098, %get3A_1125 : vector<16xf32>
        %add3A_1127 = arith.constant 19 : i32
        %add3A_1128 = arith.addi %add3A_993, %add3A_1127 : i32
        %get3A_1129 = arith.index_cast %add3A_1128 : i32 to index
        %get3A_1130 = arith.constant 0 : index
        %get3A_1131 = tpu.vector_load %arg20[%get3A_1129, %get3A_1130] {strides = array<i32>} : memref<768x16xf32, #tpu.memory_space<vmem>>, vector<1x16xf32>,
        %get3A_1132 = vector.shape_cast %get3A_1131 : vector<1x16xf32> to vector<16xf32>
        %add3A_1133 = arith.addf %add3A_1105, %get3A_1132 : vector<16xf32>
        %add3A_1134 = arith.addf %add3A_1112, %add3A_1119 : vector<16xf32>
        %add3A_1135 = arith.addf %add3A_1126, %add3A_1133 : vector<16xf32>
        %add3A_1136 = arith.addf %add3A_1134, %add3A_1135 : vector<16xf32>
        %mul3A_1137 = arith.constant 5.000000e-02 : f32
        %mul3A_1138 = vector.broadcast %mul3A_1137 : f32 to vector<16xf32>
        %mul3A_1139 = arith.mulf %add3A_1136, %mul3A_1138 : vector<16xf32>
        %swap3A_1140 = arith.index_cast %add3A_603 : i32 to index
        %swap3A_1141 = arith.constant 112 : index
        %swap3A_1142 = tpu.vector_load %arg21[%swap3A_1140, %swap3A_1141] {strides = array<i32>} : memref<16x128xf32, #tpu.memory_space<vmem>>, vector<1x16xf32>,
        %swap3A_1143 = vector.shape_cast %swap3A_1142 : vector<1x16xf32> to vector<16xf32>
        %swap3A_1144 = vector.shape_cast %mul3A_1139 : vector<16xf32> to vector<1x16xf32>
        tpu.vector_store %arg21[%swap3A_1140, %swap3A_1141], %swap3A_1144 {strides = array<i32>} : memref<16x128xf32, #tpu.memory_space<vmem>>, vector<1x16xf32>,
        %add3A_1145 = arith.constant 1 : i32
        %add3A_1146 = arith.addi %mul3A_601, %add3A_1145 : i32
        %add3A_1147 = arith.constant 2 : i32
        %add3A_1148 = arith.addi %add3A_1146, %add3A_1147 : i32
        %sub3A_1149 = arith.constant 1 : i32
        %sub3A_1150 = arith.subi %add3A_1148, %sub3A_1149 : i32
        %lt3A_1151 = arith.constant 16 : i32
        %lt3A_1152 = arith.cmpi slt, %sub3A_1150, %lt3A_1151 : i32
        %convert_element_type3A_1153 = arith.extui %lt3A_1152 : i1 to i32
        %cond3A_1154 = arith.constant 0 : i32
        %cond3A_1155 = arith.cmpi ne, %convert_element_type3A_1153, %cond3A_1154 : i32
        scf.if %cond3A_1155 {
          %dma_start3A_1603 = arith.constant 1 : i32
          %dma_start3A_1604 = arith.constant 0 : i32
          %dma_start3A_1605 = arith.constant 0 : i32
          %dma_start3A_1606 = arith.constant 0 : i32
          %dma_start3A_1607 = tpu.memref_slice %arg16[%dma_start3A_1604, %dma_start3A_1605, %dma_start3A_1606] : memref<2x200x32xf32, #tpu.memory_space<vmem>> -> memref<1x128x32xf32, #tpu.memory_space<vmem>>
          %dma_start3A_1608 = tpu.memref_squeeze %dma_start3A_1607 : memref<1x128x32xf32, #tpu.memory_space<vmem>> -> memref<128x32xf32, #tpu.memory_space<vmem>>
          %dma_start3A_1609 = arith.constant 0 : i32
          %dma_start3A_1610 = tpu.memref_slice %arg11[%dma_start3A_1603, %sub3A_1150, %dma_start3A_1609] : memref<2x16x200xi32, #tpu.memory_space<vmem>> -> memref<1x1x128xi32, #tpu.memory_space<vmem>>
          %dma_start3A_1611 = tpu.memref_squeeze %dma_start3A_1610 : memref<1x1x128xi32, #tpu.memory_space<vmem>> -> memref<128xi32, #tpu.memory_space<vmem>>
          %dma_start3A_1612 = arith.constant 0 : i32
          %dma_start3A_1613 = arith.constant 0 : i32
          %dma_start3A_1614 = tpu.memref_slice %arg22[%dma_start3A_1612, %dma_start3A_1613] : memref<13752x32xf32, #tpu.memory_space<vmem_shared>> -> memref<13752x32xf32, #tpu.memory_space<vmem_shared>>
          tpu.enqueue_indirect_dma source(%dma_start3A_1614 : memref<13752x32xf32, #tpu.memory_space<vmem_shared>>) target(%dma_start3A_1608 : memref<128x32xf32, #tpu.memory_space<vmem>>) offsets(%dma_start3A_1611 : memref<128xi32, #tpu.memory_space<vmem>>) semaphore(%arg25 : memref<!tpu.dma_semaphore, #tpu.memory_space<semaphore_mem>>)
          %dma_start3A_1615 = arith.constant 1 : i32
          %dma_start3A_1616 = arith.constant 0 : i32
          %dma_start3A_1617 = arith.constant 128 : i32
          %dma_start3A_1618 = arith.constant 0 : i32
          %dma_start3A_1619 = tpu.memref_slice %arg16[%dma_start3A_1616, %dma_start3A_1617, %dma_start3A_1618] : memref<2x200x32xf32, #tpu.memory_space<vmem>> -> memref<1x72x32xf32, #tpu.memory_space<vmem>>
          %dma_start3A_1620 = tpu.memref_squeeze %dma_start3A_1619 : memref<1x72x32xf32, #tpu.memory_space<vmem>> -> memref<72x32xf32, #tpu.memory_space<vmem>>
          %dma_start3A_1621 = arith.constant 128 : i32
          %dma_start3A_1622 = tpu.memref_slice %arg11[%dma_start3A_1615, %sub3A_1150, %dma_start3A_1621] : memref<2x16x200xi32, #tpu.memory_space<vmem>> -> memref<1x1x72xi32, #tpu.memory_space<vmem>>
          %dma_start3A_1623 = tpu.memref_squeeze %dma_start3A_1622 : memref<1x1x72xi32, #tpu.memory_space<vmem>> -> memref<72xi32, #tpu.memory_space<vmem>>
          %dma_start3A_1624 = arith.constant 0 : i32
          %dma_start3A_1625 = arith.constant 0 : i32
          %dma_start3A_1626 = tpu.memref_slice %arg22[%dma_start3A_1624, %dma_start3A_1625] : memref<13752x32xf32, #tpu.memory_space<vmem_shared>> -> memref<13752x32xf32, #tpu.memory_space<vmem_shared>>
          tpu.enqueue_indirect_dma source(%dma_start3A_1626 : memref<13752x32xf32, #tpu.memory_space<vmem_shared>>) target(%dma_start3A_1620 : memref<72x32xf32, #tpu.memory_space<vmem>>) offsets(%dma_start3A_1623 : memref<72xi32, #tpu.memory_space<vmem>>) semaphore(%arg25 : memref<!tpu.dma_semaphore, #tpu.memory_space<semaphore_mem>>)
          %dma_start3A_1627 = arith.constant 1 : i32
          %dma_start3A_1628 = arith.constant 0 : i32
          %dma_start3A_1629 = arith.constant 0 : i32
          %dma_start3A_1630 = arith.constant 0 : i32
          %dma_start3A_1631 = tpu.memref_slice %arg17[%dma_start3A_1628, %dma_start3A_1629, %dma_start3A_1630] : memref<2x200x16xf32, #tpu.memory_space<vmem>> -> memref<1x128x16xf32, #tpu.memory_space<vmem>>
          %dma_start3A_1632 = tpu.memref_squeeze %dma_start3A_1631 : memref<1x128x16xf32, #tpu.memory_space<vmem>> -> memref<128x16xf32, #tpu.memory_space<vmem>>
          %dma_start3A_1633 = arith.constant 0 : i32
          %dma_start3A_1634 = tpu.memref_slice %arg12[%dma_start3A_1627, %sub3A_1150, %dma_start3A_1633] : memref<2x16x200xi32, #tpu.memory_space<vmem>> -> memref<1x1x128xi32, #tpu.memory_space<vmem>>
          %dma_start3A_1635 = tpu.memref_squeeze %dma_start3A_1634 : memref<1x1x128xi32, #tpu.memory_space<vmem>> -> memref<128xi32, #tpu.memory_space<vmem>>
          %dma_start3A_1636 = arith.constant 0 : i32
          %dma_start3A_1637 = arith.constant 0 : i32
          %dma_start3A_1638 = tpu.memref_slice %arg23[%dma_start3A_1636, %dma_start3A_1637] : memref<17393x16xf32, #tpu.memory_space<vmem_shared>> -> memref<17393x16xf32, #tpu.memory_space<vmem_shared>>
          tpu.enqueue_indirect_dma source(%dma_start3A_1638 : memref<17393x16xf32, #tpu.memory_space<vmem_shared>>) target(%dma_start3A_1632 : memref<128x16xf32, #tpu.memory_space<vmem>>) offsets(%dma_start3A_1635 : memref<128xi32, #tpu.memory_space<vmem>>) semaphore(%arg25 : memref<!tpu.dma_semaphore, #tpu.memory_space<semaphore_mem>>)
          %dma_start3A_1639 = arith.constant 1 : i32
          %dma_start3A_1640 = arith.constant 0 : i32
          %dma_start3A_1641 = arith.constant 128 : i32
          %dma_start3A_1642 = arith.constant 0 : i32
          %dma_start3A_1643 = tpu.memref_slice %arg17[%dma_start3A_1640, %dma_start3A_1641, %dma_start3A_1642] : memref<2x200x16xf32, #tpu.memory_space<vmem>> -> memref<1x72x16xf32, #tpu.memory_space<vmem>>
          %dma_start3A_1644 = tpu.memref_squeeze %dma_start3A_1643 : memref<1x72x16xf32, #tpu.memory_space<vmem>> -> memref<72x16xf32, #tpu.memory_space<vmem>>
          %dma_start3A_1645 = arith.constant 128 : i32
          %dma_start3A_1646 = tpu.memref_slice %arg12[%dma_start3A_1639, %sub3A_1150, %dma_start3A_1645] : memref<2x16x200xi32, #tpu.memory_space<vmem>> -> memref<1x1x72xi32, #tpu.memory_space<vmem>>
          %dma_start3A_1647 = tpu.memref_squeeze %dma_start3A_1646 : memref<1x1x72xi32, #tpu.memory_space<vmem>> -> memref<72xi32, #tpu.memory_space<vmem>>
          %dma_start3A_1648 = arith.constant 0 : i32
          %dma_start3A_1649 = arith.constant 0 : i32
          %dma_start3A_1650 = tpu.memref_slice %arg23[%dma_start3A_1648, %dma_start3A_1649] : memref<17393x16xf32, #tpu.memory_space<vmem_shared>> -> memref<17393x16xf32, #tpu.memory_space<vmem_shared>>
          tpu.enqueue_indirect_dma source(%dma_start3A_1650 : memref<17393x16xf32, #tpu.memory_space<vmem_shared>>) target(%dma_start3A_1644 : memref<72x16xf32, #tpu.memory_space<vmem>>) offsets(%dma_start3A_1647 : memref<72xi32, #tpu.memory_space<vmem>>) semaphore(%arg25 : memref<!tpu.dma_semaphore, #tpu.memory_space<semaphore_mem>>)
          %dma_start3A_1651 = arith.constant 1 : i32
          %dma_start3A_1652 = arith.constant 0 : i32
          %dma_start3A_1653 = arith.constant 0 : i32
          %dma_start3A_1654 = arith.constant 0 : i32
          %dma_start3A_1655 = tpu.memref_slice %arg18[%dma_start3A_1652, %dma_start3A_1653, %dma_start3A_1654] : memref<2x200x32xf32, #tpu.memory_space<vmem>> -> memref<1x128x32xf32, #tpu.memory_space<vmem>>
          %dma_start3A_1656 = tpu.memref_squeeze %dma_start3A_1655 : memref<1x128x32xf32, #tpu.memory_space<vmem>> -> memref<128x32xf32, #tpu.memory_space<vmem>>
          %dma_start3A_1657 = arith.constant 0 : i32
          %dma_start3A_1658 = tpu.memref_slice %arg14[%dma_start3A_1651, %sub3A_1150, %dma_start3A_1657] : memref<2x16x200xi32, #tpu.memory_space<vmem>> -> memref<1x1x128xi32, #tpu.memory_space<vmem>>
          %dma_start3A_1659 = tpu.memref_squeeze %dma_start3A_1658 : memref<1x1x128xi32, #tpu.memory_space<vmem>> -> memref<128xi32, #tpu.memory_space<vmem>>
          %dma_start3A_1660 = arith.constant 0 : i32
          %dma_start3A_1661 = arith.constant 0 : i32
          %dma_start3A_1662 = tpu.memref_slice %arg22[%dma_start3A_1660, %dma_start3A_1661] : memref<13752x32xf32, #tpu.memory_space<vmem_shared>> -> memref<13752x32xf32, #tpu.memory_space<vmem_shared>>
          tpu.enqueue_indirect_dma source(%dma_start3A_1662 : memref<13752x32xf32, #tpu.memory_space<vmem_shared>>) target(%dma_start3A_1656 : memref<128x32xf32, #tpu.memory_space<vmem>>) offsets(%dma_start3A_1659 : memref<128xi32, #tpu.memory_space<vmem>>) semaphore(%arg25 : memref<!tpu.dma_semaphore, #tpu.memory_space<semaphore_mem>>)
          %dma_start3A_1663 = arith.constant 1 : i32
          %dma_start3A_1664 = arith.constant 0 : i32
          %dma_start3A_1665 = arith.constant 128 : i32
          %dma_start3A_1666 = arith.constant 0 : i32
          %dma_start3A_1667 = tpu.memref_slice %arg18[%dma_start3A_1664, %dma_start3A_1665, %dma_start3A_1666] : memref<2x200x32xf32, #tpu.memory_space<vmem>> -> memref<1x72x32xf32, #tpu.memory_space<vmem>>
          %dma_start3A_1668 = tpu.memref_squeeze %dma_start3A_1667 : memref<1x72x32xf32, #tpu.memory_space<vmem>> -> memref<72x32xf32, #tpu.memory_space<vmem>>
          %dma_start3A_1669 = arith.constant 128 : i32
          %dma_start3A_1670 = tpu.memref_slice %arg14[%dma_start3A_1663, %sub3A_1150, %dma_start3A_1669] : memref<2x16x200xi32, #tpu.memory_space<vmem>> -> memref<1x1x72xi32, #tpu.memory_space<vmem>>
          %dma_start3A_1671 = tpu.memref_squeeze %dma_start3A_1670 : memref<1x1x72xi32, #tpu.memory_space<vmem>> -> memref<72xi32, #tpu.memory_space<vmem>>
          %dma_start3A_1672 = arith.constant 0 : i32
          %dma_start3A_1673 = arith.constant 0 : i32
          %dma_start3A_1674 = tpu.memref_slice %arg22[%dma_start3A_1672, %dma_start3A_1673] : memref<13752x32xf32, #tpu.memory_space<vmem_shared>> -> memref<13752x32xf32, #tpu.memory_space<vmem_shared>>
          tpu.enqueue_indirect_dma source(%dma_start3A_1674 : memref<13752x32xf32, #tpu.memory_space<vmem_shared>>) target(%dma_start3A_1668 : memref<72x32xf32, #tpu.memory_space<vmem>>) offsets(%dma_start3A_1671 : memref<72xi32, #tpu.memory_space<vmem>>) semaphore(%arg25 : memref<!tpu.dma_semaphore, #tpu.memory_space<semaphore_mem>>)
          %dma_start3A_1675 = arith.constant 1 : i32
          %dma_start3A_1676 = arith.constant 0 : i32
          %dma_start3A_1677 = arith.constant 0 : i32
          %dma_start3A_1678 = arith.constant 0 : i32
          %dma_start3A_1679 = tpu.memref_slice %arg19[%dma_start3A_1676, %dma_start3A_1677, %dma_start3A_1678] : memref<2x200x16xf32, #tpu.memory_space<vmem>> -> memref<1x128x16xf32, #tpu.memory_space<vmem>>
          %dma_start3A_1680 = tpu.memref_squeeze %dma_start3A_1679 : memref<1x128x16xf32, #tpu.memory_space<vmem>> -> memref<128x16xf32, #tpu.memory_space<vmem>>
          %dma_start3A_1681 = arith.constant 0 : i32
          %dma_start3A_1682 = tpu.memref_slice %arg15[%dma_start3A_1675, %sub3A_1150, %dma_start3A_1681] : memref<2x16x200xi32, #tpu.memory_space<vmem>> -> memref<1x1x128xi32, #tpu.memory_space<vmem>>
          %dma_start3A_1683 = tpu.memref_squeeze %dma_start3A_1682 : memref<1x1x128xi32, #tpu.memory_space<vmem>> -> memref<128xi32, #tpu.memory_space<vmem>>
          %dma_start3A_1684 = arith.constant 0 : i32
          %dma_start3A_1685 = arith.constant 0 : i32
          %dma_start3A_1686 = tpu.memref_slice %arg23[%dma_start3A_1684, %dma_start3A_1685] : memref<17393x16xf32, #tpu.memory_space<vmem_shared>> -> memref<17393x16xf32, #tpu.memory_space<vmem_shared>>
          tpu.enqueue_indirect_dma source(%dma_start3A_1686 : memref<17393x16xf32, #tpu.memory_space<vmem_shared>>) target(%dma_start3A_1680 : memref<128x16xf32, #tpu.memory_space<vmem>>) offsets(%dma_start3A_1683 : memref<128xi32, #tpu.memory_space<vmem>>) semaphore(%arg25 : memref<!tpu.dma_semaphore, #tpu.memory_space<semaphore_mem>>)
          %dma_start3A_1687 = arith.constant 1 : i32
          %dma_start3A_1688 = arith.constant 0 : i32
          %dma_start3A_1689 = arith.constant 128 : i32
          %dma_start3A_1690 = arith.constant 0 : i32
          %dma_start3A_1691 = tpu.memref_slice %arg19[%dma_start3A_1688, %dma_start3A_1689, %dma_start3A_1690] : memref<2x200x16xf32, #tpu.memory_space<vmem>> -> memref<1x72x16xf32, #tpu.memory_space<vmem>>
          %dma_start3A_1692 = tpu.memref_squeeze %dma_start3A_1691 : memref<1x72x16xf32, #tpu.memory_space<vmem>> -> memref<72x16xf32, #tpu.memory_space<vmem>>
          %dma_start3A_1693 = arith.constant 128 : i32
          %dma_start3A_1694 = tpu.memref_slice %arg15[%dma_start3A_1687, %sub3A_1150, %dma_start3A_1693] : memref<2x16x200xi32, #tpu.memory_space<vmem>> -> memref<1x1x72xi32, #tpu.memory_space<vmem>>
          %dma_start3A_1695 = tpu.memref_squeeze %dma_start3A_1694 : memref<1x1x72xi32, #tpu.memory_space<vmem>> -> memref<72xi32, #tpu.memory_space<vmem>>
          %dma_start3A_1696 = arith.constant 0 : i32
          %dma_start3A_1697 = arith.constant 0 : i32
          %dma_start3A_1698 = tpu.memref_slice %arg23[%dma_start3A_1696, %dma_start3A_1697] : memref<17393x16xf32, #tpu.memory_space<vmem_shared>> -> memref<17393x16xf32, #tpu.memory_space<vmem_shared>>
          tpu.enqueue_indirect_dma source(%dma_start3A_1698 : memref<17393x16xf32, #tpu.memory_space<vmem_shared>>) target(%dma_start3A_1692 : memref<72x16xf32, #tpu.memory_space<vmem>>) offsets(%dma_start3A_1695 : memref<72xi32, #tpu.memory_space<vmem>>) semaphore(%arg25 : memref<!tpu.dma_semaphore, #tpu.memory_space<semaphore_mem>>)
        } else {
        }
        %dma_wait3A_1156 = arith.constant 1 : i32
        %dma_wait3A_1157 = arith.constant 0 : i32
        %dma_wait3A_1158 = arith.constant 0 : i32
        %dma_wait3A_1159 = tpu.memref_slice %arg16[%dma_wait3A_1156, %dma_wait3A_1157, %dma_wait3A_1158] : memref<2x200x32xf32, #tpu.memory_space<vmem>> -> memref<1x200x32xf32, #tpu.memory_space<vmem>>
        %dma_wait3A_1160 = tpu.memref_squeeze %dma_wait3A_1159 : memref<1x200x32xf32, #tpu.memory_space<vmem>> -> memref<200x32xf32, #tpu.memory_space<vmem>>
        %dma_wait3A_1161 = arith.constant 0 : i32
        %dma_wait3A_1162 = arith.constant 0 : i32
        %dma_wait3A_1163 = tpu.memref_slice %arg7[%dma_wait3A_1161, %dma_wait3A_1162] : memref<13752x32xf32, #tpu.memory_space<hbm>> -> memref<200x32xf32, #tpu.memory_space<hbm>>
        %dma_wait3A_1164 = arith.constant 0 : i32
        %dma_wait3A_1165 = arith.constant 0 : i32
        %dma_wait3A_1166 = tpu.memref_slice %arg16[%dma_wait3A_1156, %dma_wait3A_1164, %dma_wait3A_1165] : memref<2x200x32xf32, #tpu.memory_space<vmem>> -> memref<1x200x32xf32, #tpu.memory_space<vmem>>
        %dma_wait3A_1167 = tpu.memref_squeeze %dma_wait3A_1166 : memref<1x200x32xf32, #tpu.memory_space<vmem>> -> memref<200x32xf32, #tpu.memory_space<vmem>>
        %dma_wait3A_1168 = arith.constant 0 : i32
        %dma_wait3A_1169 = arith.constant 0 : i32
        %dma_wait3A_1170 = tpu.memref_slice %arg7[%dma_wait3A_1168, %dma_wait3A_1169] : memref<13752x32xf32, #tpu.memory_space<hbm>> -> memref<200x32xf32, #tpu.memory_space<hbm>>
        tpu.wait_dma2 semaphore(%arg26 : memref<!tpu.dma_semaphore, #tpu.memory_space<semaphore_mem>>) src(%dma_wait3A_1170 : memref<200x32xf32, #tpu.memory_space<hbm>>) dst(%dma_wait3A_1167 : memref<200x32xf32, #tpu.memory_space<vmem>>)
        %dma_wait3A_1171 = arith.constant 1 : i32
        %dma_wait3A_1172 = arith.constant 0 : i32
        %dma_wait3A_1173 = arith.constant 0 : i32
        %dma_wait3A_1174 = tpu.memref_slice %arg17[%dma_wait3A_1171, %dma_wait3A_1172, %dma_wait3A_1173] : memref<2x200x16xf32, #tpu.memory_space<vmem>> -> memref<1x200x16xf32, #tpu.memory_space<vmem>>
        %dma_wait3A_1175 = tpu.memref_squeeze %dma_wait3A_1174 : memref<1x200x16xf32, #tpu.memory_space<vmem>> -> memref<200x16xf32, #tpu.memory_space<vmem>>
        %dma_wait3A_1176 = arith.constant 0 : i32
        %dma_wait3A_1177 = arith.constant 0 : i32
        %dma_wait3A_1178 = tpu.memref_slice %arg8[%dma_wait3A_1176, %dma_wait3A_1177] : memref<17393x16xf32, #tpu.memory_space<hbm>> -> memref<200x16xf32, #tpu.memory_space<hbm>>
        %dma_wait3A_1179 = arith.constant 0 : i32
        %dma_wait3A_1180 = arith.constant 0 : i32
        %dma_wait3A_1181 = tpu.memref_slice %arg17[%dma_wait3A_1171, %dma_wait3A_1179, %dma_wait3A_1180] : memref<2x200x16xf32, #tpu.memory_space<vmem>> -> memref<1x200x16xf32, #tpu.memory_space<vmem>>
        %dma_wait3A_1182 = tpu.memref_squeeze %dma_wait3A_1181 : memref<1x200x16xf32, #tpu.memory_space<vmem>> -> memref<200x16xf32, #tpu.memory_space<vmem>>
        %dma_wait3A_1183 = arith.constant 0 : i32
        %dma_wait3A_1184 = arith.constant 0 : i32
        %dma_wait3A_1185 = tpu.memref_slice %arg8[%dma_wait3A_1183, %dma_wait3A_1184] : memref<17393x16xf32, #tpu.memory_space<hbm>> -> memref<200x16xf32, #tpu.memory_space<hbm>>
        tpu.wait_dma2 semaphore(%arg26 : memref<!tpu.dma_semaphore, #tpu.memory_space<semaphore_mem>>) src(%dma_wait3A_1185 : memref<200x16xf32, #tpu.memory_space<hbm>>) dst(%dma_wait3A_1182 : memref<200x16xf32, #tpu.memory_space<vmem>>)
        %dma_wait3A_1186 = arith.constant 1 : i32
        %dma_wait3A_1187 = arith.constant 0 : i32
        %dma_wait3A_1188 = arith.constant 0 : i32
        %dma_wait3A_1189 = tpu.memref_slice %arg18[%dma_wait3A_1186, %dma_wait3A_1187, %dma_wait3A_1188] : memref<2x200x32xf32, #tpu.memory_space<vmem>> -> memref<1x200x32xf32, #tpu.memory_space<vmem>>
        %dma_wait3A_1190 = tpu.memref_squeeze %dma_wait3A_1189 : memref<1x200x32xf32, #tpu.memory_space<vmem>> -> memref<200x32xf32, #tpu.memory_space<vmem>>
        %dma_wait3A_1191 = arith.constant 0 : i32
        %dma_wait3A_1192 = arith.constant 0 : i32
        %dma_wait3A_1193 = tpu.memref_slice %arg7[%dma_wait3A_1191, %dma_wait3A_1192] : memref<13752x32xf32, #tpu.memory_space<hbm>> -> memref<200x32xf32, #tpu.memory_space<hbm>>
        %dma_wait3A_1194 = arith.constant 0 : i32
        %dma_wait3A_1195 = arith.constant 0 : i32
        %dma_wait3A_1196 = tpu.memref_slice %arg18[%dma_wait3A_1186, %dma_wait3A_1194, %dma_wait3A_1195] : memref<2x200x32xf32, #tpu.memory_space<vmem>> -> memref<1x200x32xf32, #tpu.memory_space<vmem>>
        %dma_wait3A_1197 = tpu.memref_squeeze %dma_wait3A_1196 : memref<1x200x32xf32, #tpu.memory_space<vmem>> -> memref<200x32xf32, #tpu.memory_space<vmem>>
        %dma_wait3A_1198 = arith.constant 0 : i32
        %dma_wait3A_1199 = arith.constant 0 : i32
        %dma_wait3A_1200 = tpu.memref_slice %arg7[%dma_wait3A_1198, %dma_wait3A_1199] : memref<13752x32xf32, #tpu.memory_space<hbm>> -> memref<200x32xf32, #tpu.memory_space<hbm>>
        tpu.wait_dma2 semaphore(%arg26 : memref<!tpu.dma_semaphore, #tpu.memory_space<semaphore_mem>>) src(%dma_wait3A_1200 : memref<200x32xf32, #tpu.memory_space<hbm>>) dst(%dma_wait3A_1197 : memref<200x32xf32, #tpu.memory_space<vmem>>)
        %dma_wait3A_1201 = arith.constant 1 : i32
        %dma_wait3A_1202 = arith.constant 0 : i32
        %dma_wait3A_1203 = arith.constant 0 : i32
        %dma_wait3A_1204 = tpu.memref_slice %arg19[%dma_wait3A_1201, %dma_wait3A_1202, %dma_wait3A_1203] : memref<2x200x16xf32, #tpu.memory_space<vmem>> -> memref<1x200x16xf32, #tpu.memory_space<vmem>>
        %dma_wait3A_1205 = tpu.memref_squeeze %dma_wait3A_1204 : memref<1x200x16xf32, #tpu.memory_space<vmem>> -> memref<200x16xf32, #tpu.memory_space<vmem>>
        %dma_wait3A_1206 = arith.constant 0 : i32
        %dma_wait3A_1207 = arith.constant 0 : i32
        %dma_wait3A_1208 = tpu.memref_slice %arg8[%dma_wait3A_1206, %dma_wait3A_1207] : memref<17393x16xf32, #tpu.memory_space<hbm>> -> memref<200x16xf32, #tpu.memory_space<hbm>>
        %dma_wait3A_1209 = arith.constant 0 : i32
        %dma_wait3A_1210 = arith.constant 0 : i32
        %dma_wait3A_1211 = tpu.memref_slice %arg19[%dma_wait3A_1201, %dma_wait3A_1209, %dma_wait3A_1210] : memref<2x200x16xf32, #tpu.memory_space<vmem>> -> memref<1x200x16xf32, #tpu.memory_space<vmem>>
        %dma_wait3A_1212 = tpu.memref_squeeze %dma_wait3A_1211 : memref<1x200x16xf32, #tpu.memory_space<vmem>> -> memref<200x16xf32, #tpu.memory_space<vmem>>
        %dma_wait3A_1213 = arith.constant 0 : i32
        %dma_wait3A_1214 = arith.constant 0 : i32
        %dma_wait3A_1215 = tpu.memref_slice %arg8[%dma_wait3A_1213, %dma_wait3A_1214] : memref<17393x16xf32, #tpu.memory_space<hbm>> -> memref<200x16xf32, #tpu.memory_space<hbm>>
        tpu.wait_dma2 semaphore(%arg26 : memref<!tpu.dma_semaphore, #tpu.memory_space<semaphore_mem>>) src(%dma_wait3A_1215 : memref<200x16xf32, #tpu.memory_space<hbm>>) dst(%dma_wait3A_1212 : memref<200x16xf32, #tpu.memory_space<vmem>>)
        %broadcast_in_dim3A_1216 = arith.constant 0.000000e+00 : f32
        %broadcast_in_dim3A_1217 = vector.broadcast %broadcast_in_dim3A_1216 : f32 to vector<16xf32>
        %parallel_loop3A_1218 = arith.constant 0 : i32
        %parallel_loop3A_1219 = arith.constant 200 : i32
        %parallel_loop3A_1220 = arith.constant 4 : i32
        %parallel_loop3A_1221:12 = scf.for %parallel_loop3A_1603 = %parallel_loop3A_1218 to %parallel_loop3A_1219 step %parallel_loop3A_1220 iter_args(%parallel_loop3A_1604 = %broadcast_in_dim3A_1217, %parallel_loop3A_1605 = %broadcast_in_dim3A_1217, %parallel_loop3A_1606 = %broadcast_in_dim3A_1217, %parallel_loop3A_1607 = %broadcast_in_dim3A_1217, %parallel_loop3A_1608 = %broadcast_in_dim3A_1217, %parallel_loop3A_1609 = %broadcast_in_dim3A_1217, %parallel_loop3A_1610 = %broadcast_in_dim3A_1217, %parallel_loop3A_1611 = %broadcast_in_dim3A_1217, %parallel_loop3A_1612 = %broadcast_in_dim3A_1217, %parallel_loop3A_1613 = %broadcast_in_dim3A_1217, %parallel_loop3A_1614 = %broadcast_in_dim3A_1217, %parallel_loop3A_1615 = %broadcast_in_dim3A_1217) -> (vector<16xf32>, vector<16xf32>, vector<16xf32>, vector<16xf32>, vector<16xf32>, vector<16xf32>, vector<16xf32>, vector<16xf32>, vector<16xf32>, vector<16xf32>, vector<16xf32>, vector<16xf32>)  : i32 {
          %parallel_loop3A_1616 = arith.constant 0 : i32
          %parallel_loop3A_1617 = arith.addi %parallel_loop3A_1603, %parallel_loop3A_1616 : i32
          %parallel_loop3A_1618 = arith.constant 1 : i32
          %parallel_loop3A_1619 = arith.index_cast %parallel_loop3A_1618 : i32 to index
          %parallel_loop3A_1620 = arith.index_cast %parallel_loop3A_1617 : i32 to index
          %parallel_loop3A_1621 = arith.constant 0 : index
          %parallel_loop3A_1622 = tpu.vector_load %arg16[%parallel_loop3A_1619, %parallel_loop3A_1620, %parallel_loop3A_1621] {strides = array<i32>} : memref<2x200x32xf32, #tpu.memory_space<vmem>>, vector<1x1x16xf32>,
          %parallel_loop3A_1623 = vector.shape_cast %parallel_loop3A_1622 : vector<1x1x16xf32> to vector<16xf32>
          %parallel_loop3A_1624 = arith.addf %parallel_loop3A_1604, %parallel_loop3A_1623 : vector<16xf32>
          %parallel_loop3A_1625 = arith.constant 1 : i32
          %parallel_loop3A_1626 = arith.index_cast %parallel_loop3A_1625 : i32 to index
          %parallel_loop3A_1627 = arith.index_cast %parallel_loop3A_1617 : i32 to index
          %parallel_loop3A_1628 = arith.constant 16 : index
          %parallel_loop3A_1629 = tpu.vector_load %arg16[%parallel_loop3A_1626, %parallel_loop3A_1627, %parallel_loop3A_1628] {strides = array<i32>} : memref<2x200x32xf32, #tpu.memory_space<vmem>>, vector<1x1x16xf32>,
          %parallel_loop3A_1630 = vector.shape_cast %parallel_loop3A_1629 : vector<1x1x16xf32> to vector<16xf32>
          %parallel_loop3A_1631 = arith.addf %parallel_loop3A_1606, %parallel_loop3A_1630 : vector<16xf32>
          %parallel_loop3A_1632 = arith.constant 1 : i32
          %parallel_loop3A_1633 = arith.index_cast %parallel_loop3A_1632 : i32 to index
          %parallel_loop3A_1634 = arith.index_cast %parallel_loop3A_1617 : i32 to index
          %parallel_loop3A_1635 = arith.constant 0 : index
          %parallel_loop3A_1636 = tpu.vector_load %arg17[%parallel_loop3A_1633, %parallel_loop3A_1634, %parallel_loop3A_1635] {strides = array<i32>} : memref<2x200x16xf32, #tpu.memory_space<vmem>>, vector<1x1x16xf32>,
          %parallel_loop3A_1637 = vector.shape_cast %parallel_loop3A_1636 : vector<1x1x16xf32> to vector<16xf32>
          %parallel_loop3A_1638 = arith.addf %parallel_loop3A_1608, %parallel_loop3A_1637 : vector<16xf32>
          %parallel_loop3A_1639 = arith.constant 1 : i32
          %parallel_loop3A_1640 = arith.index_cast %parallel_loop3A_1639 : i32 to index
          %parallel_loop3A_1641 = arith.index_cast %parallel_loop3A_1617 : i32 to index
          %parallel_loop3A_1642 = arith.constant 0 : index
          %parallel_loop3A_1643 = tpu.vector_load %arg18[%parallel_loop3A_1640, %parallel_loop3A_1641, %parallel_loop3A_1642] {strides = array<i32>} : memref<2x200x32xf32, #tpu.memory_space<vmem>>, vector<1x1x16xf32>,
          %parallel_loop3A_1644 = vector.shape_cast %parallel_loop3A_1643 : vector<1x1x16xf32> to vector<16xf32>
          %parallel_loop3A_1645 = arith.addf %parallel_loop3A_1610, %parallel_loop3A_1644 : vector<16xf32>
          %parallel_loop3A_1646 = arith.constant 1 : i32
          %parallel_loop3A_1647 = arith.index_cast %parallel_loop3A_1646 : i32 to index
          %parallel_loop3A_1648 = arith.index_cast %parallel_loop3A_1617 : i32 to index
          %parallel_loop3A_1649 = arith.constant 16 : index
          %parallel_loop3A_1650 = tpu.vector_load %arg18[%parallel_loop3A_1647, %parallel_loop3A_1648, %parallel_loop3A_1649] {strides = array<i32>} : memref<2x200x32xf32, #tpu.memory_space<vmem>>, vector<1x1x16xf32>,
          %parallel_loop3A_1651 = vector.shape_cast %parallel_loop3A_1650 : vector<1x1x16xf32> to vector<16xf32>
          %parallel_loop3A_1652 = arith.addf %parallel_loop3A_1612, %parallel_loop3A_1651 : vector<16xf32>
          %parallel_loop3A_1653 = arith.constant 1 : i32
          %parallel_loop3A_1654 = arith.index_cast %parallel_loop3A_1653 : i32 to index
          %parallel_loop3A_1655 = arith.index_cast %parallel_loop3A_1617 : i32 to index
          %parallel_loop3A_1656 = arith.constant 0 : index
          %parallel_loop3A_1657 = tpu.vector_load %arg19[%parallel_loop3A_1654, %parallel_loop3A_1655, %parallel_loop3A_1656] {strides = array<i32>} : memref<2x200x16xf32, #tpu.memory_space<vmem>>, vector<1x1x16xf32>,
          %parallel_loop3A_1658 = vector.shape_cast %parallel_loop3A_1657 : vector<1x1x16xf32> to vector<16xf32>
          %parallel_loop3A_1659 = arith.addf %parallel_loop3A_1614, %parallel_loop3A_1658 : vector<16xf32>
          %parallel_loop3A_1660 = arith.constant 1 : i32
          %parallel_loop3A_1661 = arith.addi %parallel_loop3A_1603, %parallel_loop3A_1660 : i32
          %parallel_loop3A_1662 = arith.constant 1 : i32
          %parallel_loop3A_1663 = arith.index_cast %parallel_loop3A_1662 : i32 to index
          %parallel_loop3A_1664 = arith.index_cast %parallel_loop3A_1661 : i32 to index
          %parallel_loop3A_1665 = arith.constant 0 : index
          %parallel_loop3A_1666 = tpu.vector_load %arg16[%parallel_loop3A_1663, %parallel_loop3A_1664, %parallel_loop3A_1665] {strides = array<i32>} : memref<2x200x32xf32, #tpu.memory_space<vmem>>, vector<1x1x16xf32>,
          %parallel_loop3A_1667 = vector.shape_cast %parallel_loop3A_1666 : vector<1x1x16xf32> to vector<16xf32>
          %parallel_loop3A_1668 = arith.addf %parallel_loop3A_1605, %parallel_loop3A_1667 : vector<16xf32>
          %parallel_loop3A_1669 = arith.constant 1 : i32
          %parallel_loop3A_1670 = arith.index_cast %parallel_loop3A_1669 : i32 to index
          %parallel_loop3A_1671 = arith.index_cast %parallel_loop3A_1661 : i32 to index
          %parallel_loop3A_1672 = arith.constant 16 : index
          %parallel_loop3A_1673 = tpu.vector_load %arg16[%parallel_loop3A_1670, %parallel_loop3A_1671, %parallel_loop3A_1672] {strides = array<i32>} : memref<2x200x32xf32, #tpu.memory_space<vmem>>, vector<1x1x16xf32>,
          %parallel_loop3A_1674 = vector.shape_cast %parallel_loop3A_1673 : vector<1x1x16xf32> to vector<16xf32>
          %parallel_loop3A_1675 = arith.addf %parallel_loop3A_1607, %parallel_loop3A_1674 : vector<16xf32>
          %parallel_loop3A_1676 = arith.constant 1 : i32
          %parallel_loop3A_1677 = arith.index_cast %parallel_loop3A_1676 : i32 to index
          %parallel_loop3A_1678 = arith.index_cast %parallel_loop3A_1661 : i32 to index
          %parallel_loop3A_1679 = arith.constant 0 : index
          %parallel_loop3A_1680 = tpu.vector_load %arg17[%parallel_loop3A_1677, %parallel_loop3A_1678, %parallel_loop3A_1679] {strides = array<i32>} : memref<2x200x16xf32, #tpu.memory_space<vmem>>, vector<1x1x16xf32>,
          %parallel_loop3A_1681 = vector.shape_cast %parallel_loop3A_1680 : vector<1x1x16xf32> to vector<16xf32>
          %parallel_loop3A_1682 = arith.addf %parallel_loop3A_1609, %parallel_loop3A_1681 : vector<16xf32>
          %parallel_loop3A_1683 = arith.constant 1 : i32
          %parallel_loop3A_1684 = arith.index_cast %parallel_loop3A_1683 : i32 to index
          %parallel_loop3A_1685 = arith.index_cast %parallel_loop3A_1661 : i32 to index
          %parallel_loop3A_1686 = arith.constant 0 : index
          %parallel_loop3A_1687 = tpu.vector_load %arg18[%parallel_loop3A_1684, %parallel_loop3A_1685, %parallel_loop3A_1686] {strides = array<i32>} : memref<2x200x32xf32, #tpu.memory_space<vmem>>, vector<1x1x16xf32>,
          %parallel_loop3A_1688 = vector.shape_cast %parallel_loop3A_1687 : vector<1x1x16xf32> to vector<16xf32>
          %parallel_loop3A_1689 = arith.addf %parallel_loop3A_1611, %parallel_loop3A_1688 : vector<16xf32>
          %parallel_loop3A_1690 = arith.constant 1 : i32
          %parallel_loop3A_1691 = arith.index_cast %parallel_loop3A_1690 : i32 to index
          %parallel_loop3A_1692 = arith.index_cast %parallel_loop3A_1661 : i32 to index
          %parallel_loop3A_1693 = arith.constant 16 : index
          %parallel_loop3A_1694 = tpu.vector_load %arg18[%parallel_loop3A_1691, %parallel_loop3A_1692, %parallel_loop3A_1693] {strides = array<i32>} : memref<2x200x32xf32, #tpu.memory_space<vmem>>, vector<1x1x16xf32>,
          %parallel_loop3A_1695 = vector.shape_cast %parallel_loop3A_1694 : vector<1x1x16xf32> to vector<16xf32>
          %parallel_loop3A_1696 = arith.addf %parallel_loop3A_1613, %parallel_loop3A_1695 : vector<16xf32>
          %parallel_loop3A_1697 = arith.constant 1 : i32
          %parallel_loop3A_1698 = arith.index_cast %parallel_loop3A_1697 : i32 to index
          %parallel_loop3A_1699 = arith.index_cast %parallel_loop3A_1661 : i32 to index
          %parallel_loop3A_1700 = arith.constant 0 : index
          %parallel_loop3A_1701 = tpu.vector_load %arg19[%parallel_loop3A_1698, %parallel_loop3A_1699, %parallel_loop3A_1700] {strides = array<i32>} : memref<2x200x16xf32, #tpu.memory_space<vmem>>, vector<1x1x16xf32>,
          %parallel_loop3A_1702 = vector.shape_cast %parallel_loop3A_1701 : vector<1x1x16xf32> to vector<16xf32>
          %parallel_loop3A_1703 = arith.addf %parallel_loop3A_1615, %parallel_loop3A_1702 : vector<16xf32>
          %parallel_loop3A_1704 = arith.constant 2 : i32
          %parallel_loop3A_1705 = arith.addi %parallel_loop3A_1603, %parallel_loop3A_1704 : i32
          %parallel_loop3A_1706 = arith.constant 1 : i32
          %parallel_loop3A_1707 = arith.index_cast %parallel_loop3A_1706 : i32 to index
          %parallel_loop3A_1708 = arith.index_cast %parallel_loop3A_1705 : i32 to index
          %parallel_loop3A_1709 = arith.constant 0 : index
          %parallel_loop3A_1710 = tpu.vector_load %arg16[%parallel_loop3A_1707, %parallel_loop3A_1708, %parallel_loop3A_1709] {strides = array<i32>} : memref<2x200x32xf32, #tpu.memory_space<vmem>>, vector<1x1x16xf32>,
          %parallel_loop3A_1711 = vector.shape_cast %parallel_loop3A_1710 : vector<1x1x16xf32> to vector<16xf32>
          %parallel_loop3A_1712 = arith.addf %parallel_loop3A_1624, %parallel_loop3A_1711 : vector<16xf32>
          %parallel_loop3A_1713 = arith.constant 1 : i32
          %parallel_loop3A_1714 = arith.index_cast %parallel_loop3A_1713 : i32 to index
          %parallel_loop3A_1715 = arith.index_cast %parallel_loop3A_1705 : i32 to index
          %parallel_loop3A_1716 = arith.constant 16 : index
          %parallel_loop3A_1717 = tpu.vector_load %arg16[%parallel_loop3A_1714, %parallel_loop3A_1715, %parallel_loop3A_1716] {strides = array<i32>} : memref<2x200x32xf32, #tpu.memory_space<vmem>>, vector<1x1x16xf32>,
          %parallel_loop3A_1718 = vector.shape_cast %parallel_loop3A_1717 : vector<1x1x16xf32> to vector<16xf32>
          %parallel_loop3A_1719 = arith.addf %parallel_loop3A_1631, %parallel_loop3A_1718 : vector<16xf32>
          %parallel_loop3A_1720 = arith.constant 1 : i32
          %parallel_loop3A_1721 = arith.index_cast %parallel_loop3A_1720 : i32 to index
          %parallel_loop3A_1722 = arith.index_cast %parallel_loop3A_1705 : i32 to index
          %parallel_loop3A_1723 = arith.constant 0 : index
          %parallel_loop3A_1724 = tpu.vector_load %arg17[%parallel_loop3A_1721, %parallel_loop3A_1722, %parallel_loop3A_1723] {strides = array<i32>} : memref<2x200x16xf32, #tpu.memory_space<vmem>>, vector<1x1x16xf32>,
          %parallel_loop3A_1725 = vector.shape_cast %parallel_loop3A_1724 : vector<1x1x16xf32> to vector<16xf32>
          %parallel_loop3A_1726 = arith.addf %parallel_loop3A_1638, %parallel_loop3A_1725 : vector<16xf32>
          %parallel_loop3A_1727 = arith.constant 1 : i32
          %parallel_loop3A_1728 = arith.index_cast %parallel_loop3A_1727 : i32 to index
          %parallel_loop3A_1729 = arith.index_cast %parallel_loop3A_1705 : i32 to index
          %parallel_loop3A_1730 = arith.constant 0 : index
          %parallel_loop3A_1731 = tpu.vector_load %arg18[%parallel_loop3A_1728, %parallel_loop3A_1729, %parallel_loop3A_1730] {strides = array<i32>} : memref<2x200x32xf32, #tpu.memory_space<vmem>>, vector<1x1x16xf32>,
          %parallel_loop3A_1732 = vector.shape_cast %parallel_loop3A_1731 : vector<1x1x16xf32> to vector<16xf32>
          %parallel_loop3A_1733 = arith.addf %parallel_loop3A_1645, %parallel_loop3A_1732 : vector<16xf32>
          %parallel_loop3A_1734 = arith.constant 1 : i32
          %parallel_loop3A_1735 = arith.index_cast %parallel_loop3A_1734 : i32 to index
          %parallel_loop3A_1736 = arith.index_cast %parallel_loop3A_1705 : i32 to index
          %parallel_loop3A_1737 = arith.constant 16 : index
          %parallel_loop3A_1738 = tpu.vector_load %arg18[%parallel_loop3A_1735, %parallel_loop3A_1736, %parallel_loop3A_1737] {strides = array<i32>} : memref<2x200x32xf32, #tpu.memory_space<vmem>>, vector<1x1x16xf32>,
          %parallel_loop3A_1739 = vector.shape_cast %parallel_loop3A_1738 : vector<1x1x16xf32> to vector<16xf32>
          %parallel_loop3A_1740 = arith.addf %parallel_loop3A_1652, %parallel_loop3A_1739 : vector<16xf32>
          %parallel_loop3A_1741 = arith.constant 1 : i32
          %parallel_loop3A_1742 = arith.index_cast %parallel_loop3A_1741 : i32 to index
          %parallel_loop3A_1743 = arith.index_cast %parallel_loop3A_1705 : i32 to index
          %parallel_loop3A_1744 = arith.constant 0 : index
          %parallel_loop3A_1745 = tpu.vector_load %arg19[%parallel_loop3A_1742, %parallel_loop3A_1743, %parallel_loop3A_1744] {strides = array<i32>} : memref<2x200x16xf32, #tpu.memory_space<vmem>>, vector<1x1x16xf32>,
          %parallel_loop3A_1746 = vector.shape_cast %parallel_loop3A_1745 : vector<1x1x16xf32> to vector<16xf32>
          %parallel_loop3A_1747 = arith.addf %parallel_loop3A_1659, %parallel_loop3A_1746 : vector<16xf32>
          %parallel_loop3A_1748 = arith.constant 3 : i32
          %parallel_loop3A_1749 = arith.addi %parallel_loop3A_1603, %parallel_loop3A_1748 : i32
          %parallel_loop3A_1750 = arith.constant 1 : i32
          %parallel_loop3A_1751 = arith.index_cast %parallel_loop3A_1750 : i32 to index
          %parallel_loop3A_1752 = arith.index_cast %parallel_loop3A_1749 : i32 to index
          %parallel_loop3A_1753 = arith.constant 0 : index
          %parallel_loop3A_1754 = tpu.vector_load %arg16[%parallel_loop3A_1751, %parallel_loop3A_1752, %parallel_loop3A_1753] {strides = array<i32>} : memref<2x200x32xf32, #tpu.memory_space<vmem>>, vector<1x1x16xf32>,
          %parallel_loop3A_1755 = vector.shape_cast %parallel_loop3A_1754 : vector<1x1x16xf32> to vector<16xf32>
          %parallel_loop3A_1756 = arith.addf %parallel_loop3A_1668, %parallel_loop3A_1755 : vector<16xf32>
          %parallel_loop3A_1757 = arith.constant 1 : i32
          %parallel_loop3A_1758 = arith.index_cast %parallel_loop3A_1757 : i32 to index
          %parallel_loop3A_1759 = arith.index_cast %parallel_loop3A_1749 : i32 to index
          %parallel_loop3A_1760 = arith.constant 16 : index
          %parallel_loop3A_1761 = tpu.vector_load %arg16[%parallel_loop3A_1758, %parallel_loop3A_1759, %parallel_loop3A_1760] {strides = array<i32>} : memref<2x200x32xf32, #tpu.memory_space<vmem>>, vector<1x1x16xf32>,
          %parallel_loop3A_1762 = vector.shape_cast %parallel_loop3A_1761 : vector<1x1x16xf32> to vector<16xf32>
          %parallel_loop3A_1763 = arith.addf %parallel_loop3A_1675, %parallel_loop3A_1762 : vector<16xf32>
          %parallel_loop3A_1764 = arith.constant 1 : i32
          %parallel_loop3A_1765 = arith.index_cast %parallel_loop3A_1764 : i32 to index
          %parallel_loop3A_1766 = arith.index_cast %parallel_loop3A_1749 : i32 to index
          %parallel_loop3A_1767 = arith.constant 0 : index
          %parallel_loop3A_1768 = tpu.vector_load %arg17[%parallel_loop3A_1765, %parallel_loop3A_1766, %parallel_loop3A_1767] {strides = array<i32>} : memref<2x200x16xf32, #tpu.memory_space<vmem>>, vector<1x1x16xf32>,
          %parallel_loop3A_1769 = vector.shape_cast %parallel_loop3A_1768 : vector<1x1x16xf32> to vector<16xf32>
          %parallel_loop3A_1770 = arith.addf %parallel_loop3A_1682, %parallel_loop3A_1769 : vector<16xf32>
          %parallel_loop3A_1771 = arith.constant 1 : i32
          %parallel_loop3A_1772 = arith.index_cast %parallel_loop3A_1771 : i32 to index
          %parallel_loop3A_1773 = arith.index_cast %parallel_loop3A_1749 : i32 to index
          %parallel_loop3A_1774 = arith.constant 0 : index
          %parallel_loop3A_1775 = tpu.vector_load %arg18[%parallel_loop3A_1772, %parallel_loop3A_1773, %parallel_loop3A_1774] {strides = array<i32>} : memref<2x200x32xf32, #tpu.memory_space<vmem>>, vector<1x1x16xf32>,
          %parallel_loop3A_1776 = vector.shape_cast %parallel_loop3A_1775 : vector<1x1x16xf32> to vector<16xf32>
          %parallel_loop3A_1777 = arith.addf %parallel_loop3A_1689, %parallel_loop3A_1776 : vector<16xf32>
          %parallel_loop3A_1778 = arith.constant 1 : i32
          %parallel_loop3A_1779 = arith.index_cast %parallel_loop3A_1778 : i32 to index
          %parallel_loop3A_1780 = arith.index_cast %parallel_loop3A_1749 : i32 to index
          %parallel_loop3A_1781 = arith.constant 16 : index
          %parallel_loop3A_1782 = tpu.vector_load %arg18[%parallel_loop3A_1779, %parallel_loop3A_1780, %parallel_loop3A_1781] {strides = array<i32>} : memref<2x200x32xf32, #tpu.memory_space<vmem>>, vector<1x1x16xf32>,
          %parallel_loop3A_1783 = vector.shape_cast %parallel_loop3A_1782 : vector<1x1x16xf32> to vector<16xf32>
          %parallel_loop3A_1784 = arith.addf %parallel_loop3A_1696, %parallel_loop3A_1783 : vector<16xf32>
          %parallel_loop3A_1785 = arith.constant 1 : i32
          %parallel_loop3A_1786 = arith.index_cast %parallel_loop3A_1785 : i32 to index
          %parallel_loop3A_1787 = arith.index_cast %parallel_loop3A_1749 : i32 to index
          %parallel_loop3A_1788 = arith.constant 0 : index
          %parallel_loop3A_1789 = tpu.vector_load %arg19[%parallel_loop3A_1786, %parallel_loop3A_1787, %parallel_loop3A_1788] {strides = array<i32>} : memref<2x200x16xf32, #tpu.memory_space<vmem>>, vector<1x1x16xf32>,
          %parallel_loop3A_1790 = vector.shape_cast %parallel_loop3A_1789 : vector<1x1x16xf32> to vector<16xf32>
          %parallel_loop3A_1791 = arith.addf %parallel_loop3A_1703, %parallel_loop3A_1790 : vector<16xf32>
          scf.yield %parallel_loop3A_1712, %parallel_loop3A_1756, %parallel_loop3A_1719, %parallel_loop3A_1763, %parallel_loop3A_1726, %parallel_loop3A_1770, %parallel_loop3A_1733, %parallel_loop3A_1777, %parallel_loop3A_1740, %parallel_loop3A_1784, %parallel_loop3A_1747, %parallel_loop3A_1791 : vector<16xf32>, vector<16xf32>, vector<16xf32>, vector<16xf32>, vector<16xf32>, vector<16xf32>, vector<16xf32>, vector<16xf32>, vector<16xf32>, vector<16xf32>, vector<16xf32>, vector<16xf32>
        } {sc.loop_unroll_factor = 2 : i64, sc.parallel_access}
        %add3A_1222 = arith.addf %parallel_loop3A_1221#0, %parallel_loop3A_1221#1 : vector<16xf32>
        %mul3A_1223 = arith.constant 5.000000e-03 : f32
        %mul3A_1224 = vector.broadcast %mul3A_1223 : f32 to vector<16xf32>
        %mul3A_1225 = arith.mulf %add3A_1222, %mul3A_1224 : vector<16xf32>
        %swap3A_1226 = arith.index_cast %add3A_1146 : i32 to index
        %swap3A_1227 = arith.constant 0 : index
        %swap3A_1228 = tpu.vector_load %arg21[%swap3A_1226, %swap3A_1227] {strides = array<i32>} : memref<16x128xf32, #tpu.memory_space<vmem>>, vector<1x16xf32>,
        %swap3A_1229 = vector.shape_cast %swap3A_1228 : vector<1x16xf32> to vector<16xf32>
        %swap3A_1230 = vector.shape_cast %mul3A_1225 : vector<16xf32> to vector<1x16xf32>
        tpu.vector_store %arg21[%swap3A_1226, %swap3A_1227], %swap3A_1230 {strides = array<i32>} : memref<16x128xf32, #tpu.memory_space<vmem>>, vector<1x16xf32>,
        %add3A_1231 = arith.addf %parallel_loop3A_1221#2, %parallel_loop3A_1221#3 : vector<16xf32>
        %mul3A_1232 = arith.constant 5.000000e-03 : f32
        %mul3A_1233 = vector.broadcast %mul3A_1232 : f32 to vector<16xf32>
        %mul3A_1234 = arith.mulf %add3A_1231, %mul3A_1233 : vector<16xf32>
        %swap3A_1235 = arith.index_cast %add3A_1146 : i32 to index
        %swap3A_1236 = arith.constant 16 : index
        %swap3A_1237 = tpu.vector_load %arg21[%swap3A_1235, %swap3A_1236] {strides = array<i32>} : memref<16x128xf32, #tpu.memory_space<vmem>>, vector<1x16xf32>,
        %swap3A_1238 = vector.shape_cast %swap3A_1237 : vector<1x16xf32> to vector<16xf32>
        %swap3A_1239 = vector.shape_cast %mul3A_1234 : vector<16xf32> to vector<1x16xf32>
        tpu.vector_store %arg21[%swap3A_1235, %swap3A_1236], %swap3A_1239 {strides = array<i32>} : memref<16x128xf32, #tpu.memory_space<vmem>>, vector<1x16xf32>,
        %add3A_1240 = arith.addf %parallel_loop3A_1221#4, %parallel_loop3A_1221#5 : vector<16xf32>
        %mul3A_1241 = arith.constant 5.000000e-03 : f32
        %mul3A_1242 = vector.broadcast %mul3A_1241 : f32 to vector<16xf32>
        %mul3A_1243 = arith.mulf %add3A_1240, %mul3A_1242 : vector<16xf32>
        %swap3A_1244 = arith.index_cast %add3A_1146 : i32 to index
        %swap3A_1245 = arith.constant 32 : index
        %swap3A_1246 = tpu.vector_load %arg21[%swap3A_1244, %swap3A_1245] {strides = array<i32>} : memref<16x128xf32, #tpu.memory_space<vmem>>, vector<1x16xf32>,
        %swap3A_1247 = vector.shape_cast %swap3A_1246 : vector<1x16xf32> to vector<16xf32>
        %swap3A_1248 = vector.shape_cast %mul3A_1243 : vector<16xf32> to vector<1x16xf32>
        tpu.vector_store %arg21[%swap3A_1244, %swap3A_1245], %swap3A_1248 {strides = array<i32>} : memref<16x128xf32, #tpu.memory_space<vmem>>, vector<1x16xf32>,
        %add3A_1249 = arith.addf %parallel_loop3A_1221#6, %parallel_loop3A_1221#7 : vector<16xf32>
        %mul3A_1250 = arith.constant 5.000000e-03 : f32
        %mul3A_1251 = vector.broadcast %mul3A_1250 : f32 to vector<16xf32>
        %mul3A_1252 = arith.mulf %add3A_1249, %mul3A_1251 : vector<16xf32>
        %swap3A_1253 = arith.index_cast %add3A_1146 : i32 to index
        %swap3A_1254 = arith.constant 64 : index
        %swap3A_1255 = tpu.vector_load %arg21[%swap3A_1253, %swap3A_1254] {strides = array<i32>} : memref<16x128xf32, #tpu.memory_space<vmem>>, vector<1x16xf32>,
        %swap3A_1256 = vector.shape_cast %swap3A_1255 : vector<1x16xf32> to vector<16xf32>
        %swap3A_1257 = vector.shape_cast %mul3A_1252 : vector<16xf32> to vector<1x16xf32>
        tpu.vector_store %arg21[%swap3A_1253, %swap3A_1254], %swap3A_1257 {strides = array<i32>} : memref<16x128xf32, #tpu.memory_space<vmem>>, vector<1x16xf32>,
        %add3A_1258 = arith.addf %parallel_loop3A_1221#8, %parallel_loop3A_1221#9 : vector<16xf32>
        %mul3A_1259 = arith.constant 5.000000e-03 : f32
        %mul3A_1260 = vector.broadcast %mul3A_1259 : f32 to vector<16xf32>
        %mul3A_1261 = arith.mulf %add3A_1258, %mul3A_1260 : vector<16xf32>
        %swap3A_1262 = arith.index_cast %add3A_1146 : i32 to index
        %swap3A_1263 = arith.constant 80 : index
        %swap3A_1264 = tpu.vector_load %arg21[%swap3A_1262, %swap3A_1263] {strides = array<i32>} : memref<16x128xf32, #tpu.memory_space<vmem>>, vector<1x16xf32>,
        %swap3A_1265 = vector.shape_cast %swap3A_1264 : vector<1x16xf32> to vector<16xf32>
        %swap3A_1266 = vector.shape_cast %mul3A_1261 : vector<16xf32> to vector<1x16xf32>
        tpu.vector_store %arg21[%swap3A_1262, %swap3A_1263], %swap3A_1266 {strides = array<i32>} : memref<16x128xf32, #tpu.memory_space<vmem>>, vector<1x16xf32>,
        %add3A_1267 = arith.addf %parallel_loop3A_1221#10, %parallel_loop3A_1221#11 : vector<16xf32>
        %mul3A_1268 = arith.constant 5.000000e-03 : f32
        %mul3A_1269 = vector.broadcast %mul3A_1268 : f32 to vector<16xf32>
        %mul3A_1270 = arith.mulf %add3A_1267, %mul3A_1269 : vector<16xf32>
        %swap3A_1271 = arith.index_cast %add3A_1146 : i32 to index
        %swap3A_1272 = arith.constant 96 : index
        %swap3A_1273 = tpu.vector_load %arg21[%swap3A_1271, %swap3A_1272] {strides = array<i32>} : memref<16x128xf32, #tpu.memory_space<vmem>>, vector<1x16xf32>,
        %swap3A_1274 = vector.shape_cast %swap3A_1273 : vector<1x16xf32> to vector<16xf32>
        %swap3A_1275 = vector.shape_cast %mul3A_1270 : vector<16xf32> to vector<1x16xf32>
        tpu.vector_store %arg21[%swap3A_1271, %swap3A_1272], %swap3A_1275 {strides = array<i32>} : memref<16x128xf32, #tpu.memory_space<vmem>>, vector<1x16xf32>,
        %broadcast_in_dim3A_1276 = arith.constant 0.000000e+00 : f32
        %broadcast_in_dim3A_1277 = vector.broadcast %broadcast_in_dim3A_1276 : f32 to vector<16xf32>
        %broadcast_in_dim3A_1278 = arith.constant 0.000000e+00 : f32
        %broadcast_in_dim3A_1279 = vector.broadcast %broadcast_in_dim3A_1278 : f32 to vector<16xf32>
        %broadcast_in_dim3A_1280 = arith.constant 0.000000e+00 : f32
        %broadcast_in_dim3A_1281 = vector.broadcast %broadcast_in_dim3A_1280 : f32 to vector<16xf32>
        %broadcast_in_dim3A_1282 = arith.constant 0.000000e+00 : f32
        %broadcast_in_dim3A_1283 = vector.broadcast %broadcast_in_dim3A_1282 : f32 to vector<16xf32>
        %mul3A_1284 = arith.constant 48 : i32
        %mul3A_1285 = arith.muli %add3A_1146, %mul3A_1284 : i32
        %add3A_1286 = arith.constant 0 : i32
        %add3A_1287 = arith.addi %mul3A_1285, %add3A_1286 : i32
        %add3A_1288 = arith.constant 0 : i32
        %add3A_1289 = arith.addi %add3A_1287, %add3A_1288 : i32
        %get3A_1290 = arith.index_cast %add3A_1289 : i32 to index
        %get3A_1291 = arith.constant 0 : index
        %get3A_1292 = tpu.vector_load %arg20[%get3A_1290, %get3A_1291] {strides = array<i32>} : memref<768x16xf32, #tpu.memory_space<vmem>>, vector<1x16xf32>,
        %get3A_1293 = vector.shape_cast %get3A_1292 : vector<1x16xf32> to vector<16xf32>
        %add3A_1294 = arith.addf %broadcast_in_dim3A_1277, %get3A_1293 : vector<16xf32>
        %add3A_1295 = arith.constant 1 : i32
        %add3A_1296 = arith.addi %add3A_1287, %add3A_1295 : i32
        %get3A_1297 = arith.index_cast %add3A_1296 : i32 to index
        %get3A_1298 = arith.constant 0 : index
        %get3A_1299 = tpu.vector_load %arg20[%get3A_1297, %get3A_1298] {strides = array<i32>} : memref<768x16xf32, #tpu.memory_space<vmem>>, vector<1x16xf32>,
        %get3A_1300 = vector.shape_cast %get3A_1299 : vector<1x16xf32> to vector<16xf32>
        %add3A_1301 = arith.addf %broadcast_in_dim3A_1279, %get3A_1300 : vector<16xf32>
        %add3A_1302 = arith.constant 2 : i32
        %add3A_1303 = arith.addi %add3A_1287, %add3A_1302 : i32
        %get3A_1304 = arith.index_cast %add3A_1303 : i32 to index
        %get3A_1305 = arith.constant 0 : index
        %get3A_1306 = tpu.vector_load %arg20[%get3A_1304, %get3A_1305] {strides = array<i32>} : memref<768x16xf32, #tpu.memory_space<vmem>>, vector<1x16xf32>,
        %get3A_1307 = vector.shape_cast %get3A_1306 : vector<1x16xf32> to vector<16xf32>
        %add3A_1308 = arith.addf %broadcast_in_dim3A_1281, %get3A_1307 : vector<16xf32>
        %add3A_1309 = arith.constant 3 : i32
        %add3A_1310 = arith.addi %add3A_1287, %add3A_1309 : i32
        %get3A_1311 = arith.index_cast %add3A_1310 : i32 to index
        %get3A_1312 = arith.constant 0 : index
        %get3A_1313 = tpu.vector_load %arg20[%get3A_1311, %get3A_1312] {strides = array<i32>} : memref<768x16xf32, #tpu.memory_space<vmem>>, vector<1x16xf32>,
        %get3A_1314 = vector.shape_cast %get3A_1313 : vector<1x16xf32> to vector<16xf32>
        %add3A_1315 = arith.addf %broadcast_in_dim3A_1283, %get3A_1314 : vector<16xf32>
        %add3A_1316 = arith.constant 4 : i32
        %add3A_1317 = arith.addi %add3A_1287, %add3A_1316 : i32
        %get3A_1318 = arith.index_cast %add3A_1317 : i32 to index
        %get3A_1319 = arith.constant 0 : index
        %get3A_1320 = tpu.vector_load %arg20[%get3A_1318, %get3A_1319] {strides = array<i32>} : memref<768x16xf32, #tpu.memory_space<vmem>>, vector<1x16xf32>,
        %get3A_1321 = vector.shape_cast %get3A_1320 : vector<1x16xf32> to vector<16xf32>
        %add3A_1322 = arith.addf %add3A_1294, %get3A_1321 : vector<16xf32>
        %add3A_1323 = arith.constant 5 : i32
        %add3A_1324 = arith.addi %add3A_1287, %add3A_1323 : i32
        %get3A_1325 = arith.index_cast %add3A_1324 : i32 to index
        %get3A_1326 = arith.constant 0 : index
        %get3A_1327 = tpu.vector_load %arg20[%get3A_1325, %get3A_1326] {strides = array<i32>} : memref<768x16xf32, #tpu.memory_space<vmem>>, vector<1x16xf32>,
        %get3A_1328 = vector.shape_cast %get3A_1327 : vector<1x16xf32> to vector<16xf32>
        %add3A_1329 = arith.addf %add3A_1301, %get3A_1328 : vector<16xf32>
        %add3A_1330 = arith.constant 6 : i32
        %add3A_1331 = arith.addi %add3A_1287, %add3A_1330 : i32
        %get3A_1332 = arith.index_cast %add3A_1331 : i32 to index
        %get3A_1333 = arith.constant 0 : index
        %get3A_1334 = tpu.vector_load %arg20[%get3A_1332, %get3A_1333] {strides = array<i32>} : memref<768x16xf32, #tpu.memory_space<vmem>>, vector<1x16xf32>,
        %get3A_1335 = vector.shape_cast %get3A_1334 : vector<1x16xf32> to vector<16xf32>
        %add3A_1336 = arith.addf %add3A_1308, %get3A_1335 : vector<16xf32>
        %add3A_1337 = arith.constant 7 : i32
        %add3A_1338 = arith.addi %add3A_1287, %add3A_1337 : i32
        %get3A_1339 = arith.index_cast %add3A_1338 : i32 to index
        %get3A_1340 = arith.constant 0 : index
        %get3A_1341 = tpu.vector_load %arg20[%get3A_1339, %get3A_1340] {strides = array<i32>} : memref<768x16xf32, #tpu.memory_space<vmem>>, vector<1x16xf32>,
        %get3A_1342 = vector.shape_cast %get3A_1341 : vector<1x16xf32> to vector<16xf32>
        %add3A_1343 = arith.addf %add3A_1315, %get3A_1342 : vector<16xf32>
        %add3A_1344 = arith.constant 8 : i32
        %add3A_1345 = arith.addi %add3A_1287, %add3A_1344 : i32
        %get3A_1346 = arith.index_cast %add3A_1345 : i32 to index
        %get3A_1347 = arith.constant 0 : index
        %get3A_1348 = tpu.vector_load %arg20[%get3A_1346, %get3A_1347] {strides = array<i32>} : memref<768x16xf32, #tpu.memory_space<vmem>>, vector<1x16xf32>,
        %get3A_1349 = vector.shape_cast %get3A_1348 : vector<1x16xf32> to vector<16xf32>
        %add3A_1350 = arith.addf %add3A_1322, %get3A_1349 : vector<16xf32>
        %add3A_1351 = arith.constant 9 : i32
        %add3A_1352 = arith.addi %add3A_1287, %add3A_1351 : i32
        %get3A_1353 = arith.index_cast %add3A_1352 : i32 to index
        %get3A_1354 = arith.constant 0 : index
        %get3A_1355 = tpu.vector_load %arg20[%get3A_1353, %get3A_1354] {strides = array<i32>} : memref<768x16xf32, #tpu.memory_space<vmem>>, vector<1x16xf32>,
        %get3A_1356 = vector.shape_cast %get3A_1355 : vector<1x16xf32> to vector<16xf32>
        %add3A_1357 = arith.addf %add3A_1329, %get3A_1356 : vector<16xf32>
        %add3A_1358 = arith.constant 10 : i32
        %add3A_1359 = arith.addi %add3A_1287, %add3A_1358 : i32
        %get3A_1360 = arith.index_cast %add3A_1359 : i32 to index
        %get3A_1361 = arith.constant 0 : index
        %get3A_1362 = tpu.vector_load %arg20[%get3A_1360, %get3A_1361] {strides = array<i32>} : memref<768x16xf32, #tpu.memory_space<vmem>>, vector<1x16xf32>,
        %get3A_1363 = vector.shape_cast %get3A_1362 : vector<1x16xf32> to vector<16xf32>
        %add3A_1364 = arith.addf %add3A_1336, %get3A_1363 : vector<16xf32>
        %add3A_1365 = arith.constant 11 : i32
        %add3A_1366 = arith.addi %add3A_1287, %add3A_1365 : i32
        %get3A_1367 = arith.index_cast %add3A_1366 : i32 to index
        %get3A_1368 = arith.constant 0 : index
        %get3A_1369 = tpu.vector_load %arg20[%get3A_1367, %get3A_1368] {strides = array<i32>} : memref<768x16xf32, #tpu.memory_space<vmem>>, vector<1x16xf32>,
        %get3A_1370 = vector.shape_cast %get3A_1369 : vector<1x16xf32> to vector<16xf32>
        %add3A_1371 = arith.addf %add3A_1343, %get3A_1370 : vector<16xf32>
        %add3A_1372 = arith.constant 12 : i32
        %add3A_1373 = arith.addi %add3A_1287, %add3A_1372 : i32
        %get3A_1374 = arith.index_cast %add3A_1373 : i32 to index
        %get3A_1375 = arith.constant 0 : index
        %get3A_1376 = tpu.vector_load %arg20[%get3A_1374, %get3A_1375] {strides = array<i32>} : memref<768x16xf32, #tpu.memory_space<vmem>>, vector<1x16xf32>,
        %get3A_1377 = vector.shape_cast %get3A_1376 : vector<1x16xf32> to vector<16xf32>
        %add3A_1378 = arith.addf %add3A_1350, %get3A_1377 : vector<16xf32>
        %add3A_1379 = arith.constant 13 : i32
        %add3A_1380 = arith.addi %add3A_1287, %add3A_1379 : i32
        %get3A_1381 = arith.index_cast %add3A_1380 : i32 to index
        %get3A_1382 = arith.constant 0 : index
        %get3A_1383 = tpu.vector_load %arg20[%get3A_1381, %get3A_1382] {strides = array<i32>} : memref<768x16xf32, #tpu.memory_space<vmem>>, vector<1x16xf32>,
        %get3A_1384 = vector.shape_cast %get3A_1383 : vector<1x16xf32> to vector<16xf32>
        %add3A_1385 = arith.addf %add3A_1357, %get3A_1384 : vector<16xf32>
        %add3A_1386 = arith.constant 14 : i32
        %add3A_1387 = arith.addi %add3A_1287, %add3A_1386 : i32
        %get3A_1388 = arith.index_cast %add3A_1387 : i32 to index
        %get3A_1389 = arith.constant 0 : index
        %get3A_1390 = tpu.vector_load %arg20[%get3A_1388, %get3A_1389] {strides = array<i32>} : memref<768x16xf32, #tpu.memory_space<vmem>>, vector<1x16xf32>,
        %get3A_1391 = vector.shape_cast %get3A_1390 : vector<1x16xf32> to vector<16xf32>
        %add3A_1392 = arith.addf %add3A_1364, %get3A_1391 : vector<16xf32>
        %add3A_1393 = arith.constant 15 : i32
        %add3A_1394 = arith.addi %add3A_1287, %add3A_1393 : i32
        %get3A_1395 = arith.index_cast %add3A_1394 : i32 to index
        %get3A_1396 = arith.constant 0 : index
        %get3A_1397 = tpu.vector_load %arg20[%get3A_1395, %get3A_1396] {strides = array<i32>} : memref<768x16xf32, #tpu.memory_space<vmem>>, vector<1x16xf32>,
        %get3A_1398 = vector.shape_cast %get3A_1397 : vector<1x16xf32> to vector<16xf32>
        %add3A_1399 = arith.addf %add3A_1371, %get3A_1398 : vector<16xf32>
        %add3A_1400 = arith.constant 16 : i32
        %add3A_1401 = arith.addi %add3A_1287, %add3A_1400 : i32
        %get3A_1402 = arith.index_cast %add3A_1401 : i32 to index
        %get3A_1403 = arith.constant 0 : index
        %get3A_1404 = tpu.vector_load %arg20[%get3A_1402, %get3A_1403] {strides = array<i32>} : memref<768x16xf32, #tpu.memory_space<vmem>>, vector<1x16xf32>,
        %get3A_1405 = vector.shape_cast %get3A_1404 : vector<1x16xf32> to vector<16xf32>
        %add3A_1406 = arith.addf %add3A_1378, %get3A_1405 : vector<16xf32>
        %add3A_1407 = arith.constant 17 : i32
        %add3A_1408 = arith.addi %add3A_1287, %add3A_1407 : i32
        %get3A_1409 = arith.index_cast %add3A_1408 : i32 to index
        %get3A_1410 = arith.constant 0 : index
        %get3A_1411 = tpu.vector_load %arg20[%get3A_1409, %get3A_1410] {strides = array<i32>} : memref<768x16xf32, #tpu.memory_space<vmem>>, vector<1x16xf32>,
        %get3A_1412 = vector.shape_cast %get3A_1411 : vector<1x16xf32> to vector<16xf32>
        %add3A_1413 = arith.addf %add3A_1385, %get3A_1412 : vector<16xf32>
        %add3A_1414 = arith.constant 18 : i32
        %add3A_1415 = arith.addi %add3A_1287, %add3A_1414 : i32
        %get3A_1416 = arith.index_cast %add3A_1415 : i32 to index
        %get3A_1417 = arith.constant 0 : index
        %get3A_1418 = tpu.vector_load %arg20[%get3A_1416, %get3A_1417] {strides = array<i32>} : memref<768x16xf32, #tpu.memory_space<vmem>>, vector<1x16xf32>,
        %get3A_1419 = vector.shape_cast %get3A_1418 : vector<1x16xf32> to vector<16xf32>
        %add3A_1420 = arith.addf %add3A_1392, %get3A_1419 : vector<16xf32>
        %add3A_1421 = arith.constant 19 : i32
        %add3A_1422 = arith.addi %add3A_1287, %add3A_1421 : i32
        %get3A_1423 = arith.index_cast %add3A_1422 : i32 to index
        %get3A_1424 = arith.constant 0 : index
        %get3A_1425 = tpu.vector_load %arg20[%get3A_1423, %get3A_1424] {strides = array<i32>} : memref<768x16xf32, #tpu.memory_space<vmem>>, vector<1x16xf32>,
        %get3A_1426 = vector.shape_cast %get3A_1425 : vector<1x16xf32> to vector<16xf32>
        %add3A_1427 = arith.addf %add3A_1399, %get3A_1426 : vector<16xf32>
        %add3A_1428 = arith.addf %add3A_1406, %add3A_1413 : vector<16xf32>
        %add3A_1429 = arith.addf %add3A_1420, %add3A_1427 : vector<16xf32>
        %add3A_1430 = arith.addf %add3A_1428, %add3A_1429 : vector<16xf32>
        %mul3A_1431 = arith.constant 5.000000e-02 : f32
        %mul3A_1432 = vector.broadcast %mul3A_1431 : f32 to vector<16xf32>
        %mul3A_1433 = arith.mulf %add3A_1430, %mul3A_1432 : vector<16xf32>
        %swap3A_1434 = arith.index_cast %add3A_1146 : i32 to index
        %swap3A_1435 = arith.constant 48 : index
        %swap3A_1436 = tpu.vector_load %arg21[%swap3A_1434, %swap3A_1435] {strides = array<i32>} : memref<16x128xf32, #tpu.memory_space<vmem>>, vector<1x16xf32>,
        %swap3A_1437 = vector.shape_cast %swap3A_1436 : vector<1x16xf32> to vector<16xf32>
        %swap3A_1438 = vector.shape_cast %mul3A_1433 : vector<16xf32> to vector<1x16xf32>
        tpu.vector_store %arg21[%swap3A_1434, %swap3A_1435], %swap3A_1438 {strides = array<i32>} : memref<16x128xf32, #tpu.memory_space<vmem>>, vector<1x16xf32>,
        %broadcast_in_dim3A_1439 = arith.constant 0.000000e+00 : f32
        %broadcast_in_dim3A_1440 = vector.broadcast %broadcast_in_dim3A_1439 : f32 to vector<16xf32>
        %broadcast_in_dim3A_1441 = arith.constant 0.000000e+00 : f32
        %broadcast_in_dim3A_1442 = vector.broadcast %broadcast_in_dim3A_1441 : f32 to vector<16xf32>
        %broadcast_in_dim3A_1443 = arith.constant 0.000000e+00 : f32
        %broadcast_in_dim3A_1444 = vector.broadcast %broadcast_in_dim3A_1443 : f32 to vector<16xf32>
        %broadcast_in_dim3A_1445 = arith.constant 0.000000e+00 : f32
        %broadcast_in_dim3A_1446 = vector.broadcast %broadcast_in_dim3A_1445 : f32 to vector<16xf32>
        %mul3A_1447 = arith.constant 48 : i32
        %mul3A_1448 = arith.muli %add3A_1146, %mul3A_1447 : i32
        %add3A_1449 = arith.constant 24 : i32
        %add3A_1450 = arith.addi %mul3A_1448, %add3A_1449 : i32
        %add3A_1451 = arith.constant 0 : i32
        %add3A_1452 = arith.addi %add3A_1450, %add3A_1451 : i32
        %get3A_1453 = arith.index_cast %add3A_1452 : i32 to index
        %get3A_1454 = arith.constant 0 : index
        %get3A_1455 = tpu.vector_load %arg20[%get3A_1453, %get3A_1454] {strides = array<i32>} : memref<768x16xf32, #tpu.memory_space<vmem>>, vector<1x16xf32>,
        %get3A_1456 = vector.shape_cast %get3A_1455 : vector<1x16xf32> to vector<16xf32>
        %add3A_1457 = arith.addf %broadcast_in_dim3A_1440, %get3A_1456 : vector<16xf32>
        %add3A_1458 = arith.constant 1 : i32
        %add3A_1459 = arith.addi %add3A_1450, %add3A_1458 : i32
        %get3A_1460 = arith.index_cast %add3A_1459 : i32 to index
        %get3A_1461 = arith.constant 0 : index
        %get3A_1462 = tpu.vector_load %arg20[%get3A_1460, %get3A_1461] {strides = array<i32>} : memref<768x16xf32, #tpu.memory_space<vmem>>, vector<1x16xf32>,
        %get3A_1463 = vector.shape_cast %get3A_1462 : vector<1x16xf32> to vector<16xf32>
        %add3A_1464 = arith.addf %broadcast_in_dim3A_1442, %get3A_1463 : vector<16xf32>
        %add3A_1465 = arith.constant 2 : i32
        %add3A_1466 = arith.addi %add3A_1450, %add3A_1465 : i32
        %get3A_1467 = arith.index_cast %add3A_1466 : i32 to index
        %get3A_1468 = arith.constant 0 : index
        %get3A_1469 = tpu.vector_load %arg20[%get3A_1467, %get3A_1468] {strides = array<i32>} : memref<768x16xf32, #tpu.memory_space<vmem>>, vector<1x16xf32>,
        %get3A_1470 = vector.shape_cast %get3A_1469 : vector<1x16xf32> to vector<16xf32>
        %add3A_1471 = arith.addf %broadcast_in_dim3A_1444, %get3A_1470 : vector<16xf32>
        %add3A_1472 = arith.constant 3 : i32
        %add3A_1473 = arith.addi %add3A_1450, %add3A_1472 : i32
        %get3A_1474 = arith.index_cast %add3A_1473 : i32 to index
        %get3A_1475 = arith.constant 0 : index
        %get3A_1476 = tpu.vector_load %arg20[%get3A_1474, %get3A_1475] {strides = array<i32>} : memref<768x16xf32, #tpu.memory_space<vmem>>, vector<1x16xf32>,
        %get3A_1477 = vector.shape_cast %get3A_1476 : vector<1x16xf32> to vector<16xf32>
        %add3A_1478 = arith.addf %broadcast_in_dim3A_1446, %get3A_1477 : vector<16xf32>
        %add3A_1479 = arith.constant 4 : i32
        %add3A_1480 = arith.addi %add3A_1450, %add3A_1479 : i32
        %get3A_1481 = arith.index_cast %add3A_1480 : i32 to index
        %get3A_1482 = arith.constant 0 : index
        %get3A_1483 = tpu.vector_load %arg20[%get3A_1481, %get3A_1482] {strides = array<i32>} : memref<768x16xf32, #tpu.memory_space<vmem>>, vector<1x16xf32>,
        %get3A_1484 = vector.shape_cast %get3A_1483 : vector<1x16xf32> to vector<16xf32>
        %add3A_1485 = arith.addf %add3A_1457, %get3A_1484 : vector<16xf32>
        %add3A_1486 = arith.constant 5 : i32
        %add3A_1487 = arith.addi %add3A_1450, %add3A_1486 : i32
        %get3A_1488 = arith.index_cast %add3A_1487 : i32 to index
        %get3A_1489 = arith.constant 0 : index
        %get3A_1490 = tpu.vector_load %arg20[%get3A_1488, %get3A_1489] {strides = array<i32>} : memref<768x16xf32, #tpu.memory_space<vmem>>, vector<1x16xf32>,
        %get3A_1491 = vector.shape_cast %get3A_1490 : vector<1x16xf32> to vector<16xf32>
        %add3A_1492 = arith.addf %add3A_1464, %get3A_1491 : vector<16xf32>
        %add3A_1493 = arith.constant 6 : i32
        %add3A_1494 = arith.addi %add3A_1450, %add3A_1493 : i32
        %get3A_1495 = arith.index_cast %add3A_1494 : i32 to index
        %get3A_1496 = arith.constant 0 : index
        %get3A_1497 = tpu.vector_load %arg20[%get3A_1495, %get3A_1496] {strides = array<i32>} : memref<768x16xf32, #tpu.memory_space<vmem>>, vector<1x16xf32>,
        %get3A_1498 = vector.shape_cast %get3A_1497 : vector<1x16xf32> to vector<16xf32>
        %add3A_1499 = arith.addf %add3A_1471, %get3A_1498 : vector<16xf32>
        %add3A_1500 = arith.constant 7 : i32
        %add3A_1501 = arith.addi %add3A_1450, %add3A_1500 : i32
        %get3A_1502 = arith.index_cast %add3A_1501 : i32 to index
        %get3A_1503 = arith.constant 0 : index
        %get3A_1504 = tpu.vector_load %arg20[%get3A_1502, %get3A_1503] {strides = array<i32>} : memref<768x16xf32, #tpu.memory_space<vmem>>, vector<1x16xf32>,
        %get3A_1505 = vector.shape_cast %get3A_1504 : vector<1x16xf32> to vector<16xf32>
        %add3A_1506 = arith.addf %add3A_1478, %get3A_1505 : vector<16xf32>
        %add3A_1507 = arith.constant 8 : i32
        %add3A_1508 = arith.addi %add3A_1450, %add3A_1507 : i32
        %get3A_1509 = arith.index_cast %add3A_1508 : i32 to index
        %get3A_1510 = arith.constant 0 : index
        %get3A_1511 = tpu.vector_load %arg20[%get3A_1509, %get3A_1510] {strides = array<i32>} : memref<768x16xf32, #tpu.memory_space<vmem>>, vector<1x16xf32>,
        %get3A_1512 = vector.shape_cast %get3A_1511 : vector<1x16xf32> to vector<16xf32>
        %add3A_1513 = arith.addf %add3A_1485, %get3A_1512 : vector<16xf32>
        %add3A_1514 = arith.constant 9 : i32
        %add3A_1515 = arith.addi %add3A_1450, %add3A_1514 : i32
        %get3A_1516 = arith.index_cast %add3A_1515 : i32 to index
        %get3A_1517 = arith.constant 0 : index
        %get3A_1518 = tpu.vector_load %arg20[%get3A_1516, %get3A_1517] {strides = array<i32>} : memref<768x16xf32, #tpu.memory_space<vmem>>, vector<1x16xf32>,
        %get3A_1519 = vector.shape_cast %get3A_1518 : vector<1x16xf32> to vector<16xf32>
        %add3A_1520 = arith.addf %add3A_1492, %get3A_1519 : vector<16xf32>
        %add3A_1521 = arith.constant 10 : i32
        %add3A_1522 = arith.addi %add3A_1450, %add3A_1521 : i32
        %get3A_1523 = arith.index_cast %add3A_1522 : i32 to index
        %get3A_1524 = arith.constant 0 : index
        %get3A_1525 = tpu.vector_load %arg20[%get3A_1523, %get3A_1524] {strides = array<i32>} : memref<768x16xf32, #tpu.memory_space<vmem>>, vector<1x16xf32>,
        %get3A_1526 = vector.shape_cast %get3A_1525 : vector<1x16xf32> to vector<16xf32>
        %add3A_1527 = arith.addf %add3A_1499, %get3A_1526 : vector<16xf32>
        %add3A_1528 = arith.constant 11 : i32
        %add3A_1529 = arith.addi %add3A_1450, %add3A_1528 : i32
        %get3A_1530 = arith.index_cast %add3A_1529 : i32 to index
        %get3A_1531 = arith.constant 0 : index
        %get3A_1532 = tpu.vector_load %arg20[%get3A_1530, %get3A_1531] {strides = array<i32>} : memref<768x16xf32, #tpu.memory_space<vmem>>, vector<1x16xf32>,
        %get3A_1533 = vector.shape_cast %get3A_1532 : vector<1x16xf32> to vector<16xf32>
        %add3A_1534 = arith.addf %add3A_1506, %get3A_1533 : vector<16xf32>
        %add3A_1535 = arith.constant 12 : i32
        %add3A_1536 = arith.addi %add3A_1450, %add3A_1535 : i32
        %get3A_1537 = arith.index_cast %add3A_1536 : i32 to index
        %get3A_1538 = arith.constant 0 : index
        %get3A_1539 = tpu.vector_load %arg20[%get3A_1537, %get3A_1538] {strides = array<i32>} : memref<768x16xf32, #tpu.memory_space<vmem>>, vector<1x16xf32>,
        %get3A_1540 = vector.shape_cast %get3A_1539 : vector<1x16xf32> to vector<16xf32>
        %add3A_1541 = arith.addf %add3A_1513, %get3A_1540 : vector<16xf32>
        %add3A_1542 = arith.constant 13 : i32
        %add3A_1543 = arith.addi %add3A_1450, %add3A_1542 : i32
        %get3A_1544 = arith.index_cast %add3A_1543 : i32 to index
        %get3A_1545 = arith.constant 0 : index
        %get3A_1546 = tpu.vector_load %arg20[%get3A_1544, %get3A_1545] {strides = array<i32>} : memref<768x16xf32, #tpu.memory_space<vmem>>, vector<1x16xf32>,
        %get3A_1547 = vector.shape_cast %get3A_1546 : vector<1x16xf32> to vector<16xf32>
        %add3A_1548 = arith.addf %add3A_1520, %get3A_1547 : vector<16xf32>
        %add3A_1549 = arith.constant 14 : i32
        %add3A_1550 = arith.addi %add3A_1450, %add3A_1549 : i32
        %get3A_1551 = arith.index_cast %add3A_1550 : i32 to index
        %get3A_1552 = arith.constant 0 : index
        %get3A_1553 = tpu.vector_load %arg20[%get3A_1551, %get3A_1552] {strides = array<i32>} : memref<768x16xf32, #tpu.memory_space<vmem>>, vector<1x16xf32>,
        %get3A_1554 = vector.shape_cast %get3A_1553 : vector<1x16xf32> to vector<16xf32>
        %add3A_1555 = arith.addf %add3A_1527, %get3A_1554 : vector<16xf32>
        %add3A_1556 = arith.constant 15 : i32
        %add3A_1557 = arith.addi %add3A_1450, %add3A_1556 : i32
        %get3A_1558 = arith.index_cast %add3A_1557 : i32 to index
        %get3A_1559 = arith.constant 0 : index
        %get3A_1560 = tpu.vector_load %arg20[%get3A_1558, %get3A_1559] {strides = array<i32>} : memref<768x16xf32, #tpu.memory_space<vmem>>, vector<1x16xf32>,
        %get3A_1561 = vector.shape_cast %get3A_1560 : vector<1x16xf32> to vector<16xf32>
        %add3A_1562 = arith.addf %add3A_1534, %get3A_1561 : vector<16xf32>
        %add3A_1563 = arith.constant 16 : i32
        %add3A_1564 = arith.addi %add3A_1450, %add3A_1563 : i32
        %get3A_1565 = arith.index_cast %add3A_1564 : i32 to index
        %get3A_1566 = arith.constant 0 : index
        %get3A_1567 = tpu.vector_load %arg20[%get3A_1565, %get3A_1566] {strides = array<i32>} : memref<768x16xf32, #tpu.memory_space<vmem>>, vector<1x16xf32>,
        %get3A_1568 = vector.shape_cast %get3A_1567 : vector<1x16xf32> to vector<16xf32>
        %add3A_1569 = arith.addf %add3A_1541, %get3A_1568 : vector<16xf32>
        %add3A_1570 = arith.constant 17 : i32
        %add3A_1571 = arith.addi %add3A_1450, %add3A_1570 : i32
        %get3A_1572 = arith.index_cast %add3A_1571 : i32 to index
        %get3A_1573 = arith.constant 0 : index
        %get3A_1574 = tpu.vector_load %arg20[%get3A_1572, %get3A_1573] {strides = array<i32>} : memref<768x16xf32, #tpu.memory_space<vmem>>, vector<1x16xf32>,
        %get3A_1575 = vector.shape_cast %get3A_1574 : vector<1x16xf32> to vector<16xf32>
        %add3A_1576 = arith.addf %add3A_1548, %get3A_1575 : vector<16xf32>
        %add3A_1577 = arith.constant 18 : i32
        %add3A_1578 = arith.addi %add3A_1450, %add3A_1577 : i32
        %get3A_1579 = arith.index_cast %add3A_1578 : i32 to index
        %get3A_1580 = arith.constant 0 : index
        %get3A_1581 = tpu.vector_load %arg20[%get3A_1579, %get3A_1580] {strides = array<i32>} : memref<768x16xf32, #tpu.memory_space<vmem>>, vector<1x16xf32>,
        %get3A_1582 = vector.shape_cast %get3A_1581 : vector<1x16xf32> to vector<16xf32>
        %add3A_1583 = arith.addf %add3A_1555, %get3A_1582 : vector<16xf32>
        %add3A_1584 = arith.constant 19 : i32
        %add3A_1585 = arith.addi %add3A_1450, %add3A_1584 : i32
        %get3A_1586 = arith.index_cast %add3A_1585 : i32 to index
        %get3A_1587 = arith.constant 0 : index
        %get3A_1588 = tpu.vector_load %arg20[%get3A_1586, %get3A_1587] {strides = array<i32>} : memref<768x16xf32, #tpu.memory_space<vmem>>, vector<1x16xf32>,
        %get3A_1589 = vector.shape_cast %get3A_1588 : vector<1x16xf32> to vector<16xf32>
        %add3A_1590 = arith.addf %add3A_1562, %get3A_1589 : vector<16xf32>
        %add3A_1591 = arith.addf %add3A_1569, %add3A_1576 : vector<16xf32>
        %add3A_1592 = arith.addf %add3A_1583, %add3A_1590 : vector<16xf32>
        %add3A_1593 = arith.addf %add3A_1591, %add3A_1592 : vector<16xf32>
        %mul3A_1594 = arith.constant 5.000000e-02 : f32
        %mul3A_1595 = vector.broadcast %mul3A_1594 : f32 to vector<16xf32>
        %mul3A_1596 = arith.mulf %add3A_1593, %mul3A_1595 : vector<16xf32>
        %swap3A_1597 = arith.index_cast %add3A_1146 : i32 to index
        %swap3A_1598 = arith.constant 112 : index
        %swap3A_1599 = tpu.vector_load %arg21[%swap3A_1597, %swap3A_1598] {strides = array<i32>} : memref<16x128xf32, #tpu.memory_space<vmem>>, vector<1x16xf32>,
        %swap3A_1600 = vector.shape_cast %swap3A_1599 : vector<1x16xf32> to vector<16xf32>
        %swap3A_1601 = vector.shape_cast %mul3A_1596 : vector<16xf32> to vector<1x16xf32>
        tpu.vector_store %arg21[%swap3A_1597, %swap3A_1598], %swap3A_1601 {strides = array<i32>} : memref<16x128xf32, #tpu.memory_space<vmem>>, vector<1x16xf32>,
        %scan3A_1602 = arith.constant 0 : i32
        scf.yield %scan3A_1602 : i32
      }
      %scan3A_596 = arith.constant 8 : i32
      "tpu.region"() ({
        %run_scoped3A = tpu.sem_alloc : memref<!tpu.dma_semaphore, #tpu.memory_space<semaphore_mem>>
        %dma_start3A_598 = arith.constant 0 : i32
        %dma_start3A_599 = tpu.memref_slice %arg10[%add3A_341, %dma_start3A_598] : memref<16384x128xf32, #tpu.memory_space<hbm>> -> memref<16x128xf32, #tpu.memory_space<hbm>>
        %dma_start3A_600 = arith.constant 0 : i32
        %dma_start3A_601 = tpu.memref_slice %arg10[%add3A_341, %dma_start3A_600] : memref<16384x128xf32, #tpu.memory_space<hbm>> -> memref<16x128xf32, #tpu.memory_space<hbm>>
        tpu.enqueue_dma source(%arg21 : memref<16x128xf32, #tpu.memory_space<vmem>>) target(%dma_start3A_601 : memref<16x128xf32, #tpu.memory_space<hbm>>) target_semaphore(%run_scoped3A : memref<!tpu.dma_semaphore, #tpu.memory_space<semaphore_mem>>)
        %dma_wait3A_602 = arith.constant 0 : i32
        %dma_wait3A_603 = tpu.memref_slice %arg10[%add3A_341, %dma_wait3A_602] : memref<16384x128xf32, #tpu.memory_space<hbm>> -> memref<16x128xf32, #tpu.memory_space<hbm>>
        %dma_wait3A_604 = arith.constant 0 : i32
        %dma_wait3A_605 = tpu.memref_slice %arg10[%add3A_341, %dma_wait3A_604] : memref<16384x128xf32, #tpu.memory_space<hbm>> -> memref<16x128xf32, #tpu.memory_space<hbm>>
        tpu.wait_dma2 semaphore(%run_scoped3A : memref<!tpu.dma_semaphore, #tpu.memory_space<semaphore_mem>>) src(%arg21 : memref<16x128xf32, #tpu.memory_space<vmem>>) dst(%dma_wait3A_605 : memref<16x128xf32, #tpu.memory_space<hbm>>)
        tpu.yield
      }) : () -> ()
      %scan3A_597 = arith.constant 0 : i32
      scf.yield %scan3A_597 : i32
    }
    %scan3A_74 = arith.constant 16 : i32
    return
  }
}

module attributes {stable_mosaic.version = 14 : i64} {
  func.func @body(%arg0: i32, %arg1: memref<1024x128xf32, #tpu.memory_space<vmem>>, %arg2: memref<128x128xf32, #tpu.memory_space<vmem>>, %arg3: memref<1x128xf32, #tpu.memory_space<vmem>>, %arg4: memref<128x64xf32, #tpu.memory_space<vmem>>, %arg5: memref<1x64xf32, #tpu.memory_space<vmem>>, %arg6: memref<1x64xf32, #tpu.memory_space<vmem>>, %arg7: memref<1x1xf32, #tpu.memory_space<vmem>>, %arg8: memref<1024x1xf32, #tpu.memory_space<vmem>>) attributes {dimension_semantics = [#tpu.dimension_semantics<arbitrary>], iteration_bounds = array<i64: 16>, scalar_prefetch = 0 : i64, scratch_operands = 0 : i64, tpu.core_type = #tpu.core_type<tc>, window_params = [{transform_indices = @transform_0, window_bounds = array<i64: 1024, 128>}, {pipeline_mode = #tpu.pipeline_mode<synchronous>, transform_indices = @transform_1, window_bounds = array<i64: 128, 128>}, {pipeline_mode = #tpu.pipeline_mode<synchronous>, transform_indices = @transform_2, window_bounds = array<i64: 1, 128>}, {pipeline_mode = #tpu.pipeline_mode<synchronous>, transform_indices = @transform_3, window_bounds = array<i64: 128, 64>}, {pipeline_mode = #tpu.pipeline_mode<synchronous>, transform_indices = @transform_4, window_bounds = array<i64: 1, 64>}, {pipeline_mode = #tpu.pipeline_mode<synchronous>, transform_indices = @transform_5, window_bounds = array<i64: 1, 64>}, {pipeline_mode = #tpu.pipeline_mode<synchronous>, transform_indices = @transform_6, window_bounds = array<i64: 1, 1>}, {transform_indices = @transform_7, window_bounds = array<i64: 1024, 1>}]} {
    %get3A = arith.constant 0 : index
    %get3A_0 = arith.constant 0 : index
    %get3A_1 = vector.load %arg1[%get3A, %get3A_0] : memref<1024x128xf32, #tpu.memory_space<vmem>>, vector<1024x128xf32>
    %get3A_2 = arith.constant 0 : index
    %get3A_3 = arith.constant 0 : index
    %get3A_4 = vector.load %arg2[%get3A_2, %get3A_3] : memref<128x128xf32, #tpu.memory_space<vmem>>, vector<128x128xf32>
    %dot_general3A = arith.constant dense<0.000000e+00> : vector<1024x128xf32>
    %dot_general3A_5 = tpu.matmul %get3A_1, %get3A_4, %dot_general3A {dimension_numbers = #tpu.dot_dimension_numbers<[1], [0], [0], [1], [0, 0, 1, 1], [], []>, transpose_lhs_hint = false} : vector<1024x128xf32>, vector<128x128xf32>, vector<1024x128xf32> -> vector<1024x128xf32>
    %get3A_6 = arith.constant 0 : index
    %get3A_7 = arith.constant 0 : index
    %get3A_8 = vector.load %arg3[%get3A_6, %get3A_7] : memref<1x128xf32, #tpu.memory_space<vmem>>, vector<1x128xf32>
    %add3A = vector.broadcast %get3A_8 : vector<1x128xf32> to vector<1024x128xf32>
    %add3A_9 = arith.addf %dot_general3A_5, %add3A : vector<1024x128xf32>
    %gt3A = arith.constant 0.000000e+00 : f32
    %gt3A_10 = vector.broadcast %gt3A : f32 to vector<1024x128xf32>
    %gt3A_11 = arith.cmpf ogt, %add3A_9, %gt3A_10 : vector<1024x128xf32>
    %mul3A = arith.constant 0.00999999977 : f32
    %mul3A_12 = vector.broadcast %mul3A : f32 to vector<1024x128xf32>
    %mul3A_13 = arith.mulf %add3A_9, %mul3A_12 : vector<1024x128xf32>
    %select_n3A = arith.select %gt3A_11, %add3A_9, %mul3A_13 : vector<1024x128xi1>, vector<1024x128xf32>
    %get3A_14 = arith.constant 0 : index
    %get3A_15 = arith.constant 0 : index
    %get3A_16 = vector.load %arg4[%get3A_14, %get3A_15] : memref<128x64xf32, #tpu.memory_space<vmem>>, vector<128x64xf32>
    %dot_general3A_17 = arith.constant dense<0.000000e+00> : vector<1024x64xf32>
    %dot_general3A_18 = tpu.matmul %select_n3A, %get3A_16, %dot_general3A_17 {dimension_numbers = #tpu.dot_dimension_numbers<[1], [0], [0], [1], [0, 0, 1, 1], [], []>, transpose_lhs_hint = false} : vector<1024x128xf32>, vector<128x64xf32>, vector<1024x64xf32> -> vector<1024x64xf32>
    %get3A_19 = arith.constant 0 : index
    %get3A_20 = arith.constant 0 : index
    %get3A_21 = vector.load %arg5[%get3A_19, %get3A_20] : memref<1x64xf32, #tpu.memory_space<vmem>>, vector<1x64xf32>
    %add3A_22 = vector.broadcast %get3A_21 : vector<1x64xf32> to vector<1024x64xf32>
    %add3A_23 = arith.addf %dot_general3A_18, %add3A_22 : vector<1024x64xf32>
    %gt3A_24 = arith.constant 0.000000e+00 : f32
    %gt3A_25 = vector.broadcast %gt3A_24 : f32 to vector<1024x64xf32>
    %gt3A_26 = arith.cmpf ogt, %add3A_23, %gt3A_25 : vector<1024x64xf32>
    %mul3A_27 = arith.constant 0.00999999977 : f32
    %mul3A_28 = vector.broadcast %mul3A_27 : f32 to vector<1024x64xf32>
    %mul3A_29 = arith.mulf %add3A_23, %mul3A_28 : vector<1024x64xf32>
    %select_n3A_30 = arith.select %gt3A_26, %add3A_23, %mul3A_29 : vector<1024x64xi1>, vector<1024x64xf32>
    %get3A_31 = arith.constant 0 : index
    %get3A_32 = arith.constant 0 : index
    %get3A_33 = vector.load %arg6[%get3A_31, %get3A_32] : memref<1x64xf32, #tpu.memory_space<vmem>>, vector<1x64xf32>
    %mul3A_34 = vector.broadcast %get3A_33 : vector<1x64xf32> to vector<1024x64xf32>
    %mul3A_35 = arith.mulf %select_n3A_30, %mul3A_34 : vector<1024x64xf32>
    %reduce_sum3A = arith.constant dense<0.000000e+00> : vector<1024xf32>
    %reduce_sum3A_36 = vector.multi_reduction <add>, %mul3A_35, %reduce_sum3A [1] : vector<1024x64xf32> to vector<1024xf32>
    %broadcast_in_dim3A = vector.shape_cast %reduce_sum3A_36 : vector<1024xf32> to vector<1024x1xf32>
    %get3A_37 = arith.constant 0 : index
    %get3A_38 = arith.constant 0 : index
    %get3A_39 = vector.load %arg7[%get3A_37, %get3A_38] : memref<1x1xf32, #tpu.memory_space<vmem>>, vector<1x1xf32>
    %add3A_40 = vector.broadcast %get3A_39 : vector<1x1xf32> to vector<1024x1xf32>
    %add3A_41 = arith.addf %broadcast_in_dim3A, %add3A_40 : vector<1024x1xf32>
    %swap3A = arith.constant 0 : index
    %swap3A_42 = arith.constant 0 : index
    %swap3A_43 = vector.load %arg8[%swap3A, %swap3A_42] : memref<1024x1xf32, #tpu.memory_space<vmem>>, vector<1024x1xf32>
    tpu.vector_store %arg8[%swap3A, %swap3A_42], %add3A_41 {strides = array<i32>} : memref<1024x1xf32, #tpu.memory_space<vmem>>, vector<1024x1xf32>,
    return
  }
  func.func @transform_0(%arg0: i32) -> (i32, i32) {
    %c0_i32 = arith.constant 0 : i32
    %c0_i32_0 = arith.constant 0 : i32
    return %arg0, %c0_i32 : i32, i32
  }
  func.func @transform_1(%arg0: i32) -> (i32, i32) {
    %c0_i32 = arith.constant 0 : i32
    %c0_i32_0 = arith.constant 0 : i32
    %c0_i32_1 = arith.constant 0 : i32
    return %c0_i32, %c0_i32_0 : i32, i32
  }
  func.func @transform_2(%arg0: i32) -> (i32, i32) {
    %c0_i32 = arith.constant 0 : i32
    %c0_i32_0 = arith.constant 0 : i32
    %c0_i32_1 = arith.constant 0 : i32
    return %c0_i32, %c0_i32_0 : i32, i32
  }
  func.func @transform_3(%arg0: i32) -> (i32, i32) {
    %c0_i32 = arith.constant 0 : i32
    %c0_i32_0 = arith.constant 0 : i32
    %c0_i32_1 = arith.constant 0 : i32
    return %c0_i32, %c0_i32_0 : i32, i32
  }
  func.func @transform_4(%arg0: i32) -> (i32, i32) {
    %c0_i32 = arith.constant 0 : i32
    %c0_i32_0 = arith.constant 0 : i32
    %c0_i32_1 = arith.constant 0 : i32
    return %c0_i32, %c0_i32_0 : i32, i32
  }
  func.func @transform_5(%arg0: i32) -> (i32, i32) {
    %c0_i32 = arith.constant 0 : i32
    %c0_i32_0 = arith.constant 0 : i32
    %c0_i32_1 = arith.constant 0 : i32
    return %c0_i32, %c0_i32_0 : i32, i32
  }
  func.func @transform_6(%arg0: i32) -> (i32, i32) {
    %c0_i32 = arith.constant 0 : i32
    %c0_i32_0 = arith.constant 0 : i32
    %c0_i32_1 = arith.constant 0 : i32
    return %c0_i32, %c0_i32_0 : i32, i32
  }
  func.func @transform_7(%arg0: i32) -> (i32, i32) {
    %c0_i32 = arith.constant 0 : i32
    %c0_i32_0 = arith.constant 0 : i32
    return %arg0, %c0_i32 : i32, i32
  }
}

</mosaic_0001>

<sc_bundles>
// kernel: kernel.4.cloned.1.call-start
scs
__scs_entry_jumppad:
0x0: {  	(pc) =	sbr.rel $0x88, $3  }
0x1: {  	(tag) =	ssettag $0x0;
	lr =	simm.s32 $0x1  }
0x2: {  	[smem:$0x3F92] =	sst lr;
	_ =	strace $0xD0000000  }
0x3: {  	_ = 	snop  }
0x4: {  	_ = 	snop  }
0x5: {  	_ = 	snop  }
0x6: {  	_ = 	snop  }
0x7: {  	_ = 	snop  }
__scs_overlays_trampoline_lowered:
0x8: {  	[smem:$0x3FA1] =	sst s0  }
0x9: {  	[smem:$0x3FA2] =	sst s1  }
0xa: {  	[smem:$0x3FA3] =	sst s2  }
0xb: {  	[smem:$0x3FA4] =	sst s3  }
0xc: {  	[smem:$0x3FA5] =	sst s4  }
0xd: {  	[smem:$0x3FA6] =	sst s5  }
0xe: {  	[smem:$0x3FA7] =	sst s6  }
0xf: {  	[smem:$0x3FA8] =	sst s7  }
0x10: {  	[smem:$0x3FA9] =	sst s8  }
0x11: {  	[smem:$0x3FAA] =	sst s9;
	s0 =	simm.s32 @!p0 $0x0  }
0x12: {  	s1 =	sld [smem:$0x3F90];
	s0 =	simm.s32 @p0 $0x1  }
0x13: {  	[smem:$0x3FAB] =	sst s0;
	s0 =	simm.s32 @!p1 $0x0  }
0x14: {  	s2 =	sld [smem:$0x3F8F];
	s0 =	simm.s32 @p1 $0x1  }
0x15: {  	[smem:$0x3FAC] =	sst s0;
	s0 =	simm.s32 @!p2 $0x0  }
0x16: {  	s3 =	sld [smem:$0x3FDB];
	s0 =	simm.s32 @p2 $0x1  }
0x17: {  	s4 =	simm.s32 $0x1BF5;
	[smem:$0x3FAE] =	sst s0  }
0x18: {  	s0 =	sld [smem:$0x3F91];
	_ =	swait.ge [sflag:s4], $0x0  }
0x19: {  	s7 =	sld [smem:$0x3F92]  }
0x1a: {  	s8 =	sadd.s32 $0xFFFFE003, lr  }
0x1b: {  	s9 =	sadd.s32 $0xFFFFFEF7, lr;
	s5 =	simm.s32 $0xFFFFFFFF;
	p2 =	slt.u32 s8, $0xFFFFF086  }
0x1c: {  	p1 =	slt.u32 s9, $0xF7A;
	s5 =	simm.s32 @!p2 $0x0  }
0x1d: {  	s5 =	simm.s32 @p1 $0x1;
	p0 =	seq.s32 s7, s2  }
0x1e: {  	s7 =	smul.u32 @!p0 $0xF7A, s2;
	p2 =	seq.s32 @!p0 s5, $0x0  }
0x1f: {  	s9 =	smul.u32 $0xF7A, s1;
	s8 =	simm.s32 @!p0 $0x1BF5;
	p2 =	por !p2, p0  }
0x20: {  	[sflag:s8] =	ssyncset.s32 @!p0 $0xFFFFF086;
	s6 =	sadd.s32 @!p0 s3, s7;
	s7 =	simm.s32 @!p0 $0x108  }
0x21: {  	s3 =	sadd.s32 s3, s9;
	s6 =	sadd.s32 @!p0 $0x88, s6;
	s7 =	simm.s32 @p2 $0x1082  }
0x22: {  	[simem:s7], [sflag:s8] =	dma.local @!p0 [hbm:s6], $0xF7A  }
0x23: {  	s9 =	sor.u32 $0xD0000000, s2;
	s6 =	simm.s32 $0x108;
	_ =	swait.ge @!p0 [sflag:s8], $0x0  }
0x24: {  	s3 =	sadd.s32 $0x88, s3;
	s6 =	simm.s32 @!p1 $0x1082;
	[sflag:s4] =	ssyncset.s32 $0xFFFFF086  }
0x25: {  	[simem:s6], [sflag:s4] =	dma.local [hbm:s3], $0xF7A  }
0x26: {  	[smem:$0x3F92] =	sst s1;
	(tag) =	ssettag s2;
	_ =	strace s9  }
0x27: {  	s1 =	sld [smem:$0x3FA2]  }
0x28: {  	s2 =	sld [smem:$0x3FA3]  }
0x29: {  	s4 =	sld [smem:$0x3FA5]  }
0x2a: {  	p0 =	seq.s32 s5, $0x0;
	s5 =	sld [smem:$0x3FA6]  }
0x2b: {  	s6 =	sld [smem:$0x3FA7]  }
0x2c: {  	s7 =	sld [smem:$0x3FA8]  }
0x2d: {  	s3 =	simm.s32 $0x108;
	s8 =	sld [smem:$0x3FA9]  }
0x2e: {  	s3 =	simm.s32 @!p0 $0x1082;
	s9 =	sld [smem:$0x3FAA]  }
0x2f: {  	lr =	sadd.s32 s0, s3;
	s0 =	sld [smem:$0x3FA1]  }
0x30: {  	s3 =	sld [smem:$0x3FA4]  }
0x31: {  	[smem:$0x3FAD] =	sst s10  }
0x32: {  	s10 =	sld [smem:$0x3FAB];
	_ =	sdelay $0x3  }
0x33: {  	p0 =	seq.s32 s10, $0x1;
	s10 =	sld [smem:$0x3FAD];
	_ =	sdelay $0x3  }
0x34: {  	[smem:$0x3FAD] =	sst s10  }
0x35: {  	s10 =	sld [smem:$0x3FAC];
	_ =	sdelay $0x3  }
0x36: {  	p1 =	seq.s32 s10, $0x1;
	s10 =	sld [smem:$0x3FAD];
	_ =	sdelay $0x3  }
0x37: {  	[smem:$0x3FAD] =	sst s10  }
0x38: {  	s10 =	sld [smem:$0x3FAE]  }
0x39: {  	_ = 	snop;
	(pc) =	sbr.ind lr, $3  }
0x3a: {  	_ = 	snop  }
0x3b: {  	_ = 	snop  }
0x3c: {  	p2 =	seq.s32 s10, $0x1;
	s10 =	sld [smem:$0x3FAD]  }
0x3d: {  	_ =	shalt  }
0x3e: {  	_ =	shalt  }
0x3f: {  	_ =	shalt  }
0x40: {  	_ =	shalt  }
0x41: {  	_ =	shalt  }
0x42: {  	_ =	shalt  }
0x43: {  	_ =	shalt  }
0x44: {  	_ =	shalt  }
0x45: {  	_ =	shalt  }
0x46: {  	_ =	shalt  }
0x47: {  	_ =	shalt  }
0x48: {  	_ =	shalt  }
0x49: {  	_ =	shalt  }
0x4a: {  	_ =	shalt  }
0x4b: {  	_ =	shalt  }
0x4c: {  	_ =	shalt  }
0x4d: {  	_ =	shalt  }
0x4e: {  	_ =	shalt  }
0x4f: {  	_ =	shalt  }
0x50: {  	_ =	shalt  }
0x51: {  	_ =	shalt  }
0x52: {  	_ =	shalt  }
0x53: {  	_ =	shalt  }
0x54: {  	_ =	shalt  }
0x55: {  	_ =	shalt  }
0x56: {  	_ =	shalt  }
0x57: {  	_ =	shalt  }
0x58: {  	_ =	shalt  }
0x59: {  	_ =	shalt  }
0x5a: {  	_ =	shalt  }
0x5b: {  	_ =	shalt  }
0x5c: {  	_ =	shalt  }
0x5d: {  	_ =	shalt  }
0x5e: {  	_ =	shalt  }
0x5f: {  	_ =	shalt  }
0x60: {  	_ =	shalt  }
0x61: {  	_ =	shalt  }
0x62: {  	_ =	shalt  }
0x63: {  	_ =	shalt  }
0x64: {  	_ =	shalt  }
0x65: {  	_ =	shalt  }
0x66: {  	_ =	shalt  }
0x67: {  	_ =	shalt  }
0x68: {  	_ =	shalt  }
0x69: {  	_ =	shalt  }
0x6a: {  	_ =	shalt  }
0x6b: {  	_ =	shalt  }
0x6c: {  	_ =	shalt  }
0x6d: {  	_ =	shalt  }
0x6e: {  	_ =	shalt  }
0x6f: {  	_ =	shalt  }
0x70: {  	_ =	shalt  }
0x71: {  	_ =	shalt  }
0x72: {  	_ =	shalt  }
0x73: {  	_ =	shalt  }
0x74: {  	_ =	shalt  }
0x75: {  	_ =	shalt  }
0x76: {  	_ =	shalt  }
0x77: {  	_ =	shalt  }
0x78: {  	_ =	shalt  }
0x79: {  	_ =	shalt  }
0x7a: {  	_ =	shalt  }
0x7b: {  	_ =	shalt  }
0x7c: {  	_ =	shalt  }
0x7d: {  	_ =	shalt  }
0x7e: {  	_ =	shalt  }
0x7f: {  	_ =	shalt  }
0x80: {  	_ =	shalt  }
0x81: {  	_ =	shalt  }
0x82: {  	_ =	shalt  }
0x83: {  	_ =	shalt  }
0x84: {  	_ =	shalt  }
0x85: {  	_ =	shalt  }
0x86: {  	_ =	shalt  }
0x87: {  	_ =	shalt  }
.Lfunc_end0:
.L_simem_size_0:
called_computation_lowered:
.L_overlay_start_0:
0x88: {  	s2 =	sld [smem:$0x3FD9]  }
0x89: {  	s3 =	sld [smem:$0x3FFE];
	_ =	sdelay $0x1  }
0x8a: {  	s1 =	srdreg.scid  }
0x8b: {  	s0 =	sand.u32 $0x1, s1  }
0x8c: {  	s17 =	sshll.u32 s0, $0xA;
	s2 =	sadd.s32 s3, s2  }
0x8d: {  	s2 =	sadd.s32 s2, s17  }
0x8e: {  	[smem:$0x3FB9] =	sst s2  }
0x8f: {  	_ = 	snop  }
0x90: {  	s2 =	sld [smem:$0x3FD0];
	(tm) =	ssettm $0x1  }
0x91: {  	s18 =	sld [smem:$0x3FFB];
	_ =	sdelay $0x3  }
0x92: {  	_ =	strace s18  }
0x93: {  	s3 =	sld [smem:$0x3FFC];
	_ =	sdelay $0x3  }
0x94: {  	_ =	strace s3  }
0x95: {  	s3 =	sld [smem:$0x3FFD];
	_ =	sdelay $0x3  }
0x96: {  	_ =	strace s3  }
0x97: {  	_ =	strace $0x8FFFFFFF  }
0x98: {  	s19 =	sld [smem:$0x3FDB];
	_ =	sdelay $0x1  }
0x99: {  	s4 =	simm.s32 $_scs_section_size  }
0x9a: {  	s5 =	simm.s32 $_size__tile_overlayer_lowered;
	s6 =	simm.s32 $_tile_overlayer_lowered  }
0x9b: {  	s22 =	simm.s32 $0x1BFF;
	s21 =	sshll.u32 s6, $0x1;
	s3 =	sadd.s32 s4, s19  }
0x9c: {  	s7 =	simm.s32 $0x0;
	s20 =	sshll.u32 s5, $0x1;
	s5 =	sadd.s32 s21, s3  }
0x9d: {  	[timem:s7], [sflag:s22] =	dma.local [hbm:s5], s20  }
0x9e: {  	_ =	swait.ge [sflag:s22], s20  }
0x9f: {  	s4 =	ssub.s32 $0x0, s20;
	[sflag:s22] =	ssyncset.done $0x0  }
0xa0: {  	[sflag:s22] =	ssyncadd.s32 s4;
	_ =	sdelay $0x1  }
0xa1: {  	s23 =	simm.s32 $0x1B8B  }
0xa2: {  	_ =	swait.ge [sflag:s23], $0x1  }
0xa3: {  	[sflag:s23] =	ssyncset.done $0x0  }
0xa4: {  	s25 =	simm.s32 $0x1B8E;
	s24 =	sld [smem:$0x3FFE];
	[sflag:s23] =	ssyncadd.s32 $0xFFFFFFFF  }
0xa5: {  	s26 =	simm.s32 $execute0_lowered;
	[smem:$0x3FD2] =	sst s25  }
0xa6: {  	s5 =	sshll.u32 s26, $0x1;
	_ =	strace $0x80000046;
	[dreg:$0x1] =	wrdreg $0xFFFFFFFF  }
0xa7: {  	s28 =	simm.s32 $_size_execute0_lowered;
	s3 =	sadd.s32 s3, s5;
	[dreg:$0x0] =	wrdreg $0x0  }
0xa8: {  	s5 =	sshll.u32 s28, $0x1;
	[dreg:$0x2] =	wrdreg s3  }
0xa9: {  	[dreg:$0x3] =	wrdreg s5  }
0xaa: {  	[dreg:$0x4] =	wrdreg $0xC0  }
0xab: {  	_ =	task [dreg:s7], $0x5FFFF  }
0xac: {  	[dreg:$0x1] =	wrdreg $0xFFFFFFFF  }
0xad: {  	[dreg:$0x0] =	wrdreg $0x60  }
0xae: {  	[dreg:$0x2] =	wrdreg s24  }
0xaf: {  	[dreg:$0x3] =	wrdreg s2  }
0xb0: {  	[dreg:$0x4] =	wrdreg $0x138000  }
0xb1: {  	[dreg:$0x5] =	wrdreg $0x1A3700  }
0xb2: {  	[dreg:$0x6] =	wrdreg $0x1E7680  }
0xb3: {  	[dreg:$0x7] =	wrdreg $0x9  }
0xb4: {  	_ =	task.clear_ibuf [dreg:s7], $0x8FFFF;
	_ =	strace $0x90000046  }
0xb5: {  	s29 =	simm.s32 $0x9;
	_ =	strace $0x80000048  }
0xb6: {  	_ =	swait.ge [sflag:s29], $0x1  }
0xb7: {  	[sflag:s29] =	ssyncadd.s32 $0xFFFFFFFF  }
0xb8: {  	_ =	strace $0x90000048  }
0xb9: {  	_ =	sfence  }
0xba: {  	s30 =	sld [smem:$0x0];
	_ =	sdelay $0x2  }
0xbb: {  	s31 =	sshll.u32 s1, $0xD;
	s1 =	sshrl.u32 s1, $0x2  }
0xbc: {  	s3 =	sand.u32 $0x4000, s31;
	s1 =	sadd.s32 s1, s30  }
0xbd: {  	s0 =	sor.u32 s3, s0;
	s1 =	sshll.u32 s1, $0x11  }
0xbe: {  	s0 =	sor.u32 s1, s0  }
0xbf: {  	s0 =	sadd.s32 $0x8F2B, s0  }
0xc0: {  	[sflag:s0] =	ssyncadd.remote.s32 $0x1  }
0xc1: {  	_ =	sfence.sel $0xFFFF  }
0xc2: {  	[dreg:$0x0] =	wrdreg $0xFFFFFFFF;
	(pc) =	sbr.abs _section_cstart, $3  }
0xc3: {  	[dreg:$0x1] =	wrdreg $0xFFFFFFFF  }
0xc4: {  	_ =	task.clear_ibuf [dreg:s7], $0x2FFFF;
	_ =	strace $0x9FFFFFFF  }
0xc5: {  	(tm) =	ssettm $0x7FFFFFFF  }
tec
execute0_lowered:
.L_overlay_start_1:
0x0: {  	(tag) =	ssettag $0x1  }
0x1: {  	s0 =	rddreg [dreg:$0x0]  }
0x2: {  	s2 =	rddreg [dreg:$0x2]  }
0x3: {  	s3 =	rddreg [dreg:$0x3]  }
0x4: {  	s4 =	rddreg [dreg:$0x4];
	s1 =	simm.s32 $0x0;
	s19 =	srdreg.scid  }
0x5: {  	s5 =	stileid.u32;
	s30 =	simm.s32 $0x3;
	s31 =	simm.s32 $0x80  }
0x6: {  	s18 =	simm.s32 $0xA880;
	s17 =	simm.s32 $0x2;
	s28 =	simm.s32 $0x4  }
0x7: {  	[smem:$0x7FF] =	sst s1;
	s12 =	sadd.s32 $0x12FA00, s0;
	s13 =	sadd.s32 $0xCBA00, s0  }
0x8: {  	s14 =	sadd.s32 $0x193A00, s0;
	s15 =	sadd.s32 $0x67A00, s0;
	s16 =	sadd.s32 $0x3A00, s0  }
0x9: {  	s1 =	sand.u32 $0x1, s19;
	s6 =	sshll.u32 s5, $0x1;
	s7 =	sadd.s32 $0x1B4200, s0  }
0xa: {  	s9 =	sadd.s32 $0x1ABA00, s0;
	_ =	strace $0x80000047;
	[dreg:$0x8] =	wrdreg s7  }
0xb: {  	p0 =	sne.s32 s5, $0x0;
	s5 =	simm.s32 $0x0;
	[dreg:$0x9] =	wrdreg s9  }
0xc: {  	s6 =	sor.u32 s1, s6;
	s1 =	ssub.s32 $0x2, s1;
	[dreg:$0x6] =	wrdreg s12  }
0xd: {  	[dreg:$0x7] =	wrdreg s13;
	s9 =	smov.u32 s15;
	s10 =	smov.u32 s16  }
0xe: {  	s19 =	smov.u32 s14;
	s20 =	sshll.u32 s6, $0xD;
	s11 =	smul.u32 $0x3200, s6  }
0xf: {  	s8 =	sshrl.u32 s1, $0x1;
	s21 =	sshll.u32 s6, $0x9;
	s6 =	smul.u32 $0xC00, s6  }
0x10: {  	s0 =	sadd.s32 s20, s0;
	[dreg:$0xa] =	wrdreg s21;
	s26 =	sor.u32 $0x20, s21  }
0x11: {  	s1 =	ssub.s32 s1, s8;
	s22 =	sadd.s32 s12, s11;
	[dreg:$0x11] =	wrdreg s26  }
0x12: {  	s21 =	simm.s32 $0x48;
	s23 =	sadd.s32 s13, s11;
	[dreg:$0xb] =	wrdreg s22  }
0x13: {  	s24 =	sadd.s32 s15, s11;
	s25 =	sadd.s32 s16, s11;
	[dreg:$0xc] =	wrdreg s23  }
0x14: {  	s6 =	sadd.s32 s14, s6;
	s0 =	sadd.s32 $0x1C1A00, s0;
	[dreg:$0xd] =	wrdreg s24  }
0x15: {  	s29 =	smax.u32 s1, $0x1;
	s11 =	simm.s32 $0x5;
	[dreg:$0xe] =	wrdreg s25  }
0x16: {  	s14 =	simm.s32 $0x8300;
	s16 =	simm.s32 $0x9300;
	[dreg:$0xf] =	wrdreg s6  }
0x17: {  	s1 =	simm.s32 $0xF380;
	s12 =	simm.s32 $0xFB80;
	[dreg:$0x10] =	wrdreg s0  }
0x18: {  	s15 =	simm.s32 $0x1;
	[dreg:$0x12] =	wrdreg s29;
	s0 =	sshrl.u32 @!p0 s2, $0x3  }
0x19: {  	s26 =	simm.s32 $0x6;
	[dreg:$0x13] =	wrdreg s0;
	s0 =	sshrl.u32 @!p0 s3, $0x3  }
0x1a: {  	s22 =	simm.s32 $0xB080;
	[dreg:$0x14] =	wrdreg s0;
	s0 =	sshrl.u32 @!p0 s4, $0x3  }
0x1b: {  	s23 =	simm.s32 $0xCE00;
	s24 =	simm.s32 $0xDE00;
	[dreg:$0x15] =	wrdreg s0  }
.LBB2_1:
0x1c: {  	[dreg:$0x16] =	wrdreg s5  }
0x1d: {  	s5 =	rddreg [dreg:$0x8]  }
0x1e: {  	s0 =	simm.s32 @!p0 $0x1C06;
	s6 =	rddreg [dreg:$0x13]  }
0x1f: {  	[spmem:s6], [sflag:s0] =	dma.local @!p0 [hbm:s5], $0xD6E0  }
0x20: {  	s5 =	simm.s32 @!p0 $0x6  }
0x21: {  	_ =	swait.ge @!p0 [sflag:s5], $0xD6E0  }
0x22: {  	[sflag:s5] =	ssyncset.done @!p0 $0x0;
	s6 =	rddreg [dreg:$0x9]  }
0x23: {  	s7 =	rddreg [dreg:$0x14];
	[sflag:s5] =	ssyncadd.s32 @!p0 $0xFFFF2920  }
0x24: {  	[spmem:s7], [sflag:s0] =	dma.local @!p0 [hbm:s6], $0x87E2  }
0x25: {  	_ =	swait.ge @!p0 [sflag:s5], $0x87E2  }
0x26: {  	[sflag:s5] =	ssyncset.done @!p0 $0x0  }
0x27: {  	s7 =	rddreg [dreg:$0x15];
	[sflag:s5] =	ssyncadd.s32 @!p0 $0xFFFF781E  }
0x28: {  	s6 =	rddreg [dreg:$0x1]  }
0x29: {  	[spmem:s7], [sflag:s0] =	dma.local @!p0 [hbm:s6], $0x3C  }
0x2a: {  	_ =	swait.ge @!p0 [sflag:s5], $0x3C  }
0x2b: {  	[sflag:s5] =	ssyncset.done @!p0 $0x0  }
0x2c: {  	[sflag:s5] =	ssyncadd.s32 @!p0 $0xFFFFFFC4  }
0x2d: {  	[bflag:$0x0] =	sbarrier.arrive $0xFFFF  }
0x2e: {  	s0 =	simm.s32 $0x0;
	s13 =	rddreg [dreg:$0xb]  }
0x2f: {  	[tilespmem:s0], [sflag:$0x3] =	stream.linear.gather [hbm4b:s13+s0], $0xC80, $0x38;
	[tilespmem:$0x1E788] =	vst v63  }
0x30: {  	s25 =	simm.s32 $0x1900;
	s20 =	rddreg [dreg:$0xc]  }
0x31: {  	[tilespmem:s25], [sflag:$0x3] =	stream.linear.gather [hbm4b:s20+s0], $0xC80, $0x38;
	[tilespmem:$0x1E788] =	vst v63  }
0x32: {  	s7 =	simm.s32 $0x3800;
	s6 =	rddreg [dreg:$0xd]  }
0x33: {  	[tilespmem:s7], [sflag:$0x3] =	stream.linear.gather [hbm4b:s6+s0], $0xC80, $0x38;
	[tilespmem:$0x1E788] =	vst v63  }
0x34: {  	s8 =	rddreg [dreg:$0xe];
	s13 =	simm.s32 $0x5100  }
0x35: {  	[tilespmem:s13], [sflag:$0x3] =	stream.linear.gather [hbm4b:s8+s0], $0xC80, $0x38;
	[tilespmem:$0x1E788] =	vst v63  }
0x36: {  	s29 =	simm.s32 $0x0;
	s20 =	rddreg [dreg:$0xf];
	s25 =	simm.s32 $0x3200  }
0x37: {  	[tilespmem:s25], [sflag:$0x3] =	stream.linear.gather [hbm4b:s20+s0], $0x300, $0x38;
	[tilespmem:$0x1E788] =	vst v63  }
.LBB2_2:
0x38: {  	_ =	swait.ge [sflag:s30], $0xC80  }
0x39: {  	[sflag:s30] =	ssyncset.done $0x0  }
0x3a: {  	[sflag:s30] =	ssyncadd.s32 $0xFFFFF380  }
0x3b: {  	_ =	swait.ge [sflag:s30], $0xC80  }
0x3c: {  	[sflag:s30] =	ssyncset.done $0x0  }
0x3d: {  	[sflag:s30] =	ssyncadd.s32 $0xFFFFF380  }
0x3e: {  	_ =	swait.ge [sflag:s30], $0xC80  }
0x3f: {  	[sflag:s30] =	ssyncset.done $0x0  }
0x40: {  	[sflag:s30] =	ssyncadd.s32 $0xFFFFF380  }
0x41: {  	_ =	swait.ge [sflag:s30], $0xC80  }
0x42: {  	[sflag:s30] =	ssyncset.done $0x0  }
0x43: {  	[sflag:s30] =	ssyncadd.s32 $0xFFFFF380  }
0x44: {  	_ =	swait.ge [sflag:s30], $0x300  }
0x45: {  	[sflag:s30] =	ssyncset.done $0x0  }
0x46: {  	s0 =	simm.s32 $0x3200;
	s5 =	simm.s32 $0x10000;
	[sflag:s30] =	ssyncadd.s32 $0xFFFFFD00  }
0x47: {  	[tilespmem:s5], [sflag:$0x5] =	stream.indirect.gather [spmem:s4], $0x10, s0, s31, $0xb8;
	[tilespmem:$0x1E788] =	vst v63  }
0x48: {  	s6 =	simm.s32 $0x3280;
	s7 =	simm.s32 $0x10800  }
0x49: {  	[tilespmem:s7], [sflag:$0x5] =	stream.indirect.gather [spmem:s4], $0x10, s6, s31, $0xb8;
	[tilespmem:$0x1E788] =	vst v63  }
0x4a: {  	s8 =	simm.s32 $0x3300;
	s13 =	simm.s32 $0x11000;
	s20 =	simm.s32 $0x3380  }
0x4b: {  	[tilespmem:s13], [sflag:$0x5] =	stream.indirect.gather [spmem:s4], $0x10, s8, s31, $0xb8;
	[tilespmem:$0x1E788] =	vst v63  }
0x4c: {  	s25 =	simm.s32 $0x11800;
	s5 =	simm.s32 $0x3400;
	s13 =	sshllo.u32 s29, $0x1  }
0x4d: {  	s6 =	simm.s32 $0x12000;
	s8 =	rddreg [dreg:$0xa];
	s7 =	sshll.u32 s13, $0x4  }
0x4e: {  	[tilespmem:s25], [sflag:$0x5] =	stream.indirect.gather [spmem:s4], $0x10, s20, s31, $0xb8;
	[tilespmem:$0x1E788] =	vst v63  }
0x4f: {  	s0 =	sadd.s32 s8, s7;
	s7 =	simm.s32 $0x12800;
	s20 =	rddreg [dreg:$0x6]  }
0x50: {  	[tilespmem:s6], [sflag:$0x5] =	stream.indirect.gather [spmem:s4], $0x10, s5, s31, $0xb8;
	[tilespmem:$0x1E788] =	vst v63  }
0x51: {  	s25 =	simm.s32 $0xC80;
	s5 =	smul.u32 $0x19, s0;
	s6 =	simm.s32 $0x3480  }
0x52: {  	[tilespmem:s7], [sflag:$0x5] =	stream.indirect.gather [spmem:s4], $0x10, s6, s31, $0xb8;
	[tilespmem:$0x1E788] =	vst v63  }
0x53: {  	s8 =	rddreg [dreg:$0x7];
	s6 =	sadd.s32 s20, s5;
	s20 =	simm.s32 $0x0  }
0x54: {  	[tilespmem:s25], [sflag:$0x4] =	stream.linear.gather [hbm4b:s6+s20], $0xC80, $0x38;
	[tilespmem:$0x1E788] =	vst v63  }
0x55: {  	s6 =	sadd.s32 s8, s5;
	s25 =	simm.s32 $0x2580  }
0x56: {  	[tilespmem:s25], [sflag:$0x4] =	stream.linear.gather [hbm4b:s6+s20], $0xC80, $0x38;
	[tilespmem:$0x1E788] =	vst v63  }
0x57: {  	s8 =	sadd.s32 s9, s5;
	s25 =	simm.s32 $0x4480  }
0x58: {  	[tilespmem:s25], [sflag:$0x4] =	stream.linear.gather [hbm4b:s8+s20], $0xC80, $0x38;
	[tilespmem:$0x1E788] =	vst v63  }
0x59: {  	s0 =	smul.u32 $0x6, s0;
	s7 =	simm.s32 $0x5D80;
	s5 =	sadd.s32 s10, s5  }
0x5a: {  	[tilespmem:s7], [sflag:$0x4] =	stream.linear.gather [hbm4b:s5+s20], $0xC80, $0x38;
	[tilespmem:$0x1E788] =	vst v63  }
0x5b: {  	s0 =	sadd.s32 s19, s0;
	s8 =	simm.s32 $0x3500  }
0x5c: {  	[tilespmem:s8], [sflag:$0x4] =	stream.linear.gather [hbm4b:s0+s20], $0x300, $0x38;
	[tilespmem:$0x1E788] =	vst v63  }
0x5d: {  	s25 =	simm.s32 $0x6A00  }
0x5e: {  	[tilespmem:s25], [sflag:$0x1] =	stream.indirect.gather [spmem:s2], $0x20, s20, s31, $0xb8;
	[tilespmem:$0x1E788] =	vst v63  }
0x5f: {  	s5 =	simm.s32 $0x7A00  }
0x60: {  	[tilespmem:s5], [sflag:$0x1] =	stream.indirect.gather [spmem:s2], $0x20, s31, s21, $0xb8;
	[tilespmem:$0x1E788] =	vst v63  }
0x61: {  	s6 =	simm.s32 $0x1900;
	s7 =	simm.s32 $0x9C00  }
0x62: {  	[tilespmem:s7], [sflag:$0x1] =	stream.indirect.gather [spmem:s3], $0x10, s6, s31, $0xb8;
	[tilespmem:$0x1E788] =	vst v63  }
0x63: {  	s8 =	simm.s32 $0x1980;
	s25 =	simm.s32 $0xA400  }
0x64: {  	[tilespmem:s25], [sflag:$0x1] =	stream.indirect.gather [spmem:s3], $0x10, s8, s21, $0xb8;
	[tilespmem:$0x1E788] =	vst v63  }
0x65: {  	s6 =	simm.s32 $0x3800;
	s7 =	simm.s32 $0xB500  }
0x66: {  	[tilespmem:s7], [sflag:$0x1] =	stream.indirect.gather [spmem:s2], $0x20, s6, s31, $0xb8;
	[tilespmem:$0x1E788] =	vst v63  }
0x67: {  	s8 =	simm.s32 $0x3880;
	s25 =	simm.s32 $0xC500  }
0x68: {  	[tilespmem:s25], [sflag:$0x1] =	stream.indirect.gather [spmem:s2], $0x20, s8, s21, $0xb8;
	[tilespmem:$0x1E788] =	vst v63  }
0x69: {  	s6 =	simm.s32 $0x5100;
	s7 =	simm.s32 $0xE700  }
0x6a: {  	[tilespmem:s7], [sflag:$0x1] =	stream.indirect.gather [spmem:s3], $0x10, s6, s31, $0xb8;
	[tilespmem:$0x1E788] =	vst v63  }
0x6b: {  	s8 =	simm.s32 $0x5180;
	s25 =	simm.s32 $0xEF00  }
0x6c: {  	[tilespmem:s25], [sflag:$0x1] =	stream.indirect.gather [spmem:s3], $0x10, s8, s21, $0xb8;
	[tilespmem:$0x1E788] =	vst v63  }
0x6d: {  	_ =	swait.ge [sflag:s11], $0x3000  }
0x6e: {  	[sflag:s11] =	ssyncset.done $0x0  }
0x6f: {  	[sflag:s11] =	ssyncadd.s32 $0xFFFFD000  }
.LBB2_3:
0x70: {  	s0 =	sshllo.u32 s20, $0x1  }
0x71: {  	s5 =	smul.u32 $0xC8, s0;
	_ =	sdelay $0x1  }
0x72: {  	[tilespmem:s14], [sflag:$0x2] =	stream.indirect.gather [spmem:s2], $0x20, s5, s31, $0xb8;
	[tilespmem:$0x1E788] =	vst v63  }
0x73: {  	s6 =	sadd.s32 $0x80, s5  }
0x74: {  	[tilespmem:s16], [sflag:$0x2] =	stream.indirect.gather [spmem:s2], $0x20, s6, s21, $0xb8;
	[tilespmem:$0x1E788] =	vst v63  }
0x75: {  	s25 =	sadd.s32 $0x1900, s5  }
0x76: {  	[tilespmem:s18], [sflag:$0x2] =	stream.indirect.gather [spmem:s3], $0x10, s25, s31, $0xb8;
	[tilespmem:$0x1E788] =	vst v63  }
0x77: {  	s7 =	sadd.s32 $0x1980, s5  }
0x78: {  	[tilespmem:s22], [sflag:$0x2] =	stream.indirect.gather [spmem:s3], $0x10, s7, s21, $0xb8;
	[tilespmem:$0x1E788] =	vst v63  }
0x79: {  	s8 =	sadd.s32 $0x3800, s5  }
0x7a: {  	[tilespmem:s23], [sflag:$0x2] =	stream.indirect.gather [spmem:s2], $0x20, s8, s31, $0xb8;
	[tilespmem:$0x1E788] =	vst v63  }
0x7b: {  	s25 =	sadd.s32 $0x3880, s5  }
0x7c: {  	[tilespmem:s24], [sflag:$0x2] =	stream.indirect.gather [spmem:s2], $0x20, s25, s21, $0xb8;
	[tilespmem:$0x1E788] =	vst v63  }
0x7d: {  	s7 =	sadd.s32 $0x5100, s5  }
0x7e: {  	[tilespmem:s1], [sflag:$0x2] =	stream.indirect.gather [spmem:s3], $0x10, s7, s31, $0xb8;
	[tilespmem:$0x1E788] =	vst v63  }
0x7f: {  	s5 =	sadd.s32 $0x5180, s5  }
0x80: {  	[tilespmem:s12], [sflag:$0x2] =	stream.indirect.gather [spmem:s3], $0x10, s5, s21, $0xb8;
	[tilespmem:$0x1E788] =	vst v63  }
0x81: {  	_ =	swait.ge [sflag:s15], $0x1900  }
0x82: {  	[sflag:s15] =	ssyncset.done $0x0  }
0x83: {  	[sflag:s15] =	ssyncadd.s32 $0xFFFFE700  }
0x84: {  	_ =	swait.ge [sflag:s15], $0xC80  }
0x85: {  	[sflag:s15] =	ssyncset.done $0x0  }
0x86: {  	[sflag:s15] =	ssyncadd.s32 $0xFFFFF380  }
0x87: {  	_ =	swait.ge [sflag:s15], $0x1900  }
0x88: {  	[sflag:s15] =	ssyncset.done $0x0  }
0x89: {  	[sflag:s15] =	ssyncadd.s32 $0xFFFFE700  }
0x8a: {  	_ =	swait.ge [sflag:s15], $0xC80  }
0x8b: {  	[sflag:s15] =	ssyncset.done $0x0  }
0x8c: {  	s8 =	simm.s32 $0xE720;
	[sflag:s15] =	ssyncadd.s32 $0xFFFFF380  }
0x8d: {  	v7 =	vld [tilespmem:s8+$0x0]  }
0x8e: {  	v0 =	vld [tilespmem:s8+$0x10]  }
0x8f: {  	v10 =	vld [tilespmem:s8+$0xFFFFFFE0]  }
0x90: {  	s25 =	simm.s32 $0x9C20;
	v1 =	vld [tilespmem:s8+$0xFFFFFFF0]  }
0x91: {  	v3 =	vld [tilespmem:s25+$0x0]  }
0x92: {  	v2 =	vld [tilespmem:s25+$0x10]  }
0x93: {  	v5 =	vld [tilespmem:s25+$0xFFFFFFE0]  }
0x94: {  	s5 =	simm.s32 $0xB540;
	v8 =	vld [tilespmem:s25+$0xFFFFFFF0]  }
0x95: {  	v11 =	vld [tilespmem:s5+$0x0]  }
0x96: {  	s6 =	simm.s32 $0x6A40;
	v6 =	vld [tilespmem:s5+$0xFFFFFFC0]  }
0x97: {  	v9 =	vld [tilespmem:s6+$0xFFFFFFC0]  }
0x98: {  	v12 =	vld [tilespmem:s6+$0xFFFFFFD0]  }
0x99: {  	v13 =	vld [tilespmem:s6+$0x0]  }
0x9a: {  	v19 =	vld [tilespmem:s6+$0xFFFFFFE0]  }
0x9b: {  	v15 =	vld [tilespmem:s6+$0x10]  }
0x9c: {  	v4 =	vimm.f32 $0.0e+00;
	v17 =	vld [tilespmem:s5+$0xFFFFFFD0]  }
0x9d: {  	v21 =	vld [tilespmem:s6+$0xFFFFFFF0];
	v9 =	vadd.f32 v9, v4  }
0x9e: {  	v22 =	vld [tilespmem:s5+$0x10];
	v12 =	vadd.f32 v12, v4;
	v5 =	vadd.f32 v5, v4  }
0x9f: {  	v14 =	vld [tilespmem:s6+$0x20];
	v18 =	vadd.f32 v6, v4;
	v20 =	vadd.f32 v19, v4  }
0xa0: {  	v16 =	vld [tilespmem:s6+$0x30];
	v6 =	vadd.f32 v15, v12;
	v5 =	vadd.f32 v3, v5  }
0xa1: {  	v3 =	vadd.f32 v11, v18;
	v15 =	vld [tilespmem:s5+$0xFFFFFFE0];
	v11 =	vadd.f32 v17, v4  }
0xa2: {  	v21 =	vadd.f32 v21, v4;
	v12 =	vadd.f32 v10, v4;
	v18 =	vld [tilespmem:s5+$0xFFFFFFF0]  }
0xa3: {  	v9 =	vadd.f32 v13, v9;
	v17 =	vld [tilespmem:s5+$0x20];
	v13 =	vimm.f32 $0.0e+00;
	v10 =	vadd.f32 v22, v11  }
0xa4: {  	s7 =	simm.s32 $0x0;
	s8 =	simm.s32 $0xE760;
	v19 =	vld [tilespmem:s5+$0x30];
	v7 =	vadd.f32 v7, v12;
	v11 =	vimm.f32 $0.0e+00;
	v12 =	vimm.f32 $0.0e+00  }
.LBB2_4:
0xa5: {  	v22 =	vld [tilespmem:s8+$0x0];
	v20 =	vadd.f32 v14, v20;
	v21 =	vadd.f32 v16, v21  }
0xa6: {  	v4 =	vadd.f32 v8, v4;
	v14 =	vld [tilespmem:s8+$0x10];
	v8 =	vadd.f32 v15, v11  }
0xa7: {  	v13 =	vadd.f32 v1, v13;
	v23 =	vld [tilespmem:s8+$0xFFFFFFE0];
	v12 =	vadd.f32 v18, v12  }
0xa8: {  	s25 =	sadd.s32 $0x40, s25;
	v4 =	vadd.f32 v2, v4;
	v1 =	vld [tilespmem:s8+$0xFFFFFFF0];
	v11 =	vadd.f32 v17, v8  }
0xa9: {  	v13 =	vadd.f32 v0, v13;
	v17 =	vld [tilespmem:s25+$0x0];
	v12 =	vadd.f32 v19, v12  }
0xaa: {  	v2 =	vld [tilespmem:s25+$0x10]  }
0xab: {  	v15 =	vld [tilespmem:s25+$0xFFFFFFE0];
	v0 =	vmov v14  }
0xac: {  	s5 =	sadd.s32 $0x80, s5;
	v8 =	vld [tilespmem:s25+$0xFFFFFFF0]  }
0xad: {  	v18 =	vld [tilespmem:s5+$0x0]  }
0xae: {  	v19 =	vld [tilespmem:s5+$0x10]  }
0xaf: {  	s6 =	sadd.s32 $0x80, s6;
	v14 =	vld [tilespmem:s5+$0xFFFFFFC0]  }
0xb0: {  	v16 =	vld [tilespmem:s6+$0xFFFFFFC0]  }
0xb1: {  	v24 =	vld [tilespmem:s6+$0xFFFFFFD0]  }
0xb2: {  	v25 =	vld [tilespmem:s6+$0x0]  }
0xb3: {  	v26 =	vld [tilespmem:s6+$0x10]  }
0xb4: {  	v27 =	vld [tilespmem:s5+$0xFFFFFFD0]  }
0xb5: {  	v28 =	vld [tilespmem:s6+$0xFFFFFFE0]  }
0xb6: {  	s7 =	sadd.s32 $0x4, s7;
	v9 =	vadd.f32 v16, v9;
	v6 =	vadd.f32 v24, v6;
	v24 =	vld [tilespmem:s6+$0xFFFFFFF0]  }
0xb7: {  	p1 =	slt.u32 s7, $0xC4;
	v5 =	vadd.f32 v15, v5;
	v3 =	vadd.f32 v14, v3;
	v14 =	vld [tilespmem:s6+$0x20]  }
.Ltmp0:
0xb8: {  	v9 =	vadd.f32 v25, v9;
	v6 =	vadd.f32 v26, v6;
	v16 =	vld [tilespmem:s6+$0x30];
	(pc) =	sbr.rel @p1 .LBB2_4-.Ltmp0, $4  }
0xb9: {  	v5 =	vadd.f32 v17, v5;
	v3 =	vadd.f32 v18, v3;
	v15 =	vld [tilespmem:s5+$0xFFFFFFE0]  }
0xba: {  	v7 =	vadd.f32 v23, v7;
	v10 =	vadd.f32 v27, v10;
	v18 =	vld [tilespmem:s5+$0xFFFFFFF0]  }
0xbb: {  	v20 =	vadd.f32 v28, v20;
	v21 =	vadd.f32 v24, v21;
	v17 =	vld [tilespmem:s5+$0x20]  }
0xbc: {  	s8 =	sadd.s32 $0x40, s8;
	v7 =	vadd.f32 v22, v7;
	v10 =	vadd.f32 v19, v10;
	v19 =	vld [tilespmem:s5+$0x30]  }
0xbd: {  	v14 =	vadd.f32 v14, v20;
	v16 =	vadd.f32 v16, v21  }
0xbe: {  	v4 =	vadd.f32 v8, v4;
	v1 =	vadd.f32 v1, v13  }
0xbf: {  	v8 =	vadd.f32 v15, v11;
	v11 =	vadd.f32 v18, v12  }
0xc0: {  	v2 =	vadd.f32 v2, v4;
	v4 =	vadd.f32 v14, v9  }
0xc1: {  	v6 =	vadd.f32 v16, v6;
	v0 =	vadd.f32 v0, v1  }
0xc2: {  	s5 =	sshll.u32 s20, $0x8;
	v8 =	vadd.f32 v17, v8;
	v4 =	vmul.f32 $4.999999890e-03, v4;
	v2 =	vadd.f32 v2, v5  }
0xc3: {  	s5 =	sand.u32 $0x3FFFFF00, s5;
	v9 =	vadd.f32 v19, v11;
	v1 =	vmul.f32 $4.999999890e-03, v6;
	v0 =	vadd.f32 v0, v7  }
0xc4: {  	v3 =	vadd.f32 v8, v3;
	[tilespmem:s5+$0x13000] =	vst v4;
	v2 =	vmul.f32 $4.999999890e-03, v2  }
0xc5: {  	v4 =	vadd.f32 v9, v10;
	[tilespmem:s5+$0x13010] =	vst v1;
	v0 =	vmul.f32 $4.999999890e-03, v0  }
0xc6: {  	v1 =	vmul.f32 $4.999999890e-03, v3;
	[tilespmem:s5+$0x13020] =	vst v2  }
0xc7: {  	s6 =	smul.u32 $0x1800, s20;
	v2 =	vmul.f32 $4.999999890e-03, v4;
	[tilespmem:s5+$0x13060] =	vst v0  }
0xc8: {  	[tilespmem:s5+$0x13040] =	vst v1  }
0xc9: {  	s6 =	sshra.s32 s6, $0x2;
	[tilespmem:s5+$0x13050] =	vst v2  }
0xca: {  	v0 =	vld [tilespmem:s6+$0x10000]  }
0xcb: {  	v1 =	vld [tilespmem:s6+$0x10010]  }
0xcc: {  	v2 =	vld [tilespmem:s6+$0x10020]  }
0xcd: {  	v3 =	vld [tilespmem:s6+$0x10030]  }
0xce: {  	v4 =	vld [tilespmem:s6+$0x10040]  }
0xcf: {  	v5 =	vld [tilespmem:s6+$0x10050]  }
0xd0: {  	v6 =	vld [tilespmem:s6+$0x10060]  }
0xd1: {  	v7 =	vld [tilespmem:s6+$0x10070]  }
0xd2: {  	v8 =	vld [tilespmem:s6+$0x10080]  }
0xd3: {  	v9 =	vld [tilespmem:s6+$0x10090]  }
0xd4: {  	v10 =	vld [tilespmem:s6+$0x100A0]  }
0xd5: {  	v11 =	vld [tilespmem:s6+$0x100B0]  }
0xd6: {  	v12 =	vld [tilespmem:s6+$0x100C0]  }
0xd7: {  	v13 =	vld [tilespmem:s6+$0x100D0]  }
0xd8: {  	v14 =	vld [tilespmem:s6+$0x100E0]  }
0xd9: {  	v15 =	vld [tilespmem:s6+$0x100F0];
	v0 =	vadd.f32 $0.0e+00, v0;
	v1 =	vadd.f32 $0.0e+00, v1  }
0xda: {  	v16 =	vld [tilespmem:s6+$0x10100];
	v2 =	vadd.f32 $0.0e+00, v2;
	v3 =	vadd.f32 $0.0e+00, v3  }
0xdb: {  	v0 =	vadd.f32 v4, v0;
	v1 =	vadd.f32 v5, v1;
	v4 =	vld [tilespmem:s6+$0x10110]  }
0xdc: {  	v2 =	vadd.f32 v6, v2;
	v3 =	vadd.f32 v7, v3;
	v5 =	vld [tilespmem:s6+$0x10120]  }
0xdd: {  	v6 =	vld [tilespmem:s6+$0x10130];
	v0 =	vadd.f32 v8, v0;
	v1 =	vadd.f32 v9, v1  }
0xde: {  	v2 =	vadd.f32 v10, v2;
	v3 =	vadd.f32 v11, v3  }
0xdf: {  	v0 =	vadd.f32 v12, v0;
	v1 =	vadd.f32 v13, v1  }
0xe0: {  	v2 =	vadd.f32 v14, v2;
	v3 =	vadd.f32 v15, v3  }
0xe1: {  	v0 =	vadd.f32 v16, v0;
	v1 =	vadd.f32 v4, v1  }
0xe2: {  	v2 =	vadd.f32 v5, v2;
	v3 =	vadd.f32 v6, v3;
	_ =	sdelay $0x1  }
0xe3: {  	v0 =	vadd.f32 v1, v0;
	v1 =	vadd.f32 v3, v2;
	_ =	sdelay $0x1  }
0xe4: {  	v0 =	vadd.f32 v1, v0;
	_ =	sdelay $0x1  }
0xe5: {  	v0 =	vmul.f32 $5.000000070e-02, v0;
	_ =	sdelay $0x1  }
0xe6: {  	[tilespmem:s5+$0x13030] =	vst v0  }
0xe7: {  	v0 =	vld [tilespmem:s6+$0x10180]  }
0xe8: {  	v1 =	vld [tilespmem:s6+$0x10190]  }
0xe9: {  	v2 =	vld [tilespmem:s6+$0x101A0]  }
0xea: {  	v3 =	vld [tilespmem:s6+$0x101B0]  }
0xeb: {  	v4 =	vld [tilespmem:s6+$0x101C0]  }
0xec: {  	v5 =	vld [tilespmem:s6+$0x101D0]  }
0xed: {  	v6 =	vld [tilespmem:s6+$0x101E0]  }
0xee: {  	v7 =	vld [tilespmem:s6+$0x101F0]  }
0xef: {  	v8 =	vld [tilespmem:s6+$0x10200]  }
0xf0: {  	v9 =	vld [tilespmem:s6+$0x10210]  }
0xf1: {  	v10 =	vld [tilespmem:s6+$0x10220]  }
0xf2: {  	v11 =	vld [tilespmem:s6+$0x10230]  }
0xf3: {  	v12 =	vld [tilespmem:s6+$0x10240]  }
0xf4: {  	v13 =	vld [tilespmem:s6+$0x10250]  }
0xf5: {  	v14 =	vld [tilespmem:s6+$0x10260]  }
0xf6: {  	v15 =	vld [tilespmem:s6+$0x10270];
	v0 =	vadd.f32 $0.0e+00, v0;
	v1 =	vadd.f32 $0.0e+00, v1  }
0xf7: {  	v16 =	vld [tilespmem:s6+$0x10280];
	v2 =	vadd.f32 $0.0e+00, v2;
	v3 =	vadd.f32 $0.0e+00, v3  }
0xf8: {  	v0 =	vadd.f32 v4, v0;
	v1 =	vadd.f32 v5, v1;
	v4 =	vld [tilespmem:s6+$0x10290]  }
0xf9: {  	v2 =	vadd.f32 v6, v2;
	v3 =	vadd.f32 v7, v3;
	v5 =	vld [tilespmem:s6+$0x102A0]  }
0xfa: {  	v6 =	vld [tilespmem:s6+$0x102B0];
	v0 =	vadd.f32 v8, v0;
	v1 =	vadd.f32 v9, v1  }
0xfb: {  	v2 =	vadd.f32 v10, v2;
	v3 =	vadd.f32 v11, v3  }
0xfc: {  	v0 =	vadd.f32 v12, v0;
	v1 =	vadd.f32 v13, v1  }
0xfd: {  	v2 =	vadd.f32 v14, v2;
	v3 =	vadd.f32 v15, v3  }
0xfe: {  	v0 =	vadd.f32 v16, v0;
	v1 =	vadd.f32 v4, v1  }
0xff: {  	v2 =	vadd.f32 v5, v2;
	v3 =	vadd.f32 v6, v3;
	_ =	sdelay $0x1  }
0x100: {  	v0 =	vadd.f32 v1, v0;
	v1 =	vadd.f32 v3, v2;
	_ =	sdelay $0x1  }
0x101: {  	v0 =	vadd.f32 v1, v0  }
0x102: {  	p1 =	seq.s32 s20, $0x7  }
0x103: {  	s6 =	smul.u32 @!p1 $0x190, s20;
	v0 =	vmul.f32 $5.000000070e-02, v0;
	_ =	sdelay $0x1  }
0x104: {  	s7 =	simm.s32 @!p1 $0x80;
	s8 =	simm.s32 @!p1 $0x6A00;
	[tilespmem:s5+$0x13070] =	vst v0;
	s5 =	sadd.s32 @!p1 $0x190, s6  }
0x105: {  	[tilespmem:s8], [sflag:$0x1] =	stream.indirect.gather @!p1 [spmem:s2], $0x20, s5, s7, $0xb8;
	[tilespmem:$0x1E788] =	vst v63  }
0x106: {  	s25 =	simm.s32 @!p1 $0x7A00;
	s5 =	sadd.s32 @!p1 $0x210, s6;
	s8 =	simm.s32 @!p1 $0x48  }
0x107: {  	[tilespmem:s25], [sflag:$0x1] =	stream.indirect.gather @!p1 [spmem:s2], $0x20, s5, s8, $0xb8;
	[tilespmem:$0x1E788] =	vst v63  }
0x108: {  	s5 =	sadd.s32 @!p1 $0x1A90, s6;
	s25 =	simm.s32 @!p1 $0x9C00  }
0x109: {  	[tilespmem:s25], [sflag:$0x1] =	stream.indirect.gather @!p1 [spmem:s3], $0x10, s5, s7, $0xb8;
	[tilespmem:$0x1E788] =	vst v63  }
0x10a: {  	s5 =	sadd.s32 @!p1 $0x1B10, s6;
	s25 =	simm.s32 @!p1 $0xA400  }
0x10b: {  	[tilespmem:s25], [sflag:$0x1] =	stream.indirect.gather @!p1 [spmem:s3], $0x10, s5, s8, $0xb8;
	[tilespmem:$0x1E788] =	vst v63  }
0x10c: {  	s5 =	sadd.s32 @!p1 $0x3990, s6;
	s25 =	simm.s32 @!p1 $0xB500  }
0x10d: {  	[tilespmem:s25], [sflag:$0x1] =	stream.indirect.gather @!p1 [spmem:s2], $0x20, s5, s7, $0xb8;
	[tilespmem:$0x1E788] =	vst v63  }
0x10e: {  	s5 =	sadd.s32 @!p1 $0x3A10, s6;
	s25 =	simm.s32 @!p1 $0xC500  }
0x10f: {  	[tilespmem:s25], [sflag:$0x1] =	stream.indirect.gather @!p1 [spmem:s2], $0x20, s5, s8, $0xb8;
	[tilespmem:$0x1E788] =	vst v63  }
0x110: {  	s5 =	sadd.s32 @!p1 $0x5290, s6;
	s25 =	simm.s32 @!p1 $0xE700  }
0x111: {  	[tilespmem:s25], [sflag:$0x1] =	stream.indirect.gather @!p1 [spmem:s3], $0x10, s5, s7, $0xb8;
	[tilespmem:$0x1E788] =	vst v63  }
0x112: {  	s5 =	sadd.s32 @!p1 $0x5310, s6;
	s6 =	simm.s32 @!p1 $0xEF00  }
0x113: {  	[tilespmem:s6], [sflag:$0x1] =	stream.indirect.gather @!p1 [spmem:s3], $0x10, s5, s8, $0xb8;
	[tilespmem:$0x1E788] =	vst v63  }
0x114: {  	_ =	swait.ge [sflag:s17], $0x1900  }
0x115: {  	[sflag:s17] =	ssyncset.done $0x0  }
0x116: {  	[sflag:s17] =	ssyncadd.s32 $0xFFFFE700  }
0x117: {  	_ =	swait.ge [sflag:s17], $0xC80  }
0x118: {  	[sflag:s17] =	ssyncset.done $0x0  }
0x119: {  	[sflag:s17] =	ssyncadd.s32 $0xFFFFF380  }
0x11a: {  	_ =	swait.ge [sflag:s17], $0x1900  }
0x11b: {  	[sflag:s17] =	ssyncset.done $0x0  }
0x11c: {  	[sflag:s17] =	ssyncadd.s32 $0xFFFFE700  }
0x11d: {  	_ =	swait.ge [sflag:s17], $0xC80  }
0x11e: {  	[sflag:s17] =	ssyncset.done $0x0  }
0x11f: {  	s8 =	simm.s32 $0xF3B0;
	[sflag:s17] =	ssyncadd.s32 $0xFFFFF380  }
0x120: {  	v7 =	vld [tilespmem:s8+$0xFFFFFFF0]  }
0x121: {  	v0 =	vld [tilespmem:s8+$0x0]  }
0x122: {  	v10 =	vld [tilespmem:s8+$0xFFFFFFD0]  }
0x123: {  	s25 =	simm.s32 $0xA8B0;
	v1 =	vld [tilespmem:s8+$0xFFFFFFE0]  }
0x124: {  	v3 =	vld [tilespmem:s25+$0xFFFFFFF0]  }
0x125: {  	v2 =	vld [tilespmem:s25+$0x0]  }
0x126: {  	v5 =	vld [tilespmem:s25+$0xFFFFFFD0]  }
0x127: {  	s5 =	simm.s32 $0xCE70;
	v8 =	vld [tilespmem:s25+$0xFFFFFFE0]  }
0x128: {  	v11 =	vld [tilespmem:s5+$0xFFFFFFD0]  }
0x129: {  	s6 =	simm.s32 $0x8370;
	v6 =	vld [tilespmem:s5+$0xFFFFFF90]  }
0x12a: {  	v9 =	vld [tilespmem:s6+$0xFFFFFF90]  }
0x12b: {  	v12 =	vld [tilespmem:s6+$0xFFFFFFA0]  }
0x12c: {  	v13 =	vld [tilespmem:s6+$0xFFFFFFD0]  }
0x12d: {  	v19 =	vld [tilespmem:s6+$0xFFFFFFB0]  }
0x12e: {  	v15 =	vld [tilespmem:s6+$0xFFFFFFE0]  }
0x12f: {  	v4 =	vimm.f32 $0.0e+00;
	v17 =	vld [tilespmem:s5+$0xFFFFFFA0]  }
0x130: {  	v21 =	vld [tilespmem:s6+$0xFFFFFFC0];
	v9 =	vadd.f32 v9, v4  }
0x131: {  	v22 =	vld [tilespmem:s5+$0xFFFFFFE0];
	v12 =	vadd.f32 v12, v4;
	v5 =	vadd.f32 v5, v4  }
0x132: {  	v14 =	vld [tilespmem:s6+$0xFFFFFFF0];
	v18 =	vadd.f32 v6, v4;
	v20 =	vadd.f32 v19, v4  }
0x133: {  	v16 =	vld [tilespmem:s6+$0x0];
	v6 =	vadd.f32 v15, v12;
	v5 =	vadd.f32 v3, v5  }
0x134: {  	v3 =	vadd.f32 v11, v18;
	v15 =	vld [tilespmem:s5+$0xFFFFFFB0];
	v11 =	vadd.f32 v17, v4  }
0x135: {  	v21 =	vadd.f32 v21, v4;
	v12 =	vadd.f32 v10, v4;
	v18 =	vld [tilespmem:s5+$0xFFFFFFC0]  }
0x136: {  	v9 =	vadd.f32 v13, v9;
	v17 =	vld [tilespmem:s5+$0xFFFFFFF0];
	v13 =	vimm.f32 $0.0e+00;
	v10 =	vadd.f32 v22, v11  }
0x137: {  	s7 =	simm.s32 $0x0;
	s8 =	simm.s32 $0xF3F0;
	v19 =	vld [tilespmem:s5+$0x0];
	v7 =	vadd.f32 v7, v12;
	v11 =	vimm.f32 $0.0e+00;
	v12 =	vimm.f32 $0.0e+00  }
.LBB2_6:
0x138: {  	v22 =	vld [tilespmem:s8+$0xFFFFFFF0];
	v20 =	vadd.f32 v14, v20;
	v21 =	vadd.f32 v16, v21  }
0x139: {  	v4 =	vadd.f32 v8, v4;
	v14 =	vld [tilespmem:s8+$0x0];
	v8 =	vadd.f32 v15, v11  }
0x13a: {  	v13 =	vadd.f32 v1, v13;
	v23 =	vld [tilespmem:s8+$0xFFFFFFD0];
	v12 =	vadd.f32 v18, v12  }
0x13b: {  	s25 =	sadd.s32 $0x40, s25;
	v4 =	vadd.f32 v2, v4;
	v1 =	vld [tilespmem:s8+$0xFFFFFFE0];
	v11 =	vadd.f32 v17, v8  }
0x13c: {  	v13 =	vadd.f32 v0, v13;
	v17 =	vld [tilespmem:s25+$0xFFFFFFF0];
	v12 =	vadd.f32 v19, v12  }
0x13d: {  	v2 =	vld [tilespmem:s25+$0x0]  }
0x13e: {  	v15 =	vld [tilespmem:s25+$0xFFFFFFD0];
	v0 =	vmov v14  }
0x13f: {  	s5 =	sadd.s32 $0x80, s5;
	v8 =	vld [tilespmem:s25+$0xFFFFFFE0]  }
0x140: {  	v18 =	vld [tilespmem:s5+$0xFFFFFFD0]  }
0x141: {  	v19 =	vld [tilespmem:s5+$0xFFFFFFE0]  }
0x142: {  	s6 =	sadd.s32 $0x80, s6;
	v14 =	vld [tilespmem:s5+$0xFFFFFF90]  }
0x143: {  	v16 =	vld [tilespmem:s6+$0xFFFFFF90]  }
0x144: {  	v24 =	vld [tilespmem:s6+$0xFFFFFFA0]  }
0x145: {  	v25 =	vld [tilespmem:s6+$0xFFFFFFD0]  }
0x146: {  	v26 =	vld [tilespmem:s6+$0xFFFFFFE0]  }
0x147: {  	v27 =	vld [tilespmem:s5+$0xFFFFFFA0]  }
0x148: {  	v28 =	vld [tilespmem:s6+$0xFFFFFFB0]  }
0x149: {  	s7 =	sadd.s32 $0x4, s7;
	v9 =	vadd.f32 v16, v9;
	v6 =	vadd.f32 v24, v6;
	v24 =	vld [tilespmem:s6+$0xFFFFFFC0]  }
0x14a: {  	p1 =	slt.u32 s7, $0xC4;
	v5 =	vadd.f32 v15, v5;
	v3 =	vadd.f32 v14, v3;
	v14 =	vld [tilespmem:s6+$0xFFFFFFF0]  }
.Ltmp1:
0x14b: {  	v9 =	vadd.f32 v25, v9;
	v6 =	vadd.f32 v26, v6;
	v16 =	vld [tilespmem:s6+$0x0];
	(pc) =	sbr.rel @p1 .LBB2_6-.Ltmp1, $4  }
0x14c: {  	v5 =	vadd.f32 v17, v5;
	v3 =	vadd.f32 v18, v3;
	v15 =	vld [tilespmem:s5+$0xFFFFFFB0]  }
0x14d: {  	v7 =	vadd.f32 v23, v7;
	v10 =	vadd.f32 v27, v10;
	v18 =	vld [tilespmem:s5+$0xFFFFFFC0]  }
0x14e: {  	v20 =	vadd.f32 v28, v20;
	v21 =	vadd.f32 v24, v21;
	v17 =	vld [tilespmem:s5+$0xFFFFFFF0]  }
0x14f: {  	s8 =	sadd.s32 $0x40, s8;
	v7 =	vadd.f32 v22, v7;
	v10 =	vadd.f32 v19, v10;
	v19 =	vld [tilespmem:s5+$0x0]  }
0x150: {  	v14 =	vadd.f32 v14, v20;
	v16 =	vadd.f32 v16, v21  }
0x151: {  	v4 =	vadd.f32 v8, v4;
	v1 =	vadd.f32 v1, v13  }
0x152: {  	v15 =	vadd.f32 v15, v11;
	v18 =	vadd.f32 v18, v12  }
0x153: {  	v2 =	vadd.f32 v2, v4;
	v20 =	vadd.f32 v14, v9  }
0x154: {  	v6 =	vadd.f32 v16, v6;
	v0 =	vadd.f32 v0, v1  }
0x155: {  	s5 =	sshll.u32 s0, $0x7;
	v8 =	vadd.f32 v17, v15;
	v4 =	vmul.f32 $4.999999890e-03, v20;
	v2 =	vadd.f32 v2, v5  }
0x156: {  	s5 =	sand.u32 $0x3FFFFF80, s5;
	v21 =	vadd.f32 v19, v18;
	v22 =	vmul.f32 $4.999999890e-03, v6;
	v0 =	vadd.f32 v0, v7  }
0x157: {  	v3 =	vadd.f32 v8, v3;
	[tilespmem:s5+$0x13000] =	vst v4;
	v2 =	vmul.f32 $4.999999890e-03, v2  }
0x158: {  	v23 =	vadd.f32 v21, v10;
	[tilespmem:s5+$0x13010] =	vst v22;
	v0 =	vmul.f32 $4.999999890e-03, v0  }
0x159: {  	v24 =	vmul.f32 $4.999999890e-03, v3;
	[tilespmem:s5+$0x13020] =	vst v2  }
0x15a: {  	s25 =	smul.u32 $0xC00, s0;
	v25 =	vmul.f32 $4.999999890e-03, v23;
	[tilespmem:s5+$0x13060] =	vst v0  }
0x15b: {  	[tilespmem:s5+$0x13040] =	vst v24  }
0x15c: {  	s0 =	sshra.s32 s25, $0x2;
	[tilespmem:s5+$0x13050] =	vst v25  }
0x15d: {  	v0 =	vld [tilespmem:s0+$0x10000]  }
0x15e: {  	v1 =	vld [tilespmem:s0+$0x10010]  }
0x15f: {  	v2 =	vld [tilespmem:s0+$0x10020]  }
0x160: {  	v26 =	vld [tilespmem:s0+$0x10030]  }
0x161: {  	v27 =	vld [tilespmem:s0+$0x10040]  }
0x162: {  	v28 =	vld [tilespmem:s0+$0x10050]  }
0x163: {  	v29 =	vld [tilespmem:s0+$0x10060]  }
0x164: {  	v30 =	vld [tilespmem:s0+$0x10070]  }
0x165: {  	v31 =	vld [tilespmem:s0+$0x10080]  }
0x166: {  	v32 =	vld [tilespmem:s0+$0x10090]  }
0x167: {  	v33 =	vld [tilespmem:s0+$0x100A0]  }
0x168: {  	v34 =	vld [tilespmem:s0+$0x100B0]  }
0x169: {  	v35 =	vld [tilespmem:s0+$0x100C0]  }
0x16a: {  	v36 =	vld [tilespmem:s0+$0x100D0]  }
0x16b: {  	v37 =	vld [tilespmem:s0+$0x100E0]  }
0x16c: {  	v38 =	vld [tilespmem:s0+$0x100F0];
	v0 =	vadd.f32 $0.0e+00, v0;
	v1 =	vadd.f32 $0.0e+00, v1  }
0x16d: {  	v39 =	vld [tilespmem:s0+$0x10100];
	v2 =	vadd.f32 $0.0e+00, v2;
	v3 =	vadd.f32 $0.0e+00, v26  }
0x16e: {  	v40 =	vld [tilespmem:s0+$0x10110];
	v0 =	vadd.f32 v27, v0;
	v1 =	vadd.f32 v28, v1  }
0x16f: {  	v41 =	vld [tilespmem:s0+$0x10120];
	v2 =	vadd.f32 v29, v2;
	v3 =	vadd.f32 v30, v3  }
0x170: {  	v42 =	vld [tilespmem:s0+$0x10130];
	v0 =	vadd.f32 v31, v0;
	v1 =	vadd.f32 v32, v1  }
0x171: {  	v2 =	vadd.f32 v33, v2;
	v3 =	vadd.f32 v34, v3  }
0x172: {  	v0 =	vadd.f32 v35, v0;
	v1 =	vadd.f32 v36, v1  }
0x173: {  	v2 =	vadd.f32 v37, v2;
	v3 =	vadd.f32 v38, v3  }
0x174: {  	v0 =	vadd.f32 v39, v0;
	v1 =	vadd.f32 v40, v1  }
0x175: {  	v2 =	vadd.f32 v41, v2;
	v3 =	vadd.f32 v42, v3;
	_ =	sdelay $0x1  }
0x176: {  	v0 =	vadd.f32 v1, v0;
	v43 =	vadd.f32 v3, v2;
	_ =	sdelay $0x1  }
0x177: {  	v0 =	vadd.f32 v43, v0;
	_ =	sdelay $0x1  }
0x178: {  	v0 =	vmul.f32 $5.000000070e-02, v0;
	_ =	sdelay $0x1  }
0x179: {  	[tilespmem:s5+$0x13030] =	vst v0  }
0x17a: {  	v0 =	vld [tilespmem:s0+$0x10180]  }
0x17b: {  	v44 =	vld [tilespmem:s0+$0x10190]  }
0x17c: {  	v45 =	vld [tilespmem:s0+$0x101A0]  }
0x17d: {  	v46 =	vld [tilespmem:s0+$0x101B0]  }
0x17e: {  	v47 =	vld [tilespmem:s0+$0x101C0]  }
0x17f: {  	v48 =	vld [tilespmem:s0+$0x101D0]  }
0x180: {  	v49 =	vld [tilespmem:s0+$0x101E0]  }
0x181: {  	v50 =	vld [tilespmem:s0+$0x101F0]  }
0x182: {  	v51 =	vld [tilespmem:s0+$0x10200]  }
0x183: {  	v52 =	vld [tilespmem:s0+$0x10210]  }
0x184: {  	v53 =	vld [tilespmem:s0+$0x10220]  }
0x185: {  	v54 =	vld [tilespmem:s0+$0x10230]  }
0x186: {  	v55 =	vld [tilespmem:s0+$0x10240]  }
0x187: {  	v56 =	vld [tilespmem:s0+$0x10250]  }
0x188: {  	v57 =	vld [tilespmem:s0+$0x10260]  }
0x189: {  	v58 =	vld [tilespmem:s0+$0x10270];
	v0 =	vadd.f32 $0.0e+00, v0;
	v1 =	vadd.f32 $0.0e+00, v44  }
0x18a: {  	v59 =	vld [tilespmem:s0+$0x10280];
	v2 =	vadd.f32 $0.0e+00, v45;
	v3 =	vadd.f32 $0.0e+00, v46  }
0x18b: {  	v60 =	vld [tilespmem:s0+$0x10290];
	v0 =	vadd.f32 v47, v0;
	v1 =	vadd.f32 v48, v1  }
0x18c: {  	v61 =	vld [tilespmem:s0+$0x102A0];
	v2 =	vadd.f32 v49, v2;
	v3 =	vadd.f32 v50, v3  }
0x18d: {  	v62 =	vld [tilespmem:s0+$0x102B0];
	v0 =	vadd.f32 v51, v0;
	v1 =	vadd.f32 v52, v1  }
0x18e: {  	v2 =	vadd.f32 v53, v2;
	v3 =	vadd.f32 v54, v3  }
0x18f: {  	v0 =	vadd.f32 v55, v0;
	v1 =	vadd.f32 v56, v1  }
0x190: {  	v2 =	vadd.f32 v57, v2;
	v3 =	vadd.f32 v58, v3  }
0x191: {  	v0 =	vadd.f32 v59, v0;
	v1 =	vadd.f32 v60, v1  }
0x192: {  	v2 =	vadd.f32 v61, v2;
	v3 =	vadd.f32 v62, v3;
	_ =	sdelay $0x1  }
0x193: {  	s20 =	sadd.s32 $0x1, s20;
	v0 =	vadd.f32 v1, v0;
	v63 =	vadd.f32 v3, v2  }
0x194: {  	p1 =	sne.s32 s20, $0x8  }
.Ltmp2:
0x195: {  	v0 =	vadd.f32 v63, v0;
	(pc) =	sbr.rel @p1 .LBB2_3-.Ltmp2, $3  }
0x196: {  	_ = 	snop  }
0x197: {  	v0 =	vmul.f32 $5.000000070e-02, v0;
	_ =	sdelay $0x1  }
0x198: {  	[tilespmem:s5+$0x13070] =	vst v0  }
0x199: {  	s0 =	sshll.u32 s29, $0x9;
	s5 =	rddreg [dreg:$0x10]  }
0x19a: {  	s25 =	simm.s32 $0x0;
	s6 =	simm.s32 $0x13000;
	s0 =	sadd.s32 s0, s5  }
0x19b: {  	[hbm4b:s0+s25] =	stream.linear.scatter [tilespmem:s6], [sflag:$0x6], $0x800, $0x38;
	[tilespmem:$0x1E788] =	vst v63  }
0x19c: {  	_ =	swait.ge [sflag:s26], $0x800  }
0x19d: {  	[sflag:s26] =	ssyncset.done $0x0  }
0x19e: {  	[sflag:s26] =	ssyncadd.s32 $0xFFFFF800  }
0x19f: {  	_ =	swait.ge [sflag:s28], $0xC80  }
0x1a0: {  	[sflag:s28] =	ssyncset.done $0x0  }
0x1a1: {  	[sflag:s28] =	ssyncadd.s32 $0xFFFFF380  }
0x1a2: {  	_ =	swait.ge [sflag:s28], $0xC80  }
0x1a3: {  	[sflag:s28] =	ssyncset.done $0x0  }
0x1a4: {  	[sflag:s28] =	ssyncadd.s32 $0xFFFFF380  }
0x1a5: {  	_ =	swait.ge [sflag:s28], $0xC80  }
0x1a6: {  	[sflag:s28] =	ssyncset.done $0x0  }
0x1a7: {  	[sflag:s28] =	ssyncadd.s32 $0xFFFFF380  }
0x1a8: {  	_ =	swait.ge [sflag:s28], $0xC80  }
0x1a9: {  	[sflag:s28] =	ssyncset.done $0x0  }
0x1aa: {  	[sflag:s28] =	ssyncadd.s32 $0xFFFFF380  }
0x1ab: {  	_ =	swait.ge [sflag:s28], $0x300  }
0x1ac: {  	s7 =	simm.s32 $0x10800;
	[sflag:s28] =	ssyncset.done $0x0  }
0x1ad: {  	s5 =	simm.s32 $0x10000;
	s6 =	simm.s32 $0x3500;
	[sflag:s28] =	ssyncadd.s32 $0xFFFFFD00  }
0x1ae: {  	[tilespmem:s5], [sflag:$0x5] =	stream.indirect.gather [spmem:s4], $0x10, s6, s31, $0xb8;
	[tilespmem:$0x1E788] =	vst v63  }
0x1af: {  	s8 =	simm.s32 $0x3580;
	s20 =	simm.s32 $0x11000;
	p1 =	seq.s32 s29, $0xF  }
0x1b0: {  	[tilespmem:s7], [sflag:$0x5] =	stream.indirect.gather [spmem:s4], $0x10, s8, s31, $0xb8;
	[tilespmem:$0x1E788] =	vst v63  }
0x1b1: {  	s25 =	simm.s32 $0x3600;
	s0 =	sshll.u32 @!p1 s29, $0x5;
	s5 =	rddreg [dreg:$0x11]  }
0x1b2: {  	[tilespmem:s20], [sflag:$0x5] =	stream.indirect.gather [spmem:s4], $0x10, s25, s31, $0xb8;
	[tilespmem:$0x1E788] =	vst v63  }
0x1b3: {  	s6 =	simm.s32 $0x11800;
	s0 =	sadd.s32 @!p1 s0, s5;
	s7 =	simm.s32 $0x3680  }
0x1b4: {  	[tilespmem:s6], [sflag:$0x5] =	stream.indirect.gather [spmem:s4], $0x10, s7, s31, $0xb8;
	[tilespmem:$0x1E788] =	vst v63  }
0x1b5: {  	s8 =	simm.s32 $0x12000;
	s5 =	smul.u32 @!p1 $0x19, s0;
	s20 =	simm.s32 $0x3700  }
0x1b6: {  	[tilespmem:s8], [sflag:$0x5] =	stream.indirect.gather [spmem:s4], $0x10, s20, s31, $0xb8;
	[tilespmem:$0x1E788] =	vst v63  }
0x1b7: {  	s25 =	simm.s32 $0x12800;
	s7 =	simm.s32 $0x3780;
	s6 =	rddreg [dreg:$0x6]  }
0x1b8: {  	[tilespmem:s25], [sflag:$0x5] =	stream.indirect.gather [spmem:s4], $0x10, s7, s31, $0xb8;
	[tilespmem:$0x1E788] =	vst v63  }
0x1b9: {  	s6 =	sadd.s32 @!p1 s6, s5;
	s7 =	simm.s32 @!p1 $0x0  }
0x1ba: {  	[tilespmem:s7], [sflag:$0x3] =	stream.linear.gather @!p1 [hbm4b:s6+s7], $0xC80, $0x38;
	[tilespmem:$0x1E788] =	vst v63  }
0x1bb: {  	s6 =	rddreg [dreg:$0x7]  }
0x1bc: {  	s8 =	simm.s32 @!p1 $0x1900;
	s6 =	sadd.s32 @!p1 s6, s5  }
0x1bd: {  	[tilespmem:s8], [sflag:$0x3] =	stream.linear.gather @!p1 [hbm4b:s6+s7], $0xC80, $0x38;
	[tilespmem:$0x1E788] =	vst v63  }
0x1be: {  	s6 =	sadd.s32 @!p1 s9, s5;
	s8 =	simm.s32 @!p1 $0x3800  }
0x1bf: {  	[tilespmem:s8], [sflag:$0x3] =	stream.linear.gather @!p1 [hbm4b:s6+s7], $0xC80, $0x38;
	[tilespmem:$0x1E788] =	vst v63  }
0x1c0: {  	s0 =	smul.u32 @!p1 $0x6, s0;
	s5 =	sadd.s32 @!p1 s10, s5;
	s6 =	simm.s32 @!p1 $0x5100  }
0x1c1: {  	[tilespmem:s6], [sflag:$0x3] =	stream.linear.gather @!p1 [hbm4b:s5+s7], $0xC80, $0x38;
	[tilespmem:$0x1E788] =	vst v63  }
0x1c2: {  	s0 =	sadd.s32 @!p1 s19, s0;
	s5 =	simm.s32 @!p1 $0x3200  }
0x1c3: {  	[tilespmem:s5], [sflag:$0x3] =	stream.linear.gather @!p1 [hbm4b:s0+s7], $0x300, $0x38;
	[tilespmem:$0x1E788] =	vst v63  }
0x1c4: {  	s8 =	simm.s32 $0x6A00;
	s7 =	simm.s32 $0xC80  }
0x1c5: {  	[tilespmem:s8], [sflag:$0x1] =	stream.indirect.gather [spmem:s2], $0x20, s7, s31, $0xb8;
	[tilespmem:$0x1E788] =	vst v63  }
0x1c6: {  	s20 =	simm.s32 $0x7A00;
	s25 =	simm.s32 $0xD00  }
0x1c7: {  	[tilespmem:s20], [sflag:$0x1] =	stream.indirect.gather [spmem:s2], $0x20, s25, s21, $0xb8;
	[tilespmem:$0x1E788] =	vst v63  }
0x1c8: {  	s6 =	simm.s32 $0x9C00;
	s5 =	simm.s32 $0x2580  }
0x1c9: {  	[tilespmem:s6], [sflag:$0x1] =	stream.indirect.gather [spmem:s3], $0x10, s5, s31, $0xb8;
	[tilespmem:$0x1E788] =	vst v63  }
0x1ca: {  	s7 =	simm.s32 $0xA400;
	s8 =	simm.s32 $0x2600  }
0x1cb: {  	[tilespmem:s7], [sflag:$0x1] =	stream.indirect.gather [spmem:s3], $0x10, s8, s21, $0xb8;
	[tilespmem:$0x1E788] =	vst v63  }
0x1cc: {  	s20 =	simm.s32 $0x4480;
	s25 =	simm.s32 $0xB500  }
0x1cd: {  	[tilespmem:s25], [sflag:$0x1] =	stream.indirect.gather [spmem:s2], $0x20, s20, s31, $0xb8;
	[tilespmem:$0x1E788] =	vst v63  }
0x1ce: {  	s5 =	simm.s32 $0xC500;
	s6 =	simm.s32 $0x4500  }
0x1cf: {  	[tilespmem:s5], [sflag:$0x1] =	stream.indirect.gather [spmem:s2], $0x20, s6, s21, $0xb8;
	[tilespmem:$0x1E788] =	vst v63  }
0x1d0: {  	s7 =	simm.s32 $0x5D80;
	s8 =	simm.s32 $0xE700  }
0x1d1: {  	[tilespmem:s8], [sflag:$0x1] =	stream.indirect.gather [spmem:s3], $0x10, s7, s31, $0xb8;
	[tilespmem:$0x1E788] =	vst v63  }
0x1d2: {  	s20 =	simm.s32 $0xEF00;
	s25 =	simm.s32 $0x5E00  }
0x1d3: {  	[tilespmem:s20], [sflag:$0x1] =	stream.indirect.gather [spmem:s3], $0x10, s25, s21, $0xb8;
	[tilespmem:$0x1E788] =	vst v63  }
0x1d4: {  	_ =	swait.ge [sflag:s11], $0x3000  }
0x1d5: {  	[sflag:s11] =	ssyncset.done $0x0  }
0x1d6: {  	s20 =	simm.s32 $0x0;
	[sflag:s11] =	ssyncadd.s32 $0xFFFFD000  }
.LBB2_9:
0x1d7: {  	s0 =	sshllo.u32 s20, $0x1  }
0x1d8: {  	s5 =	smul.u32 $0xC8, s0;
	_ =	sdelay $0x1  }
0x1d9: {  	s6 =	sadd.s32 $0xC80, s5  }
0x1da: {  	[tilespmem:s14], [sflag:$0x2] =	stream.indirect.gather [spmem:s2], $0x20, s6, s31, $0xb8;
	[tilespmem:$0x1E788] =	vst v63  }
0x1db: {  	s8 =	sadd.s32 $0xD00, s5  }
0x1dc: {  	[tilespmem:s16], [sflag:$0x2] =	stream.indirect.gather [spmem:s2], $0x20, s8, s21, $0xb8;
	[tilespmem:$0x1E788] =	vst v63  }
0x1dd: {  	s25 =	sadd.s32 $0x2580, s5  }
0x1de: {  	[tilespmem:s18], [sflag:$0x2] =	stream.indirect.gather [spmem:s3], $0x10, s25, s31, $0xb8;
	[tilespmem:$0x1E788] =	vst v63  }
0x1df: {  	s7 =	sadd.s32 $0x2600, s5  }
0x1e0: {  	[tilespmem:s22], [sflag:$0x2] =	stream.indirect.gather [spmem:s3], $0x10, s7, s21, $0xb8;
	[tilespmem:$0x1E788] =	vst v63  }
0x1e1: {  	s8 =	sadd.s32 $0x4480, s5  }
0x1e2: {  	[tilespmem:s23], [sflag:$0x2] =	stream.indirect.gather [spmem:s2], $0x20, s8, s31, $0xb8;
	[tilespmem:$0x1E788] =	vst v63  }
0x1e3: {  	s25 =	sadd.s32 $0x4500, s5  }
0x1e4: {  	[tilespmem:s24], [sflag:$0x2] =	stream.indirect.gather [spmem:s2], $0x20, s25, s21, $0xb8;
	[tilespmem:$0x1E788] =	vst v63  }
0x1e5: {  	s7 =	sadd.s32 $0x5D80, s5  }
0x1e6: {  	[tilespmem:s1], [sflag:$0x2] =	stream.indirect.gather [spmem:s3], $0x10, s7, s31, $0xb8;
	[tilespmem:$0x1E788] =	vst v63  }
0x1e7: {  	s5 =	sadd.s32 $0x5E00, s5  }
0x1e8: {  	[tilespmem:s12], [sflag:$0x2] =	stream.indirect.gather [spmem:s3], $0x10, s5, s21, $0xb8;
	[tilespmem:$0x1E788] =	vst v63  }
0x1e9: {  	_ =	swait.ge [sflag:s15], $0x1900  }
0x1ea: {  	[sflag:s15] =	ssyncset.done $0x0  }
0x1eb: {  	[sflag:s15] =	ssyncadd.s32 $0xFFFFE700  }
0x1ec: {  	_ =	swait.ge [sflag:s15], $0xC80  }
0x1ed: {  	[sflag:s15] =	ssyncset.done $0x0  }
0x1ee: {  	[sflag:s15] =	ssyncadd.s32 $0xFFFFF380  }
0x1ef: {  	_ =	swait.ge [sflag:s15], $0x1900  }
0x1f0: {  	[sflag:s15] =	ssyncset.done $0x0  }
0x1f1: {  	[sflag:s15] =	ssyncadd.s32 $0xFFFFE700  }
0x1f2: {  	_ =	swait.ge [sflag:s15], $0xC80  }
0x1f3: {  	[sflag:s15] =	ssyncset.done $0x0  }
0x1f4: {  	s8 =	simm.s32 $0xE720;
	[sflag:s15] =	ssyncadd.s32 $0xFFFFF380  }
0x1f5: {  	v7 =	vld [tilespmem:s8+$0x0]  }
0x1f6: {  	v0 =	vld [tilespmem:s8+$0x10]  }
0x1f7: {  	v10 =	vld [tilespmem:s8+$0xFFFFFFE0]  }
0x1f8: {  	s25 =	simm.s32 $0x9C20;
	v1 =	vld [tilespmem:s8+$0xFFFFFFF0]  }
0x1f9: {  	v3 =	vld [tilespmem:s25+$0x0]  }
0x1fa: {  	v2 =	vld [tilespmem:s25+$0x10]  }
0x1fb: {  	v5 =	vld [tilespmem:s25+$0xFFFFFFE0]  }
0x1fc: {  	s5 =	simm.s32 $0xB540;
	v8 =	vld [tilespmem:s25+$0xFFFFFFF0]  }
0x1fd: {  	v11 =	vld [tilespmem:s5+$0x0]  }
0x1fe: {  	s6 =	simm.s32 $0x6A40;
	v6 =	vld [tilespmem:s5+$0xFFFFFFC0]  }
0x1ff: {  	v9 =	vld [tilespmem:s6+$0xFFFFFFC0]  }
0x200: {  	v12 =	vld [tilespmem:s6+$0xFFFFFFD0]  }
0x201: {  	v13 =	vld [tilespmem:s6+$0x0]  }
0x202: {  	v19 =	vld [tilespmem:s6+$0xFFFFFFE0]  }
0x203: {  	v15 =	vld [tilespmem:s6+$0x10]  }
0x204: {  	v4 =	vimm.f32 $0.0e+00;
	v17 =	vld [tilespmem:s5+$0xFFFFFFD0]  }
0x205: {  	v21 =	vld [tilespmem:s6+$0xFFFFFFF0];
	v9 =	vadd.f32 v9, v4  }
0x206: {  	v22 =	vld [tilespmem:s5+$0x10];
	v12 =	vadd.f32 v12, v4;
	v5 =	vadd.f32 v5, v4  }
0x207: {  	v14 =	vld [tilespmem:s6+$0x20];
	v18 =	vadd.f32 v6, v4;
	v20 =	vadd.f32 v19, v4  }
0x208: {  	v16 =	vld [tilespmem:s6+$0x30];
	v6 =	vadd.f32 v15, v12;
	v5 =	vadd.f32 v3, v5  }
0x209: {  	v3 =	vadd.f32 v11, v18;
	v15 =	vld [tilespmem:s5+$0xFFFFFFE0];
	v11 =	vadd.f32 v17, v4  }
0x20a: {  	v21 =	vadd.f32 v21, v4;
	v12 =	vadd.f32 v10, v4;
	v18 =	vld [tilespmem:s5+$0xFFFFFFF0]  }
0x20b: {  	v9 =	vadd.f32 v13, v9;
	v17 =	vld [tilespmem:s5+$0x20];
	v13 =	vimm.f32 $0.0e+00;
	v10 =	vadd.f32 v22, v11  }
0x20c: {  	s7 =	simm.s32 $0x0;
	s8 =	simm.s32 $0xE760;
	v19 =	vld [tilespmem:s5+$0x30];
	v7 =	vadd.f32 v7, v12;
	v11 =	vimm.f32 $0.0e+00;
	v12 =	vimm.f32 $0.0e+00  }
.LBB2_10:
0x20d: {  	v22 =	vld [tilespmem:s8+$0x0];
	v20 =	vadd.f32 v14, v20;
	v21 =	vadd.f32 v16, v21  }
0x20e: {  	v4 =	vadd.f32 v8, v4;
	v14 =	vld [tilespmem:s8+$0x10];
	v8 =	vadd.f32 v15, v11  }
0x20f: {  	v13 =	vadd.f32 v1, v13;
	v23 =	vld [tilespmem:s8+$0xFFFFFFE0];
	v12 =	vadd.f32 v18, v12  }
0x210: {  	s25 =	sadd.s32 $0x40, s25;
	v4 =	vadd.f32 v2, v4;
	v1 =	vld [tilespmem:s8+$0xFFFFFFF0];
	v11 =	vadd.f32 v17, v8  }
0x211: {  	v13 =	vadd.f32 v0, v13;
	v17 =	vld [tilespmem:s25+$0x0];
	v12 =	vadd.f32 v19, v12  }
0x212: {  	v2 =	vld [tilespmem:s25+$0x10]  }
0x213: {  	v15 =	vld [tilespmem:s25+$0xFFFFFFE0];
	v0 =	vmov v14  }
0x214: {  	s5 =	sadd.s32 $0x80, s5;
	v8 =	vld [tilespmem:s25+$0xFFFFFFF0]  }
0x215: {  	v18 =	vld [tilespmem:s5+$0x0]  }
0x216: {  	v19 =	vld [tilespmem:s5+$0x10]  }
0x217: {  	s6 =	sadd.s32 $0x80, s6;
	v14 =	vld [tilespmem:s5+$0xFFFFFFC0]  }
0x218: {  	v16 =	vld [tilespmem:s6+$0xFFFFFFC0]  }
0x219: {  	v24 =	vld [tilespmem:s6+$0xFFFFFFD0]  }
0x21a: {  	v25 =	vld [tilespmem:s6+$0x0]  }
0x21b: {  	v26 =	vld [tilespmem:s6+$0x10]  }
0x21c: {  	v27 =	vld [tilespmem:s5+$0xFFFFFFD0]  }
0x21d: {  	v28 =	vld [tilespmem:s6+$0xFFFFFFE0]  }
0x21e: {  	s7 =	sadd.s32 $0x4, s7;
	v9 =	vadd.f32 v16, v9;
	v6 =	vadd.f32 v24, v6;
	v24 =	vld [tilespmem:s6+$0xFFFFFFF0]  }
0x21f: {  	p1 =	slt.u32 s7, $0xC4;
	v5 =	vadd.f32 v15, v5;
	v3 =	vadd.f32 v14, v3;
	v14 =	vld [tilespmem:s6+$0x20]  }
.Ltmp3:
0x220: {  	v9 =	vadd.f32 v25, v9;
	v6 =	vadd.f32 v26, v6;
	v16 =	vld [tilespmem:s6+$0x30];
	(pc) =	sbr.rel @p1 .LBB2_10-.Ltmp3, $4  }
0x221: {  	v5 =	vadd.f32 v17, v5;
	v3 =	vadd.f32 v18, v3;
	v15 =	vld [tilespmem:s5+$0xFFFFFFE0]  }
0x222: {  	v7 =	vadd.f32 v23, v7;
	v10 =	vadd.f32 v27, v10;
	v18 =	vld [tilespmem:s5+$0xFFFFFFF0]  }
0x223: {  	v20 =	vadd.f32 v28, v20;
	v21 =	vadd.f32 v24, v21;
	v17 =	vld [tilespmem:s5+$0x20]  }
0x224: {  	s8 =	sadd.s32 $0x40, s8;
	v7 =	vadd.f32 v22, v7;
	v10 =	vadd.f32 v19, v10;
	v19 =	vld [tilespmem:s5+$0x30]  }
0x225: {  	v14 =	vadd.f32 v14, v20;
	v16 =	vadd.f32 v16, v21  }
0x226: {  	v4 =	vadd.f32 v8, v4;
	v1 =	vadd.f32 v1, v13  }
0x227: {  	v8 =	vadd.f32 v15, v11;
	v11 =	vadd.f32 v18, v12  }
0x228: {  	v2 =	vadd.f32 v2, v4;
	v4 =	vadd.f32 v14, v9  }
0x229: {  	v6 =	vadd.f32 v16, v6;
	v0 =	vadd.f32 v0, v1  }
0x22a: {  	s5 =	sshll.u32 s20, $0x8;
	v8 =	vadd.f32 v17, v8;
	v4 =	vmul.f32 $4.999999890e-03, v4;
	v2 =	vadd.f32 v2, v5  }
0x22b: {  	s5 =	sand.u32 $0x3FFFFF00, s5;
	v9 =	vadd.f32 v19, v11;
	v1 =	vmul.f32 $4.999999890e-03, v6;
	v0 =	vadd.f32 v0, v7  }
0x22c: {  	v3 =	vadd.f32 v8, v3;
	[tilespmem:s5+$0x13000] =	vst v4;
	v2 =	vmul.f32 $4.999999890e-03, v2  }
0x22d: {  	v4 =	vadd.f32 v9, v10;
	[tilespmem:s5+$0x13010] =	vst v1;
	v0 =	vmul.f32 $4.999999890e-03, v0  }
0x22e: {  	v1 =	vmul.f32 $4.999999890e-03, v3;
	[tilespmem:s5+$0x13020] =	vst v2  }
0x22f: {  	s6 =	smul.u32 $0x1800, s20;
	v2 =	vmul.f32 $4.999999890e-03, v4;
	[tilespmem:s5+$0x13060] =	vst v0  }
0x230: {  	[tilespmem:s5+$0x13040] =	vst v1  }
0x231: {  	s6 =	sshra.s32 s6, $0x2;
	[tilespmem:s5+$0x13050] =	vst v2  }
0x232: {  	v0 =	vld [tilespmem:s6+$0x10000]  }
0x233: {  	v1 =	vld [tilespmem:s6+$0x10010]  }
0x234: {  	v2 =	vld [tilespmem:s6+$0x10020]  }
0x235: {  	v3 =	vld [tilespmem:s6+$0x10030]  }
0x236: {  	v4 =	vld [tilespmem:s6+$0x10040]  }
0x237: {  	v5 =	vld [tilespmem:s6+$0x10050]  }
0x238: {  	v6 =	vld [tilespmem:s6+$0x10060]  }
0x239: {  	v7 =	vld [tilespmem:s6+$0x10070]  }
0x23a: {  	v8 =	vld [tilespmem:s6+$0x10080]  }
0x23b: {  	v9 =	vld [tilespmem:s6+$0x10090]  }
0x23c: {  	v10 =	vld [tilespmem:s6+$0x100A0]  }
0x23d: {  	v11 =	vld [tilespmem:s6+$0x100B0]  }
0x23e: {  	v12 =	vld [tilespmem:s6+$0x100C0]  }
0x23f: {  	v13 =	vld [tilespmem:s6+$0x100D0]  }
0x240: {  	v14 =	vld [tilespmem:s6+$0x100E0]  }
0x241: {  	v15 =	vld [tilespmem:s6+$0x100F0];
	v0 =	vadd.f32 $0.0e+00, v0;
	v1 =	vadd.f32 $0.0e+00, v1  }
0x242: {  	v16 =	vld [tilespmem:s6+$0x10100];
	v2 =	vadd.f32 $0.0e+00, v2;
	v3 =	vadd.f32 $0.0e+00, v3  }
0x243: {  	v0 =	vadd.f32 v4, v0;
	v1 =	vadd.f32 v5, v1;
	v4 =	vld [tilespmem:s6+$0x10110]  }
0x244: {  	v2 =	vadd.f32 v6, v2;
	v3 =	vadd.f32 v7, v3;
	v5 =	vld [tilespmem:s6+$0x10120]  }
0x245: {  	v6 =	vld [tilespmem:s6+$0x10130];
	v0 =	vadd.f32 v8, v0;
	v1 =	vadd.f32 v9, v1  }
0x246: {  	v2 =	vadd.f32 v10, v2;
	v3 =	vadd.f32 v11, v3  }
0x247: {  	v0 =	vadd.f32 v12, v0;
	v1 =	vadd.f32 v13, v1  }
0x248: {  	v2 =	vadd.f32 v14, v2;
	v3 =	vadd.f32 v15, v3  }
0x249: {  	v0 =	vadd.f32 v16, v0;
	v1 =	vadd.f32 v4, v1  }
0x24a: {  	v2 =	vadd.f32 v5, v2;
	v3 =	vadd.f32 v6, v3;
	_ =	sdelay $0x1  }
0x24b: {  	v0 =	vadd.f32 v1, v0;
	v1 =	vadd.f32 v3, v2;
	_ =	sdelay $0x1  }
0x24c: {  	v0 =	vadd.f32 v1, v0;
	_ =	sdelay $0x1  }
0x24d: {  	v0 =	vmul.f32 $5.000000070e-02, v0;
	_ =	sdelay $0x1  }
0x24e: {  	[tilespmem:s5+$0x13030] =	vst v0  }
0x24f: {  	v0 =	vld [tilespmem:s6+$0x10180]  }
0x250: {  	v1 =	vld [tilespmem:s6+$0x10190]  }
0x251: {  	v2 =	vld [tilespmem:s6+$0x101A0]  }
0x252: {  	v3 =	vld [tilespmem:s6+$0x101B0]  }
0x253: {  	v4 =	vld [tilespmem:s6+$0x101C0]  }
0x254: {  	v5 =	vld [tilespmem:s6+$0x101D0]  }
0x255: {  	v6 =	vld [tilespmem:s6+$0x101E0]  }
0x256: {  	v7 =	vld [tilespmem:s6+$0x101F0]  }
0x257: {  	v8 =	vld [tilespmem:s6+$0x10200]  }
0x258: {  	v9 =	vld [tilespmem:s6+$0x10210]  }
0x259: {  	v10 =	vld [tilespmem:s6+$0x10220]  }
0x25a: {  	v11 =	vld [tilespmem:s6+$0x10230]  }
0x25b: {  	v12 =	vld [tilespmem:s6+$0x10240]  }
0x25c: {  	v13 =	vld [tilespmem:s6+$0x10250]  }
0x25d: {  	v14 =	vld [tilespmem:s6+$0x10260]  }
0x25e: {  	v15 =	vld [tilespmem:s6+$0x10270];
	v0 =	vadd.f32 $0.0e+00, v0;
	v1 =	vadd.f32 $0.0e+00, v1  }
0x25f: {  	v16 =	vld [tilespmem:s6+$0x10280];
	v2 =	vadd.f32 $0.0e+00, v2;
	v3 =	vadd.f32 $0.0e+00, v3  }
0x260: {  	v0 =	vadd.f32 v4, v0;
	v1 =	vadd.f32 v5, v1;
	v4 =	vld [tilespmem:s6+$0x10290]  }
0x261: {  	v2 =	vadd.f32 v6, v2;
	v3 =	vadd.f32 v7, v3;
	v5 =	vld [tilespmem:s6+$0x102A0]  }
0x262: {  	v6 =	vld [tilespmem:s6+$0x102B0];
	v0 =	vadd.f32 v8, v0;
	v1 =	vadd.f32 v9, v1  }
0x263: {  	v2 =	vadd.f32 v10, v2;
	v3 =	vadd.f32 v11, v3  }
0x264: {  	v0 =	vadd.f32 v12, v0;
	v1 =	vadd.f32 v13, v1  }
0x265: {  	v2 =	vadd.f32 v14, v2;
	v3 =	vadd.f32 v15, v3  }
0x266: {  	v0 =	vadd.f32 v16, v0;
	v1 =	vadd.f32 v4, v1  }
0x267: {  	v2 =	vadd.f32 v5, v2;
	v3 =	vadd.f32 v6, v3;
	_ =	sdelay $0x1  }
0x268: {  	v0 =	vadd.f32 v1, v0;
	v1 =	vadd.f32 v3, v2;
	_ =	sdelay $0x1  }
0x269: {  	v0 =	vadd.f32 v1, v0  }
0x26a: {  	p1 =	seq.s32 s20, $0x7  }
0x26b: {  	s6 =	smul.u32 @!p1 $0x190, s20;
	v0 =	vmul.f32 $5.000000070e-02, v0;
	_ =	sdelay $0x1  }
0x26c: {  	s7 =	simm.s32 @!p1 $0x80;
	s8 =	simm.s32 @!p1 $0x6A00;
	[tilespmem:s5+$0x13070] =	vst v0;
	s5 =	sadd.s32 @!p1 $0xE10, s6  }
0x26d: {  	[tilespmem:s8], [sflag:$0x1] =	stream.indirect.gather @!p1 [spmem:s2], $0x20, s5, s7, $0xb8;
	[tilespmem:$0x1E788] =	vst v63  }
0x26e: {  	s25 =	simm.s32 @!p1 $0x7A00;
	s5 =	sadd.s32 @!p1 $0xE90, s6;
	s8 =	simm.s32 @!p1 $0x48  }
0x26f: {  	[tilespmem:s25], [sflag:$0x1] =	stream.indirect.gather @!p1 [spmem:s2], $0x20, s5, s8, $0xb8;
	[tilespmem:$0x1E788] =	vst v63  }
0x270: {  	s5 =	sadd.s32 @!p1 $0x2710, s6;
	s25 =	simm.s32 @!p1 $0x9C00  }
0x271: {  	[tilespmem:s25], [sflag:$0x1] =	stream.indirect.gather @!p1 [spmem:s3], $0x10, s5, s7, $0xb8;
	[tilespmem:$0x1E788] =	vst v63  }
0x272: {  	s5 =	sadd.s32 @!p1 $0x2790, s6;
	s25 =	simm.s32 @!p1 $0xA400  }
0x273: {  	[tilespmem:s25], [sflag:$0x1] =	stream.indirect.gather @!p1 [spmem:s3], $0x10, s5, s8, $0xb8;
	[tilespmem:$0x1E788] =	vst v63  }
0x274: {  	s5 =	sadd.s32 @!p1 $0x4610, s6;
	s25 =	simm.s32 @!p1 $0xB500  }
0x275: {  	[tilespmem:s25], [sflag:$0x1] =	stream.indirect.gather @!p1 [spmem:s2], $0x20, s5, s7, $0xb8;
	[tilespmem:$0x1E788] =	vst v63  }
0x276: {  	s5 =	sadd.s32 @!p1 $0x4690, s6;
	s25 =	simm.s32 @!p1 $0xC500  }
0x277: {  	[tilespmem:s25], [sflag:$0x1] =	stream.indirect.gather @!p1 [spmem:s2], $0x20, s5, s8, $0xb8;
	[tilespmem:$0x1E788] =	vst v63  }
0x278: {  	s5 =	sadd.s32 @!p1 $0x5F10, s6;
	s25 =	simm.s32 @!p1 $0xE700  }
0x279: {  	[tilespmem:s25], [sflag:$0x1] =	stream.indirect.gather @!p1 [spmem:s3], $0x10, s5, s7, $0xb8;
	[tilespmem:$0x1E788] =	vst v63  }
0x27a: {  	s5 =	sadd.s32 @!p1 $0x5F90, s6;
	s6 =	simm.s32 @!p1 $0xEF00  }
0x27b: {  	[tilespmem:s6], [sflag:$0x1] =	stream.indirect.gather @!p1 [spmem:s3], $0x10, s5, s8, $0xb8;
	[tilespmem:$0x1E788] =	vst v63  }
0x27c: {  	_ =	swait.ge [sflag:s17], $0x1900  }
0x27d: {  	[sflag:s17] =	ssyncset.done $0x0  }
0x27e: {  	[sflag:s17] =	ssyncadd.s32 $0xFFFFE700  }
0x27f: {  	_ =	swait.ge [sflag:s17], $0xC80  }
0x280: {  	[sflag:s17] =	ssyncset.done $0x0  }
0x281: {  	[sflag:s17] =	ssyncadd.s32 $0xFFFFF380  }
0x282: {  	_ =	swait.ge [sflag:s17], $0x1900  }
0x283: {  	[sflag:s17] =	ssyncset.done $0x0  }
0x284: {  	[sflag:s17] =	ssyncadd.s32 $0xFFFFE700  }
0x285: {  	_ =	swait.ge [sflag:s17], $0xC80  }
0x286: {  	[sflag:s17] =	ssyncset.done $0x0  }
0x287: {  	s8 =	simm.s32 $0xF3B0;
	[sflag:s17] =	ssyncadd.s32 $0xFFFFF380  }
0x288: {  	v7 =	vld [tilespmem:s8+$0xFFFFFFF0]  }
0x289: {  	v0 =	vld [tilespmem:s8+$0x0]  }
0x28a: {  	v10 =	vld [tilespmem:s8+$0xFFFFFFD0]  }
0x28b: {  	s25 =	simm.s32 $0xA8B0;
	v1 =	vld [tilespmem:s8+$0xFFFFFFE0]  }
0x28c: {  	v3 =	vld [tilespmem:s25+$0xFFFFFFF0]  }
0x28d: {  	v2 =	vld [tilespmem:s25+$0x0]  }
0x28e: {  	v5 =	vld [tilespmem:s25+$0xFFFFFFD0]  }
0x28f: {  	s5 =	simm.s32 $0xCE70;
	v8 =	vld [tilespmem:s25+$0xFFFFFFE0]  }
0x290: {  	v11 =	vld [tilespmem:s5+$0xFFFFFFD0]  }
0x291: {  	s6 =	simm.s32 $0x8370;
	v6 =	vld [tilespmem:s5+$0xFFFFFF90]  }
0x292: {  	v9 =	vld [tilespmem:s6+$0xFFFFFF90]  }
0x293: {  	v12 =	vld [tilespmem:s6+$0xFFFFFFA0]  }
0x294: {  	v13 =	vld [tilespmem:s6+$0xFFFFFFD0]  }
0x295: {  	v19 =	vld [tilespmem:s6+$0xFFFFFFB0]  }
0x296: {  	v15 =	vld [tilespmem:s6+$0xFFFFFFE0]  }
0x297: {  	v4 =	vimm.f32 $0.0e+00;
	v17 =	vld [tilespmem:s5+$0xFFFFFFA0]  }
0x298: {  	v21 =	vld [tilespmem:s6+$0xFFFFFFC0];
	v9 =	vadd.f32 v9, v4  }
0x299: {  	v22 =	vld [tilespmem:s5+$0xFFFFFFE0];
	v12 =	vadd.f32 v12, v4;
	v5 =	vadd.f32 v5, v4  }
0x29a: {  	v14 =	vld [tilespmem:s6+$0xFFFFFFF0];
	v18 =	vadd.f32 v6, v4;
	v20 =	vadd.f32 v19, v4  }
0x29b: {  	v16 =	vld [tilespmem:s6+$0x0];
	v6 =	vadd.f32 v15, v12;
	v5 =	vadd.f32 v3, v5  }
0x29c: {  	v3 =	vadd.f32 v11, v18;
	v15 =	vld [tilespmem:s5+$0xFFFFFFB0];
	v11 =	vadd.f32 v17, v4  }
0x29d: {  	v21 =	vadd.f32 v21, v4;
	v12 =	vadd.f32 v10, v4;
	v18 =	vld [tilespmem:s5+$0xFFFFFFC0]  }
0x29e: {  	v9 =	vadd.f32 v13, v9;
	v17 =	vld [tilespmem:s5+$0xFFFFFFF0];
	v13 =	vimm.f32 $0.0e+00;
	v10 =	vadd.f32 v22, v11  }
0x29f: {  	s7 =	simm.s32 $0x0;
	s8 =	simm.s32 $0xF3F0;
	v19 =	vld [tilespmem:s5+$0x0];
	v7 =	vadd.f32 v7, v12;
	v11 =	vimm.f32 $0.0e+00;
	v12 =	vimm.f32 $0.0e+00  }
.LBB2_12:
0x2a0: {  	v22 =	vld [tilespmem:s8+$0xFFFFFFF0];
	v20 =	vadd.f32 v14, v20;
	v21 =	vadd.f32 v16, v21  }
0x2a1: {  	v4 =	vadd.f32 v8, v4;
	v14 =	vld [tilespmem:s8+$0x0];
	v8 =	vadd.f32 v15, v11  }
0x2a2: {  	v13 =	vadd.f32 v1, v13;
	v23 =	vld [tilespmem:s8+$0xFFFFFFD0];
	v12 =	vadd.f32 v18, v12  }
0x2a3: {  	s25 =	sadd.s32 $0x40, s25;
	v4 =	vadd.f32 v2, v4;
	v1 =	vld [tilespmem:s8+$0xFFFFFFE0];
	v11 =	vadd.f32 v17, v8  }
0x2a4: {  	v13 =	vadd.f32 v0, v13;
	v17 =	vld [tilespmem:s25+$0xFFFFFFF0];
	v12 =	vadd.f32 v19, v12  }
0x2a5: {  	v2 =	vld [tilespmem:s25+$0x0]  }
0x2a6: {  	v15 =	vld [tilespmem:s25+$0xFFFFFFD0];
	v0 =	vmov v14  }
0x2a7: {  	s5 =	sadd.s32 $0x80, s5;
	v8 =	vld [tilespmem:s25+$0xFFFFFFE0]  }
0x2a8: {  	v18 =	vld [tilespmem:s5+$0xFFFFFFD0]  }
0x2a9: {  	v19 =	vld [tilespmem:s5+$0xFFFFFFE0]  }
0x2aa: {  	s6 =	sadd.s32 $0x80, s6;
	v14 =	vld [tilespmem:s5+$0xFFFFFF90]  }
0x2ab: {  	v16 =	vld [tilespmem:s6+$0xFFFFFF90]  }
0x2ac: {  	v24 =	vld [tilespmem:s6+$0xFFFFFFA0]  }
0x2ad: {  	v25 =	vld [tilespmem:s6+$0xFFFFFFD0]  }
0x2ae: {  	v26 =	vld [tilespmem:s6+$0xFFFFFFE0]  }
0x2af: {  	v27 =	vld [tilespmem:s5+$0xFFFFFFA0]  }
0x2b0: {  	v28 =	vld [tilespmem:s6+$0xFFFFFFB0]  }
0x2b1: {  	s7 =	sadd.s32 $0x4, s7;
	v9 =	vadd.f32 v16, v9;
	v6 =	vadd.f32 v24, v6;
	v24 =	vld [tilespmem:s6+$0xFFFFFFC0]  }
0x2b2: {  	p1 =	slt.u32 s7, $0xC4;
	v5 =	vadd.f32 v15, v5;
	v3 =	vadd.f32 v14, v3;
	v14 =	vld [tilespmem:s6+$0xFFFFFFF0]  }
.Ltmp4:
0x2b3: {  	v9 =	vadd.f32 v25, v9;
	v6 =	vadd.f32 v26, v6;
	v16 =	vld [tilespmem:s6+$0x0];
	(pc) =	sbr.rel @p1 .LBB2_12-.Ltmp4, $4  }
0x2b4: {  	v5 =	vadd.f32 v17, v5;
	v3 =	vadd.f32 v18, v3;
	v15 =	vld [tilespmem:s5+$0xFFFFFFB0]  }
0x2b5: {  	v7 =	vadd.f32 v23, v7;
	v10 =	vadd.f32 v27, v10;
	v18 =	vld [tilespmem:s5+$0xFFFFFFC0]  }
0x2b6: {  	v20 =	vadd.f32 v28, v20;
	v21 =	vadd.f32 v24, v21;
	v17 =	vld [tilespmem:s5+$0xFFFFFFF0]  }
0x2b7: {  	s8 =	sadd.s32 $0x40, s8;
	v7 =	vadd.f32 v22, v7;
	v10 =	vadd.f32 v19, v10;
	v19 =	vld [tilespmem:s5+$0x0]  }
0x2b8: {  	v14 =	vadd.f32 v14, v20;
	v16 =	vadd.f32 v16, v21  }
0x2b9: {  	v4 =	vadd.f32 v8, v4;
	v1 =	vadd.f32 v1, v13  }
0x2ba: {  	v15 =	vadd.f32 v15, v11;
	v18 =	vadd.f32 v18, v12  }
0x2bb: {  	v2 =	vadd.f32 v2, v4;
	v20 =	vadd.f32 v14, v9  }
0x2bc: {  	v6 =	vadd.f32 v16, v6;
	v0 =	vadd.f32 v0, v1  }
0x2bd: {  	s5 =	sshll.u32 s0, $0x7;
	v8 =	vadd.f32 v17, v15;
	v4 =	vmul.f32 $4.999999890e-03, v20;
	v2 =	vadd.f32 v2, v5  }
0x2be: {  	s5 =	sand.u32 $0x3FFFFF80, s5;
	v21 =	vadd.f32 v19, v18;
	v22 =	vmul.f32 $4.999999890e-03, v6;
	v0 =	vadd.f32 v0, v7  }
0x2bf: {  	v3 =	vadd.f32 v8, v3;
	[tilespmem:s5+$0x13000] =	vst v4;
	v2 =	vmul.f32 $4.999999890e-03, v2  }
0x2c0: {  	v23 =	vadd.f32 v21, v10;
	[tilespmem:s5+$0x13010] =	vst v22;
	v0 =	vmul.f32 $4.999999890e-03, v0  }
0x2c1: {  	v24 =	vmul.f32 $4.999999890e-03, v3;
	[tilespmem:s5+$0x13020] =	vst v2  }
0x2c2: {  	s25 =	smul.u32 $0xC00, s0;
	v25 =	vmul.f32 $4.999999890e-03, v23;
	[tilespmem:s5+$0x13060] =	vst v0  }
0x2c3: {  	[tilespmem:s5+$0x13040] =	vst v24  }
0x2c4: {  	s0 =	sshra.s32 s25, $0x2;
	[tilespmem:s5+$0x13050] =	vst v25  }
0x2c5: {  	v0 =	vld [tilespmem:s0+$0x10000]  }
0x2c6: {  	v1 =	vld [tilespmem:s0+$0x10010]  }
0x2c7: {  	v2 =	vld [tilespmem:s0+$0x10020]  }
0x2c8: {  	v26 =	vld [tilespmem:s0+$0x10030]  }
0x2c9: {  	v27 =	vld [tilespmem:s0+$0x10040]  }
0x2ca: {  	v28 =	vld [tilespmem:s0+$0x10050]  }
0x2cb: {  	v29 =	vld [tilespmem:s0+$0x10060]  }
0x2cc: {  	v30 =	vld [tilespmem:s0+$0x10070]  }
0x2cd: {  	v31 =	vld [tilespmem:s0+$0x10080]  }
0x2ce: {  	v32 =	vld [tilespmem:s0+$0x10090]  }
0x2cf: {  	v33 =	vld [tilespmem:s0+$0x100A0]  }
0x2d0: {  	v34 =	vld [tilespmem:s0+$0x100B0]  }
0x2d1: {  	v35 =	vld [tilespmem:s0+$0x100C0]  }
0x2d2: {  	v36 =	vld [tilespmem:s0+$0x100D0]  }
0x2d3: {  	v37 =	vld [tilespmem:s0+$0x100E0]  }
0x2d4: {  	v38 =	vld [tilespmem:s0+$0x100F0];
	v0 =	vadd.f32 $0.0e+00, v0;
	v1 =	vadd.f32 $0.0e+00, v1  }
0x2d5: {  	v39 =	vld [tilespmem:s0+$0x10100];
	v2 =	vadd.f32 $0.0e+00, v2;
	v3 =	vadd.f32 $0.0e+00, v26  }
0x2d6: {  	v40 =	vld [tilespmem:s0+$0x10110];
	v0 =	vadd.f32 v27, v0;
	v1 =	vadd.f32 v28, v1  }
0x2d7: {  	v41 =	vld [tilespmem:s0+$0x10120];
	v2 =	vadd.f32 v29, v2;
	v3 =	vadd.f32 v30, v3  }
0x2d8: {  	v42 =	vld [tilespmem:s0+$0x10130];
	v0 =	vadd.f32 v31, v0;
	v1 =	vadd.f32 v32, v1  }
0x2d9: {  	v2 =	vadd.f32 v33, v2;
	v3 =	vadd.f32 v34, v3  }
0x2da: {  	v0 =	vadd.f32 v35, v0;
	v1 =	vadd.f32 v36, v1  }
0x2db: {  	v2 =	vadd.f32 v37, v2;
	v3 =	vadd.f32 v38, v3  }
0x2dc: {  	v0 =	vadd.f32 v39, v0;
	v1 =	vadd.f32 v40, v1  }
0x2dd: {  	v2 =	vadd.f32 v41, v2;
	v3 =	vadd.f32 v42, v3;
	_ =	sdelay $0x1  }
0x2de: {  	v0 =	vadd.f32 v1, v0;
	v43 =	vadd.f32 v3, v2;
	_ =	sdelay $0x1  }
0x2df: {  	v0 =	vadd.f32 v43, v0;
	_ =	sdelay $0x1  }
0x2e0: {  	v0 =	vmul.f32 $5.000000070e-02, v0;
	_ =	sdelay $0x1  }
0x2e1: {  	[tilespmem:s5+$0x13030] =	vst v0  }
0x2e2: {  	v0 =	vld [tilespmem:s0+$0x10180]  }
0x2e3: {  	v44 =	vld [tilespmem:s0+$0x10190]  }
0x2e4: {  	v45 =	vld [tilespmem:s0+$0x101A0]  }
0x2e5: {  	v46 =	vld [tilespmem:s0+$0x101B0]  }
0x2e6: {  	v47 =	vld [tilespmem:s0+$0x101C0]  }
0x2e7: {  	v48 =	vld [tilespmem:s0+$0x101D0]  }
0x2e8: {  	v49 =	vld [tilespmem:s0+$0x101E0]  }
0x2e9: {  	v50 =	vld [tilespmem:s0+$0x101F0]  }
0x2ea: {  	v51 =	vld [tilespmem:s0+$0x10200]  }
0x2eb: {  	v52 =	vld [tilespmem:s0+$0x10210]  }
0x2ec: {  	v53 =	vld [tilespmem:s0+$0x10220]  }
0x2ed: {  	v54 =	vld [tilespmem:s0+$0x10230]  }
0x2ee: {  	v55 =	vld [tilespmem:s0+$0x10240]  }
0x2ef: {  	v56 =	vld [tilespmem:s0+$0x10250]  }
0x2f0: {  	v57 =	vld [tilespmem:s0+$0x10260]  }
0x2f1: {  	v58 =	vld [tilespmem:s0+$0x10270];
	v0 =	vadd.f32 $0.0e+00, v0;
	v1 =	vadd.f32 $0.0e+00, v44  }
0x2f2: {  	v59 =	vld [tilespmem:s0+$0x10280];
	v2 =	vadd.f32 $0.0e+00, v45;
	v3 =	vadd.f32 $0.0e+00, v46  }
0x2f3: {  	v60 =	vld [tilespmem:s0+$0x10290];
	v0 =	vadd.f32 v47, v0;
	v1 =	vadd.f32 v48, v1  }
0x2f4: {  	v61 =	vld [tilespmem:s0+$0x102A0];
	v2 =	vadd.f32 v49, v2;
	v3 =	vadd.f32 v50, v3  }
0x2f5: {  	v62 =	vld [tilespmem:s0+$0x102B0];
	v0 =	vadd.f32 v51, v0;
	v1 =	vadd.f32 v52, v1  }
0x2f6: {  	v2 =	vadd.f32 v53, v2;
	v3 =	vadd.f32 v54, v3  }
0x2f7: {  	v0 =	vadd.f32 v55, v0;
	v1 =	vadd.f32 v56, v1  }
0x2f8: {  	v2 =	vadd.f32 v57, v2;
	v3 =	vadd.f32 v58, v3  }
0x2f9: {  	v0 =	vadd.f32 v59, v0;
	v1 =	vadd.f32 v60, v1  }
0x2fa: {  	v2 =	vadd.f32 v61, v2;
	v3 =	vadd.f32 v62, v3;
	_ =	sdelay $0x1  }
0x2fb: {  	s20 =	sadd.s32 $0x1, s20;
	v0 =	vadd.f32 v1, v0;
	v63 =	vadd.f32 v3, v2  }
0x2fc: {  	p1 =	sne.s32 s20, $0x8  }
.Ltmp5:
0x2fd: {  	v0 =	vadd.f32 v63, v0;
	(pc) =	sbr.rel @p1 .LBB2_9-.Ltmp5, $3  }
0x2fe: {  	_ = 	snop  }
0x2ff: {  	v0 =	vmul.f32 $5.000000070e-02, v0;
	_ =	sdelay $0x1  }
0x300: {  	[tilespmem:s5+$0x13070] =	vst v0  }
0x301: {  	s0 =	sshll.u32 s13, $0x8;
	s29 =	sadd.s32 $0x1, s29  }
0x302: {  	s5 =	rddreg [dreg:$0x10];
	s25 =	simm.s32 $0x0;
	p1 =	sne.s32 s29, $0x10  }
.Ltmp6:
0x303: {  	s6 =	simm.s32 $0x13000;
	s0 =	sadd.s32 s0, s5;
	(pc) =	sbr.rel @p1 .LBB2_2-.Ltmp6, $4  }
0x304: {  	[hbm4b:s0+s25] =	stream.linear.scatter [tilespmem:s6], [sflag:$0x6], $0x800, $0x38;
	[tilespmem:$0x1E788] =	vst v63  }
0x305: {  	_ =	swait.ge [sflag:s26], $0x800  }
0x306: {  	[sflag:s26] =	ssyncset.done $0x0  }
0x307: {  	[sflag:s26] =	ssyncadd.s32 $0xFFFFF800  }
0x308: {  	s5 =	rddreg [dreg:$0x16]  }
0x309: {  	s0 =	rddreg [dreg:$0x12];
	s5 =	sadd.s32 $0x1, s5  }
0x30a: {  	p1 =	sne.s32 s5, s0  }
.Ltmp7:
0x30b: {  	_ = 	snop;
	(pc) =	sbr.rel @p1 .LBB2_1-.Ltmp7, $1  }
0x30c: {  	_ =	sdelay $0x3  }
0x30d: {  	_ =	sfence.sel $0x180000  }
0x30e: {  	[bflag:$0x0] =	sbarrier.arrive $0xFFFF  }
0x30f: {  	_ =	strace $0x90000047  }
0x310: {  	[bflag:$0x2] =	sbarrier.arrive $0xFFFF  }
0x311: {  	s0 =	rddreg [dreg:$0x5]  }
0x312: {  	s0 =	sadd.s32 @!p0 $0x100000, s0  }
0x313: {  	[sflag:s0] =	ssyncadd.tile.s32 @!p0 $0x1;
	_ =	shalt  }
.Lfunc_end2:
_tile_overlayer_lowered:
.L_overlay_start_2:
0x314: {  	(tag) =	ssettag $0x2  }
0x315: {  	s0 =	rddreg [dreg:$0x0];
	s2 =	stileid.u32  }
0x316: {  	s1 =	rddreg [dreg:$0x1];
	p0 =	sne.s32 s2, $0x0  }
0x317: {  	s3 =	rddreg [dreg:$0x2];
	[bflag:$0x3] =	sbarrier.arrive $0xFFFF;
	s2 =	simm.s32 @!p0 $0x1C06  }
0x318: {  	[timem:s3], [sflag:s2] =	dma.local @!p0 [hbm:s0], s1  }
0x319: {  	s0 =	simm.s32 @!p0 $0x6  }
0x31a: {  	_ =	swait.ge @!p0 [sflag:s0], s1  }
0x31b: {  	s1 =	ssub.s32 @!p0 $0x0, s1;
	[sflag:s0] =	ssyncset.done @!p0 $0x0  }
0x31c: {  	[sflag:s0] =	ssyncadd.s32 @!p0 s1  }
0x31d: {  	[bflag:$0x3] =	sbarrier.arrive $0xFFFF  }
0x31e: {  	_ =	shalt  }

</sc_bundles>
